<compile_context>
chip_gen: v7x
topology: tpu7x:2x2x1
jax: 0.10.2.dev20260603
libtpu: 0.0.44.dev20260713+nightly
codegen_flags: <defaults>
</compile_context>

<pallas_src>
import functools
import jax
import jax.numpy as jnp
from jax import lax
from jax.experimental import pallas as pl
from jax.experimental.pallas import tpu as pltpu
from jax.experimental.pallas import tpu_sc as plsc

N = 10000
E = 160000
D = 256
H = 8
C = 32
HALF = 128
B = 400
NB = N // B
EPT = E // 16
K = 80
NCHUNK = EPT // K
NPAD = 10240
ROWS_PT = NPAD // 16
ZR = 128
PB = 80
NBP = N // PB


def _pre_body(x_ref, w_ref, asrc_ref, adst_ref, wedge_ref, aedge_ref,
              seg_ref, ea2_ref, xp2_ref, av2_ref, coef_ref, eam_ref):
    @pl.when(pl.program_id(0) == 0)
    def _():
        eam_ref[...] = (jnp.sum(ea2_ref[...]) * (1.0 / E)).reshape(1, 1)
    xp = jnp.dot(x_ref[...], w_ref[...], preferred_element_type=jnp.float32)
    xp2_ref[0] = xp[:, :HALF]
    xp2_ref[1] = xp[:, HALF:]
    seg = seg_ref[...]
    a_s = jnp.dot(xp * asrc_ref[...], seg,
                  preferred_element_type=jnp.float32)
    a_d = jnp.dot(xp * adst_ref[...], seg,
                  preferred_element_type=jnp.float32)
    z8 = jnp.zeros((B, 8), jnp.float32)
    av2_ref[0] = jnp.concatenate([a_s, z8], axis=1)
    av2_ref[1] = jnp.concatenate([a_d, z8], axis=1)
    cf = jnp.dot(wedge_ref[...] * aedge_ref[...], seg,
                 preferred_element_type=jnp.float32)
    coef_ref[...] = jnp.concatenate([cf, jnp.zeros((1, 8), jnp.float32)],
                                    axis=1)


def _pre(x, W, asrc_flat, adst_flat, wedge, aedge_flat, seg, ea2):
    return pl.pallas_call(
        _pre_body,
        grid=(NB,),
        in_specs=[
            pl.BlockSpec((B, D), lambda i: (i, 0)),
            pl.BlockSpec((D, D), lambda i: (0, 0)),
            pl.BlockSpec((1, D), lambda i: (0, 0)),
            pl.BlockSpec((1, D), lambda i: (0, 0)),
            pl.BlockSpec((1, D), lambda i: (0, 0)),
            pl.BlockSpec((1, D), lambda i: (0, 0)),
            pl.BlockSpec((D, H), lambda i: (0, 0)),
            pl.BlockSpec((E // HALF, HALF), lambda i: (0, 0)),
        ],
        out_specs=[
            pl.BlockSpec((2, B, HALF), lambda i: (0, i, 0)),
            pl.BlockSpec((2, B, 16), lambda i: (0, i, 0)),
            pl.BlockSpec((1, 16), lambda i: (0, 0)),
            pl.BlockSpec((1, 1), lambda i: (0, 0)),
        ],
        out_shape=[
            jax.ShapeDtypeStruct((2, N, HALF), jnp.float32),
            jax.ShapeDtypeStruct((2, N, 16), jnp.float32),
            jax.ShapeDtypeStruct((1, 16), jnp.float32),
            jax.ShapeDtypeStruct((1, 1), jnp.float32),
        ],
    )(x, W, asrc_flat, adst_flat, wedge, aedge_flat, seg, ea2)


def _edge_body(src_hbm, dst_hbm, ea_hbm, at2_hbm, xp2_hbm, coef_hbm,
               accb, denb,
               sidx0, didx0, eav0, sfx0, dnx0, sd0, asr0, adr0, xq0, wbuf0,
               sidx1, didx1, eav1, sfx1, dnx1, sd1, asr1, adr1, xq1, wbuf1,
               eac, coefv, acc, den,
               semL0, semL1, semG0, semG1, semS0, semS1):
    c = lax.axis_index("c")
    s = lax.axis_index("s")
    row0 = s * ROWS_PT
    ebase = s * EPT
    cN = c * N
    cNP = c * NPAD
    hb = 4 * c

    set0 = (sidx0, didx0, eav0, sfx0, dnx0, sd0, asr0, adr0, xq0, wbuf0,
            semL0, semG0, semS0)
    set1 = (sidx1, didx1, eav1, sfx1, dnx1, sd1, asr1, adr1, xq1, wbuf1,
            semL1, semG1, semS1)

    pltpu.sync_copy(coef_hbm, coefv)
    pltpu.sync_copy(src_hbm.at[pl.ds(ebase, K)], sidx0)
    pltpu.sync_copy(dst_hbm.at[pl.ds(ebase, K)], didx0)
    pltpu.sync_copy(ea_hbm.at[pl.ds(ebase, K)], eav0)
    for j in range(K // 16):
        sl = pl.ds(j * 16, 16)
        sfx0[sl] = sidx0[sl] + cN
        dnx0[sl] = didx0[sl] + N

    def zb(i, cry):
        for j in range(HALF // 16):
            xq0[i, pl.ds(j * 16, 16)] = jnp.zeros((16,), jnp.float32)
        wbuf0[i, :] = jnp.zeros((16,), jnp.float32)
        return cry
    lax.fori_loop(0, K, zb, 0)
    for u in range(ROWS_PT // K):
        pltpu.sync_copy(xq0, acc.at[pl.ds(row0 + u * K, K)])
        pltpu.sync_copy(wbuf0, den.at[pl.ds(row0 + u * K, K)])
    plsc.subcore_barrier()

    coefr = coefv[:]
    ivecs = [jnp.full((16,), hb + t, jnp.int32) for t in range(4)]

    def issue_gathers(Sx, semX):
        (sidxX, didxX, eavX, sfxX, dnxX, sdX, asrX, adrX, xqX, wbufX,
         _, _, _) = Sx
        pltpu.async_copy(at2_hbm.at[sidxX], asrX, semX)
        pltpu.async_copy(at2_hbm.at[dnxX], adrX, semX)
        pltpu.async_copy(xp2_hbm.at[sfxX], xqX, semX)

    def wait_gathers(asrX, adrX, xqX, semX):
        pltpu.make_async_copy(at2_hbm.at[pl.ds(0, K)], asrX, semX).wait()
        pltpu.make_async_copy(at2_hbm.at[pl.ds(0, K)], adrX, semX).wait()
        pltpu.make_async_copy(xp2_hbm.at[pl.ds(0, K)], xqX, semX).wait()

    def wait_scatters(wbufX, xqX, semX):
        pltpu.make_async_copy(at2_hbm.at[pl.ds(0, K)], wbufX, semX).wait()
        pltpu.make_async_copy(xp2_hbm.at[pl.ds(0, K)], xqX, semX).wait()

    def pipe_step(t, C, Nx):
        (sidxC, didxC, eavC, sfxC, dnxC, sdC, asrC, adrC, xqC, wbufC,
         semLC, semGC, semSC) = C
        (sidxN, didxN, eavN, sfxN, dnxN, sdN, asrN, adrN, xqN, wbufN,
         semLN, semGN, semSN) = Nx

        @pl.when(t + 1 < NCHUNK)
        def _():
            pltpu.make_async_copy(src_hbm.at[pl.ds(0, K)], sidxN,
                                  semLN).wait()
            pltpu.make_async_copy(src_hbm.at[pl.ds(0, K)], didxN,
                                  semLN).wait()
            pltpu.make_async_copy(ea_hbm.at[pl.ds(0, K)], eavN,
                                  semLN).wait()
            for j in range(K // 16):
                sl = pl.ds(j * 16, 16)
                sfxN[sl] = sidxN[sl] + cN
                dnxN[sl] = didxN[sl] + N

            @pl.when(t > 0)
            def _():
                wait_scatters(wbufN, xqN, semSN)
            issue_gathers(Nx, semGN)

        for g in range(K // 16):
            sl = pl.ds(g * 16, 16)
            sdC[sl] = didxC[sl]
            ea16 = eavC[sl]
            for k2 in range(16):
                eac[g * 16 + k2, :] = ea16[k2] * coefr

        wait_gathers(asrC, adrC, xqC, semGC)

        @pl.when(t + 2 < NCHUNK)
        def _():
            o = ebase + (t + 2) * K
            pltpu.async_copy(src_hbm.at[pl.ds(o, K)], sidxC, semLC)
            pltpu.async_copy(dst_hbm.at[pl.ds(o, K)], didxC, semLC)
            pltpu.async_copy(ea_hbm.at[pl.ds(o, K)], eavC, semLC)

        @plsc.parallel_loop(0, K, step=1, unroll=4)
        def ebody(k):
            z = asrC[k, :] + adrC[k, :] + eac[k, :]
            z = jnp.maximum(z, 0.2 * z)
            w = jnp.exp(z)
            wbufC[k, :] = w
            for u in range(4):
                sv = w.at[ivecs[u]].get(mode="promise_in_bounds")
                for j in (2 * u, 2 * u + 1):
                    xsl = pl.ds(j * 16, 16)
                    xqC[k, xsl] = xqC[k, xsl] * sv

        pltpu.async_copy(wbufC, den.at[sdC], semSC, add=True)
        pltpu.async_copy(xqC, acc.at[sdC], semSC, add=True)

    issue_gathers(set0, semG0)
    o1 = ebase + K
    pltpu.async_copy(src_hbm.at[pl.ds(o1, K)], sidx1, semL1)
    pltpu.async_copy(dst_hbm.at[pl.ds(o1, K)], didx1, semL1)
    pltpu.async_copy(ea_hbm.at[pl.ds(o1, K)], eav1, semL1)

    def chunk(t, cry):
        @pl.when(t % 2 == 0)
        def _():
            pipe_step(t, set0, set1)

        @pl.when(t % 2 != 0)
        def _():
            pipe_step(t, set1, set0)
        return cry
    lax.fori_loop(0, NCHUNK, chunk, 0)
    wait_scatters(wbuf1, xq1, semS1)
    wait_scatters(wbuf0, xq0, semS0)
    plsc.subcore_barrier()

    pltpu.sync_copy(acc.at[pl.ds(row0, ROWS_PT)],
                    accb.at[pl.ds(cNP + row0, ROWS_PT)])
    pltpu.sync_copy(den.at[pl.ds(row0, ROWS_PT)],
                    denb.at[pl.ds(cNP + row0, ROWS_PT)])


def _edge(src, dst, ea, at2, xp2, coef16):
    mesh = plsc.VectorSubcoreMesh(core_axis_name="c", subcore_axis_name="s")
    f = pl.kernel(
        _edge_body, mesh=mesh,
        compiler_params=pltpu.CompilerParams(use_tc_tiling_on_sc=False),
        out_type=[
            jax.ShapeDtypeStruct((2 * NPAD, HALF), jnp.float32),
            jax.ShapeDtypeStruct((2 * NPAD, 16), jnp.float32),
        ],
        scratch_types=(
            [pltpu.VMEM((K,), jnp.int32),
             pltpu.VMEM((K,), jnp.int32),
             pltpu.VMEM((K,), jnp.float32),
             pltpu.VMEM((K,), jnp.int32),
             pltpu.VMEM((K,), jnp.int32),
             pltpu.VMEM((K,), jnp.int32),
             pltpu.VMEM((K, 16), jnp.float32),
             pltpu.VMEM((K, 16), jnp.float32),
             pltpu.VMEM((K, HALF), jnp.float32),
             pltpu.VMEM((K, 16), jnp.float32),
             ] * 2 +
            [pltpu.VMEM((K, 16), jnp.float32),
             pltpu.VMEM((16,), jnp.float32),
             pltpu.VMEM_SHARED((NPAD, HALF), jnp.float32),
             pltpu.VMEM_SHARED((NPAD, 16), jnp.float32),
             ] +
            [pltpu.SemaphoreType.DMA] * 6),
    )
    return f(src, dst, ea, at2, xp2, coef16)


def _post_body(x_ref, xplo_ref, xphi_ref, avs_ref, avd_ref,
               acclo_ref, acchi_ref, den_ref, coef_ref, eam_ref,
               segt_ref, bias_ref, g_ref, b_ref, out_ref):
    a_s = avs_ref[...][:, :H]
    a_d = avd_ref[...][:, :H]
    al = a_s + a_d + eam_ref[0, 0] * coef_ref[...][:, :H]
    wl = jnp.exp(jnp.maximum(al, 0.2 * al))
    segt = segt_ref[...]
    wl32 = jnp.dot(wl, segt, preferred_element_type=jnp.float32)
    den8 = den_ref[...][:, :H] + wl
    den32 = jnp.dot(den8, segt, preferred_element_type=jnp.float32)
    xp = jnp.concatenate([xplo_ref[...], xphi_ref[...]], axis=1)
    acc = jnp.concatenate([acclo_ref[...], acchi_ref[...]], axis=1)
    acc = acc + wl32 * xp
    h = acc / den32 + bias_ref[...] + x_ref[...]
    mu = jnp.mean(h, axis=1, keepdims=True)
    var = jnp.mean((h - mu) ** 2, axis=1, keepdims=True)
    hn = (h - mu) * lax.rsqrt(var + 1e-5) * g_ref[...] + b_ref[...]
    out_ref[...] = jnp.maximum(hn, 0.0)


def _post(x, xp2, av2, accb, denb, coef16, eam, segt, bias, g, b):
    hoff_xp = N // PB
    hoff_acc = NPAD // PB
    return pl.pallas_call(
        _post_body,
        grid=(NBP,),
        in_specs=[
            pl.BlockSpec((PB, D), lambda i: (i, 0)),
            pl.BlockSpec((PB, HALF), lambda i: (i, 0)),
            pl.BlockSpec((PB, HALF), lambda i: (i + hoff_xp, 0)),
            pl.BlockSpec((PB, 16), lambda i: (i, 0)),
            pl.BlockSpec((PB, 16), lambda i: (i + hoff_xp, 0)),
            pl.BlockSpec((PB, HALF), lambda i: (i, 0)),
            pl.BlockSpec((PB, HALF), lambda i: (i + hoff_acc, 0)),
            pl.BlockSpec((PB, 16), lambda i: (i, 0)),
            pl.BlockSpec((1, 16), lambda i: (0, 0)),
            pl.BlockSpec((1, 1), lambda i: (0, 0)),
            pl.BlockSpec((H, D), lambda i: (0, 0)),
            pl.BlockSpec((1, D), lambda i: (0, 0)),
            pl.BlockSpec((1, D), lambda i: (0, 0)),
            pl.BlockSpec((1, D), lambda i: (0, 0)),
        ],
        out_specs=pl.BlockSpec((PB, D), lambda i: (i, 0)),
        out_shape=jax.ShapeDtypeStruct((N, D), jnp.float32),
    )(x, xp2, xp2, av2, av2, accb, accb, denb, coef16, eam, segt, bias, g, b)


def kernel(x, edge_index, edge_attr, W, att_src, att_dst, W_edge, att_edge,
           bias, ln_gamma, ln_beta):
    seg = (jnp.arange(D, dtype=jnp.int32)[:, None] // C ==
           jnp.arange(H, dtype=jnp.int32)[None, :]).astype(jnp.float32)
    asrc_flat = att_src.reshape(1, D)
    adst_flat = att_dst.reshape(1, D)
    aedge_flat = att_edge.reshape(1, D)

    xp2, av2, coef16, eam = _pre(x, W, asrc_flat, adst_flat, W_edge,
                                 aedge_flat, seg,
                                 edge_attr.reshape(E // HALF, HALF))
    xp2f = xp2.reshape(2 * N, HALF)
    av2f = av2.reshape(2 * N, 16)
    accb, denb = _edge(edge_index[0], edge_index[1], edge_attr,
                       av2f, xp2f, coef16.reshape(16))
    return _post(x, xp2f, av2f, accb, denb, coef16, eam, seg.T,
                 bias.reshape(1, D), ln_gamma.reshape(1, D),
                 ln_beta.reshape(1, D))

# --- scband reference (transcript-rebuilt; emitter-appended) ---
"""Pipeline reference for scband-gatblock-34711925686357 (READ-ONLY COPY).

The authoritative reference and input builder live on the scoring server;
editing this copy changes nothing except your own understanding.
"""

import jax, jax.numpy as jnp
import numpy as np

N = 10000
E = 160000
D = 256
H = 8
C = 32  # head_dim = hidden_dim // heads


def setup_inputs(seed: int = 0) -> dict:
    key = jax.random.key(seed)
    ks = jax.random.split(key, 12)
    x = jax.random.normal(ks[0], (N, D), dtype=jnp.float32)
    edge_index = jax.random.randint(ks[1], (2, E), 0, N, dtype=jnp.int32)
    edge_attr = jax.random.uniform(ks[2], (E,), dtype=jnp.float32)
    # GATConv parameters
    W = jax.random.normal(ks[3], (D, H * C), dtype=jnp.float32) * (1.0 / np.sqrt(D))
    att_src = jax.random.normal(ks[4], (1, H, C), dtype=jnp.float32) * (1.0 / np.sqrt(C))
    att_dst = jax.random.normal(ks[5], (1, H, C), dtype=jnp.float32) * (1.0 / np.sqrt(C))
    W_edge = jax.random.normal(ks[6], (1, H * C), dtype=jnp.float32)
    att_edge = jax.random.normal(ks[7], (1, H, C), dtype=jnp.float32) * (1.0 / np.sqrt(C))
    bias = jnp.zeros((H * C,), dtype=jnp.float32)
    # LayerNorm parameters
    ln_gamma = jnp.ones((D,), dtype=jnp.float32)
    ln_beta = jnp.zeros((D,), dtype=jnp.float32)
    return {"x": x, "edge_index": edge_index, "edge_attr": edge_attr,
            "W": W, "att_src": att_src, "att_dst": att_dst,
            "W_edge": W_edge, "att_edge": att_edge, "bias": bias,
            "ln_gamma": ln_gamma, "ln_beta": ln_beta}


def _gat_block(x, edge_index, edge_attr, W, att_src, att_dst, W_edge, att_edge, bias, ln_gamma, ln_beta):
    n = x.shape[0]
    # linear projection (lin_src == lin_dst, shared weight in GATConv)
    xp = (x @ W).reshape(n, H, C)                    # [N, H, C]
    a_src = jnp.sum(xp * att_src, axis=-1)           # [N, H]
    a_dst = jnp.sum(xp * att_dst, axis=-1)           # [N, H]
    # add self loops (fill_value='mean' for edge_attr, PyG default)
    loop = jnp.arange(n, dtype=edge_index.dtype)
    src = jnp.concatenate([edge_index[0], loop])
    dst = jnp.concatenate([edge_index[1], loop])
    ea = edge_attr[:, None]                          # [E, 1] (edge_dim=1 after unsqueeze)
    ea_mean = jnp.mean(ea, axis=0, keepdims=True)    # [1, 1]
    ea_full = jnp.concatenate([ea, jnp.broadcast_to(ea_mean, (n, 1))], axis=0)  # [E+N, 1]
    eh = (ea_full @ W_edge).reshape(-1, H, C)        # [E+N, H, C]
    a_edge = jnp.sum(eh * att_edge, axis=-1)         # [E+N, H]
    # attention logits per edge
    alpha = a_src[src] + a_dst[dst] + a_edge         # [E+N, H]
    alpha = jax.nn.leaky_relu(alpha, negative_slope=0.2)
    # segment softmax over destination nodes (sorted segmented reductions;
    # every segment is nonempty because each node has a self loop)
    order = jnp.argsort(dst)
    dst_s = dst[order]
    seg_start = jnp.concatenate(
        [jnp.ones((1,), dtype=bool), dst_s[1:] != dst_s[:-1]])
    ends = jnp.searchsorted(dst_s, jnp.arange(n, dtype=dst_s.dtype), side='right')
    last = ends - 1

    def _seg_reduce(vals, op):
        f = seg_start.reshape((seg_start.shape[0],) + (1,) * (vals.ndim - 1))

        def comb(a, b):
            f1, v1 = a
            f2, v2 = b
            return (jnp.logical_or(f1, f2), jnp.where(f2, v2, op(v1, v2)))

        _, c = jax.lax.associative_scan(comb, (f, vals))
        return c[last]

    amax = _seg_reduce(alpha[order], jnp.maximum)    # [N, H]
    amax = jax.lax.stop_gradient(amax)
    ex = jnp.exp(alpha - amax[dst])
    denom = _seg_reduce(ex[order], jnp.add)          # [N, H]
    attn = ex / (denom[dst] + 1e-16)                 # [E+N, H]
    # message passing: weighted sum of source features
    msg = xp[src] * attn[:, :, None]                 # [E+N, H, C]
    out = _seg_reduce(msg[order], jnp.add)           # [N, H, C]
    out = out.reshape(n, H * C) + bias               # concat heads + bias
    # dropout is identity in eval mode; residual (in_dim == hidden_dim)
    h = out + x
    mu = jnp.mean(h, axis=-1, keepdims=True)
    var = jnp.mean((h - mu) ** 2, axis=-1, keepdims=True)
    hn = (h - mu) / jnp.sqrt(var + 1e-5) * ln_gamma + ln_beta
    return jax.nn.relu(hn)


def reference(x, edge_index, edge_attr, W, att_src, att_dst, W_edge, att_edge, bias, ln_gamma, ln_beta):
    return _gat_block(x, edge_index, edge_attr, W, att_src, att_dst, W_edge, att_edge, bias, ln_gamma, ln_beta)

if __name__ == "__main__":
    import jax
    _d = setup_inputs()
    print(jax.jit(kernel)(*tuple(_d.values())))

</pallas_src>

<mosaic_0001>
#map = affine_map<(d0, d1) -> (0)>
#map1 = affine_map<(d0, d1) -> (0, 0)>
module attributes {stable_mosaic.version = 14 : i64} {
  func.func @_edge_body(%arg0: i32, %arg1: i32, %arg2: memref<160000xi32, #tpu.memory_space<hbm>>, %arg3: memref<160000xi32, #tpu.memory_space<hbm>>, %arg4: memref<160000xf32, #tpu.memory_space<hbm>>, %arg5: memref<20000x16xf32, #tpu.memory_space<hbm>>, %arg6: memref<20000x128xf32, #tpu.memory_space<hbm>>, %arg7: memref<16xf32, #tpu.memory_space<hbm>>, %arg8: memref<20480x128xf32, #tpu.memory_space<hbm>>, %arg9: memref<20480x16xf32, #tpu.memory_space<hbm>>, %arg10: memref<80xi32, #tpu.memory_space<vmem>>, %arg11: memref<80xi32, #tpu.memory_space<vmem>>, %arg12: memref<80xf32, #tpu.memory_space<vmem>>, %arg13: memref<80xi32, #tpu.memory_space<vmem>>, %arg14: memref<80xi32, #tpu.memory_space<vmem>>, %arg15: memref<80xi32, #tpu.memory_space<vmem>>, %arg16: memref<80x16xf32, #tpu.memory_space<vmem>>, %arg17: memref<80x16xf32, #tpu.memory_space<vmem>>, %arg18: memref<80x128xf32, #tpu.memory_space<vmem>>, %arg19: memref<80x16xf32, #tpu.memory_space<vmem>>, %arg20: memref<80xi32, #tpu.memory_space<vmem>>, %arg21: memref<80xi32, #tpu.memory_space<vmem>>, %arg22: memref<80xf32, #tpu.memory_space<vmem>>, %arg23: memref<80xi32, #tpu.memory_space<vmem>>, %arg24: memref<80xi32, #tpu.memory_space<vmem>>, %arg25: memref<80xi32, #tpu.memory_space<vmem>>, %arg26: memref<80x16xf32, #tpu.memory_space<vmem>>, %arg27: memref<80x16xf32, #tpu.memory_space<vmem>>, %arg28: memref<80x128xf32, #tpu.memory_space<vmem>>, %arg29: memref<80x16xf32, #tpu.memory_space<vmem>>, %arg30: memref<80x16xf32, #tpu.memory_space<vmem>>, %arg31: memref<16xf32, #tpu.memory_space<vmem>>, %arg32: memref<10240x128xf32, #tpu.memory_space<vmem_shared>>, %arg33: memref<10240x16xf32, #tpu.memory_space<vmem_shared>>, %arg34: memref<!tpu.dma_semaphore, #tpu.memory_space<semaphore_mem>>, %arg35: memref<!tpu.dma_semaphore, #tpu.memory_space<semaphore_mem>>, %arg36: memref<!tpu.dma_semaphore, #tpu.memory_space<semaphore_mem>>, %arg37: memref<!tpu.dma_semaphore, #tpu.memory_space<semaphore_mem>>, %arg38: memref<!tpu.dma_semaphore, #tpu.memory_space<semaphore_mem>>, %arg39: memref<!tpu.dma_semaphore, #tpu.memory_space<semaphore_mem>>) attributes {dimension_semantics = [#tpu.dimension_semantics<core_parallel>, #tpu.dimension_semantics<subcore_parallel>], iteration_bounds = array<i64: 2, 16>, scalar_prefetch = 0 : i64, scratch_operands = 30 : i64, tpu.core_type = #tpu.core_type<sc_vector_subcore>, window_params = [{transform_indices = #map}, {transform_indices = #map}, {transform_indices = #map}, {transform_indices = #map1}, {transform_indices = #map1}, {transform_indices = #map}, {transform_indices = #map1}, {transform_indices = #map1}]} {
    %mul3A = arith.constant 640 : i32
    %mul3A_0 = arith.muli %arg1, %mul3A : i32
    %mul3A_1 = arith.constant 10000 : i32
    %mul3A_2 = arith.muli %arg1, %mul3A_1 : i32
    %mul3A_3 = arith.constant 10000 : i32
    %mul3A_4 = arith.muli %arg0, %mul3A_3 : i32
    %mul3A_5 = arith.constant 10240 : i32
    %mul3A_6 = arith.muli %arg0, %mul3A_5 : i32
    %mul3A_7 = arith.constant 4 : i32
    %mul3A_8 = arith.muli %mul3A_7, %arg0 : i32
    "tpu.region"() ({
      %run_scoped3A = tpu.sem_alloc : memref<!tpu.dma_semaphore, #tpu.memory_space<semaphore_mem>>
      tpu.enqueue_dma source(%arg7 : memref<16xf32, #tpu.memory_space<hbm>>) target(%arg31 : memref<16xf32, #tpu.memory_space<vmem>>) target_semaphore(%run_scoped3A : memref<!tpu.dma_semaphore, #tpu.memory_space<semaphore_mem>>)
      tpu.wait_dma2 semaphore(%run_scoped3A : memref<!tpu.dma_semaphore, #tpu.memory_space<semaphore_mem>>) src(%arg7 : memref<16xf32, #tpu.memory_space<hbm>>) dst(%arg31 : memref<16xf32, #tpu.memory_space<vmem>>)
      tpu.yield
    }) : () -> ()
    "tpu.region"() ({
      %run_scoped3A = tpu.sem_alloc : memref<!tpu.dma_semaphore, #tpu.memory_space<semaphore_mem>>
      %dma_start3A_200 = tpu.memref_slice %arg2[%mul3A_2] : memref<160000xi32, #tpu.memory_space<hbm>> -> memref<80xi32, #tpu.memory_space<hbm>>
      %dma_start3A_201 = tpu.memref_slice %arg2[%mul3A_2] : memref<160000xi32, #tpu.memory_space<hbm>> -> memref<80xi32, #tpu.memory_space<hbm>>
      tpu.enqueue_dma source(%dma_start3A_201 : memref<80xi32, #tpu.memory_space<hbm>>) target(%arg10 : memref<80xi32, #tpu.memory_space<vmem>>) target_semaphore(%run_scoped3A : memref<!tpu.dma_semaphore, #tpu.memory_space<semaphore_mem>>)
      %dma_wait3A_202 = tpu.memref_slice %arg2[%mul3A_2] : memref<160000xi32, #tpu.memory_space<hbm>> -> memref<80xi32, #tpu.memory_space<hbm>>
      %dma_wait3A_203 = tpu.memref_slice %arg2[%mul3A_2] : memref<160000xi32, #tpu.memory_space<hbm>> -> memref<80xi32, #tpu.memory_space<hbm>>
      tpu.wait_dma2 semaphore(%run_scoped3A : memref<!tpu.dma_semaphore, #tpu.memory_space<semaphore_mem>>) src(%dma_wait3A_203 : memref<80xi32, #tpu.memory_space<hbm>>) dst(%arg10 : memref<80xi32, #tpu.memory_space<vmem>>)
      tpu.yield
    }) : () -> ()
    "tpu.region"() ({
      %run_scoped3A = tpu.sem_alloc : memref<!tpu.dma_semaphore, #tpu.memory_space<semaphore_mem>>
      %dma_start3A_200 = tpu.memref_slice %arg3[%mul3A_2] : memref<160000xi32, #tpu.memory_space<hbm>> -> memref<80xi32, #tpu.memory_space<hbm>>
      %dma_start3A_201 = tpu.memref_slice %arg3[%mul3A_2] : memref<160000xi32, #tpu.memory_space<hbm>> -> memref<80xi32, #tpu.memory_space<hbm>>
      tpu.enqueue_dma source(%dma_start3A_201 : memref<80xi32, #tpu.memory_space<hbm>>) target(%arg11 : memref<80xi32, #tpu.memory_space<vmem>>) target_semaphore(%run_scoped3A : memref<!tpu.dma_semaphore, #tpu.memory_space<semaphore_mem>>)
      %dma_wait3A_202 = tpu.memref_slice %arg3[%mul3A_2] : memref<160000xi32, #tpu.memory_space<hbm>> -> memref<80xi32, #tpu.memory_space<hbm>>
      %dma_wait3A_203 = tpu.memref_slice %arg3[%mul3A_2] : memref<160000xi32, #tpu.memory_space<hbm>> -> memref<80xi32, #tpu.memory_space<hbm>>
      tpu.wait_dma2 semaphore(%run_scoped3A : memref<!tpu.dma_semaphore, #tpu.memory_space<semaphore_mem>>) src(%dma_wait3A_203 : memref<80xi32, #tpu.memory_space<hbm>>) dst(%arg11 : memref<80xi32, #tpu.memory_space<vmem>>)
      tpu.yield
    }) : () -> ()
    "tpu.region"() ({
      %run_scoped3A = tpu.sem_alloc : memref<!tpu.dma_semaphore, #tpu.memory_space<semaphore_mem>>
      %dma_start3A_200 = tpu.memref_slice %arg4[%mul3A_2] : memref<160000xf32, #tpu.memory_space<hbm>> -> memref<80xf32, #tpu.memory_space<hbm>>
      %dma_start3A_201 = tpu.memref_slice %arg4[%mul3A_2] : memref<160000xf32, #tpu.memory_space<hbm>> -> memref<80xf32, #tpu.memory_space<hbm>>
      tpu.enqueue_dma source(%dma_start3A_201 : memref<80xf32, #tpu.memory_space<hbm>>) target(%arg12 : memref<80xf32, #tpu.memory_space<vmem>>) target_semaphore(%run_scoped3A : memref<!tpu.dma_semaphore, #tpu.memory_space<semaphore_mem>>)
      %dma_wait3A_202 = tpu.memref_slice %arg4[%mul3A_2] : memref<160000xf32, #tpu.memory_space<hbm>> -> memref<80xf32, #tpu.memory_space<hbm>>
      %dma_wait3A_203 = tpu.memref_slice %arg4[%mul3A_2] : memref<160000xf32, #tpu.memory_space<hbm>> -> memref<80xf32, #tpu.memory_space<hbm>>
      tpu.wait_dma2 semaphore(%run_scoped3A : memref<!tpu.dma_semaphore, #tpu.memory_space<semaphore_mem>>) src(%dma_wait3A_203 : memref<80xf32, #tpu.memory_space<hbm>>) dst(%arg12 : memref<80xf32, #tpu.memory_space<vmem>>)
      tpu.yield
    }) : () -> ()
    %get3A = arith.constant 0 : index
    %get3A_9 = tpu.vector_load %arg10[%get3A] {strides = array<i32>} : memref<80xi32, #tpu.memory_space<vmem>>, vector<16xi32>,
    %get3A_10 = vector.shape_cast %get3A_9 : vector<16xi32> to vector<16xi32>
    %add3A = vector.broadcast %mul3A_4 : i32 to vector<16xi32>
    %add3A_11 = arith.addi %get3A_10, %add3A : vector<16xi32>
    %swap3A = arith.constant 0 : index
    %swap3A_12 = tpu.vector_load %arg13[%swap3A] {strides = array<i32>} : memref<80xi32, #tpu.memory_space<vmem>>, vector<16xi32>,
    %swap3A_13 = vector.shape_cast %swap3A_12 : vector<16xi32> to vector<16xi32>
    %swap3A_14 = vector.shape_cast %add3A_11 : vector<16xi32> to vector<16xi32>
    tpu.vector_store %arg13[%swap3A], %swap3A_14 {strides = array<i32>} : memref<80xi32, #tpu.memory_space<vmem>>, vector<16xi32>,
    %get3A_15 = arith.constant 0 : index
    %get3A_16 = tpu.vector_load %arg11[%get3A_15] {strides = array<i32>} : memref<80xi32, #tpu.memory_space<vmem>>, vector<16xi32>,
    %get3A_17 = vector.shape_cast %get3A_16 : vector<16xi32> to vector<16xi32>
    %add3A_18 = arith.constant 10000 : i32
    %add3A_19 = vector.broadcast %add3A_18 : i32 to vector<16xi32>
    %add3A_20 = arith.addi %get3A_17, %add3A_19 : vector<16xi32>
    %swap3A_21 = arith.constant 0 : index
    %swap3A_22 = tpu.vector_load %arg14[%swap3A_21] {strides = array<i32>} : memref<80xi32, #tpu.memory_space<vmem>>, vector<16xi32>,
    %swap3A_23 = vector.shape_cast %swap3A_22 : vector<16xi32> to vector<16xi32>
    %swap3A_24 = vector.shape_cast %add3A_20 : vector<16xi32> to vector<16xi32>
    tpu.vector_store %arg14[%swap3A_21], %swap3A_24 {strides = array<i32>} : memref<80xi32, #tpu.memory_space<vmem>>, vector<16xi32>,
    %get3A_25 = arith.constant 16 : index
    %get3A_26 = tpu.vector_load %arg10[%get3A_25] {strides = array<i32>} : memref<80xi32, #tpu.memory_space<vmem>>, vector<16xi32>,
    %get3A_27 = vector.shape_cast %get3A_26 : vector<16xi32> to vector<16xi32>
    %add3A_28 = vector.broadcast %mul3A_4 : i32 to vector<16xi32>
    %add3A_29 = arith.addi %get3A_27, %add3A_28 : vector<16xi32>
    %swap3A_30 = arith.constant 16 : index
    %swap3A_31 = tpu.vector_load %arg13[%swap3A_30] {strides = array<i32>} : memref<80xi32, #tpu.memory_space<vmem>>, vector<16xi32>,
    %swap3A_32 = vector.shape_cast %swap3A_31 : vector<16xi32> to vector<16xi32>
    %swap3A_33 = vector.shape_cast %add3A_29 : vector<16xi32> to vector<16xi32>
    tpu.vector_store %arg13[%swap3A_30], %swap3A_33 {strides = array<i32>} : memref<80xi32, #tpu.memory_space<vmem>>, vector<16xi32>,
    %get3A_34 = arith.constant 16 : index
    %get3A_35 = tpu.vector_load %arg11[%get3A_34] {strides = array<i32>} : memref<80xi32, #tpu.memory_space<vmem>>, vector<16xi32>,
    %get3A_36 = vector.shape_cast %get3A_35 : vector<16xi32> to vector<16xi32>
    %add3A_37 = arith.constant 10000 : i32
    %add3A_38 = vector.broadcast %add3A_37 : i32 to vector<16xi32>
    %add3A_39 = arith.addi %get3A_36, %add3A_38 : vector<16xi32>
    %swap3A_40 = arith.constant 16 : index
    %swap3A_41 = tpu.vector_load %arg14[%swap3A_40] {strides = array<i32>} : memref<80xi32, #tpu.memory_space<vmem>>, vector<16xi32>,
    %swap3A_42 = vector.shape_cast %swap3A_41 : vector<16xi32> to vector<16xi32>
    %swap3A_43 = vector.shape_cast %add3A_39 : vector<16xi32> to vector<16xi32>
    tpu.vector_store %arg14[%swap3A_40], %swap3A_43 {strides = array<i32>} : memref<80xi32, #tpu.memory_space<vmem>>, vector<16xi32>,
    %get3A_44 = arith.constant 32 : index
    %get3A_45 = tpu.vector_load %arg10[%get3A_44] {strides = array<i32>} : memref<80xi32, #tpu.memory_space<vmem>>, vector<16xi32>,
    %get3A_46 = vector.shape_cast %get3A_45 : vector<16xi32> to vector<16xi32>
    %add3A_47 = vector.broadcast %mul3A_4 : i32 to vector<16xi32>
    %add3A_48 = arith.addi %get3A_46, %add3A_47 : vector<16xi32>
    %swap3A_49 = arith.constant 32 : index
    %swap3A_50 = tpu.vector_load %arg13[%swap3A_49] {strides = array<i32>} : memref<80xi32, #tpu.memory_space<vmem>>, vector<16xi32>,
    %swap3A_51 = vector.shape_cast %swap3A_50 : vector<16xi32> to vector<16xi32>
    %swap3A_52 = vector.shape_cast %add3A_48 : vector<16xi32> to vector<16xi32>
    tpu.vector_store %arg13[%swap3A_49], %swap3A_52 {strides = array<i32>} : memref<80xi32, #tpu.memory_space<vmem>>, vector<16xi32>,
    %get3A_53 = arith.constant 32 : index
    %get3A_54 = tpu.vector_load %arg11[%get3A_53] {strides = array<i32>} : memref<80xi32, #tpu.memory_space<vmem>>, vector<16xi32>,
    %get3A_55 = vector.shape_cast %get3A_54 : vector<16xi32> to vector<16xi32>
    %add3A_56 = arith.constant 10000 : i32
    %add3A_57 = vector.broadcast %add3A_56 : i32 to vector<16xi32>
    %add3A_58 = arith.addi %get3A_55, %add3A_57 : vector<16xi32>
    %swap3A_59 = arith.constant 32 : index
    %swap3A_60 = tpu.vector_load %arg14[%swap3A_59] {strides = array<i32>} : memref<80xi32, #tpu.memory_space<vmem>>, vector<16xi32>,
    %swap3A_61 = vector.shape_cast %swap3A_60 : vector<16xi32> to vector<16xi32>
    %swap3A_62 = vector.shape_cast %add3A_58 : vector<16xi32> to vector<16xi32>
    tpu.vector_store %arg14[%swap3A_59], %swap3A_62 {strides = array<i32>} : memref<80xi32, #tpu.memory_space<vmem>>, vector<16xi32>,
    %get3A_63 = arith.constant 48 : index
    %get3A_64 = tpu.vector_load %arg10[%get3A_63] {strides = array<i32>} : memref<80xi32, #tpu.memory_space<vmem>>, vector<16xi32>,
    %get3A_65 = vector.shape_cast %get3A_64 : vector<16xi32> to vector<16xi32>
    %add3A_66 = vector.broadcast %mul3A_4 : i32 to vector<16xi32>
    %add3A_67 = arith.addi %get3A_65, %add3A_66 : vector<16xi32>
    %swap3A_68 = arith.constant 48 : index
    %swap3A_69 = tpu.vector_load %arg13[%swap3A_68] {strides = array<i32>} : memref<80xi32, #tpu.memory_space<vmem>>, vector<16xi32>,
    %swap3A_70 = vector.shape_cast %swap3A_69 : vector<16xi32> to vector<16xi32>
    %swap3A_71 = vector.shape_cast %add3A_67 : vector<16xi32> to vector<16xi32>
    tpu.vector_store %arg13[%swap3A_68], %swap3A_71 {strides = array<i32>} : memref<80xi32, #tpu.memory_space<vmem>>, vector<16xi32>,
    %get3A_72 = arith.constant 48 : index
    %get3A_73 = tpu.vector_load %arg11[%get3A_72] {strides = array<i32>} : memref<80xi32, #tpu.memory_space<vmem>>, vector<16xi32>,
    %get3A_74 = vector.shape_cast %get3A_73 : vector<16xi32> to vector<16xi32>
    %add3A_75 = arith.constant 10000 : i32
    %add3A_76 = vector.broadcast %add3A_75 : i32 to vector<16xi32>
    %add3A_77 = arith.addi %get3A_74, %add3A_76 : vector<16xi32>
    %swap3A_78 = arith.constant 48 : index
    %swap3A_79 = tpu.vector_load %arg14[%swap3A_78] {strides = array<i32>} : memref<80xi32, #tpu.memory_space<vmem>>, vector<16xi32>,
    %swap3A_80 = vector.shape_cast %swap3A_79 : vector<16xi32> to vector<16xi32>
    %swap3A_81 = vector.shape_cast %add3A_77 : vector<16xi32> to vector<16xi32>
    tpu.vector_store %arg14[%swap3A_78], %swap3A_81 {strides = array<i32>} : memref<80xi32, #tpu.memory_space<vmem>>, vector<16xi32>,
    %get3A_82 = arith.constant 64 : index
    %get3A_83 = tpu.vector_load %arg10[%get3A_82] {strides = array<i32>} : memref<80xi32, #tpu.memory_space<vmem>>, vector<16xi32>,
    %get3A_84 = vector.shape_cast %get3A_83 : vector<16xi32> to vector<16xi32>
    %add3A_85 = vector.broadcast %mul3A_4 : i32 to vector<16xi32>
    %add3A_86 = arith.addi %get3A_84, %add3A_85 : vector<16xi32>
    %swap3A_87 = arith.constant 64 : index
    %swap3A_88 = tpu.vector_load %arg13[%swap3A_87] {strides = array<i32>} : memref<80xi32, #tpu.memory_space<vmem>>, vector<16xi32>,
    %swap3A_89 = vector.shape_cast %swap3A_88 : vector<16xi32> to vector<16xi32>
    %swap3A_90 = vector.shape_cast %add3A_86 : vector<16xi32> to vector<16xi32>
    tpu.vector_store %arg13[%swap3A_87], %swap3A_90 {strides = array<i32>} : memref<80xi32, #tpu.memory_space<vmem>>, vector<16xi32>,
    %get3A_91 = arith.constant 64 : index
    %get3A_92 = tpu.vector_load %arg11[%get3A_91] {strides = array<i32>} : memref<80xi32, #tpu.memory_space<vmem>>, vector<16xi32>,
    %get3A_93 = vector.shape_cast %get3A_92 : vector<16xi32> to vector<16xi32>
    %add3A_94 = arith.constant 10000 : i32
    %add3A_95 = vector.broadcast %add3A_94 : i32 to vector<16xi32>
    %add3A_96 = arith.addi %get3A_93, %add3A_95 : vector<16xi32>
    %swap3A_97 = arith.constant 64 : index
    %swap3A_98 = tpu.vector_load %arg14[%swap3A_97] {strides = array<i32>} : memref<80xi32, #tpu.memory_space<vmem>>, vector<16xi32>,
    %swap3A_99 = vector.shape_cast %swap3A_98 : vector<16xi32> to vector<16xi32>
    %swap3A_100 = vector.shape_cast %add3A_96 : vector<16xi32> to vector<16xi32>
    tpu.vector_store %arg14[%swap3A_97], %swap3A_100 {strides = array<i32>} : memref<80xi32, #tpu.memory_space<vmem>>, vector<16xi32>,
    %scan3A = arith.constant 0 : i32
    %scan3A_101 = arith.constant 0 : i32
    %scan3A_102 = arith.constant 80 : i32
    %scan3A_103 = arith.addi %scan3A_101, %scan3A_102 : i32
    %scan3A_104 = arith.constant 1 : i32
    scf.for %scan3A_200 = %scan3A_101 to %scan3A_103 step %scan3A_104  : i32 {
      %broadcast_in_dim3A_201 = arith.constant 0.000000e+00 : f32
      %broadcast_in_dim3A_202 = vector.broadcast %broadcast_in_dim3A_201 : f32 to vector<16xf32>
      %swap3A_203 = arith.index_cast %scan3A_200 : i32 to index
      %swap3A_204 = arith.constant 0 : index
      %swap3A_205 = tpu.vector_load %arg18[%swap3A_203, %swap3A_204] {strides = array<i32>} : memref<80x128xf32, #tpu.memory_space<vmem>>, vector<1x16xf32>,
      %swap3A_206 = vector.shape_cast %swap3A_205 : vector<1x16xf32> to vector<16xf32>
      %swap3A_207 = vector.shape_cast %broadcast_in_dim3A_202 : vector<16xf32> to vector<1x16xf32>
      tpu.vector_store %arg18[%swap3A_203, %swap3A_204], %swap3A_207 {strides = array<i32>} : memref<80x128xf32, #tpu.memory_space<vmem>>, vector<1x16xf32>,
      %broadcast_in_dim3A_208 = arith.constant 0.000000e+00 : f32
      %broadcast_in_dim3A_209 = vector.broadcast %broadcast_in_dim3A_208 : f32 to vector<16xf32>
      %swap3A_210 = arith.index_cast %scan3A_200 : i32 to index
      %swap3A_211 = arith.constant 16 : index
      %swap3A_212 = tpu.vector_load %arg18[%swap3A_210, %swap3A_211] {strides = array<i32>} : memref<80x128xf32, #tpu.memory_space<vmem>>, vector<1x16xf32>,
      %swap3A_213 = vector.shape_cast %swap3A_212 : vector<1x16xf32> to vector<16xf32>
      %swap3A_214 = vector.shape_cast %broadcast_in_dim3A_209 : vector<16xf32> to vector<1x16xf32>
      tpu.vector_store %arg18[%swap3A_210, %swap3A_211], %swap3A_214 {strides = array<i32>} : memref<80x128xf32, #tpu.memory_space<vmem>>, vector<1x16xf32>,
      %broadcast_in_dim3A_215 = arith.constant 0.000000e+00 : f32
      %broadcast_in_dim3A_216 = vector.broadcast %broadcast_in_dim3A_215 : f32 to vector<16xf32>
      %swap3A_217 = arith.index_cast %scan3A_200 : i32 to index
      %swap3A_218 = arith.constant 32 : index
      %swap3A_219 = tpu.vector_load %arg18[%swap3A_217, %swap3A_218] {strides = array<i32>} : memref<80x128xf32, #tpu.memory_space<vmem>>, vector<1x16xf32>,
      %swap3A_220 = vector.shape_cast %swap3A_219 : vector<1x16xf32> to vector<16xf32>
      %swap3A_221 = vector.shape_cast %broadcast_in_dim3A_216 : vector<16xf32> to vector<1x16xf32>
      tpu.vector_store %arg18[%swap3A_217, %swap3A_218], %swap3A_221 {strides = array<i32>} : memref<80x128xf32, #tpu.memory_space<vmem>>, vector<1x16xf32>,
      %broadcast_in_dim3A_222 = arith.constant 0.000000e+00 : f32
      %broadcast_in_dim3A_223 = vector.broadcast %broadcast_in_dim3A_222 : f32 to vector<16xf32>
      %swap3A_224 = arith.index_cast %scan3A_200 : i32 to index
      %swap3A_225 = arith.constant 48 : index
      %swap3A_226 = tpu.vector_load %arg18[%swap3A_224, %swap3A_225] {strides = array<i32>} : memref<80x128xf32, #tpu.memory_space<vmem>>, vector<1x16xf32>,
      %swap3A_227 = vector.shape_cast %swap3A_226 : vector<1x16xf32> to vector<16xf32>
      %swap3A_228 = vector.shape_cast %broadcast_in_dim3A_223 : vector<16xf32> to vector<1x16xf32>
      tpu.vector_store %arg18[%swap3A_224, %swap3A_225], %swap3A_228 {strides = array<i32>} : memref<80x128xf32, #tpu.memory_space<vmem>>, vector<1x16xf32>,
      %broadcast_in_dim3A_229 = arith.constant 0.000000e+00 : f32
      %broadcast_in_dim3A_230 = vector.broadcast %broadcast_in_dim3A_229 : f32 to vector<16xf32>
      %swap3A_231 = arith.index_cast %scan3A_200 : i32 to index
      %swap3A_232 = arith.constant 64 : index
      %swap3A_233 = tpu.vector_load %arg18[%swap3A_231, %swap3A_232] {strides = array<i32>} : memref<80x128xf32, #tpu.memory_space<vmem>>, vector<1x16xf32>,
      %swap3A_234 = vector.shape_cast %swap3A_233 : vector<1x16xf32> to vector<16xf32>
      %swap3A_235 = vector.shape_cast %broadcast_in_dim3A_230 : vector<16xf32> to vector<1x16xf32>
      tpu.vector_store %arg18[%swap3A_231, %swap3A_232], %swap3A_235 {strides = array<i32>} : memref<80x128xf32, #tpu.memory_space<vmem>>, vector<1x16xf32>,
      %broadcast_in_dim3A_236 = arith.constant 0.000000e+00 : f32
      %broadcast_in_dim3A_237 = vector.broadcast %broadcast_in_dim3A_236 : f32 to vector<16xf32>
      %swap3A_238 = arith.index_cast %scan3A_200 : i32 to index
      %swap3A_239 = arith.constant 80 : index
      %swap3A_240 = tpu.vector_load %arg18[%swap3A_238, %swap3A_239] {strides = array<i32>} : memref<80x128xf32, #tpu.memory_space<vmem>>, vector<1x16xf32>,
      %swap3A_241 = vector.shape_cast %swap3A_240 : vector<1x16xf32> to vector<16xf32>
      %swap3A_242 = vector.shape_cast %broadcast_in_dim3A_237 : vector<16xf32> to vector<1x16xf32>
      tpu.vector_store %arg18[%swap3A_238, %swap3A_239], %swap3A_242 {strides = array<i32>} : memref<80x128xf32, #tpu.memory_space<vmem>>, vector<1x16xf32>,
      %broadcast_in_dim3A_243 = arith.constant 0.000000e+00 : f32
      %broadcast_in_dim3A_244 = vector.broadcast %broadcast_in_dim3A_243 : f32 to vector<16xf32>
      %swap3A_245 = arith.index_cast %scan3A_200 : i32 to index
      %swap3A_246 = arith.constant 96 : index
      %swap3A_247 = tpu.vector_load %arg18[%swap3A_245, %swap3A_246] {strides = array<i32>} : memref<80x128xf32, #tpu.memory_space<vmem>>, vector<1x16xf32>,
      %swap3A_248 = vector.shape_cast %swap3A_247 : vector<1x16xf32> to vector<16xf32>
      %swap3A_249 = vector.shape_cast %broadcast_in_dim3A_244 : vector<16xf32> to vector<1x16xf32>
      tpu.vector_store %arg18[%swap3A_245, %swap3A_246], %swap3A_249 {strides = array<i32>} : memref<80x128xf32, #tpu.memory_space<vmem>>, vector<1x16xf32>,
      %broadcast_in_dim3A_250 = arith.constant 0.000000e+00 : f32
      %broadcast_in_dim3A_251 = vector.broadcast %broadcast_in_dim3A_250 : f32 to vector<16xf32>
      %swap3A_252 = arith.index_cast %scan3A_200 : i32 to index
      %swap3A_253 = arith.constant 112 : index
      %swap3A_254 = tpu.vector_load %arg18[%swap3A_252, %swap3A_253] {strides = array<i32>} : memref<80x128xf32, #tpu.memory_space<vmem>>, vector<1x16xf32>,
      %swap3A_255 = vector.shape_cast %swap3A_254 : vector<1x16xf32> to vector<16xf32>
      %swap3A_256 = vector.shape_cast %broadcast_in_dim3A_251 : vector<16xf32> to vector<1x16xf32>
      tpu.vector_store %arg18[%swap3A_252, %swap3A_253], %swap3A_256 {strides = array<i32>} : memref<80x128xf32, #tpu.memory_space<vmem>>, vector<1x16xf32>,
      %broadcast_in_dim3A_257 = arith.constant 0.000000e+00 : f32
      %broadcast_in_dim3A_258 = vector.broadcast %broadcast_in_dim3A_257 : f32 to vector<16xf32>
      %swap3A_259 = arith.index_cast %scan3A_200 : i32 to index
      %swap3A_260 = arith.constant 0 : index
      %swap3A_261 = tpu.vector_load %arg19[%swap3A_259, %swap3A_260] {strides = array<i32>} : memref<80x16xf32, #tpu.memory_space<vmem>>, vector<1x16xf32>,
      %swap3A_262 = vector.shape_cast %swap3A_261 : vector<1x16xf32> to vector<16xf32>
      %swap3A_263 = vector.shape_cast %broadcast_in_dim3A_258 : vector<16xf32> to vector<1x16xf32>
      tpu.vector_store %arg19[%swap3A_259, %swap3A_260], %swap3A_263 {strides = array<i32>} : memref<80x16xf32, #tpu.memory_space<vmem>>, vector<1x16xf32>,
    }
    %scan3A_105 = arith.constant 80 : i32
    %add3A_106 = arith.constant 0 : i32
    %add3A_107 = arith.addi %mul3A_0, %add3A_106 : i32
    "tpu.region"() ({
      %run_scoped3A = tpu.sem_alloc : memref<!tpu.dma_semaphore, #tpu.memory_space<semaphore_mem>>
      %dma_start3A_200 = arith.constant 0 : i32
      %dma_start3A_201 = tpu.memref_slice %arg32[%add3A_107, %dma_start3A_200] : memref<10240x128xf32, #tpu.memory_space<vmem_shared>> -> memref<80x128xf32, #tpu.memory_space<vmem_shared>>
      %dma_start3A_202 = arith.constant 0 : i32
      %dma_start3A_203 = tpu.memref_slice %arg32[%add3A_107, %dma_start3A_202] : memref<10240x128xf32, #tpu.memory_space<vmem_shared>> -> memref<80x128xf32, #tpu.memory_space<vmem_shared>>
      tpu.enqueue_dma source(%arg18 : memref<80x128xf32, #tpu.memory_space<vmem>>) target(%dma_start3A_203 : memref<80x128xf32, #tpu.memory_space<vmem_shared>>) target_semaphore(%run_scoped3A : memref<!tpu.dma_semaphore, #tpu.memory_space<semaphore_mem>>)
      %dma_wait3A_204 = arith.constant 0 : i32
      %dma_wait3A_205 = tpu.memref_slice %arg32[%add3A_107, %dma_wait3A_204] : memref<10240x128xf32, #tpu.memory_space<vmem_shared>> -> memref<80x128xf32, #tpu.memory_space<vmem_shared>>
      %dma_wait3A_206 = arith.constant 0 : i32
      %dma_wait3A_207 = tpu.memref_slice %arg32[%add3A_107, %dma_wait3A_206] : memref<10240x128xf32, #tpu.memory_space<vmem_shared>> -> memref<80x128xf32, #tpu.memory_space<vmem_shared>>
      tpu.wait_dma2 semaphore(%run_scoped3A : memref<!tpu.dma_semaphore, #tpu.memory_space<semaphore_mem>>) src(%arg18 : memref<80x128xf32, #tpu.memory_space<vmem>>) dst(%dma_wait3A_207 : memref<80x128xf32, #tpu.memory_space<vmem_shared>>)
      tpu.yield
    }) : () -> ()
    %add3A_108 = arith.constant 0 : i32
    %add3A_109 = arith.addi %mul3A_0, %add3A_108 : i32
    "tpu.region"() ({
      %run_scoped3A = tpu.sem_alloc : memref<!tpu.dma_semaphore, #tpu.memory_space<semaphore_mem>>
      %dma_start3A_200 = arith.constant 0 : i32
      %dma_start3A_201 = tpu.memref_slice %arg33[%add3A_109, %dma_start3A_200] : memref<10240x16xf32, #tpu.memory_space<vmem_shared>> -> memref<80x16xf32, #tpu.memory_space<vmem_shared>>
      %dma_start3A_202 = arith.constant 0 : i32
      %dma_start3A_203 = tpu.memref_slice %arg33[%add3A_109, %dma_start3A_202] : memref<10240x16xf32, #tpu.memory_space<vmem_shared>> -> memref<80x16xf32, #tpu.memory_space<vmem_shared>>
      tpu.enqueue_dma source(%arg19 : memref<80x16xf32, #tpu.memory_space<vmem>>) target(%dma_start3A_203 : memref<80x16xf32, #tpu.memory_space<vmem_shared>>) target_semaphore(%run_scoped3A : memref<!tpu.dma_semaphore, #tpu.memory_space<semaphore_mem>>)
      %dma_wait3A_204 = arith.constant 0 : i32
      %dma_wait3A_205 = tpu.memref_slice %arg33[%add3A_109, %dma_wait3A_204] : memref<10240x16xf32, #tpu.memory_space<vmem_shared>> -> memref<80x16xf32, #tpu.memory_space<vmem_shared>>
      %dma_wait3A_206 = arith.constant 0 : i32
      %dma_wait3A_207 = tpu.memref_slice %arg33[%add3A_109, %dma_wait3A_206] : memref<10240x16xf32, #tpu.memory_space<vmem_shared>> -> memref<80x16xf32, #tpu.memory_space<vmem_shared>>
      tpu.wait_dma2 semaphore(%run_scoped3A : memref<!tpu.dma_semaphore, #tpu.memory_space<semaphore_mem>>) src(%arg19 : memref<80x16xf32, #tpu.memory_space<vmem>>) dst(%dma_wait3A_207 : memref<80x16xf32, #tpu.memory_space<vmem_shared>>)
      tpu.yield
    }) : () -> ()
    %add3A_110 = arith.constant 80 : i32
    %add3A_111 = arith.addi %mul3A_0, %add3A_110 : i32
    "tpu.region"() ({
      %run_scoped3A = tpu.sem_alloc : memref<!tpu.dma_semaphore, #tpu.memory_space<semaphore_mem>>
      %dma_start3A_200 = arith.constant 0 : i32
      %dma_start3A_201 = tpu.memref_slice %arg32[%add3A_111, %dma_start3A_200] : memref<10240x128xf32, #tpu.memory_space<vmem_shared>> -> memref<80x128xf32, #tpu.memory_space<vmem_shared>>
      %dma_start3A_202 = arith.constant 0 : i32
      %dma_start3A_203 = tpu.memref_slice %arg32[%add3A_111, %dma_start3A_202] : memref<10240x128xf32, #tpu.memory_space<vmem_shared>> -> memref<80x128xf32, #tpu.memory_space<vmem_shared>>
      tpu.enqueue_dma source(%arg18 : memref<80x128xf32, #tpu.memory_space<vmem>>) target(%dma_start3A_203 : memref<80x128xf32, #tpu.memory_space<vmem_shared>>) target_semaphore(%run_scoped3A : memref<!tpu.dma_semaphore, #tpu.memory_space<semaphore_mem>>)
      %dma_wait3A_204 = arith.constant 0 : i32
      %dma_wait3A_205 = tpu.memref_slice %arg32[%add3A_111, %dma_wait3A_204] : memref<10240x128xf32, #tpu.memory_space<vmem_shared>> -> memref<80x128xf32, #tpu.memory_space<vmem_shared>>
      %dma_wait3A_206 = arith.constant 0 : i32
      %dma_wait3A_207 = tpu.memref_slice %arg32[%add3A_111, %dma_wait3A_206] : memref<10240x128xf32, #tpu.memory_space<vmem_shared>> -> memref<80x128xf32, #tpu.memory_space<vmem_shared>>
      tpu.wait_dma2 semaphore(%run_scoped3A : memref<!tpu.dma_semaphore, #tpu.memory_space<semaphore_mem>>) src(%arg18 : memref<80x128xf32, #tpu.memory_space<vmem>>) dst(%dma_wait3A_207 : memref<80x128xf32, #tpu.memory_space<vmem_shared>>)
      tpu.yield
    }) : () -> ()
    %add3A_112 = arith.constant 80 : i32
    %add3A_113 = arith.addi %mul3A_0, %add3A_112 : i32
    "tpu.region"() ({
      %run_scoped3A = tpu.sem_alloc : memref<!tpu.dma_semaphore, #tpu.memory_space<semaphore_mem>>
      %dma_start3A_200 = arith.constant 0 : i32
      %dma_start3A_201 = tpu.memref_slice %arg33[%add3A_113, %dma_start3A_200] : memref<10240x16xf32, #tpu.memory_space<vmem_shared>> -> memref<80x16xf32, #tpu.memory_space<vmem_shared>>
      %dma_start3A_202 = arith.constant 0 : i32
      %dma_start3A_203 = tpu.memref_slice %arg33[%add3A_113, %dma_start3A_202] : memref<10240x16xf32, #tpu.memory_space<vmem_shared>> -> memref<80x16xf32, #tpu.memory_space<vmem_shared>>
      tpu.enqueue_dma source(%arg19 : memref<80x16xf32, #tpu.memory_space<vmem>>) target(%dma_start3A_203 : memref<80x16xf32, #tpu.memory_space<vmem_shared>>) target_semaphore(%run_scoped3A : memref<!tpu.dma_semaphore, #tpu.memory_space<semaphore_mem>>)
      %dma_wait3A_204 = arith.constant 0 : i32
      %dma_wait3A_205 = tpu.memref_slice %arg33[%add3A_113, %dma_wait3A_204] : memref<10240x16xf32, #tpu.memory_space<vmem_shared>> -> memref<80x16xf32, #tpu.memory_space<vmem_shared>>
      %dma_wait3A_206 = arith.constant 0 : i32
      %dma_wait3A_207 = tpu.memref_slice %arg33[%add3A_113, %dma_wait3A_206] : memref<10240x16xf32, #tpu.memory_space<vmem_shared>> -> memref<80x16xf32, #tpu.memory_space<vmem_shared>>
      tpu.wait_dma2 semaphore(%run_scoped3A : memref<!tpu.dma_semaphore, #tpu.memory_space<semaphore_mem>>) src(%arg19 : memref<80x16xf32, #tpu.memory_space<vmem>>) dst(%dma_wait3A_207 : memref<80x16xf32, #tpu.memory_space<vmem_shared>>)
      tpu.yield
    }) : () -> ()
    %add3A_114 = arith.constant 160 : i32
    %add3A_115 = arith.addi %mul3A_0, %add3A_114 : i32
    "tpu.region"() ({
      %run_scoped3A = tpu.sem_alloc : memref<!tpu.dma_semaphore, #tpu.memory_space<semaphore_mem>>
      %dma_start3A_200 = arith.constant 0 : i32
      %dma_start3A_201 = tpu.memref_slice %arg32[%add3A_115, %dma_start3A_200] : memref<10240x128xf32, #tpu.memory_space<vmem_shared>> -> memref<80x128xf32, #tpu.memory_space<vmem_shared>>
      %dma_start3A_202 = arith.constant 0 : i32
      %dma_start3A_203 = tpu.memref_slice %arg32[%add3A_115, %dma_start3A_202] : memref<10240x128xf32, #tpu.memory_space<vmem_shared>> -> memref<80x128xf32, #tpu.memory_space<vmem_shared>>
      tpu.enqueue_dma source(%arg18 : memref<80x128xf32, #tpu.memory_space<vmem>>) target(%dma_start3A_203 : memref<80x128xf32, #tpu.memory_space<vmem_shared>>) target_semaphore(%run_scoped3A : memref<!tpu.dma_semaphore, #tpu.memory_space<semaphore_mem>>)
      %dma_wait3A_204 = arith.constant 0 : i32
      %dma_wait3A_205 = tpu.memref_slice %arg32[%add3A_115, %dma_wait3A_204] : memref<10240x128xf32, #tpu.memory_space<vmem_shared>> -> memref<80x128xf32, #tpu.memory_space<vmem_shared>>
      %dma_wait3A_206 = arith.constant 0 : i32
      %dma_wait3A_207 = tpu.memref_slice %arg32[%add3A_115, %dma_wait3A_206] : memref<10240x128xf32, #tpu.memory_space<vmem_shared>> -> memref<80x128xf32, #tpu.memory_space<vmem_shared>>
      tpu.wait_dma2 semaphore(%run_scoped3A : memref<!tpu.dma_semaphore, #tpu.memory_space<semaphore_mem>>) src(%arg18 : memref<80x128xf32, #tpu.memory_space<vmem>>) dst(%dma_wait3A_207 : memref<80x128xf32, #tpu.memory_space<vmem_shared>>)
      tpu.yield
    }) : () -> ()
    %add3A_116 = arith.constant 160 : i32
    %add3A_117 = arith.addi %mul3A_0, %add3A_116 : i32
    "tpu.region"() ({
      %run_scoped3A = tpu.sem_alloc : memref<!tpu.dma_semaphore, #tpu.memory_space<semaphore_mem>>
      %dma_start3A_200 = arith.constant 0 : i32
      %dma_start3A_201 = tpu.memref_slice %arg33[%add3A_117, %dma_start3A_200] : memref<10240x16xf32, #tpu.memory_space<vmem_shared>> -> memref<80x16xf32, #tpu.memory_space<vmem_shared>>
      %dma_start3A_202 = arith.constant 0 : i32
      %dma_start3A_203 = tpu.memref_slice %arg33[%add3A_117, %dma_start3A_202] : memref<10240x16xf32, #tpu.memory_space<vmem_shared>> -> memref<80x16xf32, #tpu.memory_space<vmem_shared>>
      tpu.enqueue_dma source(%arg19 : memref<80x16xf32, #tpu.memory_space<vmem>>) target(%dma_start3A_203 : memref<80x16xf32, #tpu.memory_space<vmem_shared>>) target_semaphore(%run_scoped3A : memref<!tpu.dma_semaphore, #tpu.memory_space<semaphore_mem>>)
      %dma_wait3A_204 = arith.constant 0 : i32
      %dma_wait3A_205 = tpu.memref_slice %arg33[%add3A_117, %dma_wait3A_204] : memref<10240x16xf32, #tpu.memory_space<vmem_shared>> -> memref<80x16xf32, #tpu.memory_space<vmem_shared>>
      %dma_wait3A_206 = arith.constant 0 : i32
      %dma_wait3A_207 = tpu.memref_slice %arg33[%add3A_117, %dma_wait3A_206] : memref<10240x16xf32, #tpu.memory_space<vmem_shared>> -> memref<80x16xf32, #tpu.memory_space<vmem_shared>>
      tpu.wait_dma2 semaphore(%run_scoped3A : memref<!tpu.dma_semaphore, #tpu.memory_space<semaphore_mem>>) src(%arg19 : memref<80x16xf32, #tpu.memory_space<vmem>>) dst(%dma_wait3A_207 : memref<80x16xf32, #tpu.memory_space<vmem_shared>>)
      tpu.yield
    }) : () -> ()
    %add3A_118 = arith.constant 240 : i32
    %add3A_119 = arith.addi %mul3A_0, %add3A_118 : i32
    "tpu.region"() ({
      %run_scoped3A = tpu.sem_alloc : memref<!tpu.dma_semaphore, #tpu.memory_space<semaphore_mem>>
      %dma_start3A_200 = arith.constant 0 : i32
      %dma_start3A_201 = tpu.memref_slice %arg32[%add3A_119, %dma_start3A_200] : memref<10240x128xf32, #tpu.memory_space<vmem_shared>> -> memref<80x128xf32, #tpu.memory_space<vmem_shared>>
      %dma_start3A_202 = arith.constant 0 : i32
      %dma_start3A_203 = tpu.memref_slice %arg32[%add3A_119, %dma_start3A_202] : memref<10240x128xf32, #tpu.memory_space<vmem_shared>> -> memref<80x128xf32, #tpu.memory_space<vmem_shared>>
      tpu.enqueue_dma source(%arg18 : memref<80x128xf32, #tpu.memory_space<vmem>>) target(%dma_start3A_203 : memref<80x128xf32, #tpu.memory_space<vmem_shared>>) target_semaphore(%run_scoped3A : memref<!tpu.dma_semaphore, #tpu.memory_space<semaphore_mem>>)
      %dma_wait3A_204 = arith.constant 0 : i32
      %dma_wait3A_205 = tpu.memref_slice %arg32[%add3A_119, %dma_wait3A_204] : memref<10240x128xf32, #tpu.memory_space<vmem_shared>> -> memref<80x128xf32, #tpu.memory_space<vmem_shared>>
      %dma_wait3A_206 = arith.constant 0 : i32
      %dma_wait3A_207 = tpu.memref_slice %arg32[%add3A_119, %dma_wait3A_206] : memref<10240x128xf32, #tpu.memory_space<vmem_shared>> -> memref<80x128xf32, #tpu.memory_space<vmem_shared>>
      tpu.wait_dma2 semaphore(%run_scoped3A : memref<!tpu.dma_semaphore, #tpu.memory_space<semaphore_mem>>) src(%arg18 : memref<80x128xf32, #tpu.memory_space<vmem>>) dst(%dma_wait3A_207 : memref<80x128xf32, #tpu.memory_space<vmem_shared>>)
      tpu.yield
    }) : () -> ()
    %add3A_120 = arith.constant 240 : i32
    %add3A_121 = arith.addi %mul3A_0, %add3A_120 : i32
    "tpu.region"() ({
      %run_scoped3A = tpu.sem_alloc : memref<!tpu.dma_semaphore, #tpu.memory_space<semaphore_mem>>
      %dma_start3A_200 = arith.constant 0 : i32
      %dma_start3A_201 = tpu.memref_slice %arg33[%add3A_121, %dma_start3A_200] : memref<10240x16xf32, #tpu.memory_space<vmem_shared>> -> memref<80x16xf32, #tpu.memory_space<vmem_shared>>
      %dma_start3A_202 = arith.constant 0 : i32
      %dma_start3A_203 = tpu.memref_slice %arg33[%add3A_121, %dma_start3A_202] : memref<10240x16xf32, #tpu.memory_space<vmem_shared>> -> memref<80x16xf32, #tpu.memory_space<vmem_shared>>
      tpu.enqueue_dma source(%arg19 : memref<80x16xf32, #tpu.memory_space<vmem>>) target(%dma_start3A_203 : memref<80x16xf32, #tpu.memory_space<vmem_shared>>) target_semaphore(%run_scoped3A : memref<!tpu.dma_semaphore, #tpu.memory_space<semaphore_mem>>)
      %dma_wait3A_204 = arith.constant 0 : i32
      %dma_wait3A_205 = tpu.memref_slice %arg33[%add3A_121, %dma_wait3A_204] : memref<10240x16xf32, #tpu.memory_space<vmem_shared>> -> memref<80x16xf32, #tpu.memory_space<vmem_shared>>
      %dma_wait3A_206 = arith.constant 0 : i32
      %dma_wait3A_207 = tpu.memref_slice %arg33[%add3A_121, %dma_wait3A_206] : memref<10240x16xf32, #tpu.memory_space<vmem_shared>> -> memref<80x16xf32, #tpu.memory_space<vmem_shared>>
      tpu.wait_dma2 semaphore(%run_scoped3A : memref<!tpu.dma_semaphore, #tpu.memory_space<semaphore_mem>>) src(%arg19 : memref<80x16xf32, #tpu.memory_space<vmem>>) dst(%dma_wait3A_207 : memref<80x16xf32, #tpu.memory_space<vmem_shared>>)
      tpu.yield
    }) : () -> ()
    %add3A_122 = arith.constant 320 : i32
    %add3A_123 = arith.addi %mul3A_0, %add3A_122 : i32
    "tpu.region"() ({
      %run_scoped3A = tpu.sem_alloc : memref<!tpu.dma_semaphore, #tpu.memory_space<semaphore_mem>>
      %dma_start3A_200 = arith.constant 0 : i32
      %dma_start3A_201 = tpu.memref_slice %arg32[%add3A_123, %dma_start3A_200] : memref<10240x128xf32, #tpu.memory_space<vmem_shared>> -> memref<80x128xf32, #tpu.memory_space<vmem_shared>>
      %dma_start3A_202 = arith.constant 0 : i32
      %dma_start3A_203 = tpu.memref_slice %arg32[%add3A_123, %dma_start3A_202] : memref<10240x128xf32, #tpu.memory_space<vmem_shared>> -> memref<80x128xf32, #tpu.memory_space<vmem_shared>>
      tpu.enqueue_dma source(%arg18 : memref<80x128xf32, #tpu.memory_space<vmem>>) target(%dma_start3A_203 : memref<80x128xf32, #tpu.memory_space<vmem_shared>>) target_semaphore(%run_scoped3A : memref<!tpu.dma_semaphore, #tpu.memory_space<semaphore_mem>>)
      %dma_wait3A_204 = arith.constant 0 : i32
      %dma_wait3A_205 = tpu.memref_slice %arg32[%add3A_123, %dma_wait3A_204] : memref<10240x128xf32, #tpu.memory_space<vmem_shared>> -> memref<80x128xf32, #tpu.memory_space<vmem_shared>>
      %dma_wait3A_206 = arith.constant 0 : i32
      %dma_wait3A_207 = tpu.memref_slice %arg32[%add3A_123, %dma_wait3A_206] : memref<10240x128xf32, #tpu.memory_space<vmem_shared>> -> memref<80x128xf32, #tpu.memory_space<vmem_shared>>
      tpu.wait_dma2 semaphore(%run_scoped3A : memref<!tpu.dma_semaphore, #tpu.memory_space<semaphore_mem>>) src(%arg18 : memref<80x128xf32, #tpu.memory_space<vmem>>) dst(%dma_wait3A_207 : memref<80x128xf32, #tpu.memory_space<vmem_shared>>)
      tpu.yield
    }) : () -> ()
    %add3A_124 = arith.constant 320 : i32
    %add3A_125 = arith.addi %mul3A_0, %add3A_124 : i32
    "tpu.region"() ({
      %run_scoped3A = tpu.sem_alloc : memref<!tpu.dma_semaphore, #tpu.memory_space<semaphore_mem>>
      %dma_start3A_200 = arith.constant 0 : i32
      %dma_start3A_201 = tpu.memref_slice %arg33[%add3A_125, %dma_start3A_200] : memref<10240x16xf32, #tpu.memory_space<vmem_shared>> -> memref<80x16xf32, #tpu.memory_space<vmem_shared>>
      %dma_start3A_202 = arith.constant 0 : i32
      %dma_start3A_203 = tpu.memref_slice %arg33[%add3A_125, %dma_start3A_202] : memref<10240x16xf32, #tpu.memory_space<vmem_shared>> -> memref<80x16xf32, #tpu.memory_space<vmem_shared>>
      tpu.enqueue_dma source(%arg19 : memref<80x16xf32, #tpu.memory_space<vmem>>) target(%dma_start3A_203 : memref<80x16xf32, #tpu.memory_space<vmem_shared>>) target_semaphore(%run_scoped3A : memref<!tpu.dma_semaphore, #tpu.memory_space<semaphore_mem>>)
      %dma_wait3A_204 = arith.constant 0 : i32
      %dma_wait3A_205 = tpu.memref_slice %arg33[%add3A_125, %dma_wait3A_204] : memref<10240x16xf32, #tpu.memory_space<vmem_shared>> -> memref<80x16xf32, #tpu.memory_space<vmem_shared>>
      %dma_wait3A_206 = arith.constant 0 : i32
      %dma_wait3A_207 = tpu.memref_slice %arg33[%add3A_125, %dma_wait3A_206] : memref<10240x16xf32, #tpu.memory_space<vmem_shared>> -> memref<80x16xf32, #tpu.memory_space<vmem_shared>>
      tpu.wait_dma2 semaphore(%run_scoped3A : memref<!tpu.dma_semaphore, #tpu.memory_space<semaphore_mem>>) src(%arg19 : memref<80x16xf32, #tpu.memory_space<vmem>>) dst(%dma_wait3A_207 : memref<80x16xf32, #tpu.memory_space<vmem_shared>>)
      tpu.yield
    }) : () -> ()
    %add3A_126 = arith.constant 400 : i32
    %add3A_127 = arith.addi %mul3A_0, %add3A_126 : i32
    "tpu.region"() ({
      %run_scoped3A = tpu.sem_alloc : memref<!tpu.dma_semaphore, #tpu.memory_space<semaphore_mem>>
      %dma_start3A_200 = arith.constant 0 : i32
      %dma_start3A_201 = tpu.memref_slice %arg32[%add3A_127, %dma_start3A_200] : memref<10240x128xf32, #tpu.memory_space<vmem_shared>> -> memref<80x128xf32, #tpu.memory_space<vmem_shared>>
      %dma_start3A_202 = arith.constant 0 : i32
      %dma_start3A_203 = tpu.memref_slice %arg32[%add3A_127, %dma_start3A_202] : memref<10240x128xf32, #tpu.memory_space<vmem_shared>> -> memref<80x128xf32, #tpu.memory_space<vmem_shared>>
      tpu.enqueue_dma source(%arg18 : memref<80x128xf32, #tpu.memory_space<vmem>>) target(%dma_start3A_203 : memref<80x128xf32, #tpu.memory_space<vmem_shared>>) target_semaphore(%run_scoped3A : memref<!tpu.dma_semaphore, #tpu.memory_space<semaphore_mem>>)
      %dma_wait3A_204 = arith.constant 0 : i32
      %dma_wait3A_205 = tpu.memref_slice %arg32[%add3A_127, %dma_wait3A_204] : memref<10240x128xf32, #tpu.memory_space<vmem_shared>> -> memref<80x128xf32, #tpu.memory_space<vmem_shared>>
      %dma_wait3A_206 = arith.constant 0 : i32
      %dma_wait3A_207 = tpu.memref_slice %arg32[%add3A_127, %dma_wait3A_206] : memref<10240x128xf32, #tpu.memory_space<vmem_shared>> -> memref<80x128xf32, #tpu.memory_space<vmem_shared>>
      tpu.wait_dma2 semaphore(%run_scoped3A : memref<!tpu.dma_semaphore, #tpu.memory_space<semaphore_mem>>) src(%arg18 : memref<80x128xf32, #tpu.memory_space<vmem>>) dst(%dma_wait3A_207 : memref<80x128xf32, #tpu.memory_space<vmem_shared>>)
      tpu.yield
    }) : () -> ()
    %add3A_128 = arith.constant 400 : i32
    %add3A_129 = arith.addi %mul3A_0, %add3A_128 : i32
    "tpu.region"() ({
      %run_scoped3A = tpu.sem_alloc : memref<!tpu.dma_semaphore, #tpu.memory_space<semaphore_mem>>
      %dma_start3A_200 = arith.constant 0 : i32
      %dma_start3A_201 = tpu.memref_slice %arg33[%add3A_129, %dma_start3A_200] : memref<10240x16xf32, #tpu.memory_space<vmem_shared>> -> memref<80x16xf32, #tpu.memory_space<vmem_shared>>
      %dma_start3A_202 = arith.constant 0 : i32
      %dma_start3A_203 = tpu.memref_slice %arg33[%add3A_129, %dma_start3A_202] : memref<10240x16xf32, #tpu.memory_space<vmem_shared>> -> memref<80x16xf32, #tpu.memory_space<vmem_shared>>
      tpu.enqueue_dma source(%arg19 : memref<80x16xf32, #tpu.memory_space<vmem>>) target(%dma_start3A_203 : memref<80x16xf32, #tpu.memory_space<vmem_shared>>) target_semaphore(%run_scoped3A : memref<!tpu.dma_semaphore, #tpu.memory_space<semaphore_mem>>)
      %dma_wait3A_204 = arith.constant 0 : i32
      %dma_wait3A_205 = tpu.memref_slice %arg33[%add3A_129, %dma_wait3A_204] : memref<10240x16xf32, #tpu.memory_space<vmem_shared>> -> memref<80x16xf32, #tpu.memory_space<vmem_shared>>
      %dma_wait3A_206 = arith.constant 0 : i32
      %dma_wait3A_207 = tpu.memref_slice %arg33[%add3A_129, %dma_wait3A_206] : memref<10240x16xf32, #tpu.memory_space<vmem_shared>> -> memref<80x16xf32, #tpu.memory_space<vmem_shared>>
      tpu.wait_dma2 semaphore(%run_scoped3A : memref<!tpu.dma_semaphore, #tpu.memory_space<semaphore_mem>>) src(%arg19 : memref<80x16xf32, #tpu.memory_space<vmem>>) dst(%dma_wait3A_207 : memref<80x16xf32, #tpu.memory_space<vmem_shared>>)
      tpu.yield
    }) : () -> ()
    %add3A_130 = arith.constant 480 : i32
    %add3A_131 = arith.addi %mul3A_0, %add3A_130 : i32
    "tpu.region"() ({
      %run_scoped3A = tpu.sem_alloc : memref<!tpu.dma_semaphore, #tpu.memory_space<semaphore_mem>>
      %dma_start3A_200 = arith.constant 0 : i32
      %dma_start3A_201 = tpu.memref_slice %arg32[%add3A_131, %dma_start3A_200] : memref<10240x128xf32, #tpu.memory_space<vmem_shared>> -> memref<80x128xf32, #tpu.memory_space<vmem_shared>>
      %dma_start3A_202 = arith.constant 0 : i32
      %dma_start3A_203 = tpu.memref_slice %arg32[%add3A_131, %dma_start3A_202] : memref<10240x128xf32, #tpu.memory_space<vmem_shared>> -> memref<80x128xf32, #tpu.memory_space<vmem_shared>>
      tpu.enqueue_dma source(%arg18 : memref<80x128xf32, #tpu.memory_space<vmem>>) target(%dma_start3A_203 : memref<80x128xf32, #tpu.memory_space<vmem_shared>>) target_semaphore(%run_scoped3A : memref<!tpu.dma_semaphore, #tpu.memory_space<semaphore_mem>>)
      %dma_wait3A_204 = arith.constant 0 : i32
      %dma_wait3A_205 = tpu.memref_slice %arg32[%add3A_131, %dma_wait3A_204] : memref<10240x128xf32, #tpu.memory_space<vmem_shared>> -> memref<80x128xf32, #tpu.memory_space<vmem_shared>>
      %dma_wait3A_206 = arith.constant 0 : i32
      %dma_wait3A_207 = tpu.memref_slice %arg32[%add3A_131, %dma_wait3A_206] : memref<10240x128xf32, #tpu.memory_space<vmem_shared>> -> memref<80x128xf32, #tpu.memory_space<vmem_shared>>
      tpu.wait_dma2 semaphore(%run_scoped3A : memref<!tpu.dma_semaphore, #tpu.memory_space<semaphore_mem>>) src(%arg18 : memref<80x128xf32, #tpu.memory_space<vmem>>) dst(%dma_wait3A_207 : memref<80x128xf32, #tpu.memory_space<vmem_shared>>)
      tpu.yield
    }) : () -> ()
    %add3A_132 = arith.constant 480 : i32
    %add3A_133 = arith.addi %mul3A_0, %add3A_132 : i32
    "tpu.region"() ({
      %run_scoped3A = tpu.sem_alloc : memref<!tpu.dma_semaphore, #tpu.memory_space<semaphore_mem>>
      %dma_start3A_200 = arith.constant 0 : i32
      %dma_start3A_201 = tpu.memref_slice %arg33[%add3A_133, %dma_start3A_200] : memref<10240x16xf32, #tpu.memory_space<vmem_shared>> -> memref<80x16xf32, #tpu.memory_space<vmem_shared>>
      %dma_start3A_202 = arith.constant 0 : i32
      %dma_start3A_203 = tpu.memref_slice %arg33[%add3A_133, %dma_start3A_202] : memref<10240x16xf32, #tpu.memory_space<vmem_shared>> -> memref<80x16xf32, #tpu.memory_space<vmem_shared>>
      tpu.enqueue_dma source(%arg19 : memref<80x16xf32, #tpu.memory_space<vmem>>) target(%dma_start3A_203 : memref<80x16xf32, #tpu.memory_space<vmem_shared>>) target_semaphore(%run_scoped3A : memref<!tpu.dma_semaphore, #tpu.memory_space<semaphore_mem>>)
      %dma_wait3A_204 = arith.constant 0 : i32
      %dma_wait3A_205 = tpu.memref_slice %arg33[%add3A_133, %dma_wait3A_204] : memref<10240x16xf32, #tpu.memory_space<vmem_shared>> -> memref<80x16xf32, #tpu.memory_space<vmem_shared>>
      %dma_wait3A_206 = arith.constant 0 : i32
      %dma_wait3A_207 = tpu.memref_slice %arg33[%add3A_133, %dma_wait3A_206] : memref<10240x16xf32, #tpu.memory_space<vmem_shared>> -> memref<80x16xf32, #tpu.memory_space<vmem_shared>>
      tpu.wait_dma2 semaphore(%run_scoped3A : memref<!tpu.dma_semaphore, #tpu.memory_space<semaphore_mem>>) src(%arg19 : memref<80x16xf32, #tpu.memory_space<vmem>>) dst(%dma_wait3A_207 : memref<80x16xf32, #tpu.memory_space<vmem_shared>>)
      tpu.yield
    }) : () -> ()
    %add3A_134 = arith.constant 560 : i32
    %add3A_135 = arith.addi %mul3A_0, %add3A_134 : i32
    "tpu.region"() ({
      %run_scoped3A = tpu.sem_alloc : memref<!tpu.dma_semaphore, #tpu.memory_space<semaphore_mem>>
      %dma_start3A_200 = arith.constant 0 : i32
      %dma_start3A_201 = tpu.memref_slice %arg32[%add3A_135, %dma_start3A_200] : memref<10240x128xf32, #tpu.memory_space<vmem_shared>> -> memref<80x128xf32, #tpu.memory_space<vmem_shared>>
      %dma_start3A_202 = arith.constant 0 : i32
      %dma_start3A_203 = tpu.memref_slice %arg32[%add3A_135, %dma_start3A_202] : memref<10240x128xf32, #tpu.memory_space<vmem_shared>> -> memref<80x128xf32, #tpu.memory_space<vmem_shared>>
      tpu.enqueue_dma source(%arg18 : memref<80x128xf32, #tpu.memory_space<vmem>>) target(%dma_start3A_203 : memref<80x128xf32, #tpu.memory_space<vmem_shared>>) target_semaphore(%run_scoped3A : memref<!tpu.dma_semaphore, #tpu.memory_space<semaphore_mem>>)
      %dma_wait3A_204 = arith.constant 0 : i32
      %dma_wait3A_205 = tpu.memref_slice %arg32[%add3A_135, %dma_wait3A_204] : memref<10240x128xf32, #tpu.memory_space<vmem_shared>> -> memref<80x128xf32, #tpu.memory_space<vmem_shared>>
      %dma_wait3A_206 = arith.constant 0 : i32
      %dma_wait3A_207 = tpu.memref_slice %arg32[%add3A_135, %dma_wait3A_206] : memref<10240x128xf32, #tpu.memory_space<vmem_shared>> -> memref<80x128xf32, #tpu.memory_space<vmem_shared>>
      tpu.wait_dma2 semaphore(%run_scoped3A : memref<!tpu.dma_semaphore, #tpu.memory_space<semaphore_mem>>) src(%arg18 : memref<80x128xf32, #tpu.memory_space<vmem>>) dst(%dma_wait3A_207 : memref<80x128xf32, #tpu.memory_space<vmem_shared>>)
      tpu.yield
    }) : () -> ()
    %add3A_136 = arith.constant 560 : i32
    %add3A_137 = arith.addi %mul3A_0, %add3A_136 : i32
    "tpu.region"() ({
      %run_scoped3A = tpu.sem_alloc : memref<!tpu.dma_semaphore, #tpu.memory_space<semaphore_mem>>
      %dma_start3A_200 = arith.constant 0 : i32
      %dma_start3A_201 = tpu.memref_slice %arg33[%add3A_137, %dma_start3A_200] : memref<10240x16xf32, #tpu.memory_space<vmem_shared>> -> memref<80x16xf32, #tpu.memory_space<vmem_shared>>
      %dma_start3A_202 = arith.constant 0 : i32
      %dma_start3A_203 = tpu.memref_slice %arg33[%add3A_137, %dma_start3A_202] : memref<10240x16xf32, #tpu.memory_space<vmem_shared>> -> memref<80x16xf32, #tpu.memory_space<vmem_shared>>
      tpu.enqueue_dma source(%arg19 : memref<80x16xf32, #tpu.memory_space<vmem>>) target(%dma_start3A_203 : memref<80x16xf32, #tpu.memory_space<vmem_shared>>) target_semaphore(%run_scoped3A : memref<!tpu.dma_semaphore, #tpu.memory_space<semaphore_mem>>)
      %dma_wait3A_204 = arith.constant 0 : i32
      %dma_wait3A_205 = tpu.memref_slice %arg33[%add3A_137, %dma_wait3A_204] : memref<10240x16xf32, #tpu.memory_space<vmem_shared>> -> memref<80x16xf32, #tpu.memory_space<vmem_shared>>
      %dma_wait3A_206 = arith.constant 0 : i32
      %dma_wait3A_207 = tpu.memref_slice %arg33[%add3A_137, %dma_wait3A_206] : memref<10240x16xf32, #tpu.memory_space<vmem_shared>> -> memref<80x16xf32, #tpu.memory_space<vmem_shared>>
      tpu.wait_dma2 semaphore(%run_scoped3A : memref<!tpu.dma_semaphore, #tpu.memory_space<semaphore_mem>>) src(%arg19 : memref<80x16xf32, #tpu.memory_space<vmem>>) dst(%dma_wait3A_207 : memref<80x16xf32, #tpu.memory_space<vmem_shared>>)
      tpu.yield
    }) : () -> ()
    %barrier3A = arith.constant 0 : index
    tpu.barrier barrier_id(%barrier3A)
    %get3A_138 = arith.constant 0 : index
    %get3A_139 = tpu.vector_load %arg31[%get3A_138] {strides = array<i32>} : memref<16xf32, #tpu.memory_space<vmem>>, vector<16xf32>,
    %get3A_140 = vector.shape_cast %get3A_139 : vector<16xf32> to vector<16xf32>
    %add3A_141 = arith.constant 0 : i32
    %add3A_142 = arith.addi %mul3A_8, %add3A_141 : i32
    %broadcast_in_dim3A = vector.broadcast %add3A_142 : i32 to vector<16xi32>
    %add3A_143 = arith.constant 1 : i32
    %add3A_144 = arith.addi %mul3A_8, %add3A_143 : i32
    %broadcast_in_dim3A_145 = vector.broadcast %add3A_144 : i32 to vector<16xi32>
    %add3A_146 = arith.constant 2 : i32
    %add3A_147 = arith.addi %mul3A_8, %add3A_146 : i32
    %broadcast_in_dim3A_148 = vector.broadcast %add3A_147 : i32 to vector<16xi32>
    %add3A_149 = arith.constant 3 : i32
    %add3A_150 = arith.addi %mul3A_8, %add3A_149 : i32
    %broadcast_in_dim3A_151 = vector.broadcast %add3A_150 : i32 to vector<16xi32>
    %dma_start3A = arith.constant 0 : i32
    %dma_start3A_152 = arith.constant 0 : i32
    %dma_start3A_153 = tpu.memref_slice %arg5[%dma_start3A, %dma_start3A_152] : memref<20000x16xf32, #tpu.memory_space<hbm>> -> memref<20000x16xf32, #tpu.memory_space<hbm>>
    tpu.enqueue_indirect_dma source(%dma_start3A_153 : memref<20000x16xf32, #tpu.memory_space<hbm>>) target(%arg16 : memref<80x16xf32, #tpu.memory_space<vmem>>) offsets(%arg10 : memref<80xi32, #tpu.memory_space<vmem>>) semaphore(%arg36 : memref<!tpu.dma_semaphore, #tpu.memory_space<semaphore_mem>>)
    %dma_start3A_154 = arith.constant 0 : i32
    %dma_start3A_155 = arith.constant 0 : i32
    %dma_start3A_156 = tpu.memref_slice %arg5[%dma_start3A_154, %dma_start3A_155] : memref<20000x16xf32, #tpu.memory_space<hbm>> -> memref<20000x16xf32, #tpu.memory_space<hbm>>
    tpu.enqueue_indirect_dma source(%dma_start3A_156 : memref<20000x16xf32, #tpu.memory_space<hbm>>) target(%arg17 : memref<80x16xf32, #tpu.memory_space<vmem>>) offsets(%arg14 : memref<80xi32, #tpu.memory_space<vmem>>) semaphore(%arg36 : memref<!tpu.dma_semaphore, #tpu.memory_space<semaphore_mem>>)
    %dma_start3A_157 = arith.constant 0 : i32
    %dma_start3A_158 = arith.constant 0 : i32
    %dma_start3A_159 = tpu.memref_slice %arg6[%dma_start3A_157, %dma_start3A_158] : memref<20000x128xf32, #tpu.memory_space<hbm>> -> memref<20000x128xf32, #tpu.memory_space<hbm>>
    tpu.enqueue_indirect_dma source(%dma_start3A_159 : memref<20000x128xf32, #tpu.memory_space<hbm>>) target(%arg18 : memref<80x128xf32, #tpu.memory_space<vmem>>) offsets(%arg13 : memref<80xi32, #tpu.memory_space<vmem>>) semaphore(%arg36 : memref<!tpu.dma_semaphore, #tpu.memory_space<semaphore_mem>>)
    %add3A_160 = arith.constant 80 : i32
    %add3A_161 = arith.addi %mul3A_2, %add3A_160 : i32
    %dma_start3A_162 = tpu.memref_slice %arg2[%add3A_161] : memref<160000xi32, #tpu.memory_space<hbm>> -> memref<80xi32, #tpu.memory_space<hbm>>
    %dma_start3A_163 = tpu.memref_slice %arg2[%add3A_161] : memref<160000xi32, #tpu.memory_space<hbm>> -> memref<80xi32, #tpu.memory_space<hbm>>
    tpu.enqueue_dma source(%dma_start3A_163 : memref<80xi32, #tpu.memory_space<hbm>>) target(%arg20 : memref<80xi32, #tpu.memory_space<vmem>>) target_semaphore(%arg35 : memref<!tpu.dma_semaphore, #tpu.memory_space<semaphore_mem>>)
    %dma_start3A_164 = tpu.memref_slice %arg3[%add3A_161] : memref<160000xi32, #tpu.memory_space<hbm>> -> memref<80xi32, #tpu.memory_space<hbm>>
    %dma_start3A_165 = tpu.memref_slice %arg3[%add3A_161] : memref<160000xi32, #tpu.memory_space<hbm>> -> memref<80xi32, #tpu.memory_space<hbm>>
    tpu.enqueue_dma source(%dma_start3A_165 : memref<80xi32, #tpu.memory_space<hbm>>) target(%arg21 : memref<80xi32, #tpu.memory_space<vmem>>) target_semaphore(%arg35 : memref<!tpu.dma_semaphore, #tpu.memory_space<semaphore_mem>>)
    %dma_start3A_166 = tpu.memref_slice %arg4[%add3A_161] : memref<160000xf32, #tpu.memory_space<hbm>> -> memref<80xf32, #tpu.memory_space<hbm>>
    %dma_start3A_167 = tpu.memref_slice %arg4[%add3A_161] : memref<160000xf32, #tpu.memory_space<hbm>> -> memref<80xf32, #tpu.memory_space<hbm>>
    tpu.enqueue_dma source(%dma_start3A_167 : memref<80xf32, #tpu.memory_space<hbm>>) target(%arg22 : memref<80xf32, #tpu.memory_space<vmem>>) target_semaphore(%arg35 : memref<!tpu.dma_semaphore, #tpu.memory_space<semaphore_mem>>)
    %scan3A_168 = arith.constant 0 : i32
    %scan3A_169 = arith.constant 0 : i32
    %scan3A_170 = arith.constant 125 : i32
    %scan3A_171 = arith.addi %scan3A_169, %scan3A_170 : i32
    %scan3A_172 = arith.constant 1 : i32
    scf.for %scan3A_200 = %scan3A_169 to %scan3A_171 step %scan3A_172  : i32 {
      %jit3A = arith.constant 2 : i32
      %eq3A = arith.constant 0 : i32
      %eq3A_201 = arith.cmpi eq, %jit3A, %eq3A : i32
      %jit3A_202 = arith.constant 1 : i32
      %select_n3A = arith.select %eq3A_201, %jit3A_202, %jit3A : i32
      %rem3A = arith.remsi %scan3A_200, %select_n3A : i32
      %ne3A = arith.constant 0 : i32
      %ne3A_203 = arith.cmpi ne, %rem3A, %ne3A : i32
      %lt3A = arith.constant 0 : i32
      %lt3A_204 = arith.cmpi slt, %rem3A, %lt3A : i32
      %lt3A_205 = arith.constant 0 : i32
      %lt3A_206 = arith.cmpi slt, %select_n3A, %lt3A_205 : i32
      %ne3A_207 = arith.xori %lt3A_204, %lt3A_206 : i1
      %and3A = arith.andi %ne3A_207, %ne3A_203 : i1
      %add3A_208 = arith.addi %rem3A, %select_n3A : i32
      %select_n3A_209 = arith.select %and3A, %add3A_208, %rem3A : i32
      %eq3A_210 = arith.constant 0 : i32
      %eq3A_211 = arith.cmpi eq, %select_n3A_209, %eq3A_210 : i32
      %convert_element_type3A = arith.extui %eq3A_211 : i1 to i32
      %cond3A = arith.constant 0 : i32
      %cond3A_212 = arith.cmpi ne, %convert_element_type3A, %cond3A : i32
      scf.if %cond3A_212 {
        %add3A_234 = arith.constant 1 : i32
        %add3A_235 = arith.addi %scan3A_200, %add3A_234 : i32
        %lt3A_236 = arith.constant 125 : i32
        %lt3A_237 = arith.cmpi slt, %add3A_235, %lt3A_236 : i32
        %convert_element_type3A_238 = arith.extui %lt3A_237 : i1 to i32
        %cond3A_239 = arith.constant 0 : i32
        %cond3A_240 = arith.cmpi ne, %convert_element_type3A_238, %cond3A_239 : i32
        scf.if %cond3A_240 {
          %dma_wait3A_1122 = arith.constant 0 : i32
          %dma_wait3A_1123 = tpu.memref_slice %arg2[%dma_wait3A_1122] : memref<160000xi32, #tpu.memory_space<hbm>> -> memref<80xi32, #tpu.memory_space<hbm>>
          %dma_wait3A_1124 = arith.constant 0 : i32
          %dma_wait3A_1125 = tpu.memref_slice %arg2[%dma_wait3A_1124] : memref<160000xi32, #tpu.memory_space<hbm>> -> memref<80xi32, #tpu.memory_space<hbm>>
          tpu.wait_dma2 semaphore(%arg35 : memref<!tpu.dma_semaphore, #tpu.memory_space<semaphore_mem>>) src(%dma_wait3A_1125 : memref<80xi32, #tpu.memory_space<hbm>>) dst(%arg20 : memref<80xi32, #tpu.memory_space<vmem>>)
          %dma_wait3A_1126 = arith.constant 0 : i32
          %dma_wait3A_1127 = tpu.memref_slice %arg2[%dma_wait3A_1126] : memref<160000xi32, #tpu.memory_space<hbm>> -> memref<80xi32, #tpu.memory_space<hbm>>
          %dma_wait3A_1128 = arith.constant 0 : i32
          %dma_wait3A_1129 = tpu.memref_slice %arg2[%dma_wait3A_1128] : memref<160000xi32, #tpu.memory_space<hbm>> -> memref<80xi32, #tpu.memory_space<hbm>>
          tpu.wait_dma2 semaphore(%arg35 : memref<!tpu.dma_semaphore, #tpu.memory_space<semaphore_mem>>) src(%dma_wait3A_1129 : memref<80xi32, #tpu.memory_space<hbm>>) dst(%arg21 : memref<80xi32, #tpu.memory_space<vmem>>)
          %dma_wait3A_1130 = arith.constant 0 : i32
          %dma_wait3A_1131 = tpu.memref_slice %arg4[%dma_wait3A_1130] : memref<160000xf32, #tpu.memory_space<hbm>> -> memref<80xf32, #tpu.memory_space<hbm>>
          %dma_wait3A_1132 = arith.constant 0 : i32
          %dma_wait3A_1133 = tpu.memref_slice %arg4[%dma_wait3A_1132] : memref<160000xf32, #tpu.memory_space<hbm>> -> memref<80xf32, #tpu.memory_space<hbm>>
          tpu.wait_dma2 semaphore(%arg35 : memref<!tpu.dma_semaphore, #tpu.memory_space<semaphore_mem>>) src(%dma_wait3A_1133 : memref<80xf32, #tpu.memory_space<hbm>>) dst(%arg22 : memref<80xf32, #tpu.memory_space<vmem>>)
          %get3A_1134 = arith.constant 0 : index
          %get3A_1135 = tpu.vector_load %arg20[%get3A_1134] {strides = array<i32>} : memref<80xi32, #tpu.memory_space<vmem>>, vector<16xi32>,
          %get3A_1136 = vector.shape_cast %get3A_1135 : vector<16xi32> to vector<16xi32>
          %add3A_1137 = vector.broadcast %mul3A_4 : i32 to vector<16xi32>
          %add3A_1138 = arith.addi %get3A_1136, %add3A_1137 : vector<16xi32>
          %swap3A_1139 = arith.constant 0 : index
          %swap3A_1140 = tpu.vector_load %arg23[%swap3A_1139] {strides = array<i32>} : memref<80xi32, #tpu.memory_space<vmem>>, vector<16xi32>,
          %swap3A_1141 = vector.shape_cast %swap3A_1140 : vector<16xi32> to vector<16xi32>
          %swap3A_1142 = vector.shape_cast %add3A_1138 : vector<16xi32> to vector<16xi32>
          tpu.vector_store %arg23[%swap3A_1139], %swap3A_1142 {strides = array<i32>} : memref<80xi32, #tpu.memory_space<vmem>>, vector<16xi32>,
          %get3A_1143 = arith.constant 0 : index
          %get3A_1144 = tpu.vector_load %arg21[%get3A_1143] {strides = array<i32>} : memref<80xi32, #tpu.memory_space<vmem>>, vector<16xi32>,
          %get3A_1145 = vector.shape_cast %get3A_1144 : vector<16xi32> to vector<16xi32>
          %add3A_1146 = arith.constant 10000 : i32
          %add3A_1147 = vector.broadcast %add3A_1146 : i32 to vector<16xi32>
          %add3A_1148 = arith.addi %get3A_1145, %add3A_1147 : vector<16xi32>
          %swap3A_1149 = arith.constant 0 : index
          %swap3A_1150 = tpu.vector_load %arg24[%swap3A_1149] {strides = array<i32>} : memref<80xi32, #tpu.memory_space<vmem>>, vector<16xi32>,
          %swap3A_1151 = vector.shape_cast %swap3A_1150 : vector<16xi32> to vector<16xi32>
          %swap3A_1152 = vector.shape_cast %add3A_1148 : vector<16xi32> to vector<16xi32>
          tpu.vector_store %arg24[%swap3A_1149], %swap3A_1152 {strides = array<i32>} : memref<80xi32, #tpu.memory_space<vmem>>, vector<16xi32>,
          %get3A_1153 = arith.constant 16 : index
          %get3A_1154 = tpu.vector_load %arg20[%get3A_1153] {strides = array<i32>} : memref<80xi32, #tpu.memory_space<vmem>>, vector<16xi32>,
          %get3A_1155 = vector.shape_cast %get3A_1154 : vector<16xi32> to vector<16xi32>
          %add3A_1156 = vector.broadcast %mul3A_4 : i32 to vector<16xi32>
          %add3A_1157 = arith.addi %get3A_1155, %add3A_1156 : vector<16xi32>
          %swap3A_1158 = arith.constant 16 : index
          %swap3A_1159 = tpu.vector_load %arg23[%swap3A_1158] {strides = array<i32>} : memref<80xi32, #tpu.memory_space<vmem>>, vector<16xi32>,
          %swap3A_1160 = vector.shape_cast %swap3A_1159 : vector<16xi32> to vector<16xi32>
          %swap3A_1161 = vector.shape_cast %add3A_1157 : vector<16xi32> to vector<16xi32>
          tpu.vector_store %arg23[%swap3A_1158], %swap3A_1161 {strides = array<i32>} : memref<80xi32, #tpu.memory_space<vmem>>, vector<16xi32>,
          %get3A_1162 = arith.constant 16 : index
          %get3A_1163 = tpu.vector_load %arg21[%get3A_1162] {strides = array<i32>} : memref<80xi32, #tpu.memory_space<vmem>>, vector<16xi32>,
          %get3A_1164 = vector.shape_cast %get3A_1163 : vector<16xi32> to vector<16xi32>
          %add3A_1165 = arith.constant 10000 : i32
          %add3A_1166 = vector.broadcast %add3A_1165 : i32 to vector<16xi32>
          %add3A_1167 = arith.addi %get3A_1164, %add3A_1166 : vector<16xi32>
          %swap3A_1168 = arith.constant 16 : index
          %swap3A_1169 = tpu.vector_load %arg24[%swap3A_1168] {strides = array<i32>} : memref<80xi32, #tpu.memory_space<vmem>>, vector<16xi32>,
          %swap3A_1170 = vector.shape_cast %swap3A_1169 : vector<16xi32> to vector<16xi32>
          %swap3A_1171 = vector.shape_cast %add3A_1167 : vector<16xi32> to vector<16xi32>
          tpu.vector_store %arg24[%swap3A_1168], %swap3A_1171 {strides = array<i32>} : memref<80xi32, #tpu.memory_space<vmem>>, vector<16xi32>,
          %get3A_1172 = arith.constant 32 : index
          %get3A_1173 = tpu.vector_load %arg20[%get3A_1172] {strides = array<i32>} : memref<80xi32, #tpu.memory_space<vmem>>, vector<16xi32>,
          %get3A_1174 = vector.shape_cast %get3A_1173 : vector<16xi32> to vector<16xi32>
          %add3A_1175 = vector.broadcast %mul3A_4 : i32 to vector<16xi32>
          %add3A_1176 = arith.addi %get3A_1174, %add3A_1175 : vector<16xi32>
          %swap3A_1177 = arith.constant 32 : index
          %swap3A_1178 = tpu.vector_load %arg23[%swap3A_1177] {strides = array<i32>} : memref<80xi32, #tpu.memory_space<vmem>>, vector<16xi32>,
          %swap3A_1179 = vector.shape_cast %swap3A_1178 : vector<16xi32> to vector<16xi32>
          %swap3A_1180 = vector.shape_cast %add3A_1176 : vector<16xi32> to vector<16xi32>
          tpu.vector_store %arg23[%swap3A_1177], %swap3A_1180 {strides = array<i32>} : memref<80xi32, #tpu.memory_space<vmem>>, vector<16xi32>,
          %get3A_1181 = arith.constant 32 : index
          %get3A_1182 = tpu.vector_load %arg21[%get3A_1181] {strides = array<i32>} : memref<80xi32, #tpu.memory_space<vmem>>, vector<16xi32>,
          %get3A_1183 = vector.shape_cast %get3A_1182 : vector<16xi32> to vector<16xi32>
          %add3A_1184 = arith.constant 10000 : i32
          %add3A_1185 = vector.broadcast %add3A_1184 : i32 to vector<16xi32>
          %add3A_1186 = arith.addi %get3A_1183, %add3A_1185 : vector<16xi32>
          %swap3A_1187 = arith.constant 32 : index
          %swap3A_1188 = tpu.vector_load %arg24[%swap3A_1187] {strides = array<i32>} : memref<80xi32, #tpu.memory_space<vmem>>, vector<16xi32>,
          %swap3A_1189 = vector.shape_cast %swap3A_1188 : vector<16xi32> to vector<16xi32>
          %swap3A_1190 = vector.shape_cast %add3A_1186 : vector<16xi32> to vector<16xi32>
          tpu.vector_store %arg24[%swap3A_1187], %swap3A_1190 {strides = array<i32>} : memref<80xi32, #tpu.memory_space<vmem>>, vector<16xi32>,
          %get3A_1191 = arith.constant 48 : index
          %get3A_1192 = tpu.vector_load %arg20[%get3A_1191] {strides = array<i32>} : memref<80xi32, #tpu.memory_space<vmem>>, vector<16xi32>,
          %get3A_1193 = vector.shape_cast %get3A_1192 : vector<16xi32> to vector<16xi32>
          %add3A_1194 = vector.broadcast %mul3A_4 : i32 to vector<16xi32>
          %add3A_1195 = arith.addi %get3A_1193, %add3A_1194 : vector<16xi32>
          %swap3A_1196 = arith.constant 48 : index
          %swap3A_1197 = tpu.vector_load %arg23[%swap3A_1196] {strides = array<i32>} : memref<80xi32, #tpu.memory_space<vmem>>, vector<16xi32>,
          %swap3A_1198 = vector.shape_cast %swap3A_1197 : vector<16xi32> to vector<16xi32>
          %swap3A_1199 = vector.shape_cast %add3A_1195 : vector<16xi32> to vector<16xi32>
          tpu.vector_store %arg23[%swap3A_1196], %swap3A_1199 {strides = array<i32>} : memref<80xi32, #tpu.memory_space<vmem>>, vector<16xi32>,
          %get3A_1200 = arith.constant 48 : index
          %get3A_1201 = tpu.vector_load %arg21[%get3A_1200] {strides = array<i32>} : memref<80xi32, #tpu.memory_space<vmem>>, vector<16xi32>,
          %get3A_1202 = vector.shape_cast %get3A_1201 : vector<16xi32> to vector<16xi32>
          %add3A_1203 = arith.constant 10000 : i32
          %add3A_1204 = vector.broadcast %add3A_1203 : i32 to vector<16xi32>
          %add3A_1205 = arith.addi %get3A_1202, %add3A_1204 : vector<16xi32>
          %swap3A_1206 = arith.constant 48 : index
          %swap3A_1207 = tpu.vector_load %arg24[%swap3A_1206] {strides = array<i32>} : memref<80xi32, #tpu.memory_space<vmem>>, vector<16xi32>,
          %swap3A_1208 = vector.shape_cast %swap3A_1207 : vector<16xi32> to vector<16xi32>
          %swap3A_1209 = vector.shape_cast %add3A_1205 : vector<16xi32> to vector<16xi32>
          tpu.vector_store %arg24[%swap3A_1206], %swap3A_1209 {strides = array<i32>} : memref<80xi32, #tpu.memory_space<vmem>>, vector<16xi32>,
          %get3A_1210 = arith.constant 64 : index
          %get3A_1211 = tpu.vector_load %arg20[%get3A_1210] {strides = array<i32>} : memref<80xi32, #tpu.memory_space<vmem>>, vector<16xi32>,
          %get3A_1212 = vector.shape_cast %get3A_1211 : vector<16xi32> to vector<16xi32>
          %add3A_1213 = vector.broadcast %mul3A_4 : i32 to vector<16xi32>
          %add3A_1214 = arith.addi %get3A_1212, %add3A_1213 : vector<16xi32>
          %swap3A_1215 = arith.constant 64 : index
          %swap3A_1216 = tpu.vector_load %arg23[%swap3A_1215] {strides = array<i32>} : memref<80xi32, #tpu.memory_space<vmem>>, vector<16xi32>,
          %swap3A_1217 = vector.shape_cast %swap3A_1216 : vector<16xi32> to vector<16xi32>
          %swap3A_1218 = vector.shape_cast %add3A_1214 : vector<16xi32> to vector<16xi32>
          tpu.vector_store %arg23[%swap3A_1215], %swap3A_1218 {strides = array<i32>} : memref<80xi32, #tpu.memory_space<vmem>>, vector<16xi32>,
          %get3A_1219 = arith.constant 64 : index
          %get3A_1220 = tpu.vector_load %arg21[%get3A_1219] {strides = array<i32>} : memref<80xi32, #tpu.memory_space<vmem>>, vector<16xi32>,
          %get3A_1221 = vector.shape_cast %get3A_1220 : vector<16xi32> to vector<16xi32>
          %add3A_1222 = arith.constant 10000 : i32
          %add3A_1223 = vector.broadcast %add3A_1222 : i32 to vector<16xi32>
          %add3A_1224 = arith.addi %get3A_1221, %add3A_1223 : vector<16xi32>
          %swap3A_1225 = arith.constant 64 : index
          %swap3A_1226 = tpu.vector_load %arg24[%swap3A_1225] {strides = array<i32>} : memref<80xi32, #tpu.memory_space<vmem>>, vector<16xi32>,
          %swap3A_1227 = vector.shape_cast %swap3A_1226 : vector<16xi32> to vector<16xi32>
          %swap3A_1228 = vector.shape_cast %add3A_1224 : vector<16xi32> to vector<16xi32>
          tpu.vector_store %arg24[%swap3A_1225], %swap3A_1228 {strides = array<i32>} : memref<80xi32, #tpu.memory_space<vmem>>, vector<16xi32>,
          %gt3A = arith.constant 0 : i32
          %gt3A_1229 = arith.cmpi sgt, %scan3A_200, %gt3A : i32
          %convert_element_type3A_1230 = arith.extui %gt3A_1229 : i1 to i32
          %cond3A_1231 = arith.constant 0 : i32
          %cond3A_1232 = arith.cmpi ne, %convert_element_type3A_1230, %cond3A_1231 : i32
          scf.if %cond3A_1232 {
            %dma_wait3A_1242 = arith.constant 0 : i32
            %dma_wait3A_1243 = arith.constant 0 : i32
            %dma_wait3A_1244 = tpu.memref_slice %arg5[%dma_wait3A_1242, %dma_wait3A_1243] : memref<20000x16xf32, #tpu.memory_space<hbm>> -> memref<80x16xf32, #tpu.memory_space<hbm>>
            %dma_wait3A_1245 = arith.constant 0 : i32
            %dma_wait3A_1246 = arith.constant 0 : i32
            %dma_wait3A_1247 = tpu.memref_slice %arg5[%dma_wait3A_1245, %dma_wait3A_1246] : memref<20000x16xf32, #tpu.memory_space<hbm>> -> memref<80x16xf32, #tpu.memory_space<hbm>>
            tpu.wait_dma2 semaphore(%arg39 : memref<!tpu.dma_semaphore, #tpu.memory_space<semaphore_mem>>) src(%dma_wait3A_1247 : memref<80x16xf32, #tpu.memory_space<hbm>>) dst(%arg29 : memref<80x16xf32, #tpu.memory_space<vmem>>)
            %dma_wait3A_1248 = arith.constant 0 : i32
            %dma_wait3A_1249 = arith.constant 0 : i32
            %dma_wait3A_1250 = tpu.memref_slice %arg6[%dma_wait3A_1248, %dma_wait3A_1249] : memref<20000x128xf32, #tpu.memory_space<hbm>> -> memref<80x128xf32, #tpu.memory_space<hbm>>
            %dma_wait3A_1251 = arith.constant 0 : i32
            %dma_wait3A_1252 = arith.constant 0 : i32
            %dma_wait3A_1253 = tpu.memref_slice %arg6[%dma_wait3A_1251, %dma_wait3A_1252] : memref<20000x128xf32, #tpu.memory_space<hbm>> -> memref<80x128xf32, #tpu.memory_space<hbm>>
            tpu.wait_dma2 semaphore(%arg39 : memref<!tpu.dma_semaphore, #tpu.memory_space<semaphore_mem>>) src(%dma_wait3A_1253 : memref<80x128xf32, #tpu.memory_space<hbm>>) dst(%arg28 : memref<80x128xf32, #tpu.memory_space<vmem>>)
          } else {
          }
          %dma_start3A_1233 = arith.constant 0 : i32
          %dma_start3A_1234 = arith.constant 0 : i32
          %dma_start3A_1235 = tpu.memref_slice %arg5[%dma_start3A_1233, %dma_start3A_1234] : memref<20000x16xf32, #tpu.memory_space<hbm>> -> memref<20000x16xf32, #tpu.memory_space<hbm>>
          tpu.enqueue_indirect_dma source(%dma_start3A_1235 : memref<20000x16xf32, #tpu.memory_space<hbm>>) target(%arg26 : memref<80x16xf32, #tpu.memory_space<vmem>>) offsets(%arg20 : memref<80xi32, #tpu.memory_space<vmem>>) semaphore(%arg37 : memref<!tpu.dma_semaphore, #tpu.memory_space<semaphore_mem>>)
          %dma_start3A_1236 = arith.constant 0 : i32
          %dma_start3A_1237 = arith.constant 0 : i32
          %dma_start3A_1238 = tpu.memref_slice %arg5[%dma_start3A_1236, %dma_start3A_1237] : memref<20000x16xf32, #tpu.memory_space<hbm>> -> memref<20000x16xf32, #tpu.memory_space<hbm>>
          tpu.enqueue_indirect_dma source(%dma_start3A_1238 : memref<20000x16xf32, #tpu.memory_space<hbm>>) target(%arg27 : memref<80x16xf32, #tpu.memory_space<vmem>>) offsets(%arg24 : memref<80xi32, #tpu.memory_space<vmem>>) semaphore(%arg37 : memref<!tpu.dma_semaphore, #tpu.memory_space<semaphore_mem>>)
          %dma_start3A_1239 = arith.constant 0 : i32
          %dma_start3A_1240 = arith.constant 0 : i32
          %dma_start3A_1241 = tpu.memref_slice %arg6[%dma_start3A_1239, %dma_start3A_1240] : memref<20000x128xf32, #tpu.memory_space<hbm>> -> memref<20000x128xf32, #tpu.memory_space<hbm>>
          tpu.enqueue_indirect_dma source(%dma_start3A_1241 : memref<20000x128xf32, #tpu.memory_space<hbm>>) target(%arg28 : memref<80x128xf32, #tpu.memory_space<vmem>>) offsets(%arg23 : memref<80xi32, #tpu.memory_space<vmem>>) semaphore(%arg37 : memref<!tpu.dma_semaphore, #tpu.memory_space<semaphore_mem>>)
        } else {
        }
        %get3A_241 = arith.constant 0 : index
        %get3A_242 = tpu.vector_load %arg11[%get3A_241] {strides = array<i32>} : memref<80xi32, #tpu.memory_space<vmem>>, vector<16xi32>,
        %get3A_243 = vector.shape_cast %get3A_242 : vector<16xi32> to vector<16xi32>
        %swap3A_244 = arith.constant 0 : index
        %swap3A_245 = tpu.vector_load %arg15[%swap3A_244] {strides = array<i32>} : memref<80xi32, #tpu.memory_space<vmem>>, vector<16xi32>,
        %swap3A_246 = vector.shape_cast %swap3A_245 : vector<16xi32> to vector<16xi32>
        %swap3A_247 = vector.shape_cast %get3A_243 : vector<16xi32> to vector<16xi32>
        tpu.vector_store %arg15[%swap3A_244], %swap3A_247 {strides = array<i32>} : memref<80xi32, #tpu.memory_space<vmem>>, vector<16xi32>,
        %get3A_248 = arith.constant 0 : index
        %get3A_249 = tpu.vector_load %arg12[%get3A_248] {strides = array<i32>} : memref<80xf32, #tpu.memory_space<vmem>>, vector<16xf32>,
        %get3A_250 = vector.shape_cast %get3A_249 : vector<16xf32> to vector<16xf32>
        %slice3A = vector.extract_strided_slice %get3A_250 {offsets = [0], sizes = [1], strides = [1]} : vector<16xf32> to vector<1xf32>
        %squeeze3A = vector.extract %slice3A[0] : f32 from vector<1xf32>
        %mul3A_251 = vector.broadcast %squeeze3A : f32 to vector<16xf32>
        %mul3A_252 = arith.mulf %mul3A_251, %get3A_140 : vector<16xf32>
        %swap3A_253 = arith.constant 0 : i32
        %swap3A_254 = arith.index_cast %swap3A_253 : i32 to index
        %swap3A_255 = arith.constant 0 : index
        %swap3A_256 = tpu.vector_load %arg30[%swap3A_254, %swap3A_255] {strides = array<i32>} : memref<80x16xf32, #tpu.memory_space<vmem>>, vector<1x16xf32>,
        %swap3A_257 = vector.shape_cast %swap3A_256 : vector<1x16xf32> to vector<16xf32>
        %swap3A_258 = vector.shape_cast %mul3A_252 : vector<16xf32> to vector<1x16xf32>
        tpu.vector_store %arg30[%swap3A_254, %swap3A_255], %swap3A_258 {strides = array<i32>} : memref<80x16xf32, #tpu.memory_space<vmem>>, vector<1x16xf32>,
        %slice3A_259 = vector.extract_strided_slice %get3A_250 {offsets = [1], sizes = [1], strides = [1]} : vector<16xf32> to vector<1xf32>
        %squeeze3A_260 = vector.extract %slice3A_259[0] : f32 from vector<1xf32>
        %mul3A_261 = vector.broadcast %squeeze3A_260 : f32 to vector<16xf32>
        %mul3A_262 = arith.mulf %mul3A_261, %get3A_140 : vector<16xf32>
        %swap3A_263 = arith.constant 1 : i32
        %swap3A_264 = arith.index_cast %swap3A_263 : i32 to index
        %swap3A_265 = arith.constant 0 : index
        %swap3A_266 = tpu.vector_load %arg30[%swap3A_264, %swap3A_265] {strides = array<i32>} : memref<80x16xf32, #tpu.memory_space<vmem>>, vector<1x16xf32>,
        %swap3A_267 = vector.shape_cast %swap3A_266 : vector<1x16xf32> to vector<16xf32>
        %swap3A_268 = vector.shape_cast %mul3A_262 : vector<16xf32> to vector<1x16xf32>
        tpu.vector_store %arg30[%swap3A_264, %swap3A_265], %swap3A_268 {strides = array<i32>} : memref<80x16xf32, #tpu.memory_space<vmem>>, vector<1x16xf32>,
        %slice3A_269 = vector.extract_strided_slice %get3A_250 {offsets = [2], sizes = [1], strides = [1]} : vector<16xf32> to vector<1xf32>
        %squeeze3A_270 = vector.extract %slice3A_269[0] : f32 from vector<1xf32>
        %mul3A_271 = vector.broadcast %squeeze3A_270 : f32 to vector<16xf32>
        %mul3A_272 = arith.mulf %mul3A_271, %get3A_140 : vector<16xf32>
        %swap3A_273 = arith.constant 2 : i32
        %swap3A_274 = arith.index_cast %swap3A_273 : i32 to index
        %swap3A_275 = arith.constant 0 : index
        %swap3A_276 = tpu.vector_load %arg30[%swap3A_274, %swap3A_275] {strides = array<i32>} : memref<80x16xf32, #tpu.memory_space<vmem>>, vector<1x16xf32>,
        %swap3A_277 = vector.shape_cast %swap3A_276 : vector<1x16xf32> to vector<16xf32>
        %swap3A_278 = vector.shape_cast %mul3A_272 : vector<16xf32> to vector<1x16xf32>
        tpu.vector_store %arg30[%swap3A_274, %swap3A_275], %swap3A_278 {strides = array<i32>} : memref<80x16xf32, #tpu.memory_space<vmem>>, vector<1x16xf32>,
        %slice3A_279 = vector.extract_strided_slice %get3A_250 {offsets = [3], sizes = [1], strides = [1]} : vector<16xf32> to vector<1xf32>
        %squeeze3A_280 = vector.extract %slice3A_279[0] : f32 from vector<1xf32>
        %mul3A_281 = vector.broadcast %squeeze3A_280 : f32 to vector<16xf32>
        %mul3A_282 = arith.mulf %mul3A_281, %get3A_140 : vector<16xf32>
        %swap3A_283 = arith.constant 3 : i32
        %swap3A_284 = arith.index_cast %swap3A_283 : i32 to index
        %swap3A_285 = arith.constant 0 : index
        %swap3A_286 = tpu.vector_load %arg30[%swap3A_284, %swap3A_285] {strides = array<i32>} : memref<80x16xf32, #tpu.memory_space<vmem>>, vector<1x16xf32>,
        %swap3A_287 = vector.shape_cast %swap3A_286 : vector<1x16xf32> to vector<16xf32>
        %swap3A_288 = vector.shape_cast %mul3A_282 : vector<16xf32> to vector<1x16xf32>
        tpu.vector_store %arg30[%swap3A_284, %swap3A_285], %swap3A_288 {strides = array<i32>} : memref<80x16xf32, #tpu.memory_space<vmem>>, vector<1x16xf32>,
        %slice3A_289 = vector.extract_strided_slice %get3A_250 {offsets = [4], sizes = [1], strides = [1]} : vector<16xf32> to vector<1xf32>
        %squeeze3A_290 = vector.extract %slice3A_289[0] : f32 from vector<1xf32>
        %mul3A_291 = vector.broadcast %squeeze3A_290 : f32 to vector<16xf32>
        %mul3A_292 = arith.mulf %mul3A_291, %get3A_140 : vector<16xf32>
        %swap3A_293 = arith.constant 4 : i32
        %swap3A_294 = arith.index_cast %swap3A_293 : i32 to index
        %swap3A_295 = arith.constant 0 : index
        %swap3A_296 = tpu.vector_load %arg30[%swap3A_294, %swap3A_295] {strides = array<i32>} : memref<80x16xf32, #tpu.memory_space<vmem>>, vector<1x16xf32>,
        %swap3A_297 = vector.shape_cast %swap3A_296 : vector<1x16xf32> to vector<16xf32>
        %swap3A_298 = vector.shape_cast %mul3A_292 : vector<16xf32> to vector<1x16xf32>
        tpu.vector_store %arg30[%swap3A_294, %swap3A_295], %swap3A_298 {strides = array<i32>} : memref<80x16xf32, #tpu.memory_space<vmem>>, vector<1x16xf32>,
        %slice3A_299 = vector.extract_strided_slice %get3A_250 {offsets = [5], sizes = [1], strides = [1]} : vector<16xf32> to vector<1xf32>
        %squeeze3A_300 = vector.extract %slice3A_299[0] : f32 from vector<1xf32>
        %mul3A_301 = vector.broadcast %squeeze3A_300 : f32 to vector<16xf32>
        %mul3A_302 = arith.mulf %mul3A_301, %get3A_140 : vector<16xf32>
        %swap3A_303 = arith.constant 5 : i32
        %swap3A_304 = arith.index_cast %swap3A_303 : i32 to index
        %swap3A_305 = arith.constant 0 : index
        %swap3A_306 = tpu.vector_load %arg30[%swap3A_304, %swap3A_305] {strides = array<i32>} : memref<80x16xf32, #tpu.memory_space<vmem>>, vector<1x16xf32>,
        %swap3A_307 = vector.shape_cast %swap3A_306 : vector<1x16xf32> to vector<16xf32>
        %swap3A_308 = vector.shape_cast %mul3A_302 : vector<16xf32> to vector<1x16xf32>
        tpu.vector_store %arg30[%swap3A_304, %swap3A_305], %swap3A_308 {strides = array<i32>} : memref<80x16xf32, #tpu.memory_space<vmem>>, vector<1x16xf32>,
        %slice3A_309 = vector.extract_strided_slice %get3A_250 {offsets = [6], sizes = [1], strides = [1]} : vector<16xf32> to vector<1xf32>
        %squeeze3A_310 = vector.extract %slice3A_309[0] : f32 from vector<1xf32>
        %mul3A_311 = vector.broadcast %squeeze3A_310 : f32 to vector<16xf32>
        %mul3A_312 = arith.mulf %mul3A_311, %get3A_140 : vector<16xf32>
        %swap3A_313 = arith.constant 6 : i32
        %swap3A_314 = arith.index_cast %swap3A_313 : i32 to index
        %swap3A_315 = arith.constant 0 : index
        %swap3A_316 = tpu.vector_load %arg30[%swap3A_314, %swap3A_315] {strides = array<i32>} : memref<80x16xf32, #tpu.memory_space<vmem>>, vector<1x16xf32>,
        %swap3A_317 = vector.shape_cast %swap3A_316 : vector<1x16xf32> to vector<16xf32>
        %swap3A_318 = vector.shape_cast %mul3A_312 : vector<16xf32> to vector<1x16xf32>
        tpu.vector_store %arg30[%swap3A_314, %swap3A_315], %swap3A_318 {strides = array<i32>} : memref<80x16xf32, #tpu.memory_space<vmem>>, vector<1x16xf32>,
        %slice3A_319 = vector.extract_strided_slice %get3A_250 {offsets = [7], sizes = [1], strides = [1]} : vector<16xf32> to vector<1xf32>
        %squeeze3A_320 = vector.extract %slice3A_319[0] : f32 from vector<1xf32>
        %mul3A_321 = vector.broadcast %squeeze3A_320 : f32 to vector<16xf32>
        %mul3A_322 = arith.mulf %mul3A_321, %get3A_140 : vector<16xf32>
        %swap3A_323 = arith.constant 7 : i32
        %swap3A_324 = arith.index_cast %swap3A_323 : i32 to index
        %swap3A_325 = arith.constant 0 : index
        %swap3A_326 = tpu.vector_load %arg30[%swap3A_324, %swap3A_325] {strides = array<i32>} : memref<80x16xf32, #tpu.memory_space<vmem>>, vector<1x16xf32>,
        %swap3A_327 = vector.shape_cast %swap3A_326 : vector<1x16xf32> to vector<16xf32>
        %swap3A_328 = vector.shape_cast %mul3A_322 : vector<16xf32> to vector<1x16xf32>
        tpu.vector_store %arg30[%swap3A_324, %swap3A_325], %swap3A_328 {strides = array<i32>} : memref<80x16xf32, #tpu.memory_space<vmem>>, vector<1x16xf32>,
        %slice3A_329 = vector.extract_strided_slice %get3A_250 {offsets = [8], sizes = [1], strides = [1]} : vector<16xf32> to vector<1xf32>
        %squeeze3A_330 = vector.extract %slice3A_329[0] : f32 from vector<1xf32>
        %mul3A_331 = vector.broadcast %squeeze3A_330 : f32 to vector<16xf32>
        %mul3A_332 = arith.mulf %mul3A_331, %get3A_140 : vector<16xf32>
        %swap3A_333 = arith.constant 8 : i32
        %swap3A_334 = arith.index_cast %swap3A_333 : i32 to index
        %swap3A_335 = arith.constant 0 : index
        %swap3A_336 = tpu.vector_load %arg30[%swap3A_334, %swap3A_335] {strides = array<i32>} : memref<80x16xf32, #tpu.memory_space<vmem>>, vector<1x16xf32>,
        %swap3A_337 = vector.shape_cast %swap3A_336 : vector<1x16xf32> to vector<16xf32>
        %swap3A_338 = vector.shape_cast %mul3A_332 : vector<16xf32> to vector<1x16xf32>
        tpu.vector_store %arg30[%swap3A_334, %swap3A_335], %swap3A_338 {strides = array<i32>} : memref<80x16xf32, #tpu.memory_space<vmem>>, vector<1x16xf32>,
        %slice3A_339 = vector.extract_strided_slice %get3A_250 {offsets = [9], sizes = [1], strides = [1]} : vector<16xf32> to vector<1xf32>
        %squeeze3A_340 = vector.extract %slice3A_339[0] : f32 from vector<1xf32>
        %mul3A_341 = vector.broadcast %squeeze3A_340 : f32 to vector<16xf32>
        %mul3A_342 = arith.mulf %mul3A_341, %get3A_140 : vector<16xf32>
        %swap3A_343 = arith.constant 9 : i32
        %swap3A_344 = arith.index_cast %swap3A_343 : i32 to index
        %swap3A_345 = arith.constant 0 : index
        %swap3A_346 = tpu.vector_load %arg30[%swap3A_344, %swap3A_345] {strides = array<i32>} : memref<80x16xf32, #tpu.memory_space<vmem>>, vector<1x16xf32>,
        %swap3A_347 = vector.shape_cast %swap3A_346 : vector<1x16xf32> to vector<16xf32>
        %swap3A_348 = vector.shape_cast %mul3A_342 : vector<16xf32> to vector<1x16xf32>
        tpu.vector_store %arg30[%swap3A_344, %swap3A_345], %swap3A_348 {strides = array<i32>} : memref<80x16xf32, #tpu.memory_space<vmem>>, vector<1x16xf32>,
        %slice3A_349 = vector.extract_strided_slice %get3A_250 {offsets = [10], sizes = [1], strides = [1]} : vector<16xf32> to vector<1xf32>
        %squeeze3A_350 = vector.extract %slice3A_349[0] : f32 from vector<1xf32>
        %mul3A_351 = vector.broadcast %squeeze3A_350 : f32 to vector<16xf32>
        %mul3A_352 = arith.mulf %mul3A_351, %get3A_140 : vector<16xf32>
        %swap3A_353 = arith.constant 10 : i32
        %swap3A_354 = arith.index_cast %swap3A_353 : i32 to index
        %swap3A_355 = arith.constant 0 : index
        %swap3A_356 = tpu.vector_load %arg30[%swap3A_354, %swap3A_355] {strides = array<i32>} : memref<80x16xf32, #tpu.memory_space<vmem>>, vector<1x16xf32>,
        %swap3A_357 = vector.shape_cast %swap3A_356 : vector<1x16xf32> to vector<16xf32>
        %swap3A_358 = vector.shape_cast %mul3A_352 : vector<16xf32> to vector<1x16xf32>
        tpu.vector_store %arg30[%swap3A_354, %swap3A_355], %swap3A_358 {strides = array<i32>} : memref<80x16xf32, #tpu.memory_space<vmem>>, vector<1x16xf32>,
        %slice3A_359 = vector.extract_strided_slice %get3A_250 {offsets = [11], sizes = [1], strides = [1]} : vector<16xf32> to vector<1xf32>
        %squeeze3A_360 = vector.extract %slice3A_359[0] : f32 from vector<1xf32>
        %mul3A_361 = vector.broadcast %squeeze3A_360 : f32 to vector<16xf32>
        %mul3A_362 = arith.mulf %mul3A_361, %get3A_140 : vector<16xf32>
        %swap3A_363 = arith.constant 11 : i32
        %swap3A_364 = arith.index_cast %swap3A_363 : i32 to index
        %swap3A_365 = arith.constant 0 : index
        %swap3A_366 = tpu.vector_load %arg30[%swap3A_364, %swap3A_365] {strides = array<i32>} : memref<80x16xf32, #tpu.memory_space<vmem>>, vector<1x16xf32>,
        %swap3A_367 = vector.shape_cast %swap3A_366 : vector<1x16xf32> to vector<16xf32>
        %swap3A_368 = vector.shape_cast %mul3A_362 : vector<16xf32> to vector<1x16xf32>
        tpu.vector_store %arg30[%swap3A_364, %swap3A_365], %swap3A_368 {strides = array<i32>} : memref<80x16xf32, #tpu.memory_space<vmem>>, vector<1x16xf32>,
        %slice3A_369 = vector.extract_strided_slice %get3A_250 {offsets = [12], sizes = [1], strides = [1]} : vector<16xf32> to vector<1xf32>
        %squeeze3A_370 = vector.extract %slice3A_369[0] : f32 from vector<1xf32>
        %mul3A_371 = vector.broadcast %squeeze3A_370 : f32 to vector<16xf32>
        %mul3A_372 = arith.mulf %mul3A_371, %get3A_140 : vector<16xf32>
        %swap3A_373 = arith.constant 12 : i32
        %swap3A_374 = arith.index_cast %swap3A_373 : i32 to index
        %swap3A_375 = arith.constant 0 : index
        %swap3A_376 = tpu.vector_load %arg30[%swap3A_374, %swap3A_375] {strides = array<i32>} : memref<80x16xf32, #tpu.memory_space<vmem>>, vector<1x16xf32>,
        %swap3A_377 = vector.shape_cast %swap3A_376 : vector<1x16xf32> to vector<16xf32>
        %swap3A_378 = vector.shape_cast %mul3A_372 : vector<16xf32> to vector<1x16xf32>
        tpu.vector_store %arg30[%swap3A_374, %swap3A_375], %swap3A_378 {strides = array<i32>} : memref<80x16xf32, #tpu.memory_space<vmem>>, vector<1x16xf32>,
        %slice3A_379 = vector.extract_strided_slice %get3A_250 {offsets = [13], sizes = [1], strides = [1]} : vector<16xf32> to vector<1xf32>
        %squeeze3A_380 = vector.extract %slice3A_379[0] : f32 from vector<1xf32>
        %mul3A_381 = vector.broadcast %squeeze3A_380 : f32 to vector<16xf32>
        %mul3A_382 = arith.mulf %mul3A_381, %get3A_140 : vector<16xf32>
        %swap3A_383 = arith.constant 13 : i32
        %swap3A_384 = arith.index_cast %swap3A_383 : i32 to index
        %swap3A_385 = arith.constant 0 : index
        %swap3A_386 = tpu.vector_load %arg30[%swap3A_384, %swap3A_385] {strides = array<i32>} : memref<80x16xf32, #tpu.memory_space<vmem>>, vector<1x16xf32>,
        %swap3A_387 = vector.shape_cast %swap3A_386 : vector<1x16xf32> to vector<16xf32>
        %swap3A_388 = vector.shape_cast %mul3A_382 : vector<16xf32> to vector<1x16xf32>
        tpu.vector_store %arg30[%swap3A_384, %swap3A_385], %swap3A_388 {strides = array<i32>} : memref<80x16xf32, #tpu.memory_space<vmem>>, vector<1x16xf32>,
        %slice3A_389 = vector.extract_strided_slice %get3A_250 {offsets = [14], sizes = [1], strides = [1]} : vector<16xf32> to vector<1xf32>
        %squeeze3A_390 = vector.extract %slice3A_389[0] : f32 from vector<1xf32>
        %mul3A_391 = vector.broadcast %squeeze3A_390 : f32 to vector<16xf32>
        %mul3A_392 = arith.mulf %mul3A_391, %get3A_140 : vector<16xf32>
        %swap3A_393 = arith.constant 14 : i32
        %swap3A_394 = arith.index_cast %swap3A_393 : i32 to index
        %swap3A_395 = arith.constant 0 : index
        %swap3A_396 = tpu.vector_load %arg30[%swap3A_394, %swap3A_395] {strides = array<i32>} : memref<80x16xf32, #tpu.memory_space<vmem>>, vector<1x16xf32>,
        %swap3A_397 = vector.shape_cast %swap3A_396 : vector<1x16xf32> to vector<16xf32>
        %swap3A_398 = vector.shape_cast %mul3A_392 : vector<16xf32> to vector<1x16xf32>
        tpu.vector_store %arg30[%swap3A_394, %swap3A_395], %swap3A_398 {strides = array<i32>} : memref<80x16xf32, #tpu.memory_space<vmem>>, vector<1x16xf32>,
        %slice3A_399 = vector.extract_strided_slice %get3A_250 {offsets = [15], sizes = [1], strides = [1]} : vector<16xf32> to vector<1xf32>
        %squeeze3A_400 = vector.extract %slice3A_399[0] : f32 from vector<1xf32>
        %mul3A_401 = vector.broadcast %squeeze3A_400 : f32 to vector<16xf32>
        %mul3A_402 = arith.mulf %mul3A_401, %get3A_140 : vector<16xf32>
        %swap3A_403 = arith.constant 15 : i32
        %swap3A_404 = arith.index_cast %swap3A_403 : i32 to index
        %swap3A_405 = arith.constant 0 : index
        %swap3A_406 = tpu.vector_load %arg30[%swap3A_404, %swap3A_405] {strides = array<i32>} : memref<80x16xf32, #tpu.memory_space<vmem>>, vector<1x16xf32>,
        %swap3A_407 = vector.shape_cast %swap3A_406 : vector<1x16xf32> to vector<16xf32>
        %swap3A_408 = vector.shape_cast %mul3A_402 : vector<16xf32> to vector<1x16xf32>
        tpu.vector_store %arg30[%swap3A_404, %swap3A_405], %swap3A_408 {strides = array<i32>} : memref<80x16xf32, #tpu.memory_space<vmem>>, vector<1x16xf32>,
        %get3A_409 = arith.constant 16 : index
        %get3A_410 = tpu.vector_load %arg11[%get3A_409] {strides = array<i32>} : memref<80xi32, #tpu.memory_space<vmem>>, vector<16xi32>,
        %get3A_411 = vector.shape_cast %get3A_410 : vector<16xi32> to vector<16xi32>
        %swap3A_412 = arith.constant 16 : index
        %swap3A_413 = tpu.vector_load %arg15[%swap3A_412] {strides = array<i32>} : memref<80xi32, #tpu.memory_space<vmem>>, vector<16xi32>,
        %swap3A_414 = vector.shape_cast %swap3A_413 : vector<16xi32> to vector<16xi32>
        %swap3A_415 = vector.shape_cast %get3A_411 : vector<16xi32> to vector<16xi32>
        tpu.vector_store %arg15[%swap3A_412], %swap3A_415 {strides = array<i32>} : memref<80xi32, #tpu.memory_space<vmem>>, vector<16xi32>,
        %get3A_416 = arith.constant 16 : index
        %get3A_417 = tpu.vector_load %arg12[%get3A_416] {strides = array<i32>} : memref<80xf32, #tpu.memory_space<vmem>>, vector<16xf32>,
        %get3A_418 = vector.shape_cast %get3A_417 : vector<16xf32> to vector<16xf32>
        %slice3A_419 = vector.extract_strided_slice %get3A_418 {offsets = [0], sizes = [1], strides = [1]} : vector<16xf32> to vector<1xf32>
        %squeeze3A_420 = vector.extract %slice3A_419[0] : f32 from vector<1xf32>
        %mul3A_421 = vector.broadcast %squeeze3A_420 : f32 to vector<16xf32>
        %mul3A_422 = arith.mulf %mul3A_421, %get3A_140 : vector<16xf32>
        %swap3A_423 = arith.constant 16 : i32
        %swap3A_424 = arith.index_cast %swap3A_423 : i32 to index
        %swap3A_425 = arith.constant 0 : index
        %swap3A_426 = tpu.vector_load %arg30[%swap3A_424, %swap3A_425] {strides = array<i32>} : memref<80x16xf32, #tpu.memory_space<vmem>>, vector<1x16xf32>,
        %swap3A_427 = vector.shape_cast %swap3A_426 : vector<1x16xf32> to vector<16xf32>
        %swap3A_428 = vector.shape_cast %mul3A_422 : vector<16xf32> to vector<1x16xf32>
        tpu.vector_store %arg30[%swap3A_424, %swap3A_425], %swap3A_428 {strides = array<i32>} : memref<80x16xf32, #tpu.memory_space<vmem>>, vector<1x16xf32>,
        %slice3A_429 = vector.extract_strided_slice %get3A_418 {offsets = [1], sizes = [1], strides = [1]} : vector<16xf32> to vector<1xf32>
        %squeeze3A_430 = vector.extract %slice3A_429[0] : f32 from vector<1xf32>
        %mul3A_431 = vector.broadcast %squeeze3A_430 : f32 to vector<16xf32>
        %mul3A_432 = arith.mulf %mul3A_431, %get3A_140 : vector<16xf32>
        %swap3A_433 = arith.constant 17 : i32
        %swap3A_434 = arith.index_cast %swap3A_433 : i32 to index
        %swap3A_435 = arith.constant 0 : index
        %swap3A_436 = tpu.vector_load %arg30[%swap3A_434, %swap3A_435] {strides = array<i32>} : memref<80x16xf32, #tpu.memory_space<vmem>>, vector<1x16xf32>,
        %swap3A_437 = vector.shape_cast %swap3A_436 : vector<1x16xf32> to vector<16xf32>
        %swap3A_438 = vector.shape_cast %mul3A_432 : vector<16xf32> to vector<1x16xf32>
        tpu.vector_store %arg30[%swap3A_434, %swap3A_435], %swap3A_438 {strides = array<i32>} : memref<80x16xf32, #tpu.memory_space<vmem>>, vector<1x16xf32>,
        %slice3A_439 = vector.extract_strided_slice %get3A_418 {offsets = [2], sizes = [1], strides = [1]} : vector<16xf32> to vector<1xf32>
        %squeeze3A_440 = vector.extract %slice3A_439[0] : f32 from vector<1xf32>
        %mul3A_441 = vector.broadcast %squeeze3A_440 : f32 to vector<16xf32>
        %mul3A_442 = arith.mulf %mul3A_441, %get3A_140 : vector<16xf32>
        %swap3A_443 = arith.constant 18 : i32
        %swap3A_444 = arith.index_cast %swap3A_443 : i32 to index
        %swap3A_445 = arith.constant 0 : index
        %swap3A_446 = tpu.vector_load %arg30[%swap3A_444, %swap3A_445] {strides = array<i32>} : memref<80x16xf32, #tpu.memory_space<vmem>>, vector<1x16xf32>,
        %swap3A_447 = vector.shape_cast %swap3A_446 : vector<1x16xf32> to vector<16xf32>
        %swap3A_448 = vector.shape_cast %mul3A_442 : vector<16xf32> to vector<1x16xf32>
        tpu.vector_store %arg30[%swap3A_444, %swap3A_445], %swap3A_448 {strides = array<i32>} : memref<80x16xf32, #tpu.memory_space<vmem>>, vector<1x16xf32>,
        %slice3A_449 = vector.extract_strided_slice %get3A_418 {offsets = [3], sizes = [1], strides = [1]} : vector<16xf32> to vector<1xf32>
        %squeeze3A_450 = vector.extract %slice3A_449[0] : f32 from vector<1xf32>
        %mul3A_451 = vector.broadcast %squeeze3A_450 : f32 to vector<16xf32>
        %mul3A_452 = arith.mulf %mul3A_451, %get3A_140 : vector<16xf32>
        %swap3A_453 = arith.constant 19 : i32
        %swap3A_454 = arith.index_cast %swap3A_453 : i32 to index
        %swap3A_455 = arith.constant 0 : index
        %swap3A_456 = tpu.vector_load %arg30[%swap3A_454, %swap3A_455] {strides = array<i32>} : memref<80x16xf32, #tpu.memory_space<vmem>>, vector<1x16xf32>,
        %swap3A_457 = vector.shape_cast %swap3A_456 : vector<1x16xf32> to vector<16xf32>
        %swap3A_458 = vector.shape_cast %mul3A_452 : vector<16xf32> to vector<1x16xf32>
        tpu.vector_store %arg30[%swap3A_454, %swap3A_455], %swap3A_458 {strides = array<i32>} : memref<80x16xf32, #tpu.memory_space<vmem>>, vector<1x16xf32>,
        %slice3A_459 = vector.extract_strided_slice %get3A_418 {offsets = [4], sizes = [1], strides = [1]} : vector<16xf32> to vector<1xf32>
        %squeeze3A_460 = vector.extract %slice3A_459[0] : f32 from vector<1xf32>
        %mul3A_461 = vector.broadcast %squeeze3A_460 : f32 to vector<16xf32>
        %mul3A_462 = arith.mulf %mul3A_461, %get3A_140 : vector<16xf32>
        %swap3A_463 = arith.constant 20 : i32
        %swap3A_464 = arith.index_cast %swap3A_463 : i32 to index
        %swap3A_465 = arith.constant 0 : index
        %swap3A_466 = tpu.vector_load %arg30[%swap3A_464, %swap3A_465] {strides = array<i32>} : memref<80x16xf32, #tpu.memory_space<vmem>>, vector<1x16xf32>,
        %swap3A_467 = vector.shape_cast %swap3A_466 : vector<1x16xf32> to vector<16xf32>
        %swap3A_468 = vector.shape_cast %mul3A_462 : vector<16xf32> to vector<1x16xf32>
        tpu.vector_store %arg30[%swap3A_464, %swap3A_465], %swap3A_468 {strides = array<i32>} : memref<80x16xf32, #tpu.memory_space<vmem>>, vector<1x16xf32>,
        %slice3A_469 = vector.extract_strided_slice %get3A_418 {offsets = [5], sizes = [1], strides = [1]} : vector<16xf32> to vector<1xf32>
        %squeeze3A_470 = vector.extract %slice3A_469[0] : f32 from vector<1xf32>
        %mul3A_471 = vector.broadcast %squeeze3A_470 : f32 to vector<16xf32>
        %mul3A_472 = arith.mulf %mul3A_471, %get3A_140 : vector<16xf32>
        %swap3A_473 = arith.constant 21 : i32
        %swap3A_474 = arith.index_cast %swap3A_473 : i32 to index
        %swap3A_475 = arith.constant 0 : index
        %swap3A_476 = tpu.vector_load %arg30[%swap3A_474, %swap3A_475] {strides = array<i32>} : memref<80x16xf32, #tpu.memory_space<vmem>>, vector<1x16xf32>,
        %swap3A_477 = vector.shape_cast %swap3A_476 : vector<1x16xf32> to vector<16xf32>
        %swap3A_478 = vector.shape_cast %mul3A_472 : vector<16xf32> to vector<1x16xf32>
        tpu.vector_store %arg30[%swap3A_474, %swap3A_475], %swap3A_478 {strides = array<i32>} : memref<80x16xf32, #tpu.memory_space<vmem>>, vector<1x16xf32>,
        %slice3A_479 = vector.extract_strided_slice %get3A_418 {offsets = [6], sizes = [1], strides = [1]} : vector<16xf32> to vector<1xf32>
        %squeeze3A_480 = vector.extract %slice3A_479[0] : f32 from vector<1xf32>
        %mul3A_481 = vector.broadcast %squeeze3A_480 : f32 to vector<16xf32>
        %mul3A_482 = arith.mulf %mul3A_481, %get3A_140 : vector<16xf32>
        %swap3A_483 = arith.constant 22 : i32
        %swap3A_484 = arith.index_cast %swap3A_483 : i32 to index
        %swap3A_485 = arith.constant 0 : index
        %swap3A_486 = tpu.vector_load %arg30[%swap3A_484, %swap3A_485] {strides = array<i32>} : memref<80x16xf32, #tpu.memory_space<vmem>>, vector<1x16xf32>,
        %swap3A_487 = vector.shape_cast %swap3A_486 : vector<1x16xf32> to vector<16xf32>
        %swap3A_488 = vector.shape_cast %mul3A_482 : vector<16xf32> to vector<1x16xf32>
        tpu.vector_store %arg30[%swap3A_484, %swap3A_485], %swap3A_488 {strides = array<i32>} : memref<80x16xf32, #tpu.memory_space<vmem>>, vector<1x16xf32>,
        %slice3A_489 = vector.extract_strided_slice %get3A_418 {offsets = [7], sizes = [1], strides = [1]} : vector<16xf32> to vector<1xf32>
        %squeeze3A_490 = vector.extract %slice3A_489[0] : f32 from vector<1xf32>
        %mul3A_491 = vector.broadcast %squeeze3A_490 : f32 to vector<16xf32>
        %mul3A_492 = arith.mulf %mul3A_491, %get3A_140 : vector<16xf32>
        %swap3A_493 = arith.constant 23 : i32
        %swap3A_494 = arith.index_cast %swap3A_493 : i32 to index
        %swap3A_495 = arith.constant 0 : index
        %swap3A_496 = tpu.vector_load %arg30[%swap3A_494, %swap3A_495] {strides = array<i32>} : memref<80x16xf32, #tpu.memory_space<vmem>>, vector<1x16xf32>,
        %swap3A_497 = vector.shape_cast %swap3A_496 : vector<1x16xf32> to vector<16xf32>
        %swap3A_498 = vector.shape_cast %mul3A_492 : vector<16xf32> to vector<1x16xf32>
        tpu.vector_store %arg30[%swap3A_494, %swap3A_495], %swap3A_498 {strides = array<i32>} : memref<80x16xf32, #tpu.memory_space<vmem>>, vector<1x16xf32>,
        %slice3A_499 = vector.extract_strided_slice %get3A_418 {offsets = [8], sizes = [1], strides = [1]} : vector<16xf32> to vector<1xf32>
        %squeeze3A_500 = vector.extract %slice3A_499[0] : f32 from vector<1xf32>
        %mul3A_501 = vector.broadcast %squeeze3A_500 : f32 to vector<16xf32>
        %mul3A_502 = arith.mulf %mul3A_501, %get3A_140 : vector<16xf32>
        %swap3A_503 = arith.constant 24 : i32
        %swap3A_504 = arith.index_cast %swap3A_503 : i32 to index
        %swap3A_505 = arith.constant 0 : index
        %swap3A_506 = tpu.vector_load %arg30[%swap3A_504, %swap3A_505] {strides = array<i32>} : memref<80x16xf32, #tpu.memory_space<vmem>>, vector<1x16xf32>,
        %swap3A_507 = vector.shape_cast %swap3A_506 : vector<1x16xf32> to vector<16xf32>
        %swap3A_508 = vector.shape_cast %mul3A_502 : vector<16xf32> to vector<1x16xf32>
        tpu.vector_store %arg30[%swap3A_504, %swap3A_505], %swap3A_508 {strides = array<i32>} : memref<80x16xf32, #tpu.memory_space<vmem>>, vector<1x16xf32>,
        %slice3A_509 = vector.extract_strided_slice %get3A_418 {offsets = [9], sizes = [1], strides = [1]} : vector<16xf32> to vector<1xf32>
        %squeeze3A_510 = vector.extract %slice3A_509[0] : f32 from vector<1xf32>
        %mul3A_511 = vector.broadcast %squeeze3A_510 : f32 to vector<16xf32>
        %mul3A_512 = arith.mulf %mul3A_511, %get3A_140 : vector<16xf32>
        %swap3A_513 = arith.constant 25 : i32
        %swap3A_514 = arith.index_cast %swap3A_513 : i32 to index
        %swap3A_515 = arith.constant 0 : index
        %swap3A_516 = tpu.vector_load %arg30[%swap3A_514, %swap3A_515] {strides = array<i32>} : memref<80x16xf32, #tpu.memory_space<vmem>>, vector<1x16xf32>,
        %swap3A_517 = vector.shape_cast %swap3A_516 : vector<1x16xf32> to vector<16xf32>
        %swap3A_518 = vector.shape_cast %mul3A_512 : vector<16xf32> to vector<1x16xf32>
        tpu.vector_store %arg30[%swap3A_514, %swap3A_515], %swap3A_518 {strides = array<i32>} : memref<80x16xf32, #tpu.memory_space<vmem>>, vector<1x16xf32>,
        %slice3A_519 = vector.extract_strided_slice %get3A_418 {offsets = [10], sizes = [1], strides = [1]} : vector<16xf32> to vector<1xf32>
        %squeeze3A_520 = vector.extract %slice3A_519[0] : f32 from vector<1xf32>
        %mul3A_521 = vector.broadcast %squeeze3A_520 : f32 to vector<16xf32>
        %mul3A_522 = arith.mulf %mul3A_521, %get3A_140 : vector<16xf32>
        %swap3A_523 = arith.constant 26 : i32
        %swap3A_524 = arith.index_cast %swap3A_523 : i32 to index
        %swap3A_525 = arith.constant 0 : index
        %swap3A_526 = tpu.vector_load %arg30[%swap3A_524, %swap3A_525] {strides = array<i32>} : memref<80x16xf32, #tpu.memory_space<vmem>>, vector<1x16xf32>,
        %swap3A_527 = vector.shape_cast %swap3A_526 : vector<1x16xf32> to vector<16xf32>
        %swap3A_528 = vector.shape_cast %mul3A_522 : vector<16xf32> to vector<1x16xf32>
        tpu.vector_store %arg30[%swap3A_524, %swap3A_525], %swap3A_528 {strides = array<i32>} : memref<80x16xf32, #tpu.memory_space<vmem>>, vector<1x16xf32>,
        %slice3A_529 = vector.extract_strided_slice %get3A_418 {offsets = [11], sizes = [1], strides = [1]} : vector<16xf32> to vector<1xf32>
        %squeeze3A_530 = vector.extract %slice3A_529[0] : f32 from vector<1xf32>
        %mul3A_531 = vector.broadcast %squeeze3A_530 : f32 to vector<16xf32>
        %mul3A_532 = arith.mulf %mul3A_531, %get3A_140 : vector<16xf32>
        %swap3A_533 = arith.constant 27 : i32
        %swap3A_534 = arith.index_cast %swap3A_533 : i32 to index
        %swap3A_535 = arith.constant 0 : index
        %swap3A_536 = tpu.vector_load %arg30[%swap3A_534, %swap3A_535] {strides = array<i32>} : memref<80x16xf32, #tpu.memory_space<vmem>>, vector<1x16xf32>,
        %swap3A_537 = vector.shape_cast %swap3A_536 : vector<1x16xf32> to vector<16xf32>
        %swap3A_538 = vector.shape_cast %mul3A_532 : vector<16xf32> to vector<1x16xf32>
        tpu.vector_store %arg30[%swap3A_534, %swap3A_535], %swap3A_538 {strides = array<i32>} : memref<80x16xf32, #tpu.memory_space<vmem>>, vector<1x16xf32>,
        %slice3A_539 = vector.extract_strided_slice %get3A_418 {offsets = [12], sizes = [1], strides = [1]} : vector<16xf32> to vector<1xf32>
        %squeeze3A_540 = vector.extract %slice3A_539[0] : f32 from vector<1xf32>
        %mul3A_541 = vector.broadcast %squeeze3A_540 : f32 to vector<16xf32>
        %mul3A_542 = arith.mulf %mul3A_541, %get3A_140 : vector<16xf32>
        %swap3A_543 = arith.constant 28 : i32
        %swap3A_544 = arith.index_cast %swap3A_543 : i32 to index
        %swap3A_545 = arith.constant 0 : index
        %swap3A_546 = tpu.vector_load %arg30[%swap3A_544, %swap3A_545] {strides = array<i32>} : memref<80x16xf32, #tpu.memory_space<vmem>>, vector<1x16xf32>,
        %swap3A_547 = vector.shape_cast %swap3A_546 : vector<1x16xf32> to vector<16xf32>
        %swap3A_548 = vector.shape_cast %mul3A_542 : vector<16xf32> to vector<1x16xf32>
        tpu.vector_store %arg30[%swap3A_544, %swap3A_545], %swap3A_548 {strides = array<i32>} : memref<80x16xf32, #tpu.memory_space<vmem>>, vector<1x16xf32>,
        %slice3A_549 = vector.extract_strided_slice %get3A_418 {offsets = [13], sizes = [1], strides = [1]} : vector<16xf32> to vector<1xf32>
        %squeeze3A_550 = vector.extract %slice3A_549[0] : f32 from vector<1xf32>
        %mul3A_551 = vector.broadcast %squeeze3A_550 : f32 to vector<16xf32>
        %mul3A_552 = arith.mulf %mul3A_551, %get3A_140 : vector<16xf32>
        %swap3A_553 = arith.constant 29 : i32
        %swap3A_554 = arith.index_cast %swap3A_553 : i32 to index
        %swap3A_555 = arith.constant 0 : index
        %swap3A_556 = tpu.vector_load %arg30[%swap3A_554, %swap3A_555] {strides = array<i32>} : memref<80x16xf32, #tpu.memory_space<vmem>>, vector<1x16xf32>,
        %swap3A_557 = vector.shape_cast %swap3A_556 : vector<1x16xf32> to vector<16xf32>
        %swap3A_558 = vector.shape_cast %mul3A_552 : vector<16xf32> to vector<1x16xf32>
        tpu.vector_store %arg30[%swap3A_554, %swap3A_555], %swap3A_558 {strides = array<i32>} : memref<80x16xf32, #tpu.memory_space<vmem>>, vector<1x16xf32>,
        %slice3A_559 = vector.extract_strided_slice %get3A_418 {offsets = [14], sizes = [1], strides = [1]} : vector<16xf32> to vector<1xf32>
        %squeeze3A_560 = vector.extract %slice3A_559[0] : f32 from vector<1xf32>
        %mul3A_561 = vector.broadcast %squeeze3A_560 : f32 to vector<16xf32>
        %mul3A_562 = arith.mulf %mul3A_561, %get3A_140 : vector<16xf32>
        %swap3A_563 = arith.constant 30 : i32
        %swap3A_564 = arith.index_cast %swap3A_563 : i32 to index
        %swap3A_565 = arith.constant 0 : index
        %swap3A_566 = tpu.vector_load %arg30[%swap3A_564, %swap3A_565] {strides = array<i32>} : memref<80x16xf32, #tpu.memory_space<vmem>>, vector<1x16xf32>,
        %swap3A_567 = vector.shape_cast %swap3A_566 : vector<1x16xf32> to vector<16xf32>
        %swap3A_568 = vector.shape_cast %mul3A_562 : vector<16xf32> to vector<1x16xf32>
        tpu.vector_store %arg30[%swap3A_564, %swap3A_565], %swap3A_568 {strides = array<i32>} : memref<80x16xf32, #tpu.memory_space<vmem>>, vector<1x16xf32>,
        %slice3A_569 = vector.extract_strided_slice %get3A_418 {offsets = [15], sizes = [1], strides = [1]} : vector<16xf32> to vector<1xf32>
        %squeeze3A_570 = vector.extract %slice3A_569[0] : f32 from vector<1xf32>
        %mul3A_571 = vector.broadcast %squeeze3A_570 : f32 to vector<16xf32>
        %mul3A_572 = arith.mulf %mul3A_571, %get3A_140 : vector<16xf32>
        %swap3A_573 = arith.constant 31 : i32
        %swap3A_574 = arith.index_cast %swap3A_573 : i32 to index
        %swap3A_575 = arith.constant 0 : index
        %swap3A_576 = tpu.vector_load %arg30[%swap3A_574, %swap3A_575] {strides = array<i32>} : memref<80x16xf32, #tpu.memory_space<vmem>>, vector<1x16xf32>,
        %swap3A_577 = vector.shape_cast %swap3A_576 : vector<1x16xf32> to vector<16xf32>
        %swap3A_578 = vector.shape_cast %mul3A_572 : vector<16xf32> to vector<1x16xf32>
        tpu.vector_store %arg30[%swap3A_574, %swap3A_575], %swap3A_578 {strides = array<i32>} : memref<80x16xf32, #tpu.memory_space<vmem>>, vector<1x16xf32>,
        %get3A_579 = arith.constant 32 : index
        %get3A_580 = tpu.vector_load %arg11[%get3A_579] {strides = array<i32>} : memref<80xi32, #tpu.memory_space<vmem>>, vector<16xi32>,
        %get3A_581 = vector.shape_cast %get3A_580 : vector<16xi32> to vector<16xi32>
        %swap3A_582 = arith.constant 32 : index
        %swap3A_583 = tpu.vector_load %arg15[%swap3A_582] {strides = array<i32>} : memref<80xi32, #tpu.memory_space<vmem>>, vector<16xi32>,
        %swap3A_584 = vector.shape_cast %swap3A_583 : vector<16xi32> to vector<16xi32>
        %swap3A_585 = vector.shape_cast %get3A_581 : vector<16xi32> to vector<16xi32>
        tpu.vector_store %arg15[%swap3A_582], %swap3A_585 {strides = array<i32>} : memref<80xi32, #tpu.memory_space<vmem>>, vector<16xi32>,
        %get3A_586 = arith.constant 32 : index
        %get3A_587 = tpu.vector_load %arg12[%get3A_586] {strides = array<i32>} : memref<80xf32, #tpu.memory_space<vmem>>, vector<16xf32>,
        %get3A_588 = vector.shape_cast %get3A_587 : vector<16xf32> to vector<16xf32>
        %slice3A_589 = vector.extract_strided_slice %get3A_588 {offsets = [0], sizes = [1], strides = [1]} : vector<16xf32> to vector<1xf32>
        %squeeze3A_590 = vector.extract %slice3A_589[0] : f32 from vector<1xf32>
        %mul3A_591 = vector.broadcast %squeeze3A_590 : f32 to vector<16xf32>
        %mul3A_592 = arith.mulf %mul3A_591, %get3A_140 : vector<16xf32>
        %swap3A_593 = arith.constant 32 : i32
        %swap3A_594 = arith.index_cast %swap3A_593 : i32 to index
        %swap3A_595 = arith.constant 0 : index
        %swap3A_596 = tpu.vector_load %arg30[%swap3A_594, %swap3A_595] {strides = array<i32>} : memref<80x16xf32, #tpu.memory_space<vmem>>, vector<1x16xf32>,
        %swap3A_597 = vector.shape_cast %swap3A_596 : vector<1x16xf32> to vector<16xf32>
        %swap3A_598 = vector.shape_cast %mul3A_592 : vector<16xf32> to vector<1x16xf32>
        tpu.vector_store %arg30[%swap3A_594, %swap3A_595], %swap3A_598 {strides = array<i32>} : memref<80x16xf32, #tpu.memory_space<vmem>>, vector<1x16xf32>,
        %slice3A_599 = vector.extract_strided_slice %get3A_588 {offsets = [1], sizes = [1], strides = [1]} : vector<16xf32> to vector<1xf32>
        %squeeze3A_600 = vector.extract %slice3A_599[0] : f32 from vector<1xf32>
        %mul3A_601 = vector.broadcast %squeeze3A_600 : f32 to vector<16xf32>
        %mul3A_602 = arith.mulf %mul3A_601, %get3A_140 : vector<16xf32>
        %swap3A_603 = arith.constant 33 : i32
        %swap3A_604 = arith.index_cast %swap3A_603 : i32 to index
        %swap3A_605 = arith.constant 0 : index
        %swap3A_606 = tpu.vector_load %arg30[%swap3A_604, %swap3A_605] {strides = array<i32>} : memref<80x16xf32, #tpu.memory_space<vmem>>, vector<1x16xf32>,
        %swap3A_607 = vector.shape_cast %swap3A_606 : vector<1x16xf32> to vector<16xf32>
        %swap3A_608 = vector.shape_cast %mul3A_602 : vector<16xf32> to vector<1x16xf32>
        tpu.vector_store %arg30[%swap3A_604, %swap3A_605], %swap3A_608 {strides = array<i32>} : memref<80x16xf32, #tpu.memory_space<vmem>>, vector<1x16xf32>,
        %slice3A_609 = vector.extract_strided_slice %get3A_588 {offsets = [2], sizes = [1], strides = [1]} : vector<16xf32> to vector<1xf32>
        %squeeze3A_610 = vector.extract %slice3A_609[0] : f32 from vector<1xf32>
        %mul3A_611 = vector.broadcast %squeeze3A_610 : f32 to vector<16xf32>
        %mul3A_612 = arith.mulf %mul3A_611, %get3A_140 : vector<16xf32>
        %swap3A_613 = arith.constant 34 : i32
        %swap3A_614 = arith.index_cast %swap3A_613 : i32 to index
        %swap3A_615 = arith.constant 0 : index
        %swap3A_616 = tpu.vector_load %arg30[%swap3A_614, %swap3A_615] {strides = array<i32>} : memref<80x16xf32, #tpu.memory_space<vmem>>, vector<1x16xf32>,
        %swap3A_617 = vector.shape_cast %swap3A_616 : vector<1x16xf32> to vector<16xf32>
        %swap3A_618 = vector.shape_cast %mul3A_612 : vector<16xf32> to vector<1x16xf32>
        tpu.vector_store %arg30[%swap3A_614, %swap3A_615], %swap3A_618 {strides = array<i32>} : memref<80x16xf32, #tpu.memory_space<vmem>>, vector<1x16xf32>,
        %slice3A_619 = vector.extract_strided_slice %get3A_588 {offsets = [3], sizes = [1], strides = [1]} : vector<16xf32> to vector<1xf32>
        %squeeze3A_620 = vector.extract %slice3A_619[0] : f32 from vector<1xf32>
        %mul3A_621 = vector.broadcast %squeeze3A_620 : f32 to vector<16xf32>
        %mul3A_622 = arith.mulf %mul3A_621, %get3A_140 : vector<16xf32>
        %swap3A_623 = arith.constant 35 : i32
        %swap3A_624 = arith.index_cast %swap3A_623 : i32 to index
        %swap3A_625 = arith.constant 0 : index
        %swap3A_626 = tpu.vector_load %arg30[%swap3A_624, %swap3A_625] {strides = array<i32>} : memref<80x16xf32, #tpu.memory_space<vmem>>, vector<1x16xf32>,
        %swap3A_627 = vector.shape_cast %swap3A_626 : vector<1x16xf32> to vector<16xf32>
        %swap3A_628 = vector.shape_cast %mul3A_622 : vector<16xf32> to vector<1x16xf32>
        tpu.vector_store %arg30[%swap3A_624, %swap3A_625], %swap3A_628 {strides = array<i32>} : memref<80x16xf32, #tpu.memory_space<vmem>>, vector<1x16xf32>,
        %slice3A_629 = vector.extract_strided_slice %get3A_588 {offsets = [4], sizes = [1], strides = [1]} : vector<16xf32> to vector<1xf32>
        %squeeze3A_630 = vector.extract %slice3A_629[0] : f32 from vector<1xf32>
        %mul3A_631 = vector.broadcast %squeeze3A_630 : f32 to vector<16xf32>
        %mul3A_632 = arith.mulf %mul3A_631, %get3A_140 : vector<16xf32>
        %swap3A_633 = arith.constant 36 : i32
        %swap3A_634 = arith.index_cast %swap3A_633 : i32 to index
        %swap3A_635 = arith.constant 0 : index
        %swap3A_636 = tpu.vector_load %arg30[%swap3A_634, %swap3A_635] {strides = array<i32>} : memref<80x16xf32, #tpu.memory_space<vmem>>, vector<1x16xf32>,
        %swap3A_637 = vector.shape_cast %swap3A_636 : vector<1x16xf32> to vector<16xf32>
        %swap3A_638 = vector.shape_cast %mul3A_632 : vector<16xf32> to vector<1x16xf32>
        tpu.vector_store %arg30[%swap3A_634, %swap3A_635], %swap3A_638 {strides = array<i32>} : memref<80x16xf32, #tpu.memory_space<vmem>>, vector<1x16xf32>,
        %slice3A_639 = vector.extract_strided_slice %get3A_588 {offsets = [5], sizes = [1], strides = [1]} : vector<16xf32> to vector<1xf32>
        %squeeze3A_640 = vector.extract %slice3A_639[0] : f32 from vector<1xf32>
        %mul3A_641 = vector.broadcast %squeeze3A_640 : f32 to vector<16xf32>
        %mul3A_642 = arith.mulf %mul3A_641, %get3A_140 : vector<16xf32>
        %swap3A_643 = arith.constant 37 : i32
        %swap3A_644 = arith.index_cast %swap3A_643 : i32 to index
        %swap3A_645 = arith.constant 0 : index
        %swap3A_646 = tpu.vector_load %arg30[%swap3A_644, %swap3A_645] {strides = array<i32>} : memref<80x16xf32, #tpu.memory_space<vmem>>, vector<1x16xf32>,
        %swap3A_647 = vector.shape_cast %swap3A_646 : vector<1x16xf32> to vector<16xf32>
        %swap3A_648 = vector.shape_cast %mul3A_642 : vector<16xf32> to vector<1x16xf32>
        tpu.vector_store %arg30[%swap3A_644, %swap3A_645], %swap3A_648 {strides = array<i32>} : memref<80x16xf32, #tpu.memory_space<vmem>>, vector<1x16xf32>,
        %slice3A_649 = vector.extract_strided_slice %get3A_588 {offsets = [6], sizes = [1], strides = [1]} : vector<16xf32> to vector<1xf32>
        %squeeze3A_650 = vector.extract %slice3A_649[0] : f32 from vector<1xf32>
        %mul3A_651 = vector.broadcast %squeeze3A_650 : f32 to vector<16xf32>
        %mul3A_652 = arith.mulf %mul3A_651, %get3A_140 : vector<16xf32>
        %swap3A_653 = arith.constant 38 : i32
        %swap3A_654 = arith.index_cast %swap3A_653 : i32 to index
        %swap3A_655 = arith.constant 0 : index
        %swap3A_656 = tpu.vector_load %arg30[%swap3A_654, %swap3A_655] {strides = array<i32>} : memref<80x16xf32, #tpu.memory_space<vmem>>, vector<1x16xf32>,
        %swap3A_657 = vector.shape_cast %swap3A_656 : vector<1x16xf32> to vector<16xf32>
        %swap3A_658 = vector.shape_cast %mul3A_652 : vector<16xf32> to vector<1x16xf32>
        tpu.vector_store %arg30[%swap3A_654, %swap3A_655], %swap3A_658 {strides = array<i32>} : memref<80x16xf32, #tpu.memory_space<vmem>>, vector<1x16xf32>,
        %slice3A_659 = vector.extract_strided_slice %get3A_588 {offsets = [7], sizes = [1], strides = [1]} : vector<16xf32> to vector<1xf32>
        %squeeze3A_660 = vector.extract %slice3A_659[0] : f32 from vector<1xf32>
        %mul3A_661 = vector.broadcast %squeeze3A_660 : f32 to vector<16xf32>
        %mul3A_662 = arith.mulf %mul3A_661, %get3A_140 : vector<16xf32>
        %swap3A_663 = arith.constant 39 : i32
        %swap3A_664 = arith.index_cast %swap3A_663 : i32 to index
        %swap3A_665 = arith.constant 0 : index
        %swap3A_666 = tpu.vector_load %arg30[%swap3A_664, %swap3A_665] {strides = array<i32>} : memref<80x16xf32, #tpu.memory_space<vmem>>, vector<1x16xf32>,
        %swap3A_667 = vector.shape_cast %swap3A_666 : vector<1x16xf32> to vector<16xf32>
        %swap3A_668 = vector.shape_cast %mul3A_662 : vector<16xf32> to vector<1x16xf32>
        tpu.vector_store %arg30[%swap3A_664, %swap3A_665], %swap3A_668 {strides = array<i32>} : memref<80x16xf32, #tpu.memory_space<vmem>>, vector<1x16xf32>,
        %slice3A_669 = vector.extract_strided_slice %get3A_588 {offsets = [8], sizes = [1], strides = [1]} : vector<16xf32> to vector<1xf32>
        %squeeze3A_670 = vector.extract %slice3A_669[0] : f32 from vector<1xf32>
        %mul3A_671 = vector.broadcast %squeeze3A_670 : f32 to vector<16xf32>
        %mul3A_672 = arith.mulf %mul3A_671, %get3A_140 : vector<16xf32>
        %swap3A_673 = arith.constant 40 : i32
        %swap3A_674 = arith.index_cast %swap3A_673 : i32 to index
        %swap3A_675 = arith.constant 0 : index
        %swap3A_676 = tpu.vector_load %arg30[%swap3A_674, %swap3A_675] {strides = array<i32>} : memref<80x16xf32, #tpu.memory_space<vmem>>, vector<1x16xf32>,
        %swap3A_677 = vector.shape_cast %swap3A_676 : vector<1x16xf32> to vector<16xf32>
        %swap3A_678 = vector.shape_cast %mul3A_672 : vector<16xf32> to vector<1x16xf32>
        tpu.vector_store %arg30[%swap3A_674, %swap3A_675], %swap3A_678 {strides = array<i32>} : memref<80x16xf32, #tpu.memory_space<vmem>>, vector<1x16xf32>,
        %slice3A_679 = vector.extract_strided_slice %get3A_588 {offsets = [9], sizes = [1], strides = [1]} : vector<16xf32> to vector<1xf32>
        %squeeze3A_680 = vector.extract %slice3A_679[0] : f32 from vector<1xf32>
        %mul3A_681 = vector.broadcast %squeeze3A_680 : f32 to vector<16xf32>
        %mul3A_682 = arith.mulf %mul3A_681, %get3A_140 : vector<16xf32>
        %swap3A_683 = arith.constant 41 : i32
        %swap3A_684 = arith.index_cast %swap3A_683 : i32 to index
        %swap3A_685 = arith.constant 0 : index
        %swap3A_686 = tpu.vector_load %arg30[%swap3A_684, %swap3A_685] {strides = array<i32>} : memref<80x16xf32, #tpu.memory_space<vmem>>, vector<1x16xf32>,
        %swap3A_687 = vector.shape_cast %swap3A_686 : vector<1x16xf32> to vector<16xf32>
        %swap3A_688 = vector.shape_cast %mul3A_682 : vector<16xf32> to vector<1x16xf32>
        tpu.vector_store %arg30[%swap3A_684, %swap3A_685], %swap3A_688 {strides = array<i32>} : memref<80x16xf32, #tpu.memory_space<vmem>>, vector<1x16xf32>,
        %slice3A_689 = vector.extract_strided_slice %get3A_588 {offsets = [10], sizes = [1], strides = [1]} : vector<16xf32> to vector<1xf32>
        %squeeze3A_690 = vector.extract %slice3A_689[0] : f32 from vector<1xf32>
        %mul3A_691 = vector.broadcast %squeeze3A_690 : f32 to vector<16xf32>
        %mul3A_692 = arith.mulf %mul3A_691, %get3A_140 : vector<16xf32>
        %swap3A_693 = arith.constant 42 : i32
        %swap3A_694 = arith.index_cast %swap3A_693 : i32 to index
        %swap3A_695 = arith.constant 0 : index
        %swap3A_696 = tpu.vector_load %arg30[%swap3A_694, %swap3A_695] {strides = array<i32>} : memref<80x16xf32, #tpu.memory_space<vmem>>, vector<1x16xf32>,
        %swap3A_697 = vector.shape_cast %swap3A_696 : vector<1x16xf32> to vector<16xf32>
        %swap3A_698 = vector.shape_cast %mul3A_692 : vector<16xf32> to vector<1x16xf32>
        tpu.vector_store %arg30[%swap3A_694, %swap3A_695], %swap3A_698 {strides = array<i32>} : memref<80x16xf32, #tpu.memory_space<vmem>>, vector<1x16xf32>,
        %slice3A_699 = vector.extract_strided_slice %get3A_588 {offsets = [11], sizes = [1], strides = [1]} : vector<16xf32> to vector<1xf32>
        %squeeze3A_700 = vector.extract %slice3A_699[0] : f32 from vector<1xf32>
        %mul3A_701 = vector.broadcast %squeeze3A_700 : f32 to vector<16xf32>
        %mul3A_702 = arith.mulf %mul3A_701, %get3A_140 : vector<16xf32>
        %swap3A_703 = arith.constant 43 : i32
        %swap3A_704 = arith.index_cast %swap3A_703 : i32 to index
        %swap3A_705 = arith.constant 0 : index
        %swap3A_706 = tpu.vector_load %arg30[%swap3A_704, %swap3A_705] {strides = array<i32>} : memref<80x16xf32, #tpu.memory_space<vmem>>, vector<1x16xf32>,
        %swap3A_707 = vector.shape_cast %swap3A_706 : vector<1x16xf32> to vector<16xf32>
        %swap3A_708 = vector.shape_cast %mul3A_702 : vector<16xf32> to vector<1x16xf32>
        tpu.vector_store %arg30[%swap3A_704, %swap3A_705], %swap3A_708 {strides = array<i32>} : memref<80x16xf32, #tpu.memory_space<vmem>>, vector<1x16xf32>,
        %slice3A_709 = vector.extract_strided_slice %get3A_588 {offsets = [12], sizes = [1], strides = [1]} : vector<16xf32> to vector<1xf32>
        %squeeze3A_710 = vector.extract %slice3A_709[0] : f32 from vector<1xf32>
        %mul3A_711 = vector.broadcast %squeeze3A_710 : f32 to vector<16xf32>
        %mul3A_712 = arith.mulf %mul3A_711, %get3A_140 : vector<16xf32>
        %swap3A_713 = arith.constant 44 : i32
        %swap3A_714 = arith.index_cast %swap3A_713 : i32 to index
        %swap3A_715 = arith.constant 0 : index
        %swap3A_716 = tpu.vector_load %arg30[%swap3A_714, %swap3A_715] {strides = array<i32>} : memref<80x16xf32, #tpu.memory_space<vmem>>, vector<1x16xf32>,
        %swap3A_717 = vector.shape_cast %swap3A_716 : vector<1x16xf32> to vector<16xf32>
        %swap3A_718 = vector.shape_cast %mul3A_712 : vector<16xf32> to vector<1x16xf32>
        tpu.vector_store %arg30[%swap3A_714, %swap3A_715], %swap3A_718 {strides = array<i32>} : memref<80x16xf32, #tpu.memory_space<vmem>>, vector<1x16xf32>,
        %slice3A_719 = vector.extract_strided_slice %get3A_588 {offsets = [13], sizes = [1], strides = [1]} : vector<16xf32> to vector<1xf32>
        %squeeze3A_720 = vector.extract %slice3A_719[0] : f32 from vector<1xf32>
        %mul3A_721 = vector.broadcast %squeeze3A_720 : f32 to vector<16xf32>
        %mul3A_722 = arith.mulf %mul3A_721, %get3A_140 : vector<16xf32>
        %swap3A_723 = arith.constant 45 : i32
        %swap3A_724 = arith.index_cast %swap3A_723 : i32 to index
        %swap3A_725 = arith.constant 0 : index
        %swap3A_726 = tpu.vector_load %arg30[%swap3A_724, %swap3A_725] {strides = array<i32>} : memref<80x16xf32, #tpu.memory_space<vmem>>, vector<1x16xf32>,
        %swap3A_727 = vector.shape_cast %swap3A_726 : vector<1x16xf32> to vector<16xf32>
        %swap3A_728 = vector.shape_cast %mul3A_722 : vector<16xf32> to vector<1x16xf32>
        tpu.vector_store %arg30[%swap3A_724, %swap3A_725], %swap3A_728 {strides = array<i32>} : memref<80x16xf32, #tpu.memory_space<vmem>>, vector<1x16xf32>,
        %slice3A_729 = vector.extract_strided_slice %get3A_588 {offsets = [14], sizes = [1], strides = [1]} : vector<16xf32> to vector<1xf32>
        %squeeze3A_730 = vector.extract %slice3A_729[0] : f32 from vector<1xf32>
        %mul3A_731 = vector.broadcast %squeeze3A_730 : f32 to vector<16xf32>
        %mul3A_732 = arith.mulf %mul3A_731, %get3A_140 : vector<16xf32>
        %swap3A_733 = arith.constant 46 : i32
        %swap3A_734 = arith.index_cast %swap3A_733 : i32 to index
        %swap3A_735 = arith.constant 0 : index
        %swap3A_736 = tpu.vector_load %arg30[%swap3A_734, %swap3A_735] {strides = array<i32>} : memref<80x16xf32, #tpu.memory_space<vmem>>, vector<1x16xf32>,
        %swap3A_737 = vector.shape_cast %swap3A_736 : vector<1x16xf32> to vector<16xf32>
        %swap3A_738 = vector.shape_cast %mul3A_732 : vector<16xf32> to vector<1x16xf32>
        tpu.vector_store %arg30[%swap3A_734, %swap3A_735], %swap3A_738 {strides = array<i32>} : memref<80x16xf32, #tpu.memory_space<vmem>>, vector<1x16xf32>,
        %slice3A_739 = vector.extract_strided_slice %get3A_588 {offsets = [15], sizes = [1], strides = [1]} : vector<16xf32> to vector<1xf32>
        %squeeze3A_740 = vector.extract %slice3A_739[0] : f32 from vector<1xf32>
        %mul3A_741 = vector.broadcast %squeeze3A_740 : f32 to vector<16xf32>
        %mul3A_742 = arith.mulf %mul3A_741, %get3A_140 : vector<16xf32>
        %swap3A_743 = arith.constant 47 : i32
        %swap3A_744 = arith.index_cast %swap3A_743 : i32 to index
        %swap3A_745 = arith.constant 0 : index
        %swap3A_746 = tpu.vector_load %arg30[%swap3A_744, %swap3A_745] {strides = array<i32>} : memref<80x16xf32, #tpu.memory_space<vmem>>, vector<1x16xf32>,
        %swap3A_747 = vector.shape_cast %swap3A_746 : vector<1x16xf32> to vector<16xf32>
        %swap3A_748 = vector.shape_cast %mul3A_742 : vector<16xf32> to vector<1x16xf32>
        tpu.vector_store %arg30[%swap3A_744, %swap3A_745], %swap3A_748 {strides = array<i32>} : memref<80x16xf32, #tpu.memory_space<vmem>>, vector<1x16xf32>,
        %get3A_749 = arith.constant 48 : index
        %get3A_750 = tpu.vector_load %arg11[%get3A_749] {strides = array<i32>} : memref<80xi32, #tpu.memory_space<vmem>>, vector<16xi32>,
        %get3A_751 = vector.shape_cast %get3A_750 : vector<16xi32> to vector<16xi32>
        %swap3A_752 = arith.constant 48 : index
        %swap3A_753 = tpu.vector_load %arg15[%swap3A_752] {strides = array<i32>} : memref<80xi32, #tpu.memory_space<vmem>>, vector<16xi32>,
        %swap3A_754 = vector.shape_cast %swap3A_753 : vector<16xi32> to vector<16xi32>
        %swap3A_755 = vector.shape_cast %get3A_751 : vector<16xi32> to vector<16xi32>
        tpu.vector_store %arg15[%swap3A_752], %swap3A_755 {strides = array<i32>} : memref<80xi32, #tpu.memory_space<vmem>>, vector<16xi32>,
        %get3A_756 = arith.constant 48 : index
        %get3A_757 = tpu.vector_load %arg12[%get3A_756] {strides = array<i32>} : memref<80xf32, #tpu.memory_space<vmem>>, vector<16xf32>,
        %get3A_758 = vector.shape_cast %get3A_757 : vector<16xf32> to vector<16xf32>
        %slice3A_759 = vector.extract_strided_slice %get3A_758 {offsets = [0], sizes = [1], strides = [1]} : vector<16xf32> to vector<1xf32>
        %squeeze3A_760 = vector.extract %slice3A_759[0] : f32 from vector<1xf32>
        %mul3A_761 = vector.broadcast %squeeze3A_760 : f32 to vector<16xf32>
        %mul3A_762 = arith.mulf %mul3A_761, %get3A_140 : vector<16xf32>
        %swap3A_763 = arith.constant 48 : i32
        %swap3A_764 = arith.index_cast %swap3A_763 : i32 to index
        %swap3A_765 = arith.constant 0 : index
        %swap3A_766 = tpu.vector_load %arg30[%swap3A_764, %swap3A_765] {strides = array<i32>} : memref<80x16xf32, #tpu.memory_space<vmem>>, vector<1x16xf32>,
        %swap3A_767 = vector.shape_cast %swap3A_766 : vector<1x16xf32> to vector<16xf32>
        %swap3A_768 = vector.shape_cast %mul3A_762 : vector<16xf32> to vector<1x16xf32>
        tpu.vector_store %arg30[%swap3A_764, %swap3A_765], %swap3A_768 {strides = array<i32>} : memref<80x16xf32, #tpu.memory_space<vmem>>, vector<1x16xf32>,
        %slice3A_769 = vector.extract_strided_slice %get3A_758 {offsets = [1], sizes = [1], strides = [1]} : vector<16xf32> to vector<1xf32>
        %squeeze3A_770 = vector.extract %slice3A_769[0] : f32 from vector<1xf32>
        %mul3A_771 = vector.broadcast %squeeze3A_770 : f32 to vector<16xf32>
        %mul3A_772 = arith.mulf %mul3A_771, %get3A_140 : vector<16xf32>
        %swap3A_773 = arith.constant 49 : i32
        %swap3A_774 = arith.index_cast %swap3A_773 : i32 to index
        %swap3A_775 = arith.constant 0 : index
        %swap3A_776 = tpu.vector_load %arg30[%swap3A_774, %swap3A_775] {strides = array<i32>} : memref<80x16xf32, #tpu.memory_space<vmem>>, vector<1x16xf32>,
        %swap3A_777 = vector.shape_cast %swap3A_776 : vector<1x16xf32> to vector<16xf32>
        %swap3A_778 = vector.shape_cast %mul3A_772 : vector<16xf32> to vector<1x16xf32>
        tpu.vector_store %arg30[%swap3A_774, %swap3A_775], %swap3A_778 {strides = array<i32>} : memref<80x16xf32, #tpu.memory_space<vmem>>, vector<1x16xf32>,
        %slice3A_779 = vector.extract_strided_slice %get3A_758 {offsets = [2], sizes = [1], strides = [1]} : vector<16xf32> to vector<1xf32>
        %squeeze3A_780 = vector.extract %slice3A_779[0] : f32 from vector<1xf32>
        %mul3A_781 = vector.broadcast %squeeze3A_780 : f32 to vector<16xf32>
        %mul3A_782 = arith.mulf %mul3A_781, %get3A_140 : vector<16xf32>
        %swap3A_783 = arith.constant 50 : i32
        %swap3A_784 = arith.index_cast %swap3A_783 : i32 to index
        %swap3A_785 = arith.constant 0 : index
        %swap3A_786 = tpu.vector_load %arg30[%swap3A_784, %swap3A_785] {strides = array<i32>} : memref<80x16xf32, #tpu.memory_space<vmem>>, vector<1x16xf32>,
        %swap3A_787 = vector.shape_cast %swap3A_786 : vector<1x16xf32> to vector<16xf32>
        %swap3A_788 = vector.shape_cast %mul3A_782 : vector<16xf32> to vector<1x16xf32>
        tpu.vector_store %arg30[%swap3A_784, %swap3A_785], %swap3A_788 {strides = array<i32>} : memref<80x16xf32, #tpu.memory_space<vmem>>, vector<1x16xf32>,
        %slice3A_789 = vector.extract_strided_slice %get3A_758 {offsets = [3], sizes = [1], strides = [1]} : vector<16xf32> to vector<1xf32>
        %squeeze3A_790 = vector.extract %slice3A_789[0] : f32 from vector<1xf32>
        %mul3A_791 = vector.broadcast %squeeze3A_790 : f32 to vector<16xf32>
        %mul3A_792 = arith.mulf %mul3A_791, %get3A_140 : vector<16xf32>
        %swap3A_793 = arith.constant 51 : i32
        %swap3A_794 = arith.index_cast %swap3A_793 : i32 to index
        %swap3A_795 = arith.constant 0 : index
        %swap3A_796 = tpu.vector_load %arg30[%swap3A_794, %swap3A_795] {strides = array<i32>} : memref<80x16xf32, #tpu.memory_space<vmem>>, vector<1x16xf32>,
        %swap3A_797 = vector.shape_cast %swap3A_796 : vector<1x16xf32> to vector<16xf32>
        %swap3A_798 = vector.shape_cast %mul3A_792 : vector<16xf32> to vector<1x16xf32>
        tpu.vector_store %arg30[%swap3A_794, %swap3A_795], %swap3A_798 {strides = array<i32>} : memref<80x16xf32, #tpu.memory_space<vmem>>, vector<1x16xf32>,
        %slice3A_799 = vector.extract_strided_slice %get3A_758 {offsets = [4], sizes = [1], strides = [1]} : vector<16xf32> to vector<1xf32>
        %squeeze3A_800 = vector.extract %slice3A_799[0] : f32 from vector<1xf32>
        %mul3A_801 = vector.broadcast %squeeze3A_800 : f32 to vector<16xf32>
        %mul3A_802 = arith.mulf %mul3A_801, %get3A_140 : vector<16xf32>
        %swap3A_803 = arith.constant 52 : i32
        %swap3A_804 = arith.index_cast %swap3A_803 : i32 to index
        %swap3A_805 = arith.constant 0 : index
        %swap3A_806 = tpu.vector_load %arg30[%swap3A_804, %swap3A_805] {strides = array<i32>} : memref<80x16xf32, #tpu.memory_space<vmem>>, vector<1x16xf32>,
        %swap3A_807 = vector.shape_cast %swap3A_806 : vector<1x16xf32> to vector<16xf32>
        %swap3A_808 = vector.shape_cast %mul3A_802 : vector<16xf32> to vector<1x16xf32>
        tpu.vector_store %arg30[%swap3A_804, %swap3A_805], %swap3A_808 {strides = array<i32>} : memref<80x16xf32, #tpu.memory_space<vmem>>, vector<1x16xf32>,
        %slice3A_809 = vector.extract_strided_slice %get3A_758 {offsets = [5], sizes = [1], strides = [1]} : vector<16xf32> to vector<1xf32>
        %squeeze3A_810 = vector.extract %slice3A_809[0] : f32 from vector<1xf32>
        %mul3A_811 = vector.broadcast %squeeze3A_810 : f32 to vector<16xf32>
        %mul3A_812 = arith.mulf %mul3A_811, %get3A_140 : vector<16xf32>
        %swap3A_813 = arith.constant 53 : i32
        %swap3A_814 = arith.index_cast %swap3A_813 : i32 to index
        %swap3A_815 = arith.constant 0 : index
        %swap3A_816 = tpu.vector_load %arg30[%swap3A_814, %swap3A_815] {strides = array<i32>} : memref<80x16xf32, #tpu.memory_space<vmem>>, vector<1x16xf32>,
        %swap3A_817 = vector.shape_cast %swap3A_816 : vector<1x16xf32> to vector<16xf32>
        %swap3A_818 = vector.shape_cast %mul3A_812 : vector<16xf32> to vector<1x16xf32>
        tpu.vector_store %arg30[%swap3A_814, %swap3A_815], %swap3A_818 {strides = array<i32>} : memref<80x16xf32, #tpu.memory_space<vmem>>, vector<1x16xf32>,
        %slice3A_819 = vector.extract_strided_slice %get3A_758 {offsets = [6], sizes = [1], strides = [1]} : vector<16xf32> to vector<1xf32>
        %squeeze3A_820 = vector.extract %slice3A_819[0] : f32 from vector<1xf32>
        %mul3A_821 = vector.broadcast %squeeze3A_820 : f32 to vector<16xf32>
        %mul3A_822 = arith.mulf %mul3A_821, %get3A_140 : vector<16xf32>
        %swap3A_823 = arith.constant 54 : i32
        %swap3A_824 = arith.index_cast %swap3A_823 : i32 to index
        %swap3A_825 = arith.constant 0 : index
        %swap3A_826 = tpu.vector_load %arg30[%swap3A_824, %swap3A_825] {strides = array<i32>} : memref<80x16xf32, #tpu.memory_space<vmem>>, vector<1x16xf32>,
        %swap3A_827 = vector.shape_cast %swap3A_826 : vector<1x16xf32> to vector<16xf32>
        %swap3A_828 = vector.shape_cast %mul3A_822 : vector<16xf32> to vector<1x16xf32>
        tpu.vector_store %arg30[%swap3A_824, %swap3A_825], %swap3A_828 {strides = array<i32>} : memref<80x16xf32, #tpu.memory_space<vmem>>, vector<1x16xf32>,
        %slice3A_829 = vector.extract_strided_slice %get3A_758 {offsets = [7], sizes = [1], strides = [1]} : vector<16xf32> to vector<1xf32>
        %squeeze3A_830 = vector.extract %slice3A_829[0] : f32 from vector<1xf32>
        %mul3A_831 = vector.broadcast %squeeze3A_830 : f32 to vector<16xf32>
        %mul3A_832 = arith.mulf %mul3A_831, %get3A_140 : vector<16xf32>
        %swap3A_833 = arith.constant 55 : i32
        %swap3A_834 = arith.index_cast %swap3A_833 : i32 to index
        %swap3A_835 = arith.constant 0 : index
        %swap3A_836 = tpu.vector_load %arg30[%swap3A_834, %swap3A_835] {strides = array<i32>} : memref<80x16xf32, #tpu.memory_space<vmem>>, vector<1x16xf32>,
        %swap3A_837 = vector.shape_cast %swap3A_836 : vector<1x16xf32> to vector<16xf32>
        %swap3A_838 = vector.shape_cast %mul3A_832 : vector<16xf32> to vector<1x16xf32>
        tpu.vector_store %arg30[%swap3A_834, %swap3A_835], %swap3A_838 {strides = array<i32>} : memref<80x16xf32, #tpu.memory_space<vmem>>, vector<1x16xf32>,
        %slice3A_839 = vector.extract_strided_slice %get3A_758 {offsets = [8], sizes = [1], strides = [1]} : vector<16xf32> to vector<1xf32>
        %squeeze3A_840 = vector.extract %slice3A_839[0] : f32 from vector<1xf32>
        %mul3A_841 = vector.broadcast %squeeze3A_840 : f32 to vector<16xf32>
        %mul3A_842 = arith.mulf %mul3A_841, %get3A_140 : vector<16xf32>
        %swap3A_843 = arith.constant 56 : i32
        %swap3A_844 = arith.index_cast %swap3A_843 : i32 to index
        %swap3A_845 = arith.constant 0 : index
        %swap3A_846 = tpu.vector_load %arg30[%swap3A_844, %swap3A_845] {strides = array<i32>} : memref<80x16xf32, #tpu.memory_space<vmem>>, vector<1x16xf32>,
        %swap3A_847 = vector.shape_cast %swap3A_846 : vector<1x16xf32> to vector<16xf32>
        %swap3A_848 = vector.shape_cast %mul3A_842 : vector<16xf32> to vector<1x16xf32>
        tpu.vector_store %arg30[%swap3A_844, %swap3A_845], %swap3A_848 {strides = array<i32>} : memref<80x16xf32, #tpu.memory_space<vmem>>, vector<1x16xf32>,
        %slice3A_849 = vector.extract_strided_slice %get3A_758 {offsets = [9], sizes = [1], strides = [1]} : vector<16xf32> to vector<1xf32>
        %squeeze3A_850 = vector.extract %slice3A_849[0] : f32 from vector<1xf32>
        %mul3A_851 = vector.broadcast %squeeze3A_850 : f32 to vector<16xf32>
        %mul3A_852 = arith.mulf %mul3A_851, %get3A_140 : vector<16xf32>
        %swap3A_853 = arith.constant 57 : i32
        %swap3A_854 = arith.index_cast %swap3A_853 : i32 to index
        %swap3A_855 = arith.constant 0 : index
        %swap3A_856 = tpu.vector_load %arg30[%swap3A_854, %swap3A_855] {strides = array<i32>} : memref<80x16xf32, #tpu.memory_space<vmem>>, vector<1x16xf32>,
        %swap3A_857 = vector.shape_cast %swap3A_856 : vector<1x16xf32> to vector<16xf32>
        %swap3A_858 = vector.shape_cast %mul3A_852 : vector<16xf32> to vector<1x16xf32>
        tpu.vector_store %arg30[%swap3A_854, %swap3A_855], %swap3A_858 {strides = array<i32>} : memref<80x16xf32, #tpu.memory_space<vmem>>, vector<1x16xf32>,
        %slice3A_859 = vector.extract_strided_slice %get3A_758 {offsets = [10], sizes = [1], strides = [1]} : vector<16xf32> to vector<1xf32>
        %squeeze3A_860 = vector.extract %slice3A_859[0] : f32 from vector<1xf32>
        %mul3A_861 = vector.broadcast %squeeze3A_860 : f32 to vector<16xf32>
        %mul3A_862 = arith.mulf %mul3A_861, %get3A_140 : vector<16xf32>
        %swap3A_863 = arith.constant 58 : i32
        %swap3A_864 = arith.index_cast %swap3A_863 : i32 to index
        %swap3A_865 = arith.constant 0 : index
        %swap3A_866 = tpu.vector_load %arg30[%swap3A_864, %swap3A_865] {strides = array<i32>} : memref<80x16xf32, #tpu.memory_space<vmem>>, vector<1x16xf32>,
        %swap3A_867 = vector.shape_cast %swap3A_866 : vector<1x16xf32> to vector<16xf32>
        %swap3A_868 = vector.shape_cast %mul3A_862 : vector<16xf32> to vector<1x16xf32>
        tpu.vector_store %arg30[%swap3A_864, %swap3A_865], %swap3A_868 {strides = array<i32>} : memref<80x16xf32, #tpu.memory_space<vmem>>, vector<1x16xf32>,
        %slice3A_869 = vector.extract_strided_slice %get3A_758 {offsets = [11], sizes = [1], strides = [1]} : vector<16xf32> to vector<1xf32>
        %squeeze3A_870 = vector.extract %slice3A_869[0] : f32 from vector<1xf32>
        %mul3A_871 = vector.broadcast %squeeze3A_870 : f32 to vector<16xf32>
        %mul3A_872 = arith.mulf %mul3A_871, %get3A_140 : vector<16xf32>
        %swap3A_873 = arith.constant 59 : i32
        %swap3A_874 = arith.index_cast %swap3A_873 : i32 to index
        %swap3A_875 = arith.constant 0 : index
        %swap3A_876 = tpu.vector_load %arg30[%swap3A_874, %swap3A_875] {strides = array<i32>} : memref<80x16xf32, #tpu.memory_space<vmem>>, vector<1x16xf32>,
        %swap3A_877 = vector.shape_cast %swap3A_876 : vector<1x16xf32> to vector<16xf32>
        %swap3A_878 = vector.shape_cast %mul3A_872 : vector<16xf32> to vector<1x16xf32>
        tpu.vector_store %arg30[%swap3A_874, %swap3A_875], %swap3A_878 {strides = array<i32>} : memref<80x16xf32, #tpu.memory_space<vmem>>, vector<1x16xf32>,
        %slice3A_879 = vector.extract_strided_slice %get3A_758 {offsets = [12], sizes = [1], strides = [1]} : vector<16xf32> to vector<1xf32>
        %squeeze3A_880 = vector.extract %slice3A_879[0] : f32 from vector<1xf32>
        %mul3A_881 = vector.broadcast %squeeze3A_880 : f32 to vector<16xf32>
        %mul3A_882 = arith.mulf %mul3A_881, %get3A_140 : vector<16xf32>
        %swap3A_883 = arith.constant 60 : i32
        %swap3A_884 = arith.index_cast %swap3A_883 : i32 to index
        %swap3A_885 = arith.constant 0 : index
        %swap3A_886 = tpu.vector_load %arg30[%swap3A_884, %swap3A_885] {strides = array<i32>} : memref<80x16xf32, #tpu.memory_space<vmem>>, vector<1x16xf32>,
        %swap3A_887 = vector.shape_cast %swap3A_886 : vector<1x16xf32> to vector<16xf32>
        %swap3A_888 = vector.shape_cast %mul3A_882 : vector<16xf32> to vector<1x16xf32>
        tpu.vector_store %arg30[%swap3A_884, %swap3A_885], %swap3A_888 {strides = array<i32>} : memref<80x16xf32, #tpu.memory_space<vmem>>, vector<1x16xf32>,
        %slice3A_889 = vector.extract_strided_slice %get3A_758 {offsets = [13], sizes = [1], strides = [1]} : vector<16xf32> to vector<1xf32>
        %squeeze3A_890 = vector.extract %slice3A_889[0] : f32 from vector<1xf32>
        %mul3A_891 = vector.broadcast %squeeze3A_890 : f32 to vector<16xf32>
        %mul3A_892 = arith.mulf %mul3A_891, %get3A_140 : vector<16xf32>
        %swap3A_893 = arith.constant 61 : i32
        %swap3A_894 = arith.index_cast %swap3A_893 : i32 to index
        %swap3A_895 = arith.constant 0 : index
        %swap3A_896 = tpu.vector_load %arg30[%swap3A_894, %swap3A_895] {strides = array<i32>} : memref<80x16xf32, #tpu.memory_space<vmem>>, vector<1x16xf32>,
        %swap3A_897 = vector.shape_cast %swap3A_896 : vector<1x16xf32> to vector<16xf32>
        %swap3A_898 = vector.shape_cast %mul3A_892 : vector<16xf32> to vector<1x16xf32>
        tpu.vector_store %arg30[%swap3A_894, %swap3A_895], %swap3A_898 {strides = array<i32>} : memref<80x16xf32, #tpu.memory_space<vmem>>, vector<1x16xf32>,
        %slice3A_899 = vector.extract_strided_slice %get3A_758 {offsets = [14], sizes = [1], strides = [1]} : vector<16xf32> to vector<1xf32>
        %squeeze3A_900 = vector.extract %slice3A_899[0] : f32 from vector<1xf32>
        %mul3A_901 = vector.broadcast %squeeze3A_900 : f32 to vector<16xf32>
        %mul3A_902 = arith.mulf %mul3A_901, %get3A_140 : vector<16xf32>
        %swap3A_903 = arith.constant 62 : i32
        %swap3A_904 = arith.index_cast %swap3A_903 : i32 to index
        %swap3A_905 = arith.constant 0 : index
        %swap3A_906 = tpu.vector_load %arg30[%swap3A_904, %swap3A_905] {strides = array<i32>} : memref<80x16xf32, #tpu.memory_space<vmem>>, vector<1x16xf32>,
        %swap3A_907 = vector.shape_cast %swap3A_906 : vector<1x16xf32> to vector<16xf32>
        %swap3A_908 = vector.shape_cast %mul3A_902 : vector<16xf32> to vector<1x16xf32>
        tpu.vector_store %arg30[%swap3A_904, %swap3A_905], %swap3A_908 {strides = array<i32>} : memref<80x16xf32, #tpu.memory_space<vmem>>, vector<1x16xf32>,
        %slice3A_909 = vector.extract_strided_slice %get3A_758 {offsets = [15], sizes = [1], strides = [1]} : vector<16xf32> to vector<1xf32>
        %squeeze3A_910 = vector.extract %slice3A_909[0] : f32 from vector<1xf32>
        %mul3A_911 = vector.broadcast %squeeze3A_910 : f32 to vector<16xf32>
        %mul3A_912 = arith.mulf %mul3A_911, %get3A_140 : vector<16xf32>
        %swap3A_913 = arith.constant 63 : i32
        %swap3A_914 = arith.index_cast %swap3A_913 : i32 to index
        %swap3A_915 = arith.constant 0 : index
        %swap3A_916 = tpu.vector_load %arg30[%swap3A_914, %swap3A_915] {strides = array<i32>} : memref<80x16xf32, #tpu.memory_space<vmem>>, vector<1x16xf32>,
        %swap3A_917 = vector.shape_cast %swap3A_916 : vector<1x16xf32> to vector<16xf32>
        %swap3A_918 = vector.shape_cast %mul3A_912 : vector<16xf32> to vector<1x16xf32>
        tpu.vector_store %arg30[%swap3A_914, %swap3A_915], %swap3A_918 {strides = array<i32>} : memref<80x16xf32, #tpu.memory_space<vmem>>, vector<1x16xf32>,
        %get3A_919 = arith.constant 64 : index
        %get3A_920 = tpu.vector_load %arg11[%get3A_919] {strides = array<i32>} : memref<80xi32, #tpu.memory_space<vmem>>, vector<16xi32>,
        %get3A_921 = vector.shape_cast %get3A_920 : vector<16xi32> to vector<16xi32>
        %swap3A_922 = arith.constant 64 : index
        %swap3A_923 = tpu.vector_load %arg15[%swap3A_922] {strides = array<i32>} : memref<80xi32, #tpu.memory_space<vmem>>, vector<16xi32>,
        %swap3A_924 = vector.shape_cast %swap3A_923 : vector<16xi32> to vector<16xi32>
        %swap3A_925 = vector.shape_cast %get3A_921 : vector<16xi32> to vector<16xi32>
        tpu.vector_store %arg15[%swap3A_922], %swap3A_925 {strides = array<i32>} : memref<80xi32, #tpu.memory_space<vmem>>, vector<16xi32>,
        %get3A_926 = arith.constant 64 : index
        %get3A_927 = tpu.vector_load %arg12[%get3A_926] {strides = array<i32>} : memref<80xf32, #tpu.memory_space<vmem>>, vector<16xf32>,
        %get3A_928 = vector.shape_cast %get3A_927 : vector<16xf32> to vector<16xf32>
        %slice3A_929 = vector.extract_strided_slice %get3A_928 {offsets = [0], sizes = [1], strides = [1]} : vector<16xf32> to vector<1xf32>
        %squeeze3A_930 = vector.extract %slice3A_929[0] : f32 from vector<1xf32>
        %mul3A_931 = vector.broadcast %squeeze3A_930 : f32 to vector<16xf32>
        %mul3A_932 = arith.mulf %mul3A_931, %get3A_140 : vector<16xf32>
        %swap3A_933 = arith.constant 64 : i32
        %swap3A_934 = arith.index_cast %swap3A_933 : i32 to index
        %swap3A_935 = arith.constant 0 : index
        %swap3A_936 = tpu.vector_load %arg30[%swap3A_934, %swap3A_935] {strides = array<i32>} : memref<80x16xf32, #tpu.memory_space<vmem>>, vector<1x16xf32>,
        %swap3A_937 = vector.shape_cast %swap3A_936 : vector<1x16xf32> to vector<16xf32>
        %swap3A_938 = vector.shape_cast %mul3A_932 : vector<16xf32> to vector<1x16xf32>
        tpu.vector_store %arg30[%swap3A_934, %swap3A_935], %swap3A_938 {strides = array<i32>} : memref<80x16xf32, #tpu.memory_space<vmem>>, vector<1x16xf32>,
        %slice3A_939 = vector.extract_strided_slice %get3A_928 {offsets = [1], sizes = [1], strides = [1]} : vector<16xf32> to vector<1xf32>
        %squeeze3A_940 = vector.extract %slice3A_939[0] : f32 from vector<1xf32>
        %mul3A_941 = vector.broadcast %squeeze3A_940 : f32 to vector<16xf32>
        %mul3A_942 = arith.mulf %mul3A_941, %get3A_140 : vector<16xf32>
        %swap3A_943 = arith.constant 65 : i32
        %swap3A_944 = arith.index_cast %swap3A_943 : i32 to index
        %swap3A_945 = arith.constant 0 : index
        %swap3A_946 = tpu.vector_load %arg30[%swap3A_944, %swap3A_945] {strides = array<i32>} : memref<80x16xf32, #tpu.memory_space<vmem>>, vector<1x16xf32>,
        %swap3A_947 = vector.shape_cast %swap3A_946 : vector<1x16xf32> to vector<16xf32>
        %swap3A_948 = vector.shape_cast %mul3A_942 : vector<16xf32> to vector<1x16xf32>
        tpu.vector_store %arg30[%swap3A_944, %swap3A_945], %swap3A_948 {strides = array<i32>} : memref<80x16xf32, #tpu.memory_space<vmem>>, vector<1x16xf32>,
        %slice3A_949 = vector.extract_strided_slice %get3A_928 {offsets = [2], sizes = [1], strides = [1]} : vector<16xf32> to vector<1xf32>
        %squeeze3A_950 = vector.extract %slice3A_949[0] : f32 from vector<1xf32>
        %mul3A_951 = vector.broadcast %squeeze3A_950 : f32 to vector<16xf32>
        %mul3A_952 = arith.mulf %mul3A_951, %get3A_140 : vector<16xf32>
        %swap3A_953 = arith.constant 66 : i32
        %swap3A_954 = arith.index_cast %swap3A_953 : i32 to index
        %swap3A_955 = arith.constant 0 : index
        %swap3A_956 = tpu.vector_load %arg30[%swap3A_954, %swap3A_955] {strides = array<i32>} : memref<80x16xf32, #tpu.memory_space<vmem>>, vector<1x16xf32>,
        %swap3A_957 = vector.shape_cast %swap3A_956 : vector<1x16xf32> to vector<16xf32>
        %swap3A_958 = vector.shape_cast %mul3A_952 : vector<16xf32> to vector<1x16xf32>
        tpu.vector_store %arg30[%swap3A_954, %swap3A_955], %swap3A_958 {strides = array<i32>} : memref<80x16xf32, #tpu.memory_space<vmem>>, vector<1x16xf32>,
        %slice3A_959 = vector.extract_strided_slice %get3A_928 {offsets = [3], sizes = [1], strides = [1]} : vector<16xf32> to vector<1xf32>
        %squeeze3A_960 = vector.extract %slice3A_959[0] : f32 from vector<1xf32>
        %mul3A_961 = vector.broadcast %squeeze3A_960 : f32 to vector<16xf32>
        %mul3A_962 = arith.mulf %mul3A_961, %get3A_140 : vector<16xf32>
        %swap3A_963 = arith.constant 67 : i32
        %swap3A_964 = arith.index_cast %swap3A_963 : i32 to index
        %swap3A_965 = arith.constant 0 : index
        %swap3A_966 = tpu.vector_load %arg30[%swap3A_964, %swap3A_965] {strides = array<i32>} : memref<80x16xf32, #tpu.memory_space<vmem>>, vector<1x16xf32>,
        %swap3A_967 = vector.shape_cast %swap3A_966 : vector<1x16xf32> to vector<16xf32>
        %swap3A_968 = vector.shape_cast %mul3A_962 : vector<16xf32> to vector<1x16xf32>
        tpu.vector_store %arg30[%swap3A_964, %swap3A_965], %swap3A_968 {strides = array<i32>} : memref<80x16xf32, #tpu.memory_space<vmem>>, vector<1x16xf32>,
        %slice3A_969 = vector.extract_strided_slice %get3A_928 {offsets = [4], sizes = [1], strides = [1]} : vector<16xf32> to vector<1xf32>
        %squeeze3A_970 = vector.extract %slice3A_969[0] : f32 from vector<1xf32>
        %mul3A_971 = vector.broadcast %squeeze3A_970 : f32 to vector<16xf32>
        %mul3A_972 = arith.mulf %mul3A_971, %get3A_140 : vector<16xf32>
        %swap3A_973 = arith.constant 68 : i32
        %swap3A_974 = arith.index_cast %swap3A_973 : i32 to index
        %swap3A_975 = arith.constant 0 : index
        %swap3A_976 = tpu.vector_load %arg30[%swap3A_974, %swap3A_975] {strides = array<i32>} : memref<80x16xf32, #tpu.memory_space<vmem>>, vector<1x16xf32>,
        %swap3A_977 = vector.shape_cast %swap3A_976 : vector<1x16xf32> to vector<16xf32>
        %swap3A_978 = vector.shape_cast %mul3A_972 : vector<16xf32> to vector<1x16xf32>
        tpu.vector_store %arg30[%swap3A_974, %swap3A_975], %swap3A_978 {strides = array<i32>} : memref<80x16xf32, #tpu.memory_space<vmem>>, vector<1x16xf32>,
        %slice3A_979 = vector.extract_strided_slice %get3A_928 {offsets = [5], sizes = [1], strides = [1]} : vector<16xf32> to vector<1xf32>
        %squeeze3A_980 = vector.extract %slice3A_979[0] : f32 from vector<1xf32>
        %mul3A_981 = vector.broadcast %squeeze3A_980 : f32 to vector<16xf32>
        %mul3A_982 = arith.mulf %mul3A_981, %get3A_140 : vector<16xf32>
        %swap3A_983 = arith.constant 69 : i32
        %swap3A_984 = arith.index_cast %swap3A_983 : i32 to index
        %swap3A_985 = arith.constant 0 : index
        %swap3A_986 = tpu.vector_load %arg30[%swap3A_984, %swap3A_985] {strides = array<i32>} : memref<80x16xf32, #tpu.memory_space<vmem>>, vector<1x16xf32>,
        %swap3A_987 = vector.shape_cast %swap3A_986 : vector<1x16xf32> to vector<16xf32>
        %swap3A_988 = vector.shape_cast %mul3A_982 : vector<16xf32> to vector<1x16xf32>
        tpu.vector_store %arg30[%swap3A_984, %swap3A_985], %swap3A_988 {strides = array<i32>} : memref<80x16xf32, #tpu.memory_space<vmem>>, vector<1x16xf32>,
        %slice3A_989 = vector.extract_strided_slice %get3A_928 {offsets = [6], sizes = [1], strides = [1]} : vector<16xf32> to vector<1xf32>
        %squeeze3A_990 = vector.extract %slice3A_989[0] : f32 from vector<1xf32>
        %mul3A_991 = vector.broadcast %squeeze3A_990 : f32 to vector<16xf32>
        %mul3A_992 = arith.mulf %mul3A_991, %get3A_140 : vector<16xf32>
        %swap3A_993 = arith.constant 70 : i32
        %swap3A_994 = arith.index_cast %swap3A_993 : i32 to index
        %swap3A_995 = arith.constant 0 : index
        %swap3A_996 = tpu.vector_load %arg30[%swap3A_994, %swap3A_995] {strides = array<i32>} : memref<80x16xf32, #tpu.memory_space<vmem>>, vector<1x16xf32>,
        %swap3A_997 = vector.shape_cast %swap3A_996 : vector<1x16xf32> to vector<16xf32>
        %swap3A_998 = vector.shape_cast %mul3A_992 : vector<16xf32> to vector<1x16xf32>
        tpu.vector_store %arg30[%swap3A_994, %swap3A_995], %swap3A_998 {strides = array<i32>} : memref<80x16xf32, #tpu.memory_space<vmem>>, vector<1x16xf32>,
        %slice3A_999 = vector.extract_strided_slice %get3A_928 {offsets = [7], sizes = [1], strides = [1]} : vector<16xf32> to vector<1xf32>
        %squeeze3A_1000 = vector.extract %slice3A_999[0] : f32 from vector<1xf32>
        %mul3A_1001 = vector.broadcast %squeeze3A_1000 : f32 to vector<16xf32>
        %mul3A_1002 = arith.mulf %mul3A_1001, %get3A_140 : vector<16xf32>
        %swap3A_1003 = arith.constant 71 : i32
        %swap3A_1004 = arith.index_cast %swap3A_1003 : i32 to index
        %swap3A_1005 = arith.constant 0 : index
        %swap3A_1006 = tpu.vector_load %arg30[%swap3A_1004, %swap3A_1005] {strides = array<i32>} : memref<80x16xf32, #tpu.memory_space<vmem>>, vector<1x16xf32>,
        %swap3A_1007 = vector.shape_cast %swap3A_1006 : vector<1x16xf32> to vector<16xf32>
        %swap3A_1008 = vector.shape_cast %mul3A_1002 : vector<16xf32> to vector<1x16xf32>
        tpu.vector_store %arg30[%swap3A_1004, %swap3A_1005], %swap3A_1008 {strides = array<i32>} : memref<80x16xf32, #tpu.memory_space<vmem>>, vector<1x16xf32>,
        %slice3A_1009 = vector.extract_strided_slice %get3A_928 {offsets = [8], sizes = [1], strides = [1]} : vector<16xf32> to vector<1xf32>
        %squeeze3A_1010 = vector.extract %slice3A_1009[0] : f32 from vector<1xf32>
        %mul3A_1011 = vector.broadcast %squeeze3A_1010 : f32 to vector<16xf32>
        %mul3A_1012 = arith.mulf %mul3A_1011, %get3A_140 : vector<16xf32>
        %swap3A_1013 = arith.constant 72 : i32
        %swap3A_1014 = arith.index_cast %swap3A_1013 : i32 to index
        %swap3A_1015 = arith.constant 0 : index
        %swap3A_1016 = tpu.vector_load %arg30[%swap3A_1014, %swap3A_1015] {strides = array<i32>} : memref<80x16xf32, #tpu.memory_space<vmem>>, vector<1x16xf32>,
        %swap3A_1017 = vector.shape_cast %swap3A_1016 : vector<1x16xf32> to vector<16xf32>
        %swap3A_1018 = vector.shape_cast %mul3A_1012 : vector<16xf32> to vector<1x16xf32>
        tpu.vector_store %arg30[%swap3A_1014, %swap3A_1015], %swap3A_1018 {strides = array<i32>} : memref<80x16xf32, #tpu.memory_space<vmem>>, vector<1x16xf32>,
        %slice3A_1019 = vector.extract_strided_slice %get3A_928 {offsets = [9], sizes = [1], strides = [1]} : vector<16xf32> to vector<1xf32>
        %squeeze3A_1020 = vector.extract %slice3A_1019[0] : f32 from vector<1xf32>
        %mul3A_1021 = vector.broadcast %squeeze3A_1020 : f32 to vector<16xf32>
        %mul3A_1022 = arith.mulf %mul3A_1021, %get3A_140 : vector<16xf32>
        %swap3A_1023 = arith.constant 73 : i32
        %swap3A_1024 = arith.index_cast %swap3A_1023 : i32 to index
        %swap3A_1025 = arith.constant 0 : index
        %swap3A_1026 = tpu.vector_load %arg30[%swap3A_1024, %swap3A_1025] {strides = array<i32>} : memref<80x16xf32, #tpu.memory_space<vmem>>, vector<1x16xf32>,
        %swap3A_1027 = vector.shape_cast %swap3A_1026 : vector<1x16xf32> to vector<16xf32>
        %swap3A_1028 = vector.shape_cast %mul3A_1022 : vector<16xf32> to vector<1x16xf32>
        tpu.vector_store %arg30[%swap3A_1024, %swap3A_1025], %swap3A_1028 {strides = array<i32>} : memref<80x16xf32, #tpu.memory_space<vmem>>, vector<1x16xf32>,
        %slice3A_1029 = vector.extract_strided_slice %get3A_928 {offsets = [10], sizes = [1], strides = [1]} : vector<16xf32> to vector<1xf32>
        %squeeze3A_1030 = vector.extract %slice3A_1029[0] : f32 from vector<1xf32>
        %mul3A_1031 = vector.broadcast %squeeze3A_1030 : f32 to vector<16xf32>
        %mul3A_1032 = arith.mulf %mul3A_1031, %get3A_140 : vector<16xf32>
        %swap3A_1033 = arith.constant 74 : i32
        %swap3A_1034 = arith.index_cast %swap3A_1033 : i32 to index
        %swap3A_1035 = arith.constant 0 : index
        %swap3A_1036 = tpu.vector_load %arg30[%swap3A_1034, %swap3A_1035] {strides = array<i32>} : memref<80x16xf32, #tpu.memory_space<vmem>>, vector<1x16xf32>,
        %swap3A_1037 = vector.shape_cast %swap3A_1036 : vector<1x16xf32> to vector<16xf32>
        %swap3A_1038 = vector.shape_cast %mul3A_1032 : vector<16xf32> to vector<1x16xf32>
        tpu.vector_store %arg30[%swap3A_1034, %swap3A_1035], %swap3A_1038 {strides = array<i32>} : memref<80x16xf32, #tpu.memory_space<vmem>>, vector<1x16xf32>,
        %slice3A_1039 = vector.extract_strided_slice %get3A_928 {offsets = [11], sizes = [1], strides = [1]} : vector<16xf32> to vector<1xf32>
        %squeeze3A_1040 = vector.extract %slice3A_1039[0] : f32 from vector<1xf32>
        %mul3A_1041 = vector.broadcast %squeeze3A_1040 : f32 to vector<16xf32>
        %mul3A_1042 = arith.mulf %mul3A_1041, %get3A_140 : vector<16xf32>
        %swap3A_1043 = arith.constant 75 : i32
        %swap3A_1044 = arith.index_cast %swap3A_1043 : i32 to index
        %swap3A_1045 = arith.constant 0 : index
        %swap3A_1046 = tpu.vector_load %arg30[%swap3A_1044, %swap3A_1045] {strides = array<i32>} : memref<80x16xf32, #tpu.memory_space<vmem>>, vector<1x16xf32>,
        %swap3A_1047 = vector.shape_cast %swap3A_1046 : vector<1x16xf32> to vector<16xf32>
        %swap3A_1048 = vector.shape_cast %mul3A_1042 : vector<16xf32> to vector<1x16xf32>
        tpu.vector_store %arg30[%swap3A_1044, %swap3A_1045], %swap3A_1048 {strides = array<i32>} : memref<80x16xf32, #tpu.memory_space<vmem>>, vector<1x16xf32>,
        %slice3A_1049 = vector.extract_strided_slice %get3A_928 {offsets = [12], sizes = [1], strides = [1]} : vector<16xf32> to vector<1xf32>
        %squeeze3A_1050 = vector.extract %slice3A_1049[0] : f32 from vector<1xf32>
        %mul3A_1051 = vector.broadcast %squeeze3A_1050 : f32 to vector<16xf32>
        %mul3A_1052 = arith.mulf %mul3A_1051, %get3A_140 : vector<16xf32>
        %swap3A_1053 = arith.constant 76 : i32
        %swap3A_1054 = arith.index_cast %swap3A_1053 : i32 to index
        %swap3A_1055 = arith.constant 0 : index
        %swap3A_1056 = tpu.vector_load %arg30[%swap3A_1054, %swap3A_1055] {strides = array<i32>} : memref<80x16xf32, #tpu.memory_space<vmem>>, vector<1x16xf32>,
        %swap3A_1057 = vector.shape_cast %swap3A_1056 : vector<1x16xf32> to vector<16xf32>
        %swap3A_1058 = vector.shape_cast %mul3A_1052 : vector<16xf32> to vector<1x16xf32>
        tpu.vector_store %arg30[%swap3A_1054, %swap3A_1055], %swap3A_1058 {strides = array<i32>} : memref<80x16xf32, #tpu.memory_space<vmem>>, vector<1x16xf32>,
        %slice3A_1059 = vector.extract_strided_slice %get3A_928 {offsets = [13], sizes = [1], strides = [1]} : vector<16xf32> to vector<1xf32>
        %squeeze3A_1060 = vector.extract %slice3A_1059[0] : f32 from vector<1xf32>
        %mul3A_1061 = vector.broadcast %squeeze3A_1060 : f32 to vector<16xf32>
        %mul3A_1062 = arith.mulf %mul3A_1061, %get3A_140 : vector<16xf32>
        %swap3A_1063 = arith.constant 77 : i32
        %swap3A_1064 = arith.index_cast %swap3A_1063 : i32 to index
        %swap3A_1065 = arith.constant 0 : index
        %swap3A_1066 = tpu.vector_load %arg30[%swap3A_1064, %swap3A_1065] {strides = array<i32>} : memref<80x16xf32, #tpu.memory_space<vmem>>, vector<1x16xf32>,
        %swap3A_1067 = vector.shape_cast %swap3A_1066 : vector<1x16xf32> to vector<16xf32>
        %swap3A_1068 = vector.shape_cast %mul3A_1062 : vector<16xf32> to vector<1x16xf32>
        tpu.vector_store %arg30[%swap3A_1064, %swap3A_1065], %swap3A_1068 {strides = array<i32>} : memref<80x16xf32, #tpu.memory_space<vmem>>, vector<1x16xf32>,
        %slice3A_1069 = vector.extract_strided_slice %get3A_928 {offsets = [14], sizes = [1], strides = [1]} : vector<16xf32> to vector<1xf32>
        %squeeze3A_1070 = vector.extract %slice3A_1069[0] : f32 from vector<1xf32>
        %mul3A_1071 = vector.broadcast %squeeze3A_1070 : f32 to vector<16xf32>
        %mul3A_1072 = arith.mulf %mul3A_1071, %get3A_140 : vector<16xf32>
        %swap3A_1073 = arith.constant 78 : i32
        %swap3A_1074 = arith.index_cast %swap3A_1073 : i32 to index
        %swap3A_1075 = arith.constant 0 : index
        %swap3A_1076 = tpu.vector_load %arg30[%swap3A_1074, %swap3A_1075] {strides = array<i32>} : memref<80x16xf32, #tpu.memory_space<vmem>>, vector<1x16xf32>,
        %swap3A_1077 = vector.shape_cast %swap3A_1076 : vector<1x16xf32> to vector<16xf32>
        %swap3A_1078 = vector.shape_cast %mul3A_1072 : vector<16xf32> to vector<1x16xf32>
        tpu.vector_store %arg30[%swap3A_1074, %swap3A_1075], %swap3A_1078 {strides = array<i32>} : memref<80x16xf32, #tpu.memory_space<vmem>>, vector<1x16xf32>,
        %slice3A_1079 = vector.extract_strided_slice %get3A_928 {offsets = [15], sizes = [1], strides = [1]} : vector<16xf32> to vector<1xf32>
        %squeeze3A_1080 = vector.extract %slice3A_1079[0] : f32 from vector<1xf32>
        %mul3A_1081 = vector.broadcast %squeeze3A_1080 : f32 to vector<16xf32>
        %mul3A_1082 = arith.mulf %mul3A_1081, %get3A_140 : vector<16xf32>
        %swap3A_1083 = arith.constant 79 : i32
        %swap3A_1084 = arith.index_cast %swap3A_1083 : i32 to index
        %swap3A_1085 = arith.constant 0 : index
        %swap3A_1086 = tpu.vector_load %arg30[%swap3A_1084, %swap3A_1085] {strides = array<i32>} : memref<80x16xf32, #tpu.memory_space<vmem>>, vector<1x16xf32>,
        %swap3A_1087 = vector.shape_cast %swap3A_1086 : vector<1x16xf32> to vector<16xf32>
        %swap3A_1088 = vector.shape_cast %mul3A_1082 : vector<16xf32> to vector<1x16xf32>
        tpu.vector_store %arg30[%swap3A_1084, %swap3A_1085], %swap3A_1088 {strides = array<i32>} : memref<80x16xf32, #tpu.memory_space<vmem>>, vector<1x16xf32>,
        %dma_wait3A_1089 = arith.constant 0 : i32
        %dma_wait3A_1090 = arith.constant 0 : i32
        %dma_wait3A_1091 = tpu.memref_slice %arg5[%dma_wait3A_1089, %dma_wait3A_1090] : memref<20000x16xf32, #tpu.memory_space<hbm>> -> memref<80x16xf32, #tpu.memory_space<hbm>>
        %dma_wait3A_1092 = arith.constant 0 : i32
        %dma_wait3A_1093 = arith.constant 0 : i32
        %dma_wait3A_1094 = tpu.memref_slice %arg5[%dma_wait3A_1092, %dma_wait3A_1093] : memref<20000x16xf32, #tpu.memory_space<hbm>> -> memref<80x16xf32, #tpu.memory_space<hbm>>
        tpu.wait_dma2 semaphore(%arg36 : memref<!tpu.dma_semaphore, #tpu.memory_space<semaphore_mem>>) src(%dma_wait3A_1094 : memref<80x16xf32, #tpu.memory_space<hbm>>) dst(%arg16 : memref<80x16xf32, #tpu.memory_space<vmem>>)
        %dma_wait3A_1095 = arith.constant 0 : i32
        %dma_wait3A_1096 = arith.constant 0 : i32
        %dma_wait3A_1097 = tpu.memref_slice %arg5[%dma_wait3A_1095, %dma_wait3A_1096] : memref<20000x16xf32, #tpu.memory_space<hbm>> -> memref<80x16xf32, #tpu.memory_space<hbm>>
        %dma_wait3A_1098 = arith.constant 0 : i32
        %dma_wait3A_1099 = arith.constant 0 : i32
        %dma_wait3A_1100 = tpu.memref_slice %arg5[%dma_wait3A_1098, %dma_wait3A_1099] : memref<20000x16xf32, #tpu.memory_space<hbm>> -> memref<80x16xf32, #tpu.memory_space<hbm>>
        tpu.wait_dma2 semaphore(%arg36 : memref<!tpu.dma_semaphore, #tpu.memory_space<semaphore_mem>>) src(%dma_wait3A_1100 : memref<80x16xf32, #tpu.memory_space<hbm>>) dst(%arg17 : memref<80x16xf32, #tpu.memory_space<vmem>>)
        %dma_wait3A_1101 = arith.constant 0 : i32
        %dma_wait3A_1102 = arith.constant 0 : i32
        %dma_wait3A_1103 = tpu.memref_slice %arg6[%dma_wait3A_1101, %dma_wait3A_1102] : memref<20000x128xf32, #tpu.memory_space<hbm>> -> memref<80x128xf32, #tpu.memory_space<hbm>>
        %dma_wait3A_1104 = arith.constant 0 : i32
        %dma_wait3A_1105 = arith.constant 0 : i32
        %dma_wait3A_1106 = tpu.memref_slice %arg6[%dma_wait3A_1104, %dma_wait3A_1105] : memref<20000x128xf32, #tpu.memory_space<hbm>> -> memref<80x128xf32, #tpu.memory_space<hbm>>
        tpu.wait_dma2 semaphore(%arg36 : memref<!tpu.dma_semaphore, #tpu.memory_space<semaphore_mem>>) src(%dma_wait3A_1106 : memref<80x128xf32, #tpu.memory_space<hbm>>) dst(%arg18 : memref<80x128xf32, #tpu.memory_space<vmem>>)
        %add3A_1107 = arith.constant 2 : i32
        %add3A_1108 = arith.addi %scan3A_200, %add3A_1107 : i32
        %lt3A_1109 = arith.constant 125 : i32
        %lt3A_1110 = arith.cmpi slt, %add3A_1108, %lt3A_1109 : i32
        %convert_element_type3A_1111 = arith.extui %lt3A_1110 : i1 to i32
        %cond3A_1112 = arith.constant 0 : i32
        %cond3A_1113 = arith.cmpi ne, %convert_element_type3A_1111, %cond3A_1112 : i32
        scf.if %cond3A_1113 {
          %add3A_1122 = arith.constant 2 : i32
          %add3A_1123 = arith.addi %scan3A_200, %add3A_1122 : i32
          %mul3A_1124 = arith.constant 80 : i32
          %mul3A_1125 = arith.muli %add3A_1123, %mul3A_1124 : i32
          %add3A_1126 = arith.addi %mul3A_2, %mul3A_1125 : i32
          %dma_start3A_1127 = tpu.memref_slice %arg2[%add3A_1126] : memref<160000xi32, #tpu.memory_space<hbm>> -> memref<80xi32, #tpu.memory_space<hbm>>
          %dma_start3A_1128 = tpu.memref_slice %arg2[%add3A_1126] : memref<160000xi32, #tpu.memory_space<hbm>> -> memref<80xi32, #tpu.memory_space<hbm>>
          tpu.enqueue_dma source(%dma_start3A_1128 : memref<80xi32, #tpu.memory_space<hbm>>) target(%arg10 : memref<80xi32, #tpu.memory_space<vmem>>) target_semaphore(%arg34 : memref<!tpu.dma_semaphore, #tpu.memory_space<semaphore_mem>>)
          %dma_start3A_1129 = tpu.memref_slice %arg3[%add3A_1126] : memref<160000xi32, #tpu.memory_space<hbm>> -> memref<80xi32, #tpu.memory_space<hbm>>
          %dma_start3A_1130 = tpu.memref_slice %arg3[%add3A_1126] : memref<160000xi32, #tpu.memory_space<hbm>> -> memref<80xi32, #tpu.memory_space<hbm>>
          tpu.enqueue_dma source(%dma_start3A_1130 : memref<80xi32, #tpu.memory_space<hbm>>) target(%arg11 : memref<80xi32, #tpu.memory_space<vmem>>) target_semaphore(%arg34 : memref<!tpu.dma_semaphore, #tpu.memory_space<semaphore_mem>>)
          %dma_start3A_1131 = tpu.memref_slice %arg4[%add3A_1126] : memref<160000xf32, #tpu.memory_space<hbm>> -> memref<80xf32, #tpu.memory_space<hbm>>
          %dma_start3A_1132 = tpu.memref_slice %arg4[%add3A_1126] : memref<160000xf32, #tpu.memory_space<hbm>> -> memref<80xf32, #tpu.memory_space<hbm>>
          tpu.enqueue_dma source(%dma_start3A_1132 : memref<80xf32, #tpu.memory_space<hbm>>) target(%arg12 : memref<80xf32, #tpu.memory_space<vmem>>) target_semaphore(%arg34 : memref<!tpu.dma_semaphore, #tpu.memory_space<semaphore_mem>>)
        } else {
        }
        %parallel_loop3A = arith.constant 0 : i32
        %parallel_loop3A_1114 = arith.constant 80 : i32
        %parallel_loop3A_1115 = arith.constant 1 : i32
        scf.for %parallel_loop3A_1122 = %parallel_loop3A to %parallel_loop3A_1114 step %parallel_loop3A_1115  : i32 {
          %parallel_loop3A_1123 = arith.index_cast %parallel_loop3A_1122 : i32 to index
          %parallel_loop3A_1124 = arith.constant 0 : index
          %parallel_loop3A_1125 = tpu.vector_load %arg16[%parallel_loop3A_1123, %parallel_loop3A_1124] {strides = array<i32>} : memref<80x16xf32, #tpu.memory_space<vmem>>, vector<1x16xf32>,
          %parallel_loop3A_1126 = vector.shape_cast %parallel_loop3A_1125 : vector<1x16xf32> to vector<16xf32>
          %parallel_loop3A_1127 = arith.index_cast %parallel_loop3A_1122 : i32 to index
          %parallel_loop3A_1128 = arith.constant 0 : index
          %parallel_loop3A_1129 = tpu.vector_load %arg17[%parallel_loop3A_1127, %parallel_loop3A_1128] {strides = array<i32>} : memref<80x16xf32, #tpu.memory_space<vmem>>, vector<1x16xf32>,
          %parallel_loop3A_1130 = vector.shape_cast %parallel_loop3A_1129 : vector<1x16xf32> to vector<16xf32>
          %parallel_loop3A_1131 = arith.addf %parallel_loop3A_1126, %parallel_loop3A_1130 : vector<16xf32>
          %parallel_loop3A_1132 = arith.index_cast %parallel_loop3A_1122 : i32 to index
          %parallel_loop3A_1133 = arith.constant 0 : index
          %parallel_loop3A_1134 = tpu.vector_load %arg30[%parallel_loop3A_1132, %parallel_loop3A_1133] {strides = array<i32>} : memref<80x16xf32, #tpu.memory_space<vmem>>, vector<1x16xf32>,
          %parallel_loop3A_1135 = vector.shape_cast %parallel_loop3A_1134 : vector<1x16xf32> to vector<16xf32>
          %parallel_loop3A_1136 = arith.addf %parallel_loop3A_1131, %parallel_loop3A_1135 : vector<16xf32>
          %parallel_loop3A_1137 = arith.constant 2.000000e-01 : f32
          %parallel_loop3A_1138 = vector.broadcast %parallel_loop3A_1137 : f32 to vector<16xf32>
          %parallel_loop3A_1139 = arith.mulf %parallel_loop3A_1138, %parallel_loop3A_1136 : vector<16xf32>
          %parallel_loop3A_1140 = arith.maximumf %parallel_loop3A_1136, %parallel_loop3A_1139 : vector<16xf32>
          %parallel_loop3A_1141 = math.exp %parallel_loop3A_1140 : vector<16xf32>
          %parallel_loop3A_1142 = arith.index_cast %parallel_loop3A_1122 : i32 to index
          %parallel_loop3A_1143 = arith.constant 0 : index
          %parallel_loop3A_1144 = tpu.vector_load %arg19[%parallel_loop3A_1142, %parallel_loop3A_1143] {strides = array<i32>} : memref<80x16xf32, #tpu.memory_space<vmem>>, vector<1x16xf32>,
          %parallel_loop3A_1145 = vector.shape_cast %parallel_loop3A_1144 : vector<1x16xf32> to vector<16xf32>
          %parallel_loop3A_1146 = vector.shape_cast %parallel_loop3A_1141 : vector<16xf32> to vector<1x16xf32>
          tpu.vector_store %arg19[%parallel_loop3A_1142, %parallel_loop3A_1143], %parallel_loop3A_1146 {strides = array<i32>} : memref<80x16xf32, #tpu.memory_space<vmem>>, vector<1x16xf32>,
          %parallel_loop3A_1147 = arith.constant 0 : i32
          %parallel_loop3A_1148 = vector.broadcast %parallel_loop3A_1147 : i32 to vector<16xi32>
          %parallel_loop3A_1149 = arith.cmpi slt, %broadcast_in_dim3A, %parallel_loop3A_1148 : vector<16xi32>
          %parallel_loop3A_1150 = arith.constant 16 : i32
          %parallel_loop3A_1151 = vector.broadcast %parallel_loop3A_1150 : i32 to vector<16xi32>
          %parallel_loop3A_1152 = arith.addi %broadcast_in_dim3A, %parallel_loop3A_1151 : vector<16xi32>
          %parallel_loop3A_1153 = arith.select %parallel_loop3A_1149, %parallel_loop3A_1152, %broadcast_in_dim3A : vector<16xi1>, vector<16xi32>
          %parallel_loop3A_1154 = vector.shape_cast %parallel_loop3A_1153 : vector<16xi32> to vector<16x1xi32>
          %parallel_loop3A_1155 = vector.shape_cast %parallel_loop3A_1154 : vector<16x1xi32> to vector<16xi32>
          %parallel_loop3A_1156 = tpu.dynamic_gather %parallel_loop3A_1141[%parallel_loop3A_1155] in [0] : vector<16xf32>, vector<16xi32> -> vector<16xf32>
          %parallel_loop3A_1157 = arith.index_cast %parallel_loop3A_1122 : i32 to index
          %parallel_loop3A_1158 = arith.constant 0 : index
          %parallel_loop3A_1159 = tpu.vector_load %arg18[%parallel_loop3A_1157, %parallel_loop3A_1158] {strides = array<i32>} : memref<80x128xf32, #tpu.memory_space<vmem>>, vector<1x16xf32>,
          %parallel_loop3A_1160 = vector.shape_cast %parallel_loop3A_1159 : vector<1x16xf32> to vector<16xf32>
          %parallel_loop3A_1161 = arith.mulf %parallel_loop3A_1160, %parallel_loop3A_1156 : vector<16xf32>
          %parallel_loop3A_1162 = arith.index_cast %parallel_loop3A_1122 : i32 to index
          %parallel_loop3A_1163 = arith.constant 0 : index
          %parallel_loop3A_1164 = tpu.vector_load %arg18[%parallel_loop3A_1162, %parallel_loop3A_1163] {strides = array<i32>} : memref<80x128xf32, #tpu.memory_space<vmem>>, vector<1x16xf32>,
          %parallel_loop3A_1165 = vector.shape_cast %parallel_loop3A_1164 : vector<1x16xf32> to vector<16xf32>
          %parallel_loop3A_1166 = vector.shape_cast %parallel_loop3A_1161 : vector<16xf32> to vector<1x16xf32>
          tpu.vector_store %arg18[%parallel_loop3A_1162, %parallel_loop3A_1163], %parallel_loop3A_1166 {strides = array<i32>} : memref<80x128xf32, #tpu.memory_space<vmem>>, vector<1x16xf32>,
          %parallel_loop3A_1167 = arith.index_cast %parallel_loop3A_1122 : i32 to index
          %parallel_loop3A_1168 = arith.constant 16 : index
          %parallel_loop3A_1169 = tpu.vector_load %arg18[%parallel_loop3A_1167, %parallel_loop3A_1168] {strides = array<i32>} : memref<80x128xf32, #tpu.memory_space<vmem>>, vector<1x16xf32>,
          %parallel_loop3A_1170 = vector.shape_cast %parallel_loop3A_1169 : vector<1x16xf32> to vector<16xf32>
          %parallel_loop3A_1171 = arith.mulf %parallel_loop3A_1170, %parallel_loop3A_1156 : vector<16xf32>
          %parallel_loop3A_1172 = arith.index_cast %parallel_loop3A_1122 : i32 to index
          %parallel_loop3A_1173 = arith.constant 16 : index
          %parallel_loop3A_1174 = tpu.vector_load %arg18[%parallel_loop3A_1172, %parallel_loop3A_1173] {strides = array<i32>} : memref<80x128xf32, #tpu.memory_space<vmem>>, vector<1x16xf32>,
          %parallel_loop3A_1175 = vector.shape_cast %parallel_loop3A_1174 : vector<1x16xf32> to vector<16xf32>
          %parallel_loop3A_1176 = vector.shape_cast %parallel_loop3A_1171 : vector<16xf32> to vector<1x16xf32>
          tpu.vector_store %arg18[%parallel_loop3A_1172, %parallel_loop3A_1173], %parallel_loop3A_1176 {strides = array<i32>} : memref<80x128xf32, #tpu.memory_space<vmem>>, vector<1x16xf32>,
          %parallel_loop3A_1177 = arith.constant 0 : i32
          %parallel_loop3A_1178 = vector.broadcast %parallel_loop3A_1177 : i32 to vector<16xi32>
          %parallel_loop3A_1179 = arith.cmpi slt, %broadcast_in_dim3A_145, %parallel_loop3A_1178 : vector<16xi32>
          %parallel_loop3A_1180 = arith.constant 16 : i32
          %parallel_loop3A_1181 = vector.broadcast %parallel_loop3A_1180 : i32 to vector<16xi32>
          %parallel_loop3A_1182 = arith.addi %broadcast_in_dim3A_145, %parallel_loop3A_1181 : vector<16xi32>
          %parallel_loop3A_1183 = arith.select %parallel_loop3A_1179, %parallel_loop3A_1182, %broadcast_in_dim3A_145 : vector<16xi1>, vector<16xi32>
          %parallel_loop3A_1184 = vector.shape_cast %parallel_loop3A_1183 : vector<16xi32> to vector<16x1xi32>
          %parallel_loop3A_1185 = vector.shape_cast %parallel_loop3A_1184 : vector<16x1xi32> to vector<16xi32>
          %parallel_loop3A_1186 = tpu.dynamic_gather %parallel_loop3A_1141[%parallel_loop3A_1185] in [0] : vector<16xf32>, vector<16xi32> -> vector<16xf32>
          %parallel_loop3A_1187 = arith.index_cast %parallel_loop3A_1122 : i32 to index
          %parallel_loop3A_1188 = arith.constant 32 : index
          %parallel_loop3A_1189 = tpu.vector_load %arg18[%parallel_loop3A_1187, %parallel_loop3A_1188] {strides = array<i32>} : memref<80x128xf32, #tpu.memory_space<vmem>>, vector<1x16xf32>,
          %parallel_loop3A_1190 = vector.shape_cast %parallel_loop3A_1189 : vector<1x16xf32> to vector<16xf32>
          %parallel_loop3A_1191 = arith.mulf %parallel_loop3A_1190, %parallel_loop3A_1186 : vector<16xf32>
          %parallel_loop3A_1192 = arith.index_cast %parallel_loop3A_1122 : i32 to index
          %parallel_loop3A_1193 = arith.constant 32 : index
          %parallel_loop3A_1194 = tpu.vector_load %arg18[%parallel_loop3A_1192, %parallel_loop3A_1193] {strides = array<i32>} : memref<80x128xf32, #tpu.memory_space<vmem>>, vector<1x16xf32>,
          %parallel_loop3A_1195 = vector.shape_cast %parallel_loop3A_1194 : vector<1x16xf32> to vector<16xf32>
          %parallel_loop3A_1196 = vector.shape_cast %parallel_loop3A_1191 : vector<16xf32> to vector<1x16xf32>
          tpu.vector_store %arg18[%parallel_loop3A_1192, %parallel_loop3A_1193], %parallel_loop3A_1196 {strides = array<i32>} : memref<80x128xf32, #tpu.memory_space<vmem>>, vector<1x16xf32>,
          %parallel_loop3A_1197 = arith.index_cast %parallel_loop3A_1122 : i32 to index
          %parallel_loop3A_1198 = arith.constant 48 : index
          %parallel_loop3A_1199 = tpu.vector_load %arg18[%parallel_loop3A_1197, %parallel_loop3A_1198] {strides = array<i32>} : memref<80x128xf32, #tpu.memory_space<vmem>>, vector<1x16xf32>,
          %parallel_loop3A_1200 = vector.shape_cast %parallel_loop3A_1199 : vector<1x16xf32> to vector<16xf32>
          %parallel_loop3A_1201 = arith.mulf %parallel_loop3A_1200, %parallel_loop3A_1186 : vector<16xf32>
          %parallel_loop3A_1202 = arith.index_cast %parallel_loop3A_1122 : i32 to index
          %parallel_loop3A_1203 = arith.constant 48 : index
          %parallel_loop3A_1204 = tpu.vector_load %arg18[%parallel_loop3A_1202, %parallel_loop3A_1203] {strides = array<i32>} : memref<80x128xf32, #tpu.memory_space<vmem>>, vector<1x16xf32>,
          %parallel_loop3A_1205 = vector.shape_cast %parallel_loop3A_1204 : vector<1x16xf32> to vector<16xf32>
          %parallel_loop3A_1206 = vector.shape_cast %parallel_loop3A_1201 : vector<16xf32> to vector<1x16xf32>
          tpu.vector_store %arg18[%parallel_loop3A_1202, %parallel_loop3A_1203], %parallel_loop3A_1206 {strides = array<i32>} : memref<80x128xf32, #tpu.memory_space<vmem>>, vector<1x16xf32>,
          %parallel_loop3A_1207 = arith.constant 0 : i32
          %parallel_loop3A_1208 = vector.broadcast %parallel_loop3A_1207 : i32 to vector<16xi32>
          %parallel_loop3A_1209 = arith.cmpi slt, %broadcast_in_dim3A_148, %parallel_loop3A_1208 : vector<16xi32>
          %parallel_loop3A_1210 = arith.constant 16 : i32
          %parallel_loop3A_1211 = vector.broadcast %parallel_loop3A_1210 : i32 to vector<16xi32>
          %parallel_loop3A_1212 = arith.addi %broadcast_in_dim3A_148, %parallel_loop3A_1211 : vector<16xi32>
          %parallel_loop3A_1213 = arith.select %parallel_loop3A_1209, %parallel_loop3A_1212, %broadcast_in_dim3A_148 : vector<16xi1>, vector<16xi32>
          %parallel_loop3A_1214 = vector.shape_cast %parallel_loop3A_1213 : vector<16xi32> to vector<16x1xi32>
          %parallel_loop3A_1215 = vector.shape_cast %parallel_loop3A_1214 : vector<16x1xi32> to vector<16xi32>
          %parallel_loop3A_1216 = tpu.dynamic_gather %parallel_loop3A_1141[%parallel_loop3A_1215] in [0] : vector<16xf32>, vector<16xi32> -> vector<16xf32>
          %parallel_loop3A_1217 = arith.index_cast %parallel_loop3A_1122 : i32 to index
          %parallel_loop3A_1218 = arith.constant 64 : index
          %parallel_loop3A_1219 = tpu.vector_load %arg18[%parallel_loop3A_1217, %parallel_loop3A_1218] {strides = array<i32>} : memref<80x128xf32, #tpu.memory_space<vmem>>, vector<1x16xf32>,
          %parallel_loop3A_1220 = vector.shape_cast %parallel_loop3A_1219 : vector<1x16xf32> to vector<16xf32>
          %parallel_loop3A_1221 = arith.mulf %parallel_loop3A_1220, %parallel_loop3A_1216 : vector<16xf32>
          %parallel_loop3A_1222 = arith.index_cast %parallel_loop3A_1122 : i32 to index
          %parallel_loop3A_1223 = arith.constant 64 : index
          %parallel_loop3A_1224 = tpu.vector_load %arg18[%parallel_loop3A_1222, %parallel_loop3A_1223] {strides = array<i32>} : memref<80x128xf32, #tpu.memory_space<vmem>>, vector<1x16xf32>,
          %parallel_loop3A_1225 = vector.shape_cast %parallel_loop3A_1224 : vector<1x16xf32> to vector<16xf32>
          %parallel_loop3A_1226 = vector.shape_cast %parallel_loop3A_1221 : vector<16xf32> to vector<1x16xf32>
          tpu.vector_store %arg18[%parallel_loop3A_1222, %parallel_loop3A_1223], %parallel_loop3A_1226 {strides = array<i32>} : memref<80x128xf32, #tpu.memory_space<vmem>>, vector<1x16xf32>,
          %parallel_loop3A_1227 = arith.index_cast %parallel_loop3A_1122 : i32 to index
          %parallel_loop3A_1228 = arith.constant 80 : index
          %parallel_loop3A_1229 = tpu.vector_load %arg18[%parallel_loop3A_1227, %parallel_loop3A_1228] {strides = array<i32>} : memref<80x128xf32, #tpu.memory_space<vmem>>, vector<1x16xf32>,
          %parallel_loop3A_1230 = vector.shape_cast %parallel_loop3A_1229 : vector<1x16xf32> to vector<16xf32>
          %parallel_loop3A_1231 = arith.mulf %parallel_loop3A_1230, %parallel_loop3A_1216 : vector<16xf32>
          %parallel_loop3A_1232 = arith.index_cast %parallel_loop3A_1122 : i32 to index
          %parallel_loop3A_1233 = arith.constant 80 : index
          %parallel_loop3A_1234 = tpu.vector_load %arg18[%parallel_loop3A_1232, %parallel_loop3A_1233] {strides = array<i32>} : memref<80x128xf32, #tpu.memory_space<vmem>>, vector<1x16xf32>,
          %parallel_loop3A_1235 = vector.shape_cast %parallel_loop3A_1234 : vector<1x16xf32> to vector<16xf32>
          %parallel_loop3A_1236 = vector.shape_cast %parallel_loop3A_1231 : vector<16xf32> to vector<1x16xf32>
          tpu.vector_store %arg18[%parallel_loop3A_1232, %parallel_loop3A_1233], %parallel_loop3A_1236 {strides = array<i32>} : memref<80x128xf32, #tpu.memory_space<vmem>>, vector<1x16xf32>,
          %parallel_loop3A_1237 = arith.constant 0 : i32
          %parallel_loop3A_1238 = vector.broadcast %parallel_loop3A_1237 : i32 to vector<16xi32>
          %parallel_loop3A_1239 = arith.cmpi slt, %broadcast_in_dim3A_151, %parallel_loop3A_1238 : vector<16xi32>
          %parallel_loop3A_1240 = arith.constant 16 : i32
          %parallel_loop3A_1241 = vector.broadcast %parallel_loop3A_1240 : i32 to vector<16xi32>
          %parallel_loop3A_1242 = arith.addi %broadcast_in_dim3A_151, %parallel_loop3A_1241 : vector<16xi32>
          %parallel_loop3A_1243 = arith.select %parallel_loop3A_1239, %parallel_loop3A_1242, %broadcast_in_dim3A_151 : vector<16xi1>, vector<16xi32>
          %parallel_loop3A_1244 = vector.shape_cast %parallel_loop3A_1243 : vector<16xi32> to vector<16x1xi32>
          %parallel_loop3A_1245 = vector.shape_cast %parallel_loop3A_1244 : vector<16x1xi32> to vector<16xi32>
          %parallel_loop3A_1246 = tpu.dynamic_gather %parallel_loop3A_1141[%parallel_loop3A_1245] in [0] : vector<16xf32>, vector<16xi32> -> vector<16xf32>
          %parallel_loop3A_1247 = arith.index_cast %parallel_loop3A_1122 : i32 to index
          %parallel_loop3A_1248 = arith.constant 96 : index
          %parallel_loop3A_1249 = tpu.vector_load %arg18[%parallel_loop3A_1247, %parallel_loop3A_1248] {strides = array<i32>} : memref<80x128xf32, #tpu.memory_space<vmem>>, vector<1x16xf32>,
          %parallel_loop3A_1250 = vector.shape_cast %parallel_loop3A_1249 : vector<1x16xf32> to vector<16xf32>
          %parallel_loop3A_1251 = arith.mulf %parallel_loop3A_1250, %parallel_loop3A_1246 : vector<16xf32>
          %parallel_loop3A_1252 = arith.index_cast %parallel_loop3A_1122 : i32 to index
          %parallel_loop3A_1253 = arith.constant 96 : index
          %parallel_loop3A_1254 = tpu.vector_load %arg18[%parallel_loop3A_1252, %parallel_loop3A_1253] {strides = array<i32>} : memref<80x128xf32, #tpu.memory_space<vmem>>, vector<1x16xf32>,
          %parallel_loop3A_1255 = vector.shape_cast %parallel_loop3A_1254 : vector<1x16xf32> to vector<16xf32>
          %parallel_loop3A_1256 = vector.shape_cast %parallel_loop3A_1251 : vector<16xf32> to vector<1x16xf32>
          tpu.vector_store %arg18[%parallel_loop3A_1252, %parallel_loop3A_1253], %parallel_loop3A_1256 {strides = array<i32>} : memref<80x128xf32, #tpu.memory_space<vmem>>, vector<1x16xf32>,
          %parallel_loop3A_1257 = arith.index_cast %parallel_loop3A_1122 : i32 to index
          %parallel_loop3A_1258 = arith.constant 112 : index
          %parallel_loop3A_1259 = tpu.vector_load %arg18[%parallel_loop3A_1257, %parallel_loop3A_1258] {strides = array<i32>} : memref<80x128xf32, #tpu.memory_space<vmem>>, vector<1x16xf32>,
          %parallel_loop3A_1260 = vector.shape_cast %parallel_loop3A_1259 : vector<1x16xf32> to vector<16xf32>
          %parallel_loop3A_1261 = arith.mulf %parallel_loop3A_1260, %parallel_loop3A_1246 : vector<16xf32>
          %parallel_loop3A_1262 = arith.index_cast %parallel_loop3A_1122 : i32 to index
          %parallel_loop3A_1263 = arith.constant 112 : index
          %parallel_loop3A_1264 = tpu.vector_load %arg18[%parallel_loop3A_1262, %parallel_loop3A_1263] {strides = array<i32>} : memref<80x128xf32, #tpu.memory_space<vmem>>, vector<1x16xf32>,
          %parallel_loop3A_1265 = vector.shape_cast %parallel_loop3A_1264 : vector<1x16xf32> to vector<16xf32>
          %parallel_loop3A_1266 = vector.shape_cast %parallel_loop3A_1261 : vector<16xf32> to vector<1x16xf32>
          tpu.vector_store %arg18[%parallel_loop3A_1262, %parallel_loop3A_1263], %parallel_loop3A_1266 {strides = array<i32>} : memref<80x128xf32, #tpu.memory_space<vmem>>, vector<1x16xf32>,
        } {sc.loop_unroll_factor = 4 : i64, sc.parallel_access}
        %dma_start3A_1116 = arith.constant 0 : i32
        %dma_start3A_1117 = arith.constant 0 : i32
        %dma_start3A_1118 = tpu.memref_slice %arg33[%dma_start3A_1116, %dma_start3A_1117] : memref<10240x16xf32, #tpu.memory_space<vmem_shared>> -> memref<10240x16xf32, #tpu.memory_space<vmem_shared>>
        tpu.enqueue_indirect_dma source(%arg19 : memref<80x16xf32, #tpu.memory_space<vmem>>) target(%dma_start3A_1118 : memref<10240x16xf32, #tpu.memory_space<vmem_shared>>) offsets(%arg15 : memref<80xi32, #tpu.memory_space<vmem>>) semaphore(%arg38 : memref<!tpu.dma_semaphore, #tpu.memory_space<semaphore_mem>>) {add = true}
        %dma_start3A_1119 = arith.constant 0 : i32
        %dma_start3A_1120 = arith.constant 0 : i32
        %dma_start3A_1121 = tpu.memref_slice %arg32[%dma_start3A_1119, %dma_start3A_1120] : memref<10240x128xf32, #tpu.memory_space<vmem_shared>> -> memref<10240x128xf32, #tpu.memory_space<vmem_shared>>
        tpu.enqueue_indirect_dma source(%arg18 : memref<80x128xf32, #tpu.memory_space<vmem>>) target(%dma_start3A_1121 : memref<10240x128xf32, #tpu.memory_space<vmem_shared>>) offsets(%arg15 : memref<80xi32, #tpu.memory_space<vmem>>) semaphore(%arg38 : memref<!tpu.dma_semaphore, #tpu.memory_space<semaphore_mem>>) {add = true}
      } else {
      }
      %jit3A_213 = arith.constant 2 : i32
      %eq3A_214 = arith.constant 0 : i32
      %eq3A_215 = arith.cmpi eq, %jit3A_213, %eq3A_214 : i32
      %jit3A_216 = arith.constant 1 : i32
      %select_n3A_217 = arith.select %eq3A_215, %jit3A_216, %jit3A_213 : i32
      %rem3A_218 = arith.remsi %scan3A_200, %select_n3A_217 : i32
      %ne3A_219 = arith.constant 0 : i32
      %ne3A_220 = arith.cmpi ne, %rem3A_218, %ne3A_219 : i32
      %lt3A_221 = arith.constant 0 : i32
      %lt3A_222 = arith.cmpi slt, %rem3A_218, %lt3A_221 : i32
      %lt3A_223 = arith.constant 0 : i32
      %lt3A_224 = arith.cmpi slt, %select_n3A_217, %lt3A_223 : i32
      %ne3A_225 = arith.xori %lt3A_222, %lt3A_224 : i1
      %and3A_226 = arith.andi %ne3A_225, %ne3A_220 : i1
      %add3A_227 = arith.addi %rem3A_218, %select_n3A_217 : i32
      %select_n3A_228 = arith.select %and3A_226, %add3A_227, %rem3A_218 : i32
      %ne3A_229 = arith.constant 0 : i32
      %ne3A_230 = arith.cmpi ne, %select_n3A_228, %ne3A_229 : i32
      %convert_element_type3A_231 = arith.extui %ne3A_230 : i1 to i32
      %cond3A_232 = arith.constant 0 : i32
      %cond3A_233 = arith.cmpi ne, %convert_element_type3A_231, %cond3A_232 : i32
      scf.if %cond3A_233 {
        %add3A_234 = arith.constant 1 : i32
        %add3A_235 = arith.addi %scan3A_200, %add3A_234 : i32
        %lt3A_236 = arith.constant 125 : i32
        %lt3A_237 = arith.cmpi slt, %add3A_235, %lt3A_236 : i32
        %convert_element_type3A_238 = arith.extui %lt3A_237 : i1 to i32
        %cond3A_239 = arith.constant 0 : i32
        %cond3A_240 = arith.cmpi ne, %convert_element_type3A_238, %cond3A_239 : i32
        scf.if %cond3A_240 {
          %dma_wait3A_1122 = arith.constant 0 : i32
          %dma_wait3A_1123 = tpu.memref_slice %arg2[%dma_wait3A_1122] : memref<160000xi32, #tpu.memory_space<hbm>> -> memref<80xi32, #tpu.memory_space<hbm>>
          %dma_wait3A_1124 = arith.constant 0 : i32
          %dma_wait3A_1125 = tpu.memref_slice %arg2[%dma_wait3A_1124] : memref<160000xi32, #tpu.memory_space<hbm>> -> memref<80xi32, #tpu.memory_space<hbm>>
          tpu.wait_dma2 semaphore(%arg34 : memref<!tpu.dma_semaphore, #tpu.memory_space<semaphore_mem>>) src(%dma_wait3A_1125 : memref<80xi32, #tpu.memory_space<hbm>>) dst(%arg10 : memref<80xi32, #tpu.memory_space<vmem>>)
          %dma_wait3A_1126 = arith.constant 0 : i32
          %dma_wait3A_1127 = tpu.memref_slice %arg2[%dma_wait3A_1126] : memref<160000xi32, #tpu.memory_space<hbm>> -> memref<80xi32, #tpu.memory_space<hbm>>
          %dma_wait3A_1128 = arith.constant 0 : i32
          %dma_wait3A_1129 = tpu.memref_slice %arg2[%dma_wait3A_1128] : memref<160000xi32, #tpu.memory_space<hbm>> -> memref<80xi32, #tpu.memory_space<hbm>>
          tpu.wait_dma2 semaphore(%arg34 : memref<!tpu.dma_semaphore, #tpu.memory_space<semaphore_mem>>) src(%dma_wait3A_1129 : memref<80xi32, #tpu.memory_space<hbm>>) dst(%arg11 : memref<80xi32, #tpu.memory_space<vmem>>)
          %dma_wait3A_1130 = arith.constant 0 : i32
          %dma_wait3A_1131 = tpu.memref_slice %arg4[%dma_wait3A_1130] : memref<160000xf32, #tpu.memory_space<hbm>> -> memref<80xf32, #tpu.memory_space<hbm>>
          %dma_wait3A_1132 = arith.constant 0 : i32
          %dma_wait3A_1133 = tpu.memref_slice %arg4[%dma_wait3A_1132] : memref<160000xf32, #tpu.memory_space<hbm>> -> memref<80xf32, #tpu.memory_space<hbm>>
          tpu.wait_dma2 semaphore(%arg34 : memref<!tpu.dma_semaphore, #tpu.memory_space<semaphore_mem>>) src(%dma_wait3A_1133 : memref<80xf32, #tpu.memory_space<hbm>>) dst(%arg12 : memref<80xf32, #tpu.memory_space<vmem>>)
          %get3A_1134 = arith.constant 0 : index
          %get3A_1135 = tpu.vector_load %arg10[%get3A_1134] {strides = array<i32>} : memref<80xi32, #tpu.memory_space<vmem>>, vector<16xi32>,
          %get3A_1136 = vector.shape_cast %get3A_1135 : vector<16xi32> to vector<16xi32>
          %add3A_1137 = vector.broadcast %mul3A_4 : i32 to vector<16xi32>
          %add3A_1138 = arith.addi %get3A_1136, %add3A_1137 : vector<16xi32>
          %swap3A_1139 = arith.constant 0 : index
          %swap3A_1140 = tpu.vector_load %arg13[%swap3A_1139] {strides = array<i32>} : memref<80xi32, #tpu.memory_space<vmem>>, vector<16xi32>,
          %swap3A_1141 = vector.shape_cast %swap3A_1140 : vector<16xi32> to vector<16xi32>
          %swap3A_1142 = vector.shape_cast %add3A_1138 : vector<16xi32> to vector<16xi32>
          tpu.vector_store %arg13[%swap3A_1139], %swap3A_1142 {strides = array<i32>} : memref<80xi32, #tpu.memory_space<vmem>>, vector<16xi32>,
          %get3A_1143 = arith.constant 0 : index
          %get3A_1144 = tpu.vector_load %arg11[%get3A_1143] {strides = array<i32>} : memref<80xi32, #tpu.memory_space<vmem>>, vector<16xi32>,
          %get3A_1145 = vector.shape_cast %get3A_1144 : vector<16xi32> to vector<16xi32>
          %add3A_1146 = arith.constant 10000 : i32
          %add3A_1147 = vector.broadcast %add3A_1146 : i32 to vector<16xi32>
          %add3A_1148 = arith.addi %get3A_1145, %add3A_1147 : vector<16xi32>
          %swap3A_1149 = arith.constant 0 : index
          %swap3A_1150 = tpu.vector_load %arg14[%swap3A_1149] {strides = array<i32>} : memref<80xi32, #tpu.memory_space<vmem>>, vector<16xi32>,
          %swap3A_1151 = vector.shape_cast %swap3A_1150 : vector<16xi32> to vector<16xi32>
          %swap3A_1152 = vector.shape_cast %add3A_1148 : vector<16xi32> to vector<16xi32>
          tpu.vector_store %arg14[%swap3A_1149], %swap3A_1152 {strides = array<i32>} : memref<80xi32, #tpu.memory_space<vmem>>, vector<16xi32>,
          %get3A_1153 = arith.constant 16 : index
          %get3A_1154 = tpu.vector_load %arg10[%get3A_1153] {strides = array<i32>} : memref<80xi32, #tpu.memory_space<vmem>>, vector<16xi32>,
          %get3A_1155 = vector.shape_cast %get3A_1154 : vector<16xi32> to vector<16xi32>
          %add3A_1156 = vector.broadcast %mul3A_4 : i32 to vector<16xi32>
          %add3A_1157 = arith.addi %get3A_1155, %add3A_1156 : vector<16xi32>
          %swap3A_1158 = arith.constant 16 : index
          %swap3A_1159 = tpu.vector_load %arg13[%swap3A_1158] {strides = array<i32>} : memref<80xi32, #tpu.memory_space<vmem>>, vector<16xi32>,
          %swap3A_1160 = vector.shape_cast %swap3A_1159 : vector<16xi32> to vector<16xi32>
          %swap3A_1161 = vector.shape_cast %add3A_1157 : vector<16xi32> to vector<16xi32>
          tpu.vector_store %arg13[%swap3A_1158], %swap3A_1161 {strides = array<i32>} : memref<80xi32, #tpu.memory_space<vmem>>, vector<16xi32>,
          %get3A_1162 = arith.constant 16 : index
          %get3A_1163 = tpu.vector_load %arg11[%get3A_1162] {strides = array<i32>} : memref<80xi32, #tpu.memory_space<vmem>>, vector<16xi32>,
          %get3A_1164 = vector.shape_cast %get3A_1163 : vector<16xi32> to vector<16xi32>
          %add3A_1165 = arith.constant 10000 : i32
          %add3A_1166 = vector.broadcast %add3A_1165 : i32 to vector<16xi32>
          %add3A_1167 = arith.addi %get3A_1164, %add3A_1166 : vector<16xi32>
          %swap3A_1168 = arith.constant 16 : index
          %swap3A_1169 = tpu.vector_load %arg14[%swap3A_1168] {strides = array<i32>} : memref<80xi32, #tpu.memory_space<vmem>>, vector<16xi32>,
          %swap3A_1170 = vector.shape_cast %swap3A_1169 : vector<16xi32> to vector<16xi32>
          %swap3A_1171 = vector.shape_cast %add3A_1167 : vector<16xi32> to vector<16xi32>
          tpu.vector_store %arg14[%swap3A_1168], %swap3A_1171 {strides = array<i32>} : memref<80xi32, #tpu.memory_space<vmem>>, vector<16xi32>,
          %get3A_1172 = arith.constant 32 : index
          %get3A_1173 = tpu.vector_load %arg10[%get3A_1172] {strides = array<i32>} : memref<80xi32, #tpu.memory_space<vmem>>, vector<16xi32>,
          %get3A_1174 = vector.shape_cast %get3A_1173 : vector<16xi32> to vector<16xi32>
          %add3A_1175 = vector.broadcast %mul3A_4 : i32 to vector<16xi32>
          %add3A_1176 = arith.addi %get3A_1174, %add3A_1175 : vector<16xi32>
          %swap3A_1177 = arith.constant 32 : index
          %swap3A_1178 = tpu.vector_load %arg13[%swap3A_1177] {strides = array<i32>} : memref<80xi32, #tpu.memory_space<vmem>>, vector<16xi32>,
          %swap3A_1179 = vector.shape_cast %swap3A_1178 : vector<16xi32> to vector<16xi32>
          %swap3A_1180 = vector.shape_cast %add3A_1176 : vector<16xi32> to vector<16xi32>
          tpu.vector_store %arg13[%swap3A_1177], %swap3A_1180 {strides = array<i32>} : memref<80xi32, #tpu.memory_space<vmem>>, vector<16xi32>,
          %get3A_1181 = arith.constant 32 : index
          %get3A_1182 = tpu.vector_load %arg11[%get3A_1181] {strides = array<i32>} : memref<80xi32, #tpu.memory_space<vmem>>, vector<16xi32>,
          %get3A_1183 = vector.shape_cast %get3A_1182 : vector<16xi32> to vector<16xi32>
          %add3A_1184 = arith.constant 10000 : i32
          %add3A_1185 = vector.broadcast %add3A_1184 : i32 to vector<16xi32>
          %add3A_1186 = arith.addi %get3A_1183, %add3A_1185 : vector<16xi32>
          %swap3A_1187 = arith.constant 32 : index
          %swap3A_1188 = tpu.vector_load %arg14[%swap3A_1187] {strides = array<i32>} : memref<80xi32, #tpu.memory_space<vmem>>, vector<16xi32>,
          %swap3A_1189 = vector.shape_cast %swap3A_1188 : vector<16xi32> to vector<16xi32>
          %swap3A_1190 = vector.shape_cast %add3A_1186 : vector<16xi32> to vector<16xi32>
          tpu.vector_store %arg14[%swap3A_1187], %swap3A_1190 {strides = array<i32>} : memref<80xi32, #tpu.memory_space<vmem>>, vector<16xi32>,
          %get3A_1191 = arith.constant 48 : index
          %get3A_1192 = tpu.vector_load %arg10[%get3A_1191] {strides = array<i32>} : memref<80xi32, #tpu.memory_space<vmem>>, vector<16xi32>,
          %get3A_1193 = vector.shape_cast %get3A_1192 : vector<16xi32> to vector<16xi32>
          %add3A_1194 = vector.broadcast %mul3A_4 : i32 to vector<16xi32>
          %add3A_1195 = arith.addi %get3A_1193, %add3A_1194 : vector<16xi32>
          %swap3A_1196 = arith.constant 48 : index
          %swap3A_1197 = tpu.vector_load %arg13[%swap3A_1196] {strides = array<i32>} : memref<80xi32, #tpu.memory_space<vmem>>, vector<16xi32>,
          %swap3A_1198 = vector.shape_cast %swap3A_1197 : vector<16xi32> to vector<16xi32>
          %swap3A_1199 = vector.shape_cast %add3A_1195 : vector<16xi32> to vector<16xi32>
          tpu.vector_store %arg13[%swap3A_1196], %swap3A_1199 {strides = array<i32>} : memref<80xi32, #tpu.memory_space<vmem>>, vector<16xi32>,
          %get3A_1200 = arith.constant 48 : index
          %get3A_1201 = tpu.vector_load %arg11[%get3A_1200] {strides = array<i32>} : memref<80xi32, #tpu.memory_space<vmem>>, vector<16xi32>,
          %get3A_1202 = vector.shape_cast %get3A_1201 : vector<16xi32> to vector<16xi32>
          %add3A_1203 = arith.constant 10000 : i32
          %add3A_1204 = vector.broadcast %add3A_1203 : i32 to vector<16xi32>
          %add3A_1205 = arith.addi %get3A_1202, %add3A_1204 : vector<16xi32>
          %swap3A_1206 = arith.constant 48 : index
          %swap3A_1207 = tpu.vector_load %arg14[%swap3A_1206] {strides = array<i32>} : memref<80xi32, #tpu.memory_space<vmem>>, vector<16xi32>,
          %swap3A_1208 = vector.shape_cast %swap3A_1207 : vector<16xi32> to vector<16xi32>
          %swap3A_1209 = vector.shape_cast %add3A_1205 : vector<16xi32> to vector<16xi32>
          tpu.vector_store %arg14[%swap3A_1206], %swap3A_1209 {strides = array<i32>} : memref<80xi32, #tpu.memory_space<vmem>>, vector<16xi32>,
          %get3A_1210 = arith.constant 64 : index
          %get3A_1211 = tpu.vector_load %arg10[%get3A_1210] {strides = array<i32>} : memref<80xi32, #tpu.memory_space<vmem>>, vector<16xi32>,
          %get3A_1212 = vector.shape_cast %get3A_1211 : vector<16xi32> to vector<16xi32>
          %add3A_1213 = vector.broadcast %mul3A_4 : i32 to vector<16xi32>
          %add3A_1214 = arith.addi %get3A_1212, %add3A_1213 : vector<16xi32>
          %swap3A_1215 = arith.constant 64 : index
          %swap3A_1216 = tpu.vector_load %arg13[%swap3A_1215] {strides = array<i32>} : memref<80xi32, #tpu.memory_space<vmem>>, vector<16xi32>,
          %swap3A_1217 = vector.shape_cast %swap3A_1216 : vector<16xi32> to vector<16xi32>
          %swap3A_1218 = vector.shape_cast %add3A_1214 : vector<16xi32> to vector<16xi32>
          tpu.vector_store %arg13[%swap3A_1215], %swap3A_1218 {strides = array<i32>} : memref<80xi32, #tpu.memory_space<vmem>>, vector<16xi32>,
          %get3A_1219 = arith.constant 64 : index
          %get3A_1220 = tpu.vector_load %arg11[%get3A_1219] {strides = array<i32>} : memref<80xi32, #tpu.memory_space<vmem>>, vector<16xi32>,
          %get3A_1221 = vector.shape_cast %get3A_1220 : vector<16xi32> to vector<16xi32>
          %add3A_1222 = arith.constant 10000 : i32
          %add3A_1223 = vector.broadcast %add3A_1222 : i32 to vector<16xi32>
          %add3A_1224 = arith.addi %get3A_1221, %add3A_1223 : vector<16xi32>
          %swap3A_1225 = arith.constant 64 : index
          %swap3A_1226 = tpu.vector_load %arg14[%swap3A_1225] {strides = array<i32>} : memref<80xi32, #tpu.memory_space<vmem>>, vector<16xi32>,
          %swap3A_1227 = vector.shape_cast %swap3A_1226 : vector<16xi32> to vector<16xi32>
          %swap3A_1228 = vector.shape_cast %add3A_1224 : vector<16xi32> to vector<16xi32>
          tpu.vector_store %arg14[%swap3A_1225], %swap3A_1228 {strides = array<i32>} : memref<80xi32, #tpu.memory_space<vmem>>, vector<16xi32>,
          %gt3A = arith.constant 0 : i32
          %gt3A_1229 = arith.cmpi sgt, %scan3A_200, %gt3A : i32
          %convert_element_type3A_1230 = arith.extui %gt3A_1229 : i1 to i32
          %cond3A_1231 = arith.constant 0 : i32
          %cond3A_1232 = arith.cmpi ne, %convert_element_type3A_1230, %cond3A_1231 : i32
          scf.if %cond3A_1232 {
            %dma_wait3A_1242 = arith.constant 0 : i32
            %dma_wait3A_1243 = arith.constant 0 : i32
            %dma_wait3A_1244 = tpu.memref_slice %arg5[%dma_wait3A_1242, %dma_wait3A_1243] : memref<20000x16xf32, #tpu.memory_space<hbm>> -> memref<80x16xf32, #tpu.memory_space<hbm>>
            %dma_wait3A_1245 = arith.constant 0 : i32
            %dma_wait3A_1246 = arith.constant 0 : i32
            %dma_wait3A_1247 = tpu.memref_slice %arg5[%dma_wait3A_1245, %dma_wait3A_1246] : memref<20000x16xf32, #tpu.memory_space<hbm>> -> memref<80x16xf32, #tpu.memory_space<hbm>>
            tpu.wait_dma2 semaphore(%arg38 : memref<!tpu.dma_semaphore, #tpu.memory_space<semaphore_mem>>) src(%dma_wait3A_1247 : memref<80x16xf32, #tpu.memory_space<hbm>>) dst(%arg19 : memref<80x16xf32, #tpu.memory_space<vmem>>)
            %dma_wait3A_1248 = arith.constant 0 : i32
            %dma_wait3A_1249 = arith.constant 0 : i32
            %dma_wait3A_1250 = tpu.memref_slice %arg6[%dma_wait3A_1248, %dma_wait3A_1249] : memref<20000x128xf32, #tpu.memory_space<hbm>> -> memref<80x128xf32, #tpu.memory_space<hbm>>
            %dma_wait3A_1251 = arith.constant 0 : i32
            %dma_wait3A_1252 = arith.constant 0 : i32
            %dma_wait3A_1253 = tpu.memref_slice %arg6[%dma_wait3A_1251, %dma_wait3A_1252] : memref<20000x128xf32, #tpu.memory_space<hbm>> -> memref<80x128xf32, #tpu.memory_space<hbm>>
            tpu.wait_dma2 semaphore(%arg38 : memref<!tpu.dma_semaphore, #tpu.memory_space<semaphore_mem>>) src(%dma_wait3A_1253 : memref<80x128xf32, #tpu.memory_space<hbm>>) dst(%arg18 : memref<80x128xf32, #tpu.memory_space<vmem>>)
          } else {
          }
          %dma_start3A_1233 = arith.constant 0 : i32
          %dma_start3A_1234 = arith.constant 0 : i32
          %dma_start3A_1235 = tpu.memref_slice %arg5[%dma_start3A_1233, %dma_start3A_1234] : memref<20000x16xf32, #tpu.memory_space<hbm>> -> memref<20000x16xf32, #tpu.memory_space<hbm>>
          tpu.enqueue_indirect_dma source(%dma_start3A_1235 : memref<20000x16xf32, #tpu.memory_space<hbm>>) target(%arg16 : memref<80x16xf32, #tpu.memory_space<vmem>>) offsets(%arg10 : memref<80xi32, #tpu.memory_space<vmem>>) semaphore(%arg36 : memref<!tpu.dma_semaphore, #tpu.memory_space<semaphore_mem>>)
          %dma_start3A_1236 = arith.constant 0 : i32
          %dma_start3A_1237 = arith.constant 0 : i32
          %dma_start3A_1238 = tpu.memref_slice %arg5[%dma_start3A_1236, %dma_start3A_1237] : memref<20000x16xf32, #tpu.memory_space<hbm>> -> memref<20000x16xf32, #tpu.memory_space<hbm>>
          tpu.enqueue_indirect_dma source(%dma_start3A_1238 : memref<20000x16xf32, #tpu.memory_space<hbm>>) target(%arg17 : memref<80x16xf32, #tpu.memory_space<vmem>>) offsets(%arg14 : memref<80xi32, #tpu.memory_space<vmem>>) semaphore(%arg36 : memref<!tpu.dma_semaphore, #tpu.memory_space<semaphore_mem>>)
          %dma_start3A_1239 = arith.constant 0 : i32
          %dma_start3A_1240 = arith.constant 0 : i32
          %dma_start3A_1241 = tpu.memref_slice %arg6[%dma_start3A_1239, %dma_start3A_1240] : memref<20000x128xf32, #tpu.memory_space<hbm>> -> memref<20000x128xf32, #tpu.memory_space<hbm>>
          tpu.enqueue_indirect_dma source(%dma_start3A_1241 : memref<20000x128xf32, #tpu.memory_space<hbm>>) target(%arg18 : memref<80x128xf32, #tpu.memory_space<vmem>>) offsets(%arg13 : memref<80xi32, #tpu.memory_space<vmem>>) semaphore(%arg36 : memref<!tpu.dma_semaphore, #tpu.memory_space<semaphore_mem>>)
        } else {
        }
        %get3A_241 = arith.constant 0 : index
        %get3A_242 = tpu.vector_load %arg21[%get3A_241] {strides = array<i32>} : memref<80xi32, #tpu.memory_space<vmem>>, vector<16xi32>,
        %get3A_243 = vector.shape_cast %get3A_242 : vector<16xi32> to vector<16xi32>
        %swap3A_244 = arith.constant 0 : index
        %swap3A_245 = tpu.vector_load %arg25[%swap3A_244] {strides = array<i32>} : memref<80xi32, #tpu.memory_space<vmem>>, vector<16xi32>,
        %swap3A_246 = vector.shape_cast %swap3A_245 : vector<16xi32> to vector<16xi32>
        %swap3A_247 = vector.shape_cast %get3A_243 : vector<16xi32> to vector<16xi32>
        tpu.vector_store %arg25[%swap3A_244], %swap3A_247 {strides = array<i32>} : memref<80xi32, #tpu.memory_space<vmem>>, vector<16xi32>,
        %get3A_248 = arith.constant 0 : index
        %get3A_249 = tpu.vector_load %arg22[%get3A_248] {strides = array<i32>} : memref<80xf32, #tpu.memory_space<vmem>>, vector<16xf32>,
        %get3A_250 = vector.shape_cast %get3A_249 : vector<16xf32> to vector<16xf32>
        %slice3A = vector.extract_strided_slice %get3A_250 {offsets = [0], sizes = [1], strides = [1]} : vector<16xf32> to vector<1xf32>
        %squeeze3A = vector.extract %slice3A[0] : f32 from vector<1xf32>
        %mul3A_251 = vector.broadcast %squeeze3A : f32 to vector<16xf32>
        %mul3A_252 = arith.mulf %mul3A_251, %get3A_140 : vector<16xf32>
        %swap3A_253 = arith.constant 0 : i32
        %swap3A_254 = arith.index_cast %swap3A_253 : i32 to index
        %swap3A_255 = arith.constant 0 : index
        %swap3A_256 = tpu.vector_load %arg30[%swap3A_254, %swap3A_255] {strides = array<i32>} : memref<80x16xf32, #tpu.memory_space<vmem>>, vector<1x16xf32>,
        %swap3A_257 = vector.shape_cast %swap3A_256 : vector<1x16xf32> to vector<16xf32>
        %swap3A_258 = vector.shape_cast %mul3A_252 : vector<16xf32> to vector<1x16xf32>
        tpu.vector_store %arg30[%swap3A_254, %swap3A_255], %swap3A_258 {strides = array<i32>} : memref<80x16xf32, #tpu.memory_space<vmem>>, vector<1x16xf32>,
        %slice3A_259 = vector.extract_strided_slice %get3A_250 {offsets = [1], sizes = [1], strides = [1]} : vector<16xf32> to vector<1xf32>
        %squeeze3A_260 = vector.extract %slice3A_259[0] : f32 from vector<1xf32>
        %mul3A_261 = vector.broadcast %squeeze3A_260 : f32 to vector<16xf32>
        %mul3A_262 = arith.mulf %mul3A_261, %get3A_140 : vector<16xf32>
        %swap3A_263 = arith.constant 1 : i32
        %swap3A_264 = arith.index_cast %swap3A_263 : i32 to index
        %swap3A_265 = arith.constant 0 : index
        %swap3A_266 = tpu.vector_load %arg30[%swap3A_264, %swap3A_265] {strides = array<i32>} : memref<80x16xf32, #tpu.memory_space<vmem>>, vector<1x16xf32>,
        %swap3A_267 = vector.shape_cast %swap3A_266 : vector<1x16xf32> to vector<16xf32>
        %swap3A_268 = vector.shape_cast %mul3A_262 : vector<16xf32> to vector<1x16xf32>
        tpu.vector_store %arg30[%swap3A_264, %swap3A_265], %swap3A_268 {strides = array<i32>} : memref<80x16xf32, #tpu.memory_space<vmem>>, vector<1x16xf32>,
        %slice3A_269 = vector.extract_strided_slice %get3A_250 {offsets = [2], sizes = [1], strides = [1]} : vector<16xf32> to vector<1xf32>
        %squeeze3A_270 = vector.extract %slice3A_269[0] : f32 from vector<1xf32>
        %mul3A_271 = vector.broadcast %squeeze3A_270 : f32 to vector<16xf32>
        %mul3A_272 = arith.mulf %mul3A_271, %get3A_140 : vector<16xf32>
        %swap3A_273 = arith.constant 2 : i32
        %swap3A_274 = arith.index_cast %swap3A_273 : i32 to index
        %swap3A_275 = arith.constant 0 : index
        %swap3A_276 = tpu.vector_load %arg30[%swap3A_274, %swap3A_275] {strides = array<i32>} : memref<80x16xf32, #tpu.memory_space<vmem>>, vector<1x16xf32>,
        %swap3A_277 = vector.shape_cast %swap3A_276 : vector<1x16xf32> to vector<16xf32>
        %swap3A_278 = vector.shape_cast %mul3A_272 : vector<16xf32> to vector<1x16xf32>
        tpu.vector_store %arg30[%swap3A_274, %swap3A_275], %swap3A_278 {strides = array<i32>} : memref<80x16xf32, #tpu.memory_space<vmem>>, vector<1x16xf32>,
        %slice3A_279 = vector.extract_strided_slice %get3A_250 {offsets = [3], sizes = [1], strides = [1]} : vector<16xf32> to vector<1xf32>
        %squeeze3A_280 = vector.extract %slice3A_279[0] : f32 from vector<1xf32>
        %mul3A_281 = vector.broadcast %squeeze3A_280 : f32 to vector<16xf32>
        %mul3A_282 = arith.mulf %mul3A_281, %get3A_140 : vector<16xf32>
        %swap3A_283 = arith.constant 3 : i32
        %swap3A_284 = arith.index_cast %swap3A_283 : i32 to index
        %swap3A_285 = arith.constant 0 : index
        %swap3A_286 = tpu.vector_load %arg30[%swap3A_284, %swap3A_285] {strides = array<i32>} : memref<80x16xf32, #tpu.memory_space<vmem>>, vector<1x16xf32>,
        %swap3A_287 = vector.shape_cast %swap3A_286 : vector<1x16xf32> to vector<16xf32>
        %swap3A_288 = vector.shape_cast %mul3A_282 : vector<16xf32> to vector<1x16xf32>
        tpu.vector_store %arg30[%swap3A_284, %swap3A_285], %swap3A_288 {strides = array<i32>} : memref<80x16xf32, #tpu.memory_space<vmem>>, vector<1x16xf32>,
        %slice3A_289 = vector.extract_strided_slice %get3A_250 {offsets = [4], sizes = [1], strides = [1]} : vector<16xf32> to vector<1xf32>
        %squeeze3A_290 = vector.extract %slice3A_289[0] : f32 from vector<1xf32>
        %mul3A_291 = vector.broadcast %squeeze3A_290 : f32 to vector<16xf32>
        %mul3A_292 = arith.mulf %mul3A_291, %get3A_140 : vector<16xf32>
        %swap3A_293 = arith.constant 4 : i32
        %swap3A_294 = arith.index_cast %swap3A_293 : i32 to index
        %swap3A_295 = arith.constant 0 : index
        %swap3A_296 = tpu.vector_load %arg30[%swap3A_294, %swap3A_295] {strides = array<i32>} : memref<80x16xf32, #tpu.memory_space<vmem>>, vector<1x16xf32>,
        %swap3A_297 = vector.shape_cast %swap3A_296 : vector<1x16xf32> to vector<16xf32>
        %swap3A_298 = vector.shape_cast %mul3A_292 : vector<16xf32> to vector<1x16xf32>
        tpu.vector_store %arg30[%swap3A_294, %swap3A_295], %swap3A_298 {strides = array<i32>} : memref<80x16xf32, #tpu.memory_space<vmem>>, vector<1x16xf32>,
        %slice3A_299 = vector.extract_strided_slice %get3A_250 {offsets = [5], sizes = [1], strides = [1]} : vector<16xf32> to vector<1xf32>
        %squeeze3A_300 = vector.extract %slice3A_299[0] : f32 from vector<1xf32>
        %mul3A_301 = vector.broadcast %squeeze3A_300 : f32 to vector<16xf32>
        %mul3A_302 = arith.mulf %mul3A_301, %get3A_140 : vector<16xf32>
        %swap3A_303 = arith.constant 5 : i32
        %swap3A_304 = arith.index_cast %swap3A_303 : i32 to index
        %swap3A_305 = arith.constant 0 : index
        %swap3A_306 = tpu.vector_load %arg30[%swap3A_304, %swap3A_305] {strides = array<i32>} : memref<80x16xf32, #tpu.memory_space<vmem>>, vector<1x16xf32>,
        %swap3A_307 = vector.shape_cast %swap3A_306 : vector<1x16xf32> to vector<16xf32>
        %swap3A_308 = vector.shape_cast %mul3A_302 : vector<16xf32> to vector<1x16xf32>
        tpu.vector_store %arg30[%swap3A_304, %swap3A_305], %swap3A_308 {strides = array<i32>} : memref<80x16xf32, #tpu.memory_space<vmem>>, vector<1x16xf32>,
        %slice3A_309 = vector.extract_strided_slice %get3A_250 {offsets = [6], sizes = [1], strides = [1]} : vector<16xf32> to vector<1xf32>
        %squeeze3A_310 = vector.extract %slice3A_309[0] : f32 from vector<1xf32>
        %mul3A_311 = vector.broadcast %squeeze3A_310 : f32 to vector<16xf32>
        %mul3A_312 = arith.mulf %mul3A_311, %get3A_140 : vector<16xf32>
        %swap3A_313 = arith.constant 6 : i32
        %swap3A_314 = arith.index_cast %swap3A_313 : i32 to index
        %swap3A_315 = arith.constant 0 : index
        %swap3A_316 = tpu.vector_load %arg30[%swap3A_314, %swap3A_315] {strides = array<i32>} : memref<80x16xf32, #tpu.memory_space<vmem>>, vector<1x16xf32>,
        %swap3A_317 = vector.shape_cast %swap3A_316 : vector<1x16xf32> to vector<16xf32>
        %swap3A_318 = vector.shape_cast %mul3A_312 : vector<16xf32> to vector<1x16xf32>
        tpu.vector_store %arg30[%swap3A_314, %swap3A_315], %swap3A_318 {strides = array<i32>} : memref<80x16xf32, #tpu.memory_space<vmem>>, vector<1x16xf32>,
        %slice3A_319 = vector.extract_strided_slice %get3A_250 {offsets = [7], sizes = [1], strides = [1]} : vector<16xf32> to vector<1xf32>
        %squeeze3A_320 = vector.extract %slice3A_319[0] : f32 from vector<1xf32>
        %mul3A_321 = vector.broadcast %squeeze3A_320 : f32 to vector<16xf32>
        %mul3A_322 = arith.mulf %mul3A_321, %get3A_140 : vector<16xf32>
        %swap3A_323 = arith.constant 7 : i32
        %swap3A_324 = arith.index_cast %swap3A_323 : i32 to index
        %swap3A_325 = arith.constant 0 : index
        %swap3A_326 = tpu.vector_load %arg30[%swap3A_324, %swap3A_325] {strides = array<i32>} : memref<80x16xf32, #tpu.memory_space<vmem>>, vector<1x16xf32>,
        %swap3A_327 = vector.shape_cast %swap3A_326 : vector<1x16xf32> to vector<16xf32>
        %swap3A_328 = vector.shape_cast %mul3A_322 : vector<16xf32> to vector<1x16xf32>
        tpu.vector_store %arg30[%swap3A_324, %swap3A_325], %swap3A_328 {strides = array<i32>} : memref<80x16xf32, #tpu.memory_space<vmem>>, vector<1x16xf32>,
        %slice3A_329 = vector.extract_strided_slice %get3A_250 {offsets = [8], sizes = [1], strides = [1]} : vector<16xf32> to vector<1xf32>
        %squeeze3A_330 = vector.extract %slice3A_329[0] : f32 from vector<1xf32>
        %mul3A_331 = vector.broadcast %squeeze3A_330 : f32 to vector<16xf32>
        %mul3A_332 = arith.mulf %mul3A_331, %get3A_140 : vector<16xf32>
        %swap3A_333 = arith.constant 8 : i32
        %swap3A_334 = arith.index_cast %swap3A_333 : i32 to index
        %swap3A_335 = arith.constant 0 : index
        %swap3A_336 = tpu.vector_load %arg30[%swap3A_334, %swap3A_335] {strides = array<i32>} : memref<80x16xf32, #tpu.memory_space<vmem>>, vector<1x16xf32>,
        %swap3A_337 = vector.shape_cast %swap3A_336 : vector<1x16xf32> to vector<16xf32>
        %swap3A_338 = vector.shape_cast %mul3A_332 : vector<16xf32> to vector<1x16xf32>
        tpu.vector_store %arg30[%swap3A_334, %swap3A_335], %swap3A_338 {strides = array<i32>} : memref<80x16xf32, #tpu.memory_space<vmem>>, vector<1x16xf32>,
        %slice3A_339 = vector.extract_strided_slice %get3A_250 {offsets = [9], sizes = [1], strides = [1]} : vector<16xf32> to vector<1xf32>
        %squeeze3A_340 = vector.extract %slice3A_339[0] : f32 from vector<1xf32>
        %mul3A_341 = vector.broadcast %squeeze3A_340 : f32 to vector<16xf32>
        %mul3A_342 = arith.mulf %mul3A_341, %get3A_140 : vector<16xf32>
        %swap3A_343 = arith.constant 9 : i32
        %swap3A_344 = arith.index_cast %swap3A_343 : i32 to index
        %swap3A_345 = arith.constant 0 : index
        %swap3A_346 = tpu.vector_load %arg30[%swap3A_344, %swap3A_345] {strides = array<i32>} : memref<80x16xf32, #tpu.memory_space<vmem>>, vector<1x16xf32>,
        %swap3A_347 = vector.shape_cast %swap3A_346 : vector<1x16xf32> to vector<16xf32>
        %swap3A_348 = vector.shape_cast %mul3A_342 : vector<16xf32> to vector<1x16xf32>
        tpu.vector_store %arg30[%swap3A_344, %swap3A_345], %swap3A_348 {strides = array<i32>} : memref<80x16xf32, #tpu.memory_space<vmem>>, vector<1x16xf32>,
        %slice3A_349 = vector.extract_strided_slice %get3A_250 {offsets = [10], sizes = [1], strides = [1]} : vector<16xf32> to vector<1xf32>
        %squeeze3A_350 = vector.extract %slice3A_349[0] : f32 from vector<1xf32>
        %mul3A_351 = vector.broadcast %squeeze3A_350 : f32 to vector<16xf32>
        %mul3A_352 = arith.mulf %mul3A_351, %get3A_140 : vector<16xf32>
        %swap3A_353 = arith.constant 10 : i32
        %swap3A_354 = arith.index_cast %swap3A_353 : i32 to index
        %swap3A_355 = arith.constant 0 : index
        %swap3A_356 = tpu.vector_load %arg30[%swap3A_354, %swap3A_355] {strides = array<i32>} : memref<80x16xf32, #tpu.memory_space<vmem>>, vector<1x16xf32>,
        %swap3A_357 = vector.shape_cast %swap3A_356 : vector<1x16xf32> to vector<16xf32>
        %swap3A_358 = vector.shape_cast %mul3A_352 : vector<16xf32> to vector<1x16xf32>
        tpu.vector_store %arg30[%swap3A_354, %swap3A_355], %swap3A_358 {strides = array<i32>} : memref<80x16xf32, #tpu.memory_space<vmem>>, vector<1x16xf32>,
        %slice3A_359 = vector.extract_strided_slice %get3A_250 {offsets = [11], sizes = [1], strides = [1]} : vector<16xf32> to vector<1xf32>
        %squeeze3A_360 = vector.extract %slice3A_359[0] : f32 from vector<1xf32>
        %mul3A_361 = vector.broadcast %squeeze3A_360 : f32 to vector<16xf32>
        %mul3A_362 = arith.mulf %mul3A_361, %get3A_140 : vector<16xf32>
        %swap3A_363 = arith.constant 11 : i32
        %swap3A_364 = arith.index_cast %swap3A_363 : i32 to index
        %swap3A_365 = arith.constant 0 : index
        %swap3A_366 = tpu.vector_load %arg30[%swap3A_364, %swap3A_365] {strides = array<i32>} : memref<80x16xf32, #tpu.memory_space<vmem>>, vector<1x16xf32>,
        %swap3A_367 = vector.shape_cast %swap3A_366 : vector<1x16xf32> to vector<16xf32>
        %swap3A_368 = vector.shape_cast %mul3A_362 : vector<16xf32> to vector<1x16xf32>
        tpu.vector_store %arg30[%swap3A_364, %swap3A_365], %swap3A_368 {strides = array<i32>} : memref<80x16xf32, #tpu.memory_space<vmem>>, vector<1x16xf32>,
        %slice3A_369 = vector.extract_strided_slice %get3A_250 {offsets = [12], sizes = [1], strides = [1]} : vector<16xf32> to vector<1xf32>
        %squeeze3A_370 = vector.extract %slice3A_369[0] : f32 from vector<1xf32>
        %mul3A_371 = vector.broadcast %squeeze3A_370 : f32 to vector<16xf32>
        %mul3A_372 = arith.mulf %mul3A_371, %get3A_140 : vector<16xf32>
        %swap3A_373 = arith.constant 12 : i32
        %swap3A_374 = arith.index_cast %swap3A_373 : i32 to index
        %swap3A_375 = arith.constant 0 : index
        %swap3A_376 = tpu.vector_load %arg30[%swap3A_374, %swap3A_375] {strides = array<i32>} : memref<80x16xf32, #tpu.memory_space<vmem>>, vector<1x16xf32>,
        %swap3A_377 = vector.shape_cast %swap3A_376 : vector<1x16xf32> to vector<16xf32>
        %swap3A_378 = vector.shape_cast %mul3A_372 : vector<16xf32> to vector<1x16xf32>
        tpu.vector_store %arg30[%swap3A_374, %swap3A_375], %swap3A_378 {strides = array<i32>} : memref<80x16xf32, #tpu.memory_space<vmem>>, vector<1x16xf32>,
        %slice3A_379 = vector.extract_strided_slice %get3A_250 {offsets = [13], sizes = [1], strides = [1]} : vector<16xf32> to vector<1xf32>
        %squeeze3A_380 = vector.extract %slice3A_379[0] : f32 from vector<1xf32>
        %mul3A_381 = vector.broadcast %squeeze3A_380 : f32 to vector<16xf32>
        %mul3A_382 = arith.mulf %mul3A_381, %get3A_140 : vector<16xf32>
        %swap3A_383 = arith.constant 13 : i32
        %swap3A_384 = arith.index_cast %swap3A_383 : i32 to index
        %swap3A_385 = arith.constant 0 : index
        %swap3A_386 = tpu.vector_load %arg30[%swap3A_384, %swap3A_385] {strides = array<i32>} : memref<80x16xf32, #tpu.memory_space<vmem>>, vector<1x16xf32>,
        %swap3A_387 = vector.shape_cast %swap3A_386 : vector<1x16xf32> to vector<16xf32>
        %swap3A_388 = vector.shape_cast %mul3A_382 : vector<16xf32> to vector<1x16xf32>
        tpu.vector_store %arg30[%swap3A_384, %swap3A_385], %swap3A_388 {strides = array<i32>} : memref<80x16xf32, #tpu.memory_space<vmem>>, vector<1x16xf32>,
        %slice3A_389 = vector.extract_strided_slice %get3A_250 {offsets = [14], sizes = [1], strides = [1]} : vector<16xf32> to vector<1xf32>
        %squeeze3A_390 = vector.extract %slice3A_389[0] : f32 from vector<1xf32>
        %mul3A_391 = vector.broadcast %squeeze3A_390 : f32 to vector<16xf32>
        %mul3A_392 = arith.mulf %mul3A_391, %get3A_140 : vector<16xf32>
        %swap3A_393 = arith.constant 14 : i32
        %swap3A_394 = arith.index_cast %swap3A_393 : i32 to index
        %swap3A_395 = arith.constant 0 : index
        %swap3A_396 = tpu.vector_load %arg30[%swap3A_394, %swap3A_395] {strides = array<i32>} : memref<80x16xf32, #tpu.memory_space<vmem>>, vector<1x16xf32>,
        %swap3A_397 = vector.shape_cast %swap3A_396 : vector<1x16xf32> to vector<16xf32>
        %swap3A_398 = vector.shape_cast %mul3A_392 : vector<16xf32> to vector<1x16xf32>
        tpu.vector_store %arg30[%swap3A_394, %swap3A_395], %swap3A_398 {strides = array<i32>} : memref<80x16xf32, #tpu.memory_space<vmem>>, vector<1x16xf32>,
        %slice3A_399 = vector.extract_strided_slice %get3A_250 {offsets = [15], sizes = [1], strides = [1]} : vector<16xf32> to vector<1xf32>
        %squeeze3A_400 = vector.extract %slice3A_399[0] : f32 from vector<1xf32>
        %mul3A_401 = vector.broadcast %squeeze3A_400 : f32 to vector<16xf32>
        %mul3A_402 = arith.mulf %mul3A_401, %get3A_140 : vector<16xf32>
        %swap3A_403 = arith.constant 15 : i32
        %swap3A_404 = arith.index_cast %swap3A_403 : i32 to index
        %swap3A_405 = arith.constant 0 : index
        %swap3A_406 = tpu.vector_load %arg30[%swap3A_404, %swap3A_405] {strides = array<i32>} : memref<80x16xf32, #tpu.memory_space<vmem>>, vector<1x16xf32>,
        %swap3A_407 = vector.shape_cast %swap3A_406 : vector<1x16xf32> to vector<16xf32>
        %swap3A_408 = vector.shape_cast %mul3A_402 : vector<16xf32> to vector<1x16xf32>
        tpu.vector_store %arg30[%swap3A_404, %swap3A_405], %swap3A_408 {strides = array<i32>} : memref<80x16xf32, #tpu.memory_space<vmem>>, vector<1x16xf32>,
        %get3A_409 = arith.constant 16 : index
        %get3A_410 = tpu.vector_load %arg21[%get3A_409] {strides = array<i32>} : memref<80xi32, #tpu.memory_space<vmem>>, vector<16xi32>,
        %get3A_411 = vector.shape_cast %get3A_410 : vector<16xi32> to vector<16xi32>
        %swap3A_412 = arith.constant 16 : index
        %swap3A_413 = tpu.vector_load %arg25[%swap3A_412] {strides = array<i32>} : memref<80xi32, #tpu.memory_space<vmem>>, vector<16xi32>,
        %swap3A_414 = vector.shape_cast %swap3A_413 : vector<16xi32> to vector<16xi32>
        %swap3A_415 = vector.shape_cast %get3A_411 : vector<16xi32> to vector<16xi32>
        tpu.vector_store %arg25[%swap3A_412], %swap3A_415 {strides = array<i32>} : memref<80xi32, #tpu.memory_space<vmem>>, vector<16xi32>,
        %get3A_416 = arith.constant 16 : index
        %get3A_417 = tpu.vector_load %arg22[%get3A_416] {strides = array<i32>} : memref<80xf32, #tpu.memory_space<vmem>>, vector<16xf32>,
        %get3A_418 = vector.shape_cast %get3A_417 : vector<16xf32> to vector<16xf32>
        %slice3A_419 = vector.extract_strided_slice %get3A_418 {offsets = [0], sizes = [1], strides = [1]} : vector<16xf32> to vector<1xf32>
        %squeeze3A_420 = vector.extract %slice3A_419[0] : f32 from vector<1xf32>
        %mul3A_421 = vector.broadcast %squeeze3A_420 : f32 to vector<16xf32>
        %mul3A_422 = arith.mulf %mul3A_421, %get3A_140 : vector<16xf32>
        %swap3A_423 = arith.constant 16 : i32
        %swap3A_424 = arith.index_cast %swap3A_423 : i32 to index
        %swap3A_425 = arith.constant 0 : index
        %swap3A_426 = tpu.vector_load %arg30[%swap3A_424, %swap3A_425] {strides = array<i32>} : memref<80x16xf32, #tpu.memory_space<vmem>>, vector<1x16xf32>,
        %swap3A_427 = vector.shape_cast %swap3A_426 : vector<1x16xf32> to vector<16xf32>
        %swap3A_428 = vector.shape_cast %mul3A_422 : vector<16xf32> to vector<1x16xf32>
        tpu.vector_store %arg30[%swap3A_424, %swap3A_425], %swap3A_428 {strides = array<i32>} : memref<80x16xf32, #tpu.memory_space<vmem>>, vector<1x16xf32>,
        %slice3A_429 = vector.extract_strided_slice %get3A_418 {offsets = [1], sizes = [1], strides = [1]} : vector<16xf32> to vector<1xf32>
        %squeeze3A_430 = vector.extract %slice3A_429[0] : f32 from vector<1xf32>
        %mul3A_431 = vector.broadcast %squeeze3A_430 : f32 to vector<16xf32>
        %mul3A_432 = arith.mulf %mul3A_431, %get3A_140 : vector<16xf32>
        %swap3A_433 = arith.constant 17 : i32
        %swap3A_434 = arith.index_cast %swap3A_433 : i32 to index
        %swap3A_435 = arith.constant 0 : index
        %swap3A_436 = tpu.vector_load %arg30[%swap3A_434, %swap3A_435] {strides = array<i32>} : memref<80x16xf32, #tpu.memory_space<vmem>>, vector<1x16xf32>,
        %swap3A_437 = vector.shape_cast %swap3A_436 : vector<1x16xf32> to vector<16xf32>
        %swap3A_438 = vector.shape_cast %mul3A_432 : vector<16xf32> to vector<1x16xf32>
        tpu.vector_store %arg30[%swap3A_434, %swap3A_435], %swap3A_438 {strides = array<i32>} : memref<80x16xf32, #tpu.memory_space<vmem>>, vector<1x16xf32>,
        %slice3A_439 = vector.extract_strided_slice %get3A_418 {offsets = [2], sizes = [1], strides = [1]} : vector<16xf32> to vector<1xf32>
        %squeeze3A_440 = vector.extract %slice3A_439[0] : f32 from vector<1xf32>
        %mul3A_441 = vector.broadcast %squeeze3A_440 : f32 to vector<16xf32>
        %mul3A_442 = arith.mulf %mul3A_441, %get3A_140 : vector<16xf32>
        %swap3A_443 = arith.constant 18 : i32
        %swap3A_444 = arith.index_cast %swap3A_443 : i32 to index
        %swap3A_445 = arith.constant 0 : index
        %swap3A_446 = tpu.vector_load %arg30[%swap3A_444, %swap3A_445] {strides = array<i32>} : memref<80x16xf32, #tpu.memory_space<vmem>>, vector<1x16xf32>,
        %swap3A_447 = vector.shape_cast %swap3A_446 : vector<1x16xf32> to vector<16xf32>
        %swap3A_448 = vector.shape_cast %mul3A_442 : vector<16xf32> to vector<1x16xf32>
        tpu.vector_store %arg30[%swap3A_444, %swap3A_445], %swap3A_448 {strides = array<i32>} : memref<80x16xf32, #tpu.memory_space<vmem>>, vector<1x16xf32>,
        %slice3A_449 = vector.extract_strided_slice %get3A_418 {offsets = [3], sizes = [1], strides = [1]} : vector<16xf32> to vector<1xf32>
        %squeeze3A_450 = vector.extract %slice3A_449[0] : f32 from vector<1xf32>
        %mul3A_451 = vector.broadcast %squeeze3A_450 : f32 to vector<16xf32>
        %mul3A_452 = arith.mulf %mul3A_451, %get3A_140 : vector<16xf32>
        %swap3A_453 = arith.constant 19 : i32
        %swap3A_454 = arith.index_cast %swap3A_453 : i32 to index
        %swap3A_455 = arith.constant 0 : index
        %swap3A_456 = tpu.vector_load %arg30[%swap3A_454, %swap3A_455] {strides = array<i32>} : memref<80x16xf32, #tpu.memory_space<vmem>>, vector<1x16xf32>,
        %swap3A_457 = vector.shape_cast %swap3A_456 : vector<1x16xf32> to vector<16xf32>
        %swap3A_458 = vector.shape_cast %mul3A_452 : vector<16xf32> to vector<1x16xf32>
        tpu.vector_store %arg30[%swap3A_454, %swap3A_455], %swap3A_458 {strides = array<i32>} : memref<80x16xf32, #tpu.memory_space<vmem>>, vector<1x16xf32>,
        %slice3A_459 = vector.extract_strided_slice %get3A_418 {offsets = [4], sizes = [1], strides = [1]} : vector<16xf32> to vector<1xf32>
        %squeeze3A_460 = vector.extract %slice3A_459[0] : f32 from vector<1xf32>
        %mul3A_461 = vector.broadcast %squeeze3A_460 : f32 to vector<16xf32>
        %mul3A_462 = arith.mulf %mul3A_461, %get3A_140 : vector<16xf32>
        %swap3A_463 = arith.constant 20 : i32
        %swap3A_464 = arith.index_cast %swap3A_463 : i32 to index
        %swap3A_465 = arith.constant 0 : index
        %swap3A_466 = tpu.vector_load %arg30[%swap3A_464, %swap3A_465] {strides = array<i32>} : memref<80x16xf32, #tpu.memory_space<vmem>>, vector<1x16xf32>,
        %swap3A_467 = vector.shape_cast %swap3A_466 : vector<1x16xf32> to vector<16xf32>
        %swap3A_468 = vector.shape_cast %mul3A_462 : vector<16xf32> to vector<1x16xf32>
        tpu.vector_store %arg30[%swap3A_464, %swap3A_465], %swap3A_468 {strides = array<i32>} : memref<80x16xf32, #tpu.memory_space<vmem>>, vector<1x16xf32>,
        %slice3A_469 = vector.extract_strided_slice %get3A_418 {offsets = [5], sizes = [1], strides = [1]} : vector<16xf32> to vector<1xf32>
        %squeeze3A_470 = vector.extract %slice3A_469[0] : f32 from vector<1xf32>
        %mul3A_471 = vector.broadcast %squeeze3A_470 : f32 to vector<16xf32>
        %mul3A_472 = arith.mulf %mul3A_471, %get3A_140 : vector<16xf32>
        %swap3A_473 = arith.constant 21 : i32
        %swap3A_474 = arith.index_cast %swap3A_473 : i32 to index
        %swap3A_475 = arith.constant 0 : index
        %swap3A_476 = tpu.vector_load %arg30[%swap3A_474, %swap3A_475] {strides = array<i32>} : memref<80x16xf32, #tpu.memory_space<vmem>>, vector<1x16xf32>,
        %swap3A_477 = vector.shape_cast %swap3A_476 : vector<1x16xf32> to vector<16xf32>
        %swap3A_478 = vector.shape_cast %mul3A_472 : vector<16xf32> to vector<1x16xf32>
        tpu.vector_store %arg30[%swap3A_474, %swap3A_475], %swap3A_478 {strides = array<i32>} : memref<80x16xf32, #tpu.memory_space<vmem>>, vector<1x16xf32>,
        %slice3A_479 = vector.extract_strided_slice %get3A_418 {offsets = [6], sizes = [1], strides = [1]} : vector<16xf32> to vector<1xf32>
        %squeeze3A_480 = vector.extract %slice3A_479[0] : f32 from vector<1xf32>
        %mul3A_481 = vector.broadcast %squeeze3A_480 : f32 to vector<16xf32>
        %mul3A_482 = arith.mulf %mul3A_481, %get3A_140 : vector<16xf32>
        %swap3A_483 = arith.constant 22 : i32
        %swap3A_484 = arith.index_cast %swap3A_483 : i32 to index
        %swap3A_485 = arith.constant 0 : index
        %swap3A_486 = tpu.vector_load %arg30[%swap3A_484, %swap3A_485] {strides = array<i32>} : memref<80x16xf32, #tpu.memory_space<vmem>>, vector<1x16xf32>,
        %swap3A_487 = vector.shape_cast %swap3A_486 : vector<1x16xf32> to vector<16xf32>
        %swap3A_488 = vector.shape_cast %mul3A_482 : vector<16xf32> to vector<1x16xf32>
        tpu.vector_store %arg30[%swap3A_484, %swap3A_485], %swap3A_488 {strides = array<i32>} : memref<80x16xf32, #tpu.memory_space<vmem>>, vector<1x16xf32>,
        %slice3A_489 = vector.extract_strided_slice %get3A_418 {offsets = [7], sizes = [1], strides = [1]} : vector<16xf32> to vector<1xf32>
        %squeeze3A_490 = vector.extract %slice3A_489[0] : f32 from vector<1xf32>
        %mul3A_491 = vector.broadcast %squeeze3A_490 : f32 to vector<16xf32>
        %mul3A_492 = arith.mulf %mul3A_491, %get3A_140 : vector<16xf32>
        %swap3A_493 = arith.constant 23 : i32
        %swap3A_494 = arith.index_cast %swap3A_493 : i32 to index
        %swap3A_495 = arith.constant 0 : index
        %swap3A_496 = tpu.vector_load %arg30[%swap3A_494, %swap3A_495] {strides = array<i32>} : memref<80x16xf32, #tpu.memory_space<vmem>>, vector<1x16xf32>,
        %swap3A_497 = vector.shape_cast %swap3A_496 : vector<1x16xf32> to vector<16xf32>
        %swap3A_498 = vector.shape_cast %mul3A_492 : vector<16xf32> to vector<1x16xf32>
        tpu.vector_store %arg30[%swap3A_494, %swap3A_495], %swap3A_498 {strides = array<i32>} : memref<80x16xf32, #tpu.memory_space<vmem>>, vector<1x16xf32>,
        %slice3A_499 = vector.extract_strided_slice %get3A_418 {offsets = [8], sizes = [1], strides = [1]} : vector<16xf32> to vector<1xf32>
        %squeeze3A_500 = vector.extract %slice3A_499[0] : f32 from vector<1xf32>
        %mul3A_501 = vector.broadcast %squeeze3A_500 : f32 to vector<16xf32>
        %mul3A_502 = arith.mulf %mul3A_501, %get3A_140 : vector<16xf32>
        %swap3A_503 = arith.constant 24 : i32
        %swap3A_504 = arith.index_cast %swap3A_503 : i32 to index
        %swap3A_505 = arith.constant 0 : index
        %swap3A_506 = tpu.vector_load %arg30[%swap3A_504, %swap3A_505] {strides = array<i32>} : memref<80x16xf32, #tpu.memory_space<vmem>>, vector<1x16xf32>,
        %swap3A_507 = vector.shape_cast %swap3A_506 : vector<1x16xf32> to vector<16xf32>
        %swap3A_508 = vector.shape_cast %mul3A_502 : vector<16xf32> to vector<1x16xf32>
        tpu.vector_store %arg30[%swap3A_504, %swap3A_505], %swap3A_508 {strides = array<i32>} : memref<80x16xf32, #tpu.memory_space<vmem>>, vector<1x16xf32>,
        %slice3A_509 = vector.extract_strided_slice %get3A_418 {offsets = [9], sizes = [1], strides = [1]} : vector<16xf32> to vector<1xf32>
        %squeeze3A_510 = vector.extract %slice3A_509[0] : f32 from vector<1xf32>
        %mul3A_511 = vector.broadcast %squeeze3A_510 : f32 to vector<16xf32>
        %mul3A_512 = arith.mulf %mul3A_511, %get3A_140 : vector<16xf32>
        %swap3A_513 = arith.constant 25 : i32
        %swap3A_514 = arith.index_cast %swap3A_513 : i32 to index
        %swap3A_515 = arith.constant 0 : index
        %swap3A_516 = tpu.vector_load %arg30[%swap3A_514, %swap3A_515] {strides = array<i32>} : memref<80x16xf32, #tpu.memory_space<vmem>>, vector<1x16xf32>,
        %swap3A_517 = vector.shape_cast %swap3A_516 : vector<1x16xf32> to vector<16xf32>
        %swap3A_518 = vector.shape_cast %mul3A_512 : vector<16xf32> to vector<1x16xf32>
        tpu.vector_store %arg30[%swap3A_514, %swap3A_515], %swap3A_518 {strides = array<i32>} : memref<80x16xf32, #tpu.memory_space<vmem>>, vector<1x16xf32>,
        %slice3A_519 = vector.extract_strided_slice %get3A_418 {offsets = [10], sizes = [1], strides = [1]} : vector<16xf32> to vector<1xf32>
        %squeeze3A_520 = vector.extract %slice3A_519[0] : f32 from vector<1xf32>
        %mul3A_521 = vector.broadcast %squeeze3A_520 : f32 to vector<16xf32>
        %mul3A_522 = arith.mulf %mul3A_521, %get3A_140 : vector<16xf32>
        %swap3A_523 = arith.constant 26 : i32
        %swap3A_524 = arith.index_cast %swap3A_523 : i32 to index
        %swap3A_525 = arith.constant 0 : index
        %swap3A_526 = tpu.vector_load %arg30[%swap3A_524, %swap3A_525] {strides = array<i32>} : memref<80x16xf32, #tpu.memory_space<vmem>>, vector<1x16xf32>,
        %swap3A_527 = vector.shape_cast %swap3A_526 : vector<1x16xf32> to vector<16xf32>
        %swap3A_528 = vector.shape_cast %mul3A_522 : vector<16xf32> to vector<1x16xf32>
        tpu.vector_store %arg30[%swap3A_524, %swap3A_525], %swap3A_528 {strides = array<i32>} : memref<80x16xf32, #tpu.memory_space<vmem>>, vector<1x16xf32>,
        %slice3A_529 = vector.extract_strided_slice %get3A_418 {offsets = [11], sizes = [1], strides = [1]} : vector<16xf32> to vector<1xf32>
        %squeeze3A_530 = vector.extract %slice3A_529[0] : f32 from vector<1xf32>
        %mul3A_531 = vector.broadcast %squeeze3A_530 : f32 to vector<16xf32>
        %mul3A_532 = arith.mulf %mul3A_531, %get3A_140 : vector<16xf32>
        %swap3A_533 = arith.constant 27 : i32
        %swap3A_534 = arith.index_cast %swap3A_533 : i32 to index
        %swap3A_535 = arith.constant 0 : index
        %swap3A_536 = tpu.vector_load %arg30[%swap3A_534, %swap3A_535] {strides = array<i32>} : memref<80x16xf32, #tpu.memory_space<vmem>>, vector<1x16xf32>,
        %swap3A_537 = vector.shape_cast %swap3A_536 : vector<1x16xf32> to vector<16xf32>
        %swap3A_538 = vector.shape_cast %mul3A_532 : vector<16xf32> to vector<1x16xf32>
        tpu.vector_store %arg30[%swap3A_534, %swap3A_535], %swap3A_538 {strides = array<i32>} : memref<80x16xf32, #tpu.memory_space<vmem>>, vector<1x16xf32>,
        %slice3A_539 = vector.extract_strided_slice %get3A_418 {offsets = [12], sizes = [1], strides = [1]} : vector<16xf32> to vector<1xf32>
        %squeeze3A_540 = vector.extract %slice3A_539[0] : f32 from vector<1xf32>
        %mul3A_541 = vector.broadcast %squeeze3A_540 : f32 to vector<16xf32>
        %mul3A_542 = arith.mulf %mul3A_541, %get3A_140 : vector<16xf32>
        %swap3A_543 = arith.constant 28 : i32
        %swap3A_544 = arith.index_cast %swap3A_543 : i32 to index
        %swap3A_545 = arith.constant 0 : index
        %swap3A_546 = tpu.vector_load %arg30[%swap3A_544, %swap3A_545] {strides = array<i32>} : memref<80x16xf32, #tpu.memory_space<vmem>>, vector<1x16xf32>,
        %swap3A_547 = vector.shape_cast %swap3A_546 : vector<1x16xf32> to vector<16xf32>
        %swap3A_548 = vector.shape_cast %mul3A_542 : vector<16xf32> to vector<1x16xf32>
        tpu.vector_store %arg30[%swap3A_544, %swap3A_545], %swap3A_548 {strides = array<i32>} : memref<80x16xf32, #tpu.memory_space<vmem>>, vector<1x16xf32>,
        %slice3A_549 = vector.extract_strided_slice %get3A_418 {offsets = [13], sizes = [1], strides = [1]} : vector<16xf32> to vector<1xf32>
        %squeeze3A_550 = vector.extract %slice3A_549[0] : f32 from vector<1xf32>
        %mul3A_551 = vector.broadcast %squeeze3A_550 : f32 to vector<16xf32>
        %mul3A_552 = arith.mulf %mul3A_551, %get3A_140 : vector<16xf32>
        %swap3A_553 = arith.constant 29 : i32
        %swap3A_554 = arith.index_cast %swap3A_553 : i32 to index
        %swap3A_555 = arith.constant 0 : index
        %swap3A_556 = tpu.vector_load %arg30[%swap3A_554, %swap3A_555] {strides = array<i32>} : memref<80x16xf32, #tpu.memory_space<vmem>>, vector<1x16xf32>,
        %swap3A_557 = vector.shape_cast %swap3A_556 : vector<1x16xf32> to vector<16xf32>
        %swap3A_558 = vector.shape_cast %mul3A_552 : vector<16xf32> to vector<1x16xf32>
        tpu.vector_store %arg30[%swap3A_554, %swap3A_555], %swap3A_558 {strides = array<i32>} : memref<80x16xf32, #tpu.memory_space<vmem>>, vector<1x16xf32>,
        %slice3A_559 = vector.extract_strided_slice %get3A_418 {offsets = [14], sizes = [1], strides = [1]} : vector<16xf32> to vector<1xf32>
        %squeeze3A_560 = vector.extract %slice3A_559[0] : f32 from vector<1xf32>
        %mul3A_561 = vector.broadcast %squeeze3A_560 : f32 to vector<16xf32>
        %mul3A_562 = arith.mulf %mul3A_561, %get3A_140 : vector<16xf32>
        %swap3A_563 = arith.constant 30 : i32
        %swap3A_564 = arith.index_cast %swap3A_563 : i32 to index
        %swap3A_565 = arith.constant 0 : index
        %swap3A_566 = tpu.vector_load %arg30[%swap3A_564, %swap3A_565] {strides = array<i32>} : memref<80x16xf32, #tpu.memory_space<vmem>>, vector<1x16xf32>,
        %swap3A_567 = vector.shape_cast %swap3A_566 : vector<1x16xf32> to vector<16xf32>
        %swap3A_568 = vector.shape_cast %mul3A_562 : vector<16xf32> to vector<1x16xf32>
        tpu.vector_store %arg30[%swap3A_564, %swap3A_565], %swap3A_568 {strides = array<i32>} : memref<80x16xf32, #tpu.memory_space<vmem>>, vector<1x16xf32>,
        %slice3A_569 = vector.extract_strided_slice %get3A_418 {offsets = [15], sizes = [1], strides = [1]} : vector<16xf32> to vector<1xf32>
        %squeeze3A_570 = vector.extract %slice3A_569[0] : f32 from vector<1xf32>
        %mul3A_571 = vector.broadcast %squeeze3A_570 : f32 to vector<16xf32>
        %mul3A_572 = arith.mulf %mul3A_571, %get3A_140 : vector<16xf32>
        %swap3A_573 = arith.constant 31 : i32
        %swap3A_574 = arith.index_cast %swap3A_573 : i32 to index
        %swap3A_575 = arith.constant 0 : index
        %swap3A_576 = tpu.vector_load %arg30[%swap3A_574, %swap3A_575] {strides = array<i32>} : memref<80x16xf32, #tpu.memory_space<vmem>>, vector<1x16xf32>,
        %swap3A_577 = vector.shape_cast %swap3A_576 : vector<1x16xf32> to vector<16xf32>
        %swap3A_578 = vector.shape_cast %mul3A_572 : vector<16xf32> to vector<1x16xf32>
        tpu.vector_store %arg30[%swap3A_574, %swap3A_575], %swap3A_578 {strides = array<i32>} : memref<80x16xf32, #tpu.memory_space<vmem>>, vector<1x16xf32>,
        %get3A_579 = arith.constant 32 : index
        %get3A_580 = tpu.vector_load %arg21[%get3A_579] {strides = array<i32>} : memref<80xi32, #tpu.memory_space<vmem>>, vector<16xi32>,
        %get3A_581 = vector.shape_cast %get3A_580 : vector<16xi32> to vector<16xi32>
        %swap3A_582 = arith.constant 32 : index
        %swap3A_583 = tpu.vector_load %arg25[%swap3A_582] {strides = array<i32>} : memref<80xi32, #tpu.memory_space<vmem>>, vector<16xi32>,
        %swap3A_584 = vector.shape_cast %swap3A_583 : vector<16xi32> to vector<16xi32>
        %swap3A_585 = vector.shape_cast %get3A_581 : vector<16xi32> to vector<16xi32>
        tpu.vector_store %arg25[%swap3A_582], %swap3A_585 {strides = array<i32>} : memref<80xi32, #tpu.memory_space<vmem>>, vector<16xi32>,
        %get3A_586 = arith.constant 32 : index
        %get3A_587 = tpu.vector_load %arg22[%get3A_586] {strides = array<i32>} : memref<80xf32, #tpu.memory_space<vmem>>, vector<16xf32>,
        %get3A_588 = vector.shape_cast %get3A_587 : vector<16xf32> to vector<16xf32>
        %slice3A_589 = vector.extract_strided_slice %get3A_588 {offsets = [0], sizes = [1], strides = [1]} : vector<16xf32> to vector<1xf32>
        %squeeze3A_590 = vector.extract %slice3A_589[0] : f32 from vector<1xf32>
        %mul3A_591 = vector.broadcast %squeeze3A_590 : f32 to vector<16xf32>
        %mul3A_592 = arith.mulf %mul3A_591, %get3A_140 : vector<16xf32>
        %swap3A_593 = arith.constant 32 : i32
        %swap3A_594 = arith.index_cast %swap3A_593 : i32 to index
        %swap3A_595 = arith.constant 0 : index
        %swap3A_596 = tpu.vector_load %arg30[%swap3A_594, %swap3A_595] {strides = array<i32>} : memref<80x16xf32, #tpu.memory_space<vmem>>, vector<1x16xf32>,
        %swap3A_597 = vector.shape_cast %swap3A_596 : vector<1x16xf32> to vector<16xf32>
        %swap3A_598 = vector.shape_cast %mul3A_592 : vector<16xf32> to vector<1x16xf32>
        tpu.vector_store %arg30[%swap3A_594, %swap3A_595], %swap3A_598 {strides = array<i32>} : memref<80x16xf32, #tpu.memory_space<vmem>>, vector<1x16xf32>,
        %slice3A_599 = vector.extract_strided_slice %get3A_588 {offsets = [1], sizes = [1], strides = [1]} : vector<16xf32> to vector<1xf32>
        %squeeze3A_600 = vector.extract %slice3A_599[0] : f32 from vector<1xf32>
        %mul3A_601 = vector.broadcast %squeeze3A_600 : f32 to vector<16xf32>
        %mul3A_602 = arith.mulf %mul3A_601, %get3A_140 : vector<16xf32>
        %swap3A_603 = arith.constant 33 : i32
        %swap3A_604 = arith.index_cast %swap3A_603 : i32 to index
        %swap3A_605 = arith.constant 0 : index
        %swap3A_606 = tpu.vector_load %arg30[%swap3A_604, %swap3A_605] {strides = array<i32>} : memref<80x16xf32, #tpu.memory_space<vmem>>, vector<1x16xf32>,
        %swap3A_607 = vector.shape_cast %swap3A_606 : vector<1x16xf32> to vector<16xf32>
        %swap3A_608 = vector.shape_cast %mul3A_602 : vector<16xf32> to vector<1x16xf32>
        tpu.vector_store %arg30[%swap3A_604, %swap3A_605], %swap3A_608 {strides = array<i32>} : memref<80x16xf32, #tpu.memory_space<vmem>>, vector<1x16xf32>,
        %slice3A_609 = vector.extract_strided_slice %get3A_588 {offsets = [2], sizes = [1], strides = [1]} : vector<16xf32> to vector<1xf32>
        %squeeze3A_610 = vector.extract %slice3A_609[0] : f32 from vector<1xf32>
        %mul3A_611 = vector.broadcast %squeeze3A_610 : f32 to vector<16xf32>
        %mul3A_612 = arith.mulf %mul3A_611, %get3A_140 : vector<16xf32>
        %swap3A_613 = arith.constant 34 : i32
        %swap3A_614 = arith.index_cast %swap3A_613 : i32 to index
        %swap3A_615 = arith.constant 0 : index
        %swap3A_616 = tpu.vector_load %arg30[%swap3A_614, %swap3A_615] {strides = array<i32>} : memref<80x16xf32, #tpu.memory_space<vmem>>, vector<1x16xf32>,
        %swap3A_617 = vector.shape_cast %swap3A_616 : vector<1x16xf32> to vector<16xf32>
        %swap3A_618 = vector.shape_cast %mul3A_612 : vector<16xf32> to vector<1x16xf32>
        tpu.vector_store %arg30[%swap3A_614, %swap3A_615], %swap3A_618 {strides = array<i32>} : memref<80x16xf32, #tpu.memory_space<vmem>>, vector<1x16xf32>,
        %slice3A_619 = vector.extract_strided_slice %get3A_588 {offsets = [3], sizes = [1], strides = [1]} : vector<16xf32> to vector<1xf32>
        %squeeze3A_620 = vector.extract %slice3A_619[0] : f32 from vector<1xf32>
        %mul3A_621 = vector.broadcast %squeeze3A_620 : f32 to vector<16xf32>
        %mul3A_622 = arith.mulf %mul3A_621, %get3A_140 : vector<16xf32>
        %swap3A_623 = arith.constant 35 : i32
        %swap3A_624 = arith.index_cast %swap3A_623 : i32 to index
        %swap3A_625 = arith.constant 0 : index
        %swap3A_626 = tpu.vector_load %arg30[%swap3A_624, %swap3A_625] {strides = array<i32>} : memref<80x16xf32, #tpu.memory_space<vmem>>, vector<1x16xf32>,
        %swap3A_627 = vector.shape_cast %swap3A_626 : vector<1x16xf32> to vector<16xf32>
        %swap3A_628 = vector.shape_cast %mul3A_622 : vector<16xf32> to vector<1x16xf32>
        tpu.vector_store %arg30[%swap3A_624, %swap3A_625], %swap3A_628 {strides = array<i32>} : memref<80x16xf32, #tpu.memory_space<vmem>>, vector<1x16xf32>,
        %slice3A_629 = vector.extract_strided_slice %get3A_588 {offsets = [4], sizes = [1], strides = [1]} : vector<16xf32> to vector<1xf32>
        %squeeze3A_630 = vector.extract %slice3A_629[0] : f32 from vector<1xf32>
        %mul3A_631 = vector.broadcast %squeeze3A_630 : f32 to vector<16xf32>
        %mul3A_632 = arith.mulf %mul3A_631, %get3A_140 : vector<16xf32>
        %swap3A_633 = arith.constant 36 : i32
        %swap3A_634 = arith.index_cast %swap3A_633 : i32 to index
        %swap3A_635 = arith.constant 0 : index
        %swap3A_636 = tpu.vector_load %arg30[%swap3A_634, %swap3A_635] {strides = array<i32>} : memref<80x16xf32, #tpu.memory_space<vmem>>, vector<1x16xf32>,
        %swap3A_637 = vector.shape_cast %swap3A_636 : vector<1x16xf32> to vector<16xf32>
        %swap3A_638 = vector.shape_cast %mul3A_632 : vector<16xf32> to vector<1x16xf32>
        tpu.vector_store %arg30[%swap3A_634, %swap3A_635], %swap3A_638 {strides = array<i32>} : memref<80x16xf32, #tpu.memory_space<vmem>>, vector<1x16xf32>,
        %slice3A_639 = vector.extract_strided_slice %get3A_588 {offsets = [5], sizes = [1], strides = [1]} : vector<16xf32> to vector<1xf32>
        %squeeze3A_640 = vector.extract %slice3A_639[0] : f32 from vector<1xf32>
        %mul3A_641 = vector.broadcast %squeeze3A_640 : f32 to vector<16xf32>
        %mul3A_642 = arith.mulf %mul3A_641, %get3A_140 : vector<16xf32>
        %swap3A_643 = arith.constant 37 : i32
        %swap3A_644 = arith.index_cast %swap3A_643 : i32 to index
        %swap3A_645 = arith.constant 0 : index
        %swap3A_646 = tpu.vector_load %arg30[%swap3A_644, %swap3A_645] {strides = array<i32>} : memref<80x16xf32, #tpu.memory_space<vmem>>, vector<1x16xf32>,
        %swap3A_647 = vector.shape_cast %swap3A_646 : vector<1x16xf32> to vector<16xf32>
        %swap3A_648 = vector.shape_cast %mul3A_642 : vector<16xf32> to vector<1x16xf32>
        tpu.vector_store %arg30[%swap3A_644, %swap3A_645], %swap3A_648 {strides = array<i32>} : memref<80x16xf32, #tpu.memory_space<vmem>>, vector<1x16xf32>,
        %slice3A_649 = vector.extract_strided_slice %get3A_588 {offsets = [6], sizes = [1], strides = [1]} : vector<16xf32> to vector<1xf32>
        %squeeze3A_650 = vector.extract %slice3A_649[0] : f32 from vector<1xf32>
        %mul3A_651 = vector.broadcast %squeeze3A_650 : f32 to vector<16xf32>
        %mul3A_652 = arith.mulf %mul3A_651, %get3A_140 : vector<16xf32>
        %swap3A_653 = arith.constant 38 : i32
        %swap3A_654 = arith.index_cast %swap3A_653 : i32 to index
        %swap3A_655 = arith.constant 0 : index
        %swap3A_656 = tpu.vector_load %arg30[%swap3A_654, %swap3A_655] {strides = array<i32>} : memref<80x16xf32, #tpu.memory_space<vmem>>, vector<1x16xf32>,
        %swap3A_657 = vector.shape_cast %swap3A_656 : vector<1x16xf32> to vector<16xf32>
        %swap3A_658 = vector.shape_cast %mul3A_652 : vector<16xf32> to vector<1x16xf32>
        tpu.vector_store %arg30[%swap3A_654, %swap3A_655], %swap3A_658 {strides = array<i32>} : memref<80x16xf32, #tpu.memory_space<vmem>>, vector<1x16xf32>,
        %slice3A_659 = vector.extract_strided_slice %get3A_588 {offsets = [7], sizes = [1], strides = [1]} : vector<16xf32> to vector<1xf32>
        %squeeze3A_660 = vector.extract %slice3A_659[0] : f32 from vector<1xf32>
        %mul3A_661 = vector.broadcast %squeeze3A_660 : f32 to vector<16xf32>
        %mul3A_662 = arith.mulf %mul3A_661, %get3A_140 : vector<16xf32>
        %swap3A_663 = arith.constant 39 : i32
        %swap3A_664 = arith.index_cast %swap3A_663 : i32 to index
        %swap3A_665 = arith.constant 0 : index
        %swap3A_666 = tpu.vector_load %arg30[%swap3A_664, %swap3A_665] {strides = array<i32>} : memref<80x16xf32, #tpu.memory_space<vmem>>, vector<1x16xf32>,
        %swap3A_667 = vector.shape_cast %swap3A_666 : vector<1x16xf32> to vector<16xf32>
        %swap3A_668 = vector.shape_cast %mul3A_662 : vector<16xf32> to vector<1x16xf32>
        tpu.vector_store %arg30[%swap3A_664, %swap3A_665], %swap3A_668 {strides = array<i32>} : memref<80x16xf32, #tpu.memory_space<vmem>>, vector<1x16xf32>,
        %slice3A_669 = vector.extract_strided_slice %get3A_588 {offsets = [8], sizes = [1], strides = [1]} : vector<16xf32> to vector<1xf32>
        %squeeze3A_670 = vector.extract %slice3A_669[0] : f32 from vector<1xf32>
        %mul3A_671 = vector.broadcast %squeeze3A_670 : f32 to vector<16xf32>
        %mul3A_672 = arith.mulf %mul3A_671, %get3A_140 : vector<16xf32>
        %swap3A_673 = arith.constant 40 : i32
        %swap3A_674 = arith.index_cast %swap3A_673 : i32 to index
        %swap3A_675 = arith.constant 0 : index
        %swap3A_676 = tpu.vector_load %arg30[%swap3A_674, %swap3A_675] {strides = array<i32>} : memref<80x16xf32, #tpu.memory_space<vmem>>, vector<1x16xf32>,
        %swap3A_677 = vector.shape_cast %swap3A_676 : vector<1x16xf32> to vector<16xf32>
        %swap3A_678 = vector.shape_cast %mul3A_672 : vector<16xf32> to vector<1x16xf32>
        tpu.vector_store %arg30[%swap3A_674, %swap3A_675], %swap3A_678 {strides = array<i32>} : memref<80x16xf32, #tpu.memory_space<vmem>>, vector<1x16xf32>,
        %slice3A_679 = vector.extract_strided_slice %get3A_588 {offsets = [9], sizes = [1], strides = [1]} : vector<16xf32> to vector<1xf32>
        %squeeze3A_680 = vector.extract %slice3A_679[0] : f32 from vector<1xf32>
        %mul3A_681 = vector.broadcast %squeeze3A_680 : f32 to vector<16xf32>
        %mul3A_682 = arith.mulf %mul3A_681, %get3A_140 : vector<16xf32>
        %swap3A_683 = arith.constant 41 : i32
        %swap3A_684 = arith.index_cast %swap3A_683 : i32 to index
        %swap3A_685 = arith.constant 0 : index
        %swap3A_686 = tpu.vector_load %arg30[%swap3A_684, %swap3A_685] {strides = array<i32>} : memref<80x16xf32, #tpu.memory_space<vmem>>, vector<1x16xf32>,
        %swap3A_687 = vector.shape_cast %swap3A_686 : vector<1x16xf32> to vector<16xf32>
        %swap3A_688 = vector.shape_cast %mul3A_682 : vector<16xf32> to vector<1x16xf32>
        tpu.vector_store %arg30[%swap3A_684, %swap3A_685], %swap3A_688 {strides = array<i32>} : memref<80x16xf32, #tpu.memory_space<vmem>>, vector<1x16xf32>,
        %slice3A_689 = vector.extract_strided_slice %get3A_588 {offsets = [10], sizes = [1], strides = [1]} : vector<16xf32> to vector<1xf32>
        %squeeze3A_690 = vector.extract %slice3A_689[0] : f32 from vector<1xf32>
        %mul3A_691 = vector.broadcast %squeeze3A_690 : f32 to vector<16xf32>
        %mul3A_692 = arith.mulf %mul3A_691, %get3A_140 : vector<16xf32>
        %swap3A_693 = arith.constant 42 : i32
        %swap3A_694 = arith.index_cast %swap3A_693 : i32 to index
        %swap3A_695 = arith.constant 0 : index
        %swap3A_696 = tpu.vector_load %arg30[%swap3A_694, %swap3A_695] {strides = array<i32>} : memref<80x16xf32, #tpu.memory_space<vmem>>, vector<1x16xf32>,
        %swap3A_697 = vector.shape_cast %swap3A_696 : vector<1x16xf32> to vector<16xf32>
        %swap3A_698 = vector.shape_cast %mul3A_692 : vector<16xf32> to vector<1x16xf32>
        tpu.vector_store %arg30[%swap3A_694, %swap3A_695], %swap3A_698 {strides = array<i32>} : memref<80x16xf32, #tpu.memory_space<vmem>>, vector<1x16xf32>,
        %slice3A_699 = vector.extract_strided_slice %get3A_588 {offsets = [11], sizes = [1], strides = [1]} : vector<16xf32> to vector<1xf32>
        %squeeze3A_700 = vector.extract %slice3A_699[0] : f32 from vector<1xf32>
        %mul3A_701 = vector.broadcast %squeeze3A_700 : f32 to vector<16xf32>
        %mul3A_702 = arith.mulf %mul3A_701, %get3A_140 : vector<16xf32>
        %swap3A_703 = arith.constant 43 : i32
        %swap3A_704 = arith.index_cast %swap3A_703 : i32 to index
        %swap3A_705 = arith.constant 0 : index
        %swap3A_706 = tpu.vector_load %arg30[%swap3A_704, %swap3A_705] {strides = array<i32>} : memref<80x16xf32, #tpu.memory_space<vmem>>, vector<1x16xf32>,
        %swap3A_707 = vector.shape_cast %swap3A_706 : vector<1x16xf32> to vector<16xf32>
        %swap3A_708 = vector.shape_cast %mul3A_702 : vector<16xf32> to vector<1x16xf32>
        tpu.vector_store %arg30[%swap3A_704, %swap3A_705], %swap3A_708 {strides = array<i32>} : memref<80x16xf32, #tpu.memory_space<vmem>>, vector<1x16xf32>,
        %slice3A_709 = vector.extract_strided_slice %get3A_588 {offsets = [12], sizes = [1], strides = [1]} : vector<16xf32> to vector<1xf32>
        %squeeze3A_710 = vector.extract %slice3A_709[0] : f32 from vector<1xf32>
        %mul3A_711 = vector.broadcast %squeeze3A_710 : f32 to vector<16xf32>
        %mul3A_712 = arith.mulf %mul3A_711, %get3A_140 : vector<16xf32>
        %swap3A_713 = arith.constant 44 : i32
        %swap3A_714 = arith.index_cast %swap3A_713 : i32 to index
        %swap3A_715 = arith.constant 0 : index
        %swap3A_716 = tpu.vector_load %arg30[%swap3A_714, %swap3A_715] {strides = array<i32>} : memref<80x16xf32, #tpu.memory_space<vmem>>, vector<1x16xf32>,
        %swap3A_717 = vector.shape_cast %swap3A_716 : vector<1x16xf32> to vector<16xf32>
        %swap3A_718 = vector.shape_cast %mul3A_712 : vector<16xf32> to vector<1x16xf32>
        tpu.vector_store %arg30[%swap3A_714, %swap3A_715], %swap3A_718 {strides = array<i32>} : memref<80x16xf32, #tpu.memory_space<vmem>>, vector<1x16xf32>,
        %slice3A_719 = vector.extract_strided_slice %get3A_588 {offsets = [13], sizes = [1], strides = [1]} : vector<16xf32> to vector<1xf32>
        %squeeze3A_720 = vector.extract %slice3A_719[0] : f32 from vector<1xf32>
        %mul3A_721 = vector.broadcast %squeeze3A_720 : f32 to vector<16xf32>
        %mul3A_722 = arith.mulf %mul3A_721, %get3A_140 : vector<16xf32>
        %swap3A_723 = arith.constant 45 : i32
        %swap3A_724 = arith.index_cast %swap3A_723 : i32 to index
        %swap3A_725 = arith.constant 0 : index
        %swap3A_726 = tpu.vector_load %arg30[%swap3A_724, %swap3A_725] {strides = array<i32>} : memref<80x16xf32, #tpu.memory_space<vmem>>, vector<1x16xf32>,
        %swap3A_727 = vector.shape_cast %swap3A_726 : vector<1x16xf32> to vector<16xf32>
        %swap3A_728 = vector.shape_cast %mul3A_722 : vector<16xf32> to vector<1x16xf32>
        tpu.vector_store %arg30[%swap3A_724, %swap3A_725], %swap3A_728 {strides = array<i32>} : memref<80x16xf32, #tpu.memory_space<vmem>>, vector<1x16xf32>,
        %slice3A_729 = vector.extract_strided_slice %get3A_588 {offsets = [14], sizes = [1], strides = [1]} : vector<16xf32> to vector<1xf32>
        %squeeze3A_730 = vector.extract %slice3A_729[0] : f32 from vector<1xf32>
        %mul3A_731 = vector.broadcast %squeeze3A_730 : f32 to vector<16xf32>
        %mul3A_732 = arith.mulf %mul3A_731, %get3A_140 : vector<16xf32>
        %swap3A_733 = arith.constant 46 : i32
        %swap3A_734 = arith.index_cast %swap3A_733 : i32 to index
        %swap3A_735 = arith.constant 0 : index
        %swap3A_736 = tpu.vector_load %arg30[%swap3A_734, %swap3A_735] {strides = array<i32>} : memref<80x16xf32, #tpu.memory_space<vmem>>, vector<1x16xf32>,
        %swap3A_737 = vector.shape_cast %swap3A_736 : vector<1x16xf32> to vector<16xf32>
        %swap3A_738 = vector.shape_cast %mul3A_732 : vector<16xf32> to vector<1x16xf32>
        tpu.vector_store %arg30[%swap3A_734, %swap3A_735], %swap3A_738 {strides = array<i32>} : memref<80x16xf32, #tpu.memory_space<vmem>>, vector<1x16xf32>,
        %slice3A_739 = vector.extract_strided_slice %get3A_588 {offsets = [15], sizes = [1], strides = [1]} : vector<16xf32> to vector<1xf32>
        %squeeze3A_740 = vector.extract %slice3A_739[0] : f32 from vector<1xf32>
        %mul3A_741 = vector.broadcast %squeeze3A_740 : f32 to vector<16xf32>
        %mul3A_742 = arith.mulf %mul3A_741, %get3A_140 : vector<16xf32>
        %swap3A_743 = arith.constant 47 : i32
        %swap3A_744 = arith.index_cast %swap3A_743 : i32 to index
        %swap3A_745 = arith.constant 0 : index
        %swap3A_746 = tpu.vector_load %arg30[%swap3A_744, %swap3A_745] {strides = array<i32>} : memref<80x16xf32, #tpu.memory_space<vmem>>, vector<1x16xf32>,
        %swap3A_747 = vector.shape_cast %swap3A_746 : vector<1x16xf32> to vector<16xf32>
        %swap3A_748 = vector.shape_cast %mul3A_742 : vector<16xf32> to vector<1x16xf32>
        tpu.vector_store %arg30[%swap3A_744, %swap3A_745], %swap3A_748 {strides = array<i32>} : memref<80x16xf32, #tpu.memory_space<vmem>>, vector<1x16xf32>,
        %get3A_749 = arith.constant 48 : index
        %get3A_750 = tpu.vector_load %arg21[%get3A_749] {strides = array<i32>} : memref<80xi32, #tpu.memory_space<vmem>>, vector<16xi32>,
        %get3A_751 = vector.shape_cast %get3A_750 : vector<16xi32> to vector<16xi32>
        %swap3A_752 = arith.constant 48 : index
        %swap3A_753 = tpu.vector_load %arg25[%swap3A_752] {strides = array<i32>} : memref<80xi32, #tpu.memory_space<vmem>>, vector<16xi32>,
        %swap3A_754 = vector.shape_cast %swap3A_753 : vector<16xi32> to vector<16xi32>
        %swap3A_755 = vector.shape_cast %get3A_751 : vector<16xi32> to vector<16xi32>
        tpu.vector_store %arg25[%swap3A_752], %swap3A_755 {strides = array<i32>} : memref<80xi32, #tpu.memory_space<vmem>>, vector<16xi32>,
        %get3A_756 = arith.constant 48 : index
        %get3A_757 = tpu.vector_load %arg22[%get3A_756] {strides = array<i32>} : memref<80xf32, #tpu.memory_space<vmem>>, vector<16xf32>,
        %get3A_758 = vector.shape_cast %get3A_757 : vector<16xf32> to vector<16xf32>
        %slice3A_759 = vector.extract_strided_slice %get3A_758 {offsets = [0], sizes = [1], strides = [1]} : vector<16xf32> to vector<1xf32>
        %squeeze3A_760 = vector.extract %slice3A_759[0] : f32 from vector<1xf32>
        %mul3A_761 = vector.broadcast %squeeze3A_760 : f32 to vector<16xf32>
        %mul3A_762 = arith.mulf %mul3A_761, %get3A_140 : vector<16xf32>
        %swap3A_763 = arith.constant 48 : i32
        %swap3A_764 = arith.index_cast %swap3A_763 : i32 to index
        %swap3A_765 = arith.constant 0 : index
        %swap3A_766 = tpu.vector_load %arg30[%swap3A_764, %swap3A_765] {strides = array<i32>} : memref<80x16xf32, #tpu.memory_space<vmem>>, vector<1x16xf32>,
        %swap3A_767 = vector.shape_cast %swap3A_766 : vector<1x16xf32> to vector<16xf32>
        %swap3A_768 = vector.shape_cast %mul3A_762 : vector<16xf32> to vector<1x16xf32>
        tpu.vector_store %arg30[%swap3A_764, %swap3A_765], %swap3A_768 {strides = array<i32>} : memref<80x16xf32, #tpu.memory_space<vmem>>, vector<1x16xf32>,
        %slice3A_769 = vector.extract_strided_slice %get3A_758 {offsets = [1], sizes = [1], strides = [1]} : vector<16xf32> to vector<1xf32>
        %squeeze3A_770 = vector.extract %slice3A_769[0] : f32 from vector<1xf32>
        %mul3A_771 = vector.broadcast %squeeze3A_770 : f32 to vector<16xf32>
        %mul3A_772 = arith.mulf %mul3A_771, %get3A_140 : vector<16xf32>
        %swap3A_773 = arith.constant 49 : i32
        %swap3A_774 = arith.index_cast %swap3A_773 : i32 to index
        %swap3A_775 = arith.constant 0 : index
        %swap3A_776 = tpu.vector_load %arg30[%swap3A_774, %swap3A_775] {strides = array<i32>} : memref<80x16xf32, #tpu.memory_space<vmem>>, vector<1x16xf32>,
        %swap3A_777 = vector.shape_cast %swap3A_776 : vector<1x16xf32> to vector<16xf32>
        %swap3A_778 = vector.shape_cast %mul3A_772 : vector<16xf32> to vector<1x16xf32>
        tpu.vector_store %arg30[%swap3A_774, %swap3A_775], %swap3A_778 {strides = array<i32>} : memref<80x16xf32, #tpu.memory_space<vmem>>, vector<1x16xf32>,
        %slice3A_779 = vector.extract_strided_slice %get3A_758 {offsets = [2], sizes = [1], strides = [1]} : vector<16xf32> to vector<1xf32>
        %squeeze3A_780 = vector.extract %slice3A_779[0] : f32 from vector<1xf32>
        %mul3A_781 = vector.broadcast %squeeze3A_780 : f32 to vector<16xf32>
        %mul3A_782 = arith.mulf %mul3A_781, %get3A_140 : vector<16xf32>
        %swap3A_783 = arith.constant 50 : i32
        %swap3A_784 = arith.index_cast %swap3A_783 : i32 to index
        %swap3A_785 = arith.constant 0 : index
        %swap3A_786 = tpu.vector_load %arg30[%swap3A_784, %swap3A_785] {strides = array<i32>} : memref<80x16xf32, #tpu.memory_space<vmem>>, vector<1x16xf32>,
        %swap3A_787 = vector.shape_cast %swap3A_786 : vector<1x16xf32> to vector<16xf32>
        %swap3A_788 = vector.shape_cast %mul3A_782 : vector<16xf32> to vector<1x16xf32>
        tpu.vector_store %arg30[%swap3A_784, %swap3A_785], %swap3A_788 {strides = array<i32>} : memref<80x16xf32, #tpu.memory_space<vmem>>, vector<1x16xf32>,
        %slice3A_789 = vector.extract_strided_slice %get3A_758 {offsets = [3], sizes = [1], strides = [1]} : vector<16xf32> to vector<1xf32>
        %squeeze3A_790 = vector.extract %slice3A_789[0] : f32 from vector<1xf32>
        %mul3A_791 = vector.broadcast %squeeze3A_790 : f32 to vector<16xf32>
        %mul3A_792 = arith.mulf %mul3A_791, %get3A_140 : vector<16xf32>
        %swap3A_793 = arith.constant 51 : i32
        %swap3A_794 = arith.index_cast %swap3A_793 : i32 to index
        %swap3A_795 = arith.constant 0 : index
        %swap3A_796 = tpu.vector_load %arg30[%swap3A_794, %swap3A_795] {strides = array<i32>} : memref<80x16xf32, #tpu.memory_space<vmem>>, vector<1x16xf32>,
        %swap3A_797 = vector.shape_cast %swap3A_796 : vector<1x16xf32> to vector<16xf32>
        %swap3A_798 = vector.shape_cast %mul3A_792 : vector<16xf32> to vector<1x16xf32>
        tpu.vector_store %arg30[%swap3A_794, %swap3A_795], %swap3A_798 {strides = array<i32>} : memref<80x16xf32, #tpu.memory_space<vmem>>, vector<1x16xf32>,
        %slice3A_799 = vector.extract_strided_slice %get3A_758 {offsets = [4], sizes = [1], strides = [1]} : vector<16xf32> to vector<1xf32>
        %squeeze3A_800 = vector.extract %slice3A_799[0] : f32 from vector<1xf32>
        %mul3A_801 = vector.broadcast %squeeze3A_800 : f32 to vector<16xf32>
        %mul3A_802 = arith.mulf %mul3A_801, %get3A_140 : vector<16xf32>
        %swap3A_803 = arith.constant 52 : i32
        %swap3A_804 = arith.index_cast %swap3A_803 : i32 to index
        %swap3A_805 = arith.constant 0 : index
        %swap3A_806 = tpu.vector_load %arg30[%swap3A_804, %swap3A_805] {strides = array<i32>} : memref<80x16xf32, #tpu.memory_space<vmem>>, vector<1x16xf32>,
        %swap3A_807 = vector.shape_cast %swap3A_806 : vector<1x16xf32> to vector<16xf32>
        %swap3A_808 = vector.shape_cast %mul3A_802 : vector<16xf32> to vector<1x16xf32>
        tpu.vector_store %arg30[%swap3A_804, %swap3A_805], %swap3A_808 {strides = array<i32>} : memref<80x16xf32, #tpu.memory_space<vmem>>, vector<1x16xf32>,
        %slice3A_809 = vector.extract_strided_slice %get3A_758 {offsets = [5], sizes = [1], strides = [1]} : vector<16xf32> to vector<1xf32>
        %squeeze3A_810 = vector.extract %slice3A_809[0] : f32 from vector<1xf32>
        %mul3A_811 = vector.broadcast %squeeze3A_810 : f32 to vector<16xf32>
        %mul3A_812 = arith.mulf %mul3A_811, %get3A_140 : vector<16xf32>
        %swap3A_813 = arith.constant 53 : i32
        %swap3A_814 = arith.index_cast %swap3A_813 : i32 to index
        %swap3A_815 = arith.constant 0 : index
        %swap3A_816 = tpu.vector_load %arg30[%swap3A_814, %swap3A_815] {strides = array<i32>} : memref<80x16xf32, #tpu.memory_space<vmem>>, vector<1x16xf32>,
        %swap3A_817 = vector.shape_cast %swap3A_816 : vector<1x16xf32> to vector<16xf32>
        %swap3A_818 = vector.shape_cast %mul3A_812 : vector<16xf32> to vector<1x16xf32>
        tpu.vector_store %arg30[%swap3A_814, %swap3A_815], %swap3A_818 {strides = array<i32>} : memref<80x16xf32, #tpu.memory_space<vmem>>, vector<1x16xf32>,
        %slice3A_819 = vector.extract_strided_slice %get3A_758 {offsets = [6], sizes = [1], strides = [1]} : vector<16xf32> to vector<1xf32>
        %squeeze3A_820 = vector.extract %slice3A_819[0] : f32 from vector<1xf32>
        %mul3A_821 = vector.broadcast %squeeze3A_820 : f32 to vector<16xf32>
        %mul3A_822 = arith.mulf %mul3A_821, %get3A_140 : vector<16xf32>
        %swap3A_823 = arith.constant 54 : i32
        %swap3A_824 = arith.index_cast %swap3A_823 : i32 to index
        %swap3A_825 = arith.constant 0 : index
        %swap3A_826 = tpu.vector_load %arg30[%swap3A_824, %swap3A_825] {strides = array<i32>} : memref<80x16xf32, #tpu.memory_space<vmem>>, vector<1x16xf32>,
        %swap3A_827 = vector.shape_cast %swap3A_826 : vector<1x16xf32> to vector<16xf32>
        %swap3A_828 = vector.shape_cast %mul3A_822 : vector<16xf32> to vector<1x16xf32>
        tpu.vector_store %arg30[%swap3A_824, %swap3A_825], %swap3A_828 {strides = array<i32>} : memref<80x16xf32, #tpu.memory_space<vmem>>, vector<1x16xf32>,
        %slice3A_829 = vector.extract_strided_slice %get3A_758 {offsets = [7], sizes = [1], strides = [1]} : vector<16xf32> to vector<1xf32>
        %squeeze3A_830 = vector.extract %slice3A_829[0] : f32 from vector<1xf32>
        %mul3A_831 = vector.broadcast %squeeze3A_830 : f32 to vector<16xf32>
        %mul3A_832 = arith.mulf %mul3A_831, %get3A_140 : vector<16xf32>
        %swap3A_833 = arith.constant 55 : i32
        %swap3A_834 = arith.index_cast %swap3A_833 : i32 to index
        %swap3A_835 = arith.constant 0 : index
        %swap3A_836 = tpu.vector_load %arg30[%swap3A_834, %swap3A_835] {strides = array<i32>} : memref<80x16xf32, #tpu.memory_space<vmem>>, vector<1x16xf32>,
        %swap3A_837 = vector.shape_cast %swap3A_836 : vector<1x16xf32> to vector<16xf32>
        %swap3A_838 = vector.shape_cast %mul3A_832 : vector<16xf32> to vector<1x16xf32>
        tpu.vector_store %arg30[%swap3A_834, %swap3A_835], %swap3A_838 {strides = array<i32>} : memref<80x16xf32, #tpu.memory_space<vmem>>, vector<1x16xf32>,
        %slice3A_839 = vector.extract_strided_slice %get3A_758 {offsets = [8], sizes = [1], strides = [1]} : vector<16xf32> to vector<1xf32>
        %squeeze3A_840 = vector.extract %slice3A_839[0] : f32 from vector<1xf32>
        %mul3A_841 = vector.broadcast %squeeze3A_840 : f32 to vector<16xf32>
        %mul3A_842 = arith.mulf %mul3A_841, %get3A_140 : vector<16xf32>
        %swap3A_843 = arith.constant 56 : i32
        %swap3A_844 = arith.index_cast %swap3A_843 : i32 to index
        %swap3A_845 = arith.constant 0 : index
        %swap3A_846 = tpu.vector_load %arg30[%swap3A_844, %swap3A_845] {strides = array<i32>} : memref<80x16xf32, #tpu.memory_space<vmem>>, vector<1x16xf32>,
        %swap3A_847 = vector.shape_cast %swap3A_846 : vector<1x16xf32> to vector<16xf32>
        %swap3A_848 = vector.shape_cast %mul3A_842 : vector<16xf32> to vector<1x16xf32>
        tpu.vector_store %arg30[%swap3A_844, %swap3A_845], %swap3A_848 {strides = array<i32>} : memref<80x16xf32, #tpu.memory_space<vmem>>, vector<1x16xf32>,
        %slice3A_849 = vector.extract_strided_slice %get3A_758 {offsets = [9], sizes = [1], strides = [1]} : vector<16xf32> to vector<1xf32>
        %squeeze3A_850 = vector.extract %slice3A_849[0] : f32 from vector<1xf32>
        %mul3A_851 = vector.broadcast %squeeze3A_850 : f32 to vector<16xf32>
        %mul3A_852 = arith.mulf %mul3A_851, %get3A_140 : vector<16xf32>
        %swap3A_853 = arith.constant 57 : i32
        %swap3A_854 = arith.index_cast %swap3A_853 : i32 to index
        %swap3A_855 = arith.constant 0 : index
        %swap3A_856 = tpu.vector_load %arg30[%swap3A_854, %swap3A_855] {strides = array<i32>} : memref<80x16xf32, #tpu.memory_space<vmem>>, vector<1x16xf32>,
        %swap3A_857 = vector.shape_cast %swap3A_856 : vector<1x16xf32> to vector<16xf32>
        %swap3A_858 = vector.shape_cast %mul3A_852 : vector<16xf32> to vector<1x16xf32>
        tpu.vector_store %arg30[%swap3A_854, %swap3A_855], %swap3A_858 {strides = array<i32>} : memref<80x16xf32, #tpu.memory_space<vmem>>, vector<1x16xf32>,
        %slice3A_859 = vector.extract_strided_slice %get3A_758 {offsets = [10], sizes = [1], strides = [1]} : vector<16xf32> to vector<1xf32>
        %squeeze3A_860 = vector.extract %slice3A_859[0] : f32 from vector<1xf32>
        %mul3A_861 = vector.broadcast %squeeze3A_860 : f32 to vector<16xf32>
        %mul3A_862 = arith.mulf %mul3A_861, %get3A_140 : vector<16xf32>
        %swap3A_863 = arith.constant 58 : i32
        %swap3A_864 = arith.index_cast %swap3A_863 : i32 to index
        %swap3A_865 = arith.constant 0 : index
        %swap3A_866 = tpu.vector_load %arg30[%swap3A_864, %swap3A_865] {strides = array<i32>} : memref<80x16xf32, #tpu.memory_space<vmem>>, vector<1x16xf32>,
        %swap3A_867 = vector.shape_cast %swap3A_866 : vector<1x16xf32> to vector<16xf32>
        %swap3A_868 = vector.shape_cast %mul3A_862 : vector<16xf32> to vector<1x16xf32>
        tpu.vector_store %arg30[%swap3A_864, %swap3A_865], %swap3A_868 {strides = array<i32>} : memref<80x16xf32, #tpu.memory_space<vmem>>, vector<1x16xf32>,
        %slice3A_869 = vector.extract_strided_slice %get3A_758 {offsets = [11], sizes = [1], strides = [1]} : vector<16xf32> to vector<1xf32>
        %squeeze3A_870 = vector.extract %slice3A_869[0] : f32 from vector<1xf32>
        %mul3A_871 = vector.broadcast %squeeze3A_870 : f32 to vector<16xf32>
        %mul3A_872 = arith.mulf %mul3A_871, %get3A_140 : vector<16xf32>
        %swap3A_873 = arith.constant 59 : i32
        %swap3A_874 = arith.index_cast %swap3A_873 : i32 to index
        %swap3A_875 = arith.constant 0 : index
        %swap3A_876 = tpu.vector_load %arg30[%swap3A_874, %swap3A_875] {strides = array<i32>} : memref<80x16xf32, #tpu.memory_space<vmem>>, vector<1x16xf32>,
        %swap3A_877 = vector.shape_cast %swap3A_876 : vector<1x16xf32> to vector<16xf32>
        %swap3A_878 = vector.shape_cast %mul3A_872 : vector<16xf32> to vector<1x16xf32>
        tpu.vector_store %arg30[%swap3A_874, %swap3A_875], %swap3A_878 {strides = array<i32>} : memref<80x16xf32, #tpu.memory_space<vmem>>, vector<1x16xf32>,
        %slice3A_879 = vector.extract_strided_slice %get3A_758 {offsets = [12], sizes = [1], strides = [1]} : vector<16xf32> to vector<1xf32>
        %squeeze3A_880 = vector.extract %slice3A_879[0] : f32 from vector<1xf32>
        %mul3A_881 = vector.broadcast %squeeze3A_880 : f32 to vector<16xf32>
        %mul3A_882 = arith.mulf %mul3A_881, %get3A_140 : vector<16xf32>
        %swap3A_883 = arith.constant 60 : i32
        %swap3A_884 = arith.index_cast %swap3A_883 : i32 to index
        %swap3A_885 = arith.constant 0 : index
        %swap3A_886 = tpu.vector_load %arg30[%swap3A_884, %swap3A_885] {strides = array<i32>} : memref<80x16xf32, #tpu.memory_space<vmem>>, vector<1x16xf32>,
        %swap3A_887 = vector.shape_cast %swap3A_886 : vector<1x16xf32> to vector<16xf32>
        %swap3A_888 = vector.shape_cast %mul3A_882 : vector<16xf32> to vector<1x16xf32>
        tpu.vector_store %arg30[%swap3A_884, %swap3A_885], %swap3A_888 {strides = array<i32>} : memref<80x16xf32, #tpu.memory_space<vmem>>, vector<1x16xf32>,
        %slice3A_889 = vector.extract_strided_slice %get3A_758 {offsets = [13], sizes = [1], strides = [1]} : vector<16xf32> to vector<1xf32>
        %squeeze3A_890 = vector.extract %slice3A_889[0] : f32 from vector<1xf32>
        %mul3A_891 = vector.broadcast %squeeze3A_890 : f32 to vector<16xf32>
        %mul3A_892 = arith.mulf %mul3A_891, %get3A_140 : vector<16xf32>
        %swap3A_893 = arith.constant 61 : i32
        %swap3A_894 = arith.index_cast %swap3A_893 : i32 to index
        %swap3A_895 = arith.constant 0 : index
        %swap3A_896 = tpu.vector_load %arg30[%swap3A_894, %swap3A_895] {strides = array<i32>} : memref<80x16xf32, #tpu.memory_space<vmem>>, vector<1x16xf32>,
        %swap3A_897 = vector.shape_cast %swap3A_896 : vector<1x16xf32> to vector<16xf32>
        %swap3A_898 = vector.shape_cast %mul3A_892 : vector<16xf32> to vector<1x16xf32>
        tpu.vector_store %arg30[%swap3A_894, %swap3A_895], %swap3A_898 {strides = array<i32>} : memref<80x16xf32, #tpu.memory_space<vmem>>, vector<1x16xf32>,
        %slice3A_899 = vector.extract_strided_slice %get3A_758 {offsets = [14], sizes = [1], strides = [1]} : vector<16xf32> to vector<1xf32>
        %squeeze3A_900 = vector.extract %slice3A_899[0] : f32 from vector<1xf32>
        %mul3A_901 = vector.broadcast %squeeze3A_900 : f32 to vector<16xf32>
        %mul3A_902 = arith.mulf %mul3A_901, %get3A_140 : vector<16xf32>
        %swap3A_903 = arith.constant 62 : i32
        %swap3A_904 = arith.index_cast %swap3A_903 : i32 to index
        %swap3A_905 = arith.constant 0 : index
        %swap3A_906 = tpu.vector_load %arg30[%swap3A_904, %swap3A_905] {strides = array<i32>} : memref<80x16xf32, #tpu.memory_space<vmem>>, vector<1x16xf32>,
        %swap3A_907 = vector.shape_cast %swap3A_906 : vector<1x16xf32> to vector<16xf32>
        %swap3A_908 = vector.shape_cast %mul3A_902 : vector<16xf32> to vector<1x16xf32>
        tpu.vector_store %arg30[%swap3A_904, %swap3A_905], %swap3A_908 {strides = array<i32>} : memref<80x16xf32, #tpu.memory_space<vmem>>, vector<1x16xf32>,
        %slice3A_909 = vector.extract_strided_slice %get3A_758 {offsets = [15], sizes = [1], strides = [1]} : vector<16xf32> to vector<1xf32>
        %squeeze3A_910 = vector.extract %slice3A_909[0] : f32 from vector<1xf32>
        %mul3A_911 = vector.broadcast %squeeze3A_910 : f32 to vector<16xf32>
        %mul3A_912 = arith.mulf %mul3A_911, %get3A_140 : vector<16xf32>
        %swap3A_913 = arith.constant 63 : i32
        %swap3A_914 = arith.index_cast %swap3A_913 : i32 to index
        %swap3A_915 = arith.constant 0 : index
        %swap3A_916 = tpu.vector_load %arg30[%swap3A_914, %swap3A_915] {strides = array<i32>} : memref<80x16xf32, #tpu.memory_space<vmem>>, vector<1x16xf32>,
        %swap3A_917 = vector.shape_cast %swap3A_916 : vector<1x16xf32> to vector<16xf32>
        %swap3A_918 = vector.shape_cast %mul3A_912 : vector<16xf32> to vector<1x16xf32>
        tpu.vector_store %arg30[%swap3A_914, %swap3A_915], %swap3A_918 {strides = array<i32>} : memref<80x16xf32, #tpu.memory_space<vmem>>, vector<1x16xf32>,
        %get3A_919 = arith.constant 64 : index
        %get3A_920 = tpu.vector_load %arg21[%get3A_919] {strides = array<i32>} : memref<80xi32, #tpu.memory_space<vmem>>, vector<16xi32>,
        %get3A_921 = vector.shape_cast %get3A_920 : vector<16xi32> to vector<16xi32>
        %swap3A_922 = arith.constant 64 : index
        %swap3A_923 = tpu.vector_load %arg25[%swap3A_922] {strides = array<i32>} : memref<80xi32, #tpu.memory_space<vmem>>, vector<16xi32>,
        %swap3A_924 = vector.shape_cast %swap3A_923 : vector<16xi32> to vector<16xi32>
        %swap3A_925 = vector.shape_cast %get3A_921 : vector<16xi32> to vector<16xi32>
        tpu.vector_store %arg25[%swap3A_922], %swap3A_925 {strides = array<i32>} : memref<80xi32, #tpu.memory_space<vmem>>, vector<16xi32>,
        %get3A_926 = arith.constant 64 : index
        %get3A_927 = tpu.vector_load %arg22[%get3A_926] {strides = array<i32>} : memref<80xf32, #tpu.memory_space<vmem>>, vector<16xf32>,
        %get3A_928 = vector.shape_cast %get3A_927 : vector<16xf32> to vector<16xf32>
        %slice3A_929 = vector.extract_strided_slice %get3A_928 {offsets = [0], sizes = [1], strides = [1]} : vector<16xf32> to vector<1xf32>
        %squeeze3A_930 = vector.extract %slice3A_929[0] : f32 from vector<1xf32>
        %mul3A_931 = vector.broadcast %squeeze3A_930 : f32 to vector<16xf32>
        %mul3A_932 = arith.mulf %mul3A_931, %get3A_140 : vector<16xf32>
        %swap3A_933 = arith.constant 64 : i32
        %swap3A_934 = arith.index_cast %swap3A_933 : i32 to index
        %swap3A_935 = arith.constant 0 : index
        %swap3A_936 = tpu.vector_load %arg30[%swap3A_934, %swap3A_935] {strides = array<i32>} : memref<80x16xf32, #tpu.memory_space<vmem>>, vector<1x16xf32>,
        %swap3A_937 = vector.shape_cast %swap3A_936 : vector<1x16xf32> to vector<16xf32>
        %swap3A_938 = vector.shape_cast %mul3A_932 : vector<16xf32> to vector<1x16xf32>
        tpu.vector_store %arg30[%swap3A_934, %swap3A_935], %swap3A_938 {strides = array<i32>} : memref<80x16xf32, #tpu.memory_space<vmem>>, vector<1x16xf32>,
        %slice3A_939 = vector.extract_strided_slice %get3A_928 {offsets = [1], sizes = [1], strides = [1]} : vector<16xf32> to vector<1xf32>
        %squeeze3A_940 = vector.extract %slice3A_939[0] : f32 from vector<1xf32>
        %mul3A_941 = vector.broadcast %squeeze3A_940 : f32 to vector<16xf32>
        %mul3A_942 = arith.mulf %mul3A_941, %get3A_140 : vector<16xf32>
        %swap3A_943 = arith.constant 65 : i32
        %swap3A_944 = arith.index_cast %swap3A_943 : i32 to index
        %swap3A_945 = arith.constant 0 : index
        %swap3A_946 = tpu.vector_load %arg30[%swap3A_944, %swap3A_945] {strides = array<i32>} : memref<80x16xf32, #tpu.memory_space<vmem>>, vector<1x16xf32>,
        %swap3A_947 = vector.shape_cast %swap3A_946 : vector<1x16xf32> to vector<16xf32>
        %swap3A_948 = vector.shape_cast %mul3A_942 : vector<16xf32> to vector<1x16xf32>
        tpu.vector_store %arg30[%swap3A_944, %swap3A_945], %swap3A_948 {strides = array<i32>} : memref<80x16xf32, #tpu.memory_space<vmem>>, vector<1x16xf32>,
        %slice3A_949 = vector.extract_strided_slice %get3A_928 {offsets = [2], sizes = [1], strides = [1]} : vector<16xf32> to vector<1xf32>
        %squeeze3A_950 = vector.extract %slice3A_949[0] : f32 from vector<1xf32>
        %mul3A_951 = vector.broadcast %squeeze3A_950 : f32 to vector<16xf32>
        %mul3A_952 = arith.mulf %mul3A_951, %get3A_140 : vector<16xf32>
        %swap3A_953 = arith.constant 66 : i32
        %swap3A_954 = arith.index_cast %swap3A_953 : i32 to index
        %swap3A_955 = arith.constant 0 : index
        %swap3A_956 = tpu.vector_load %arg30[%swap3A_954, %swap3A_955] {strides = array<i32>} : memref<80x16xf32, #tpu.memory_space<vmem>>, vector<1x16xf32>,
        %swap3A_957 = vector.shape_cast %swap3A_956 : vector<1x16xf32> to vector<16xf32>
        %swap3A_958 = vector.shape_cast %mul3A_952 : vector<16xf32> to vector<1x16xf32>
        tpu.vector_store %arg30[%swap3A_954, %swap3A_955], %swap3A_958 {strides = array<i32>} : memref<80x16xf32, #tpu.memory_space<vmem>>, vector<1x16xf32>,
        %slice3A_959 = vector.extract_strided_slice %get3A_928 {offsets = [3], sizes = [1], strides = [1]} : vector<16xf32> to vector<1xf32>
        %squeeze3A_960 = vector.extract %slice3A_959[0] : f32 from vector<1xf32>
        %mul3A_961 = vector.broadcast %squeeze3A_960 : f32 to vector<16xf32>
        %mul3A_962 = arith.mulf %mul3A_961, %get3A_140 : vector<16xf32>
        %swap3A_963 = arith.constant 67 : i32
        %swap3A_964 = arith.index_cast %swap3A_963 : i32 to index
        %swap3A_965 = arith.constant 0 : index
        %swap3A_966 = tpu.vector_load %arg30[%swap3A_964, %swap3A_965] {strides = array<i32>} : memref<80x16xf32, #tpu.memory_space<vmem>>, vector<1x16xf32>,
        %swap3A_967 = vector.shape_cast %swap3A_966 : vector<1x16xf32> to vector<16xf32>
        %swap3A_968 = vector.shape_cast %mul3A_962 : vector<16xf32> to vector<1x16xf32>
        tpu.vector_store %arg30[%swap3A_964, %swap3A_965], %swap3A_968 {strides = array<i32>} : memref<80x16xf32, #tpu.memory_space<vmem>>, vector<1x16xf32>,
        %slice3A_969 = vector.extract_strided_slice %get3A_928 {offsets = [4], sizes = [1], strides = [1]} : vector<16xf32> to vector<1xf32>
        %squeeze3A_970 = vector.extract %slice3A_969[0] : f32 from vector<1xf32>
        %mul3A_971 = vector.broadcast %squeeze3A_970 : f32 to vector<16xf32>
        %mul3A_972 = arith.mulf %mul3A_971, %get3A_140 : vector<16xf32>
        %swap3A_973 = arith.constant 68 : i32
        %swap3A_974 = arith.index_cast %swap3A_973 : i32 to index
        %swap3A_975 = arith.constant 0 : index
        %swap3A_976 = tpu.vector_load %arg30[%swap3A_974, %swap3A_975] {strides = array<i32>} : memref<80x16xf32, #tpu.memory_space<vmem>>, vector<1x16xf32>,
        %swap3A_977 = vector.shape_cast %swap3A_976 : vector<1x16xf32> to vector<16xf32>
        %swap3A_978 = vector.shape_cast %mul3A_972 : vector<16xf32> to vector<1x16xf32>
        tpu.vector_store %arg30[%swap3A_974, %swap3A_975], %swap3A_978 {strides = array<i32>} : memref<80x16xf32, #tpu.memory_space<vmem>>, vector<1x16xf32>,
        %slice3A_979 = vector.extract_strided_slice %get3A_928 {offsets = [5], sizes = [1], strides = [1]} : vector<16xf32> to vector<1xf32>
        %squeeze3A_980 = vector.extract %slice3A_979[0] : f32 from vector<1xf32>
        %mul3A_981 = vector.broadcast %squeeze3A_980 : f32 to vector<16xf32>
        %mul3A_982 = arith.mulf %mul3A_981, %get3A_140 : vector<16xf32>
        %swap3A_983 = arith.constant 69 : i32
        %swap3A_984 = arith.index_cast %swap3A_983 : i32 to index
        %swap3A_985 = arith.constant 0 : index
        %swap3A_986 = tpu.vector_load %arg30[%swap3A_984, %swap3A_985] {strides = array<i32>} : memref<80x16xf32, #tpu.memory_space<vmem>>, vector<1x16xf32>,
        %swap3A_987 = vector.shape_cast %swap3A_986 : vector<1x16xf32> to vector<16xf32>
        %swap3A_988 = vector.shape_cast %mul3A_982 : vector<16xf32> to vector<1x16xf32>
        tpu.vector_store %arg30[%swap3A_984, %swap3A_985], %swap3A_988 {strides = array<i32>} : memref<80x16xf32, #tpu.memory_space<vmem>>, vector<1x16xf32>,
        %slice3A_989 = vector.extract_strided_slice %get3A_928 {offsets = [6], sizes = [1], strides = [1]} : vector<16xf32> to vector<1xf32>
        %squeeze3A_990 = vector.extract %slice3A_989[0] : f32 from vector<1xf32>
        %mul3A_991 = vector.broadcast %squeeze3A_990 : f32 to vector<16xf32>
        %mul3A_992 = arith.mulf %mul3A_991, %get3A_140 : vector<16xf32>
        %swap3A_993 = arith.constant 70 : i32
        %swap3A_994 = arith.index_cast %swap3A_993 : i32 to index
        %swap3A_995 = arith.constant 0 : index
        %swap3A_996 = tpu.vector_load %arg30[%swap3A_994, %swap3A_995] {strides = array<i32>} : memref<80x16xf32, #tpu.memory_space<vmem>>, vector<1x16xf32>,
        %swap3A_997 = vector.shape_cast %swap3A_996 : vector<1x16xf32> to vector<16xf32>
        %swap3A_998 = vector.shape_cast %mul3A_992 : vector<16xf32> to vector<1x16xf32>
        tpu.vector_store %arg30[%swap3A_994, %swap3A_995], %swap3A_998 {strides = array<i32>} : memref<80x16xf32, #tpu.memory_space<vmem>>, vector<1x16xf32>,
        %slice3A_999 = vector.extract_strided_slice %get3A_928 {offsets = [7], sizes = [1], strides = [1]} : vector<16xf32> to vector<1xf32>
        %squeeze3A_1000 = vector.extract %slice3A_999[0] : f32 from vector<1xf32>
        %mul3A_1001 = vector.broadcast %squeeze3A_1000 : f32 to vector<16xf32>
        %mul3A_1002 = arith.mulf %mul3A_1001, %get3A_140 : vector<16xf32>
        %swap3A_1003 = arith.constant 71 : i32
        %swap3A_1004 = arith.index_cast %swap3A_1003 : i32 to index
        %swap3A_1005 = arith.constant 0 : index
        %swap3A_1006 = tpu.vector_load %arg30[%swap3A_1004, %swap3A_1005] {strides = array<i32>} : memref<80x16xf32, #tpu.memory_space<vmem>>, vector<1x16xf32>,
        %swap3A_1007 = vector.shape_cast %swap3A_1006 : vector<1x16xf32> to vector<16xf32>
        %swap3A_1008 = vector.shape_cast %mul3A_1002 : vector<16xf32> to vector<1x16xf32>
        tpu.vector_store %arg30[%swap3A_1004, %swap3A_1005], %swap3A_1008 {strides = array<i32>} : memref<80x16xf32, #tpu.memory_space<vmem>>, vector<1x16xf32>,
        %slice3A_1009 = vector.extract_strided_slice %get3A_928 {offsets = [8], sizes = [1], strides = [1]} : vector<16xf32> to vector<1xf32>
        %squeeze3A_1010 = vector.extract %slice3A_1009[0] : f32 from vector<1xf32>
        %mul3A_1011 = vector.broadcast %squeeze3A_1010 : f32 to vector<16xf32>
        %mul3A_1012 = arith.mulf %mul3A_1011, %get3A_140 : vector<16xf32>
        %swap3A_1013 = arith.constant 72 : i32
        %swap3A_1014 = arith.index_cast %swap3A_1013 : i32 to index
        %swap3A_1015 = arith.constant 0 : index
        %swap3A_1016 = tpu.vector_load %arg30[%swap3A_1014, %swap3A_1015] {strides = array<i32>} : memref<80x16xf32, #tpu.memory_space<vmem>>, vector<1x16xf32>,
        %swap3A_1017 = vector.shape_cast %swap3A_1016 : vector<1x16xf32> to vector<16xf32>
        %swap3A_1018 = vector.shape_cast %mul3A_1012 : vector<16xf32> to vector<1x16xf32>
        tpu.vector_store %arg30[%swap3A_1014, %swap3A_1015], %swap3A_1018 {strides = array<i32>} : memref<80x16xf32, #tpu.memory_space<vmem>>, vector<1x16xf32>,
        %slice3A_1019 = vector.extract_strided_slice %get3A_928 {offsets = [9], sizes = [1], strides = [1]} : vector<16xf32> to vector<1xf32>
        %squeeze3A_1020 = vector.extract %slice3A_1019[0] : f32 from vector<1xf32>
        %mul3A_1021 = vector.broadcast %squeeze3A_1020 : f32 to vector<16xf32>
        %mul3A_1022 = arith.mulf %mul3A_1021, %get3A_140 : vector<16xf32>
        %swap3A_1023 = arith.constant 73 : i32
        %swap3A_1024 = arith.index_cast %swap3A_1023 : i32 to index
        %swap3A_1025 = arith.constant 0 : index
        %swap3A_1026 = tpu.vector_load %arg30[%swap3A_1024, %swap3A_1025] {strides = array<i32>} : memref<80x16xf32, #tpu.memory_space<vmem>>, vector<1x16xf32>,
        %swap3A_1027 = vector.shape_cast %swap3A_1026 : vector<1x16xf32> to vector<16xf32>
        %swap3A_1028 = vector.shape_cast %mul3A_1022 : vector<16xf32> to vector<1x16xf32>
        tpu.vector_store %arg30[%swap3A_1024, %swap3A_1025], %swap3A_1028 {strides = array<i32>} : memref<80x16xf32, #tpu.memory_space<vmem>>, vector<1x16xf32>,
        %slice3A_1029 = vector.extract_strided_slice %get3A_928 {offsets = [10], sizes = [1], strides = [1]} : vector<16xf32> to vector<1xf32>
        %squeeze3A_1030 = vector.extract %slice3A_1029[0] : f32 from vector<1xf32>
        %mul3A_1031 = vector.broadcast %squeeze3A_1030 : f32 to vector<16xf32>
        %mul3A_1032 = arith.mulf %mul3A_1031, %get3A_140 : vector<16xf32>
        %swap3A_1033 = arith.constant 74 : i32
        %swap3A_1034 = arith.index_cast %swap3A_1033 : i32 to index
        %swap3A_1035 = arith.constant 0 : index
        %swap3A_1036 = tpu.vector_load %arg30[%swap3A_1034, %swap3A_1035] {strides = array<i32>} : memref<80x16xf32, #tpu.memory_space<vmem>>, vector<1x16xf32>,
        %swap3A_1037 = vector.shape_cast %swap3A_1036 : vector<1x16xf32> to vector<16xf32>
        %swap3A_1038 = vector.shape_cast %mul3A_1032 : vector<16xf32> to vector<1x16xf32>
        tpu.vector_store %arg30[%swap3A_1034, %swap3A_1035], %swap3A_1038 {strides = array<i32>} : memref<80x16xf32, #tpu.memory_space<vmem>>, vector<1x16xf32>,
        %slice3A_1039 = vector.extract_strided_slice %get3A_928 {offsets = [11], sizes = [1], strides = [1]} : vector<16xf32> to vector<1xf32>
        %squeeze3A_1040 = vector.extract %slice3A_1039[0] : f32 from vector<1xf32>
        %mul3A_1041 = vector.broadcast %squeeze3A_1040 : f32 to vector<16xf32>
        %mul3A_1042 = arith.mulf %mul3A_1041, %get3A_140 : vector<16xf32>
        %swap3A_1043 = arith.constant 75 : i32
        %swap3A_1044 = arith.index_cast %swap3A_1043 : i32 to index
        %swap3A_1045 = arith.constant 0 : index
        %swap3A_1046 = tpu.vector_load %arg30[%swap3A_1044, %swap3A_1045] {strides = array<i32>} : memref<80x16xf32, #tpu.memory_space<vmem>>, vector<1x16xf32>,
        %swap3A_1047 = vector.shape_cast %swap3A_1046 : vector<1x16xf32> to vector<16xf32>
        %swap3A_1048 = vector.shape_cast %mul3A_1042 : vector<16xf32> to vector<1x16xf32>
        tpu.vector_store %arg30[%swap3A_1044, %swap3A_1045], %swap3A_1048 {strides = array<i32>} : memref<80x16xf32, #tpu.memory_space<vmem>>, vector<1x16xf32>,
        %slice3A_1049 = vector.extract_strided_slice %get3A_928 {offsets = [12], sizes = [1], strides = [1]} : vector<16xf32> to vector<1xf32>
        %squeeze3A_1050 = vector.extract %slice3A_1049[0] : f32 from vector<1xf32>
        %mul3A_1051 = vector.broadcast %squeeze3A_1050 : f32 to vector<16xf32>
        %mul3A_1052 = arith.mulf %mul3A_1051, %get3A_140 : vector<16xf32>
        %swap3A_1053 = arith.constant 76 : i32
        %swap3A_1054 = arith.index_cast %swap3A_1053 : i32 to index
        %swap3A_1055 = arith.constant 0 : index
        %swap3A_1056 = tpu.vector_load %arg30[%swap3A_1054, %swap3A_1055] {strides = array<i32>} : memref<80x16xf32, #tpu.memory_space<vmem>>, vector<1x16xf32>,
        %swap3A_1057 = vector.shape_cast %swap3A_1056 : vector<1x16xf32> to vector<16xf32>
        %swap3A_1058 = vector.shape_cast %mul3A_1052 : vector<16xf32> to vector<1x16xf32>
        tpu.vector_store %arg30[%swap3A_1054, %swap3A_1055], %swap3A_1058 {strides = array<i32>} : memref<80x16xf32, #tpu.memory_space<vmem>>, vector<1x16xf32>,
        %slice3A_1059 = vector.extract_strided_slice %get3A_928 {offsets = [13], sizes = [1], strides = [1]} : vector<16xf32> to vector<1xf32>
        %squeeze3A_1060 = vector.extract %slice3A_1059[0] : f32 from vector<1xf32>
        %mul3A_1061 = vector.broadcast %squeeze3A_1060 : f32 to vector<16xf32>
        %mul3A_1062 = arith.mulf %mul3A_1061, %get3A_140 : vector<16xf32>
        %swap3A_1063 = arith.constant 77 : i32
        %swap3A_1064 = arith.index_cast %swap3A_1063 : i32 to index
        %swap3A_1065 = arith.constant 0 : index
        %swap3A_1066 = tpu.vector_load %arg30[%swap3A_1064, %swap3A_1065] {strides = array<i32>} : memref<80x16xf32, #tpu.memory_space<vmem>>, vector<1x16xf32>,
        %swap3A_1067 = vector.shape_cast %swap3A_1066 : vector<1x16xf32> to vector<16xf32>
        %swap3A_1068 = vector.shape_cast %mul3A_1062 : vector<16xf32> to vector<1x16xf32>
        tpu.vector_store %arg30[%swap3A_1064, %swap3A_1065], %swap3A_1068 {strides = array<i32>} : memref<80x16xf32, #tpu.memory_space<vmem>>, vector<1x16xf32>,
        %slice3A_1069 = vector.extract_strided_slice %get3A_928 {offsets = [14], sizes = [1], strides = [1]} : vector<16xf32> to vector<1xf32>
        %squeeze3A_1070 = vector.extract %slice3A_1069[0] : f32 from vector<1xf32>
        %mul3A_1071 = vector.broadcast %squeeze3A_1070 : f32 to vector<16xf32>
        %mul3A_1072 = arith.mulf %mul3A_1071, %get3A_140 : vector<16xf32>
        %swap3A_1073 = arith.constant 78 : i32
        %swap3A_1074 = arith.index_cast %swap3A_1073 : i32 to index
        %swap3A_1075 = arith.constant 0 : index
        %swap3A_1076 = tpu.vector_load %arg30[%swap3A_1074, %swap3A_1075] {strides = array<i32>} : memref<80x16xf32, #tpu.memory_space<vmem>>, vector<1x16xf32>,
        %swap3A_1077 = vector.shape_cast %swap3A_1076 : vector<1x16xf32> to vector<16xf32>
        %swap3A_1078 = vector.shape_cast %mul3A_1072 : vector<16xf32> to vector<1x16xf32>
        tpu.vector_store %arg30[%swap3A_1074, %swap3A_1075], %swap3A_1078 {strides = array<i32>} : memref<80x16xf32, #tpu.memory_space<vmem>>, vector<1x16xf32>,
        %slice3A_1079 = vector.extract_strided_slice %get3A_928 {offsets = [15], sizes = [1], strides = [1]} : vector<16xf32> to vector<1xf32>
        %squeeze3A_1080 = vector.extract %slice3A_1079[0] : f32 from vector<1xf32>
        %mul3A_1081 = vector.broadcast %squeeze3A_1080 : f32 to vector<16xf32>
        %mul3A_1082 = arith.mulf %mul3A_1081, %get3A_140 : vector<16xf32>
        %swap3A_1083 = arith.constant 79 : i32
        %swap3A_1084 = arith.index_cast %swap3A_1083 : i32 to index
        %swap3A_1085 = arith.constant 0 : index
        %swap3A_1086 = tpu.vector_load %arg30[%swap3A_1084, %swap3A_1085] {strides = array<i32>} : memref<80x16xf32, #tpu.memory_space<vmem>>, vector<1x16xf32>,
        %swap3A_1087 = vector.shape_cast %swap3A_1086 : vector<1x16xf32> to vector<16xf32>
        %swap3A_1088 = vector.shape_cast %mul3A_1082 : vector<16xf32> to vector<1x16xf32>
        tpu.vector_store %arg30[%swap3A_1084, %swap3A_1085], %swap3A_1088 {strides = array<i32>} : memref<80x16xf32, #tpu.memory_space<vmem>>, vector<1x16xf32>,
        %dma_wait3A_1089 = arith.constant 0 : i32
        %dma_wait3A_1090 = arith.constant 0 : i32
        %dma_wait3A_1091 = tpu.memref_slice %arg5[%dma_wait3A_1089, %dma_wait3A_1090] : memref<20000x16xf32, #tpu.memory_space<hbm>> -> memref<80x16xf32, #tpu.memory_space<hbm>>
        %dma_wait3A_1092 = arith.constant 0 : i32
        %dma_wait3A_1093 = arith.constant 0 : i32
        %dma_wait3A_1094 = tpu.memref_slice %arg5[%dma_wait3A_1092, %dma_wait3A_1093] : memref<20000x16xf32, #tpu.memory_space<hbm>> -> memref<80x16xf32, #tpu.memory_space<hbm>>
        tpu.wait_dma2 semaphore(%arg37 : memref<!tpu.dma_semaphore, #tpu.memory_space<semaphore_mem>>) src(%dma_wait3A_1094 : memref<80x16xf32, #tpu.memory_space<hbm>>) dst(%arg26 : memref<80x16xf32, #tpu.memory_space<vmem>>)
        %dma_wait3A_1095 = arith.constant 0 : i32
        %dma_wait3A_1096 = arith.constant 0 : i32
        %dma_wait3A_1097 = tpu.memref_slice %arg5[%dma_wait3A_1095, %dma_wait3A_1096] : memref<20000x16xf32, #tpu.memory_space<hbm>> -> memref<80x16xf32, #tpu.memory_space<hbm>>
        %dma_wait3A_1098 = arith.constant 0 : i32
        %dma_wait3A_1099 = arith.constant 0 : i32
        %dma_wait3A_1100 = tpu.memref_slice %arg5[%dma_wait3A_1098, %dma_wait3A_1099] : memref<20000x16xf32, #tpu.memory_space<hbm>> -> memref<80x16xf32, #tpu.memory_space<hbm>>
        tpu.wait_dma2 semaphore(%arg37 : memref<!tpu.dma_semaphore, #tpu.memory_space<semaphore_mem>>) src(%dma_wait3A_1100 : memref<80x16xf32, #tpu.memory_space<hbm>>) dst(%arg27 : memref<80x16xf32, #tpu.memory_space<vmem>>)
        %dma_wait3A_1101 = arith.constant 0 : i32
        %dma_wait3A_1102 = arith.constant 0 : i32
        %dma_wait3A_1103 = tpu.memref_slice %arg6[%dma_wait3A_1101, %dma_wait3A_1102] : memref<20000x128xf32, #tpu.memory_space<hbm>> -> memref<80x128xf32, #tpu.memory_space<hbm>>
        %dma_wait3A_1104 = arith.constant 0 : i32
        %dma_wait3A_1105 = arith.constant 0 : i32
        %dma_wait3A_1106 = tpu.memref_slice %arg6[%dma_wait3A_1104, %dma_wait3A_1105] : memref<20000x128xf32, #tpu.memory_space<hbm>> -> memref<80x128xf32, #tpu.memory_space<hbm>>
        tpu.wait_dma2 semaphore(%arg37 : memref<!tpu.dma_semaphore, #tpu.memory_space<semaphore_mem>>) src(%dma_wait3A_1106 : memref<80x128xf32, #tpu.memory_space<hbm>>) dst(%arg28 : memref<80x128xf32, #tpu.memory_space<vmem>>)
        %add3A_1107 = arith.constant 2 : i32
        %add3A_1108 = arith.addi %scan3A_200, %add3A_1107 : i32
        %lt3A_1109 = arith.constant 125 : i32
        %lt3A_1110 = arith.cmpi slt, %add3A_1108, %lt3A_1109 : i32
        %convert_element_type3A_1111 = arith.extui %lt3A_1110 : i1 to i32
        %cond3A_1112 = arith.constant 0 : i32
        %cond3A_1113 = arith.cmpi ne, %convert_element_type3A_1111, %cond3A_1112 : i32
        scf.if %cond3A_1113 {
          %add3A_1122 = arith.constant 2 : i32
          %add3A_1123 = arith.addi %scan3A_200, %add3A_1122 : i32
          %mul3A_1124 = arith.constant 80 : i32
          %mul3A_1125 = arith.muli %add3A_1123, %mul3A_1124 : i32
          %add3A_1126 = arith.addi %mul3A_2, %mul3A_1125 : i32
          %dma_start3A_1127 = tpu.memref_slice %arg2[%add3A_1126] : memref<160000xi32, #tpu.memory_space<hbm>> -> memref<80xi32, #tpu.memory_space<hbm>>
          %dma_start3A_1128 = tpu.memref_slice %arg2[%add3A_1126] : memref<160000xi32, #tpu.memory_space<hbm>> -> memref<80xi32, #tpu.memory_space<hbm>>
          tpu.enqueue_dma source(%dma_start3A_1128 : memref<80xi32, #tpu.memory_space<hbm>>) target(%arg20 : memref<80xi32, #tpu.memory_space<vmem>>) target_semaphore(%arg35 : memref<!tpu.dma_semaphore, #tpu.memory_space<semaphore_mem>>)
          %dma_start3A_1129 = tpu.memref_slice %arg3[%add3A_1126] : memref<160000xi32, #tpu.memory_space<hbm>> -> memref<80xi32, #tpu.memory_space<hbm>>
          %dma_start3A_1130 = tpu.memref_slice %arg3[%add3A_1126] : memref<160000xi32, #tpu.memory_space<hbm>> -> memref<80xi32, #tpu.memory_space<hbm>>
          tpu.enqueue_dma source(%dma_start3A_1130 : memref<80xi32, #tpu.memory_space<hbm>>) target(%arg21 : memref<80xi32, #tpu.memory_space<vmem>>) target_semaphore(%arg35 : memref<!tpu.dma_semaphore, #tpu.memory_space<semaphore_mem>>)
          %dma_start3A_1131 = tpu.memref_slice %arg4[%add3A_1126] : memref<160000xf32, #tpu.memory_space<hbm>> -> memref<80xf32, #tpu.memory_space<hbm>>
          %dma_start3A_1132 = tpu.memref_slice %arg4[%add3A_1126] : memref<160000xf32, #tpu.memory_space<hbm>> -> memref<80xf32, #tpu.memory_space<hbm>>
          tpu.enqueue_dma source(%dma_start3A_1132 : memref<80xf32, #tpu.memory_space<hbm>>) target(%arg22 : memref<80xf32, #tpu.memory_space<vmem>>) target_semaphore(%arg35 : memref<!tpu.dma_semaphore, #tpu.memory_space<semaphore_mem>>)
        } else {
        }
        %parallel_loop3A = arith.constant 0 : i32
        %parallel_loop3A_1114 = arith.constant 80 : i32
        %parallel_loop3A_1115 = arith.constant 1 : i32
        scf.for %parallel_loop3A_1122 = %parallel_loop3A to %parallel_loop3A_1114 step %parallel_loop3A_1115  : i32 {
          %parallel_loop3A_1123 = arith.index_cast %parallel_loop3A_1122 : i32 to index
          %parallel_loop3A_1124 = arith.constant 0 : index
          %parallel_loop3A_1125 = tpu.vector_load %arg26[%parallel_loop3A_1123, %parallel_loop3A_1124] {strides = array<i32>} : memref<80x16xf32, #tpu.memory_space<vmem>>, vector<1x16xf32>,
          %parallel_loop3A_1126 = vector.shape_cast %parallel_loop3A_1125 : vector<1x16xf32> to vector<16xf32>
          %parallel_loop3A_1127 = arith.index_cast %parallel_loop3A_1122 : i32 to index
          %parallel_loop3A_1128 = arith.constant 0 : index
          %parallel_loop3A_1129 = tpu.vector_load %arg27[%parallel_loop3A_1127, %parallel_loop3A_1128] {strides = array<i32>} : memref<80x16xf32, #tpu.memory_space<vmem>>, vector<1x16xf32>,
          %parallel_loop3A_1130 = vector.shape_cast %parallel_loop3A_1129 : vector<1x16xf32> to vector<16xf32>
          %parallel_loop3A_1131 = arith.addf %parallel_loop3A_1126, %parallel_loop3A_1130 : vector<16xf32>
          %parallel_loop3A_1132 = arith.index_cast %parallel_loop3A_1122 : i32 to index
          %parallel_loop3A_1133 = arith.constant 0 : index
          %parallel_loop3A_1134 = tpu.vector_load %arg30[%parallel_loop3A_1132, %parallel_loop3A_1133] {strides = array<i32>} : memref<80x16xf32, #tpu.memory_space<vmem>>, vector<1x16xf32>,
          %parallel_loop3A_1135 = vector.shape_cast %parallel_loop3A_1134 : vector<1x16xf32> to vector<16xf32>
          %parallel_loop3A_1136 = arith.addf %parallel_loop3A_1131, %parallel_loop3A_1135 : vector<16xf32>
          %parallel_loop3A_1137 = arith.constant 2.000000e-01 : f32
          %parallel_loop3A_1138 = vector.broadcast %parallel_loop3A_1137 : f32 to vector<16xf32>
          %parallel_loop3A_1139 = arith.mulf %parallel_loop3A_1138, %parallel_loop3A_1136 : vector<16xf32>
          %parallel_loop3A_1140 = arith.maximumf %parallel_loop3A_1136, %parallel_loop3A_1139 : vector<16xf32>
          %parallel_loop3A_1141 = math.exp %parallel_loop3A_1140 : vector<16xf32>
          %parallel_loop3A_1142 = arith.index_cast %parallel_loop3A_1122 : i32 to index
          %parallel_loop3A_1143 = arith.constant 0 : index
          %parallel_loop3A_1144 = tpu.vector_load %arg29[%parallel_loop3A_1142, %parallel_loop3A_1143] {strides = array<i32>} : memref<80x16xf32, #tpu.memory_space<vmem>>, vector<1x16xf32>,
          %parallel_loop3A_1145 = vector.shape_cast %parallel_loop3A_1144 : vector<1x16xf32> to vector<16xf32>
          %parallel_loop3A_1146 = vector.shape_cast %parallel_loop3A_1141 : vector<16xf32> to vector<1x16xf32>
          tpu.vector_store %arg29[%parallel_loop3A_1142, %parallel_loop3A_1143], %parallel_loop3A_1146 {strides = array<i32>} : memref<80x16xf32, #tpu.memory_space<vmem>>, vector<1x16xf32>,
          %parallel_loop3A_1147 = arith.constant 0 : i32
          %parallel_loop3A_1148 = vector.broadcast %parallel_loop3A_1147 : i32 to vector<16xi32>
          %parallel_loop3A_1149 = arith.cmpi slt, %broadcast_in_dim3A, %parallel_loop3A_1148 : vector<16xi32>
          %parallel_loop3A_1150 = arith.constant 16 : i32
          %parallel_loop3A_1151 = vector.broadcast %parallel_loop3A_1150 : i32 to vector<16xi32>
          %parallel_loop3A_1152 = arith.addi %broadcast_in_dim3A, %parallel_loop3A_1151 : vector<16xi32>
          %parallel_loop3A_1153 = arith.select %parallel_loop3A_1149, %parallel_loop3A_1152, %broadcast_in_dim3A : vector<16xi1>, vector<16xi32>
          %parallel_loop3A_1154 = vector.shape_cast %parallel_loop3A_1153 : vector<16xi32> to vector<16x1xi32>
          %parallel_loop3A_1155 = vector.shape_cast %parallel_loop3A_1154 : vector<16x1xi32> to vector<16xi32>
          %parallel_loop3A_1156 = tpu.dynamic_gather %parallel_loop3A_1141[%parallel_loop3A_1155] in [0] : vector<16xf32>, vector<16xi32> -> vector<16xf32>
          %parallel_loop3A_1157 = arith.index_cast %parallel_loop3A_1122 : i32 to index
          %parallel_loop3A_1158 = arith.constant 0 : index
          %parallel_loop3A_1159 = tpu.vector_load %arg28[%parallel_loop3A_1157, %parallel_loop3A_1158] {strides = array<i32>} : memref<80x128xf32, #tpu.memory_space<vmem>>, vector<1x16xf32>,
          %parallel_loop3A_1160 = vector.shape_cast %parallel_loop3A_1159 : vector<1x16xf32> to vector<16xf32>
          %parallel_loop3A_1161 = arith.mulf %parallel_loop3A_1160, %parallel_loop3A_1156 : vector<16xf32>
          %parallel_loop3A_1162 = arith.index_cast %parallel_loop3A_1122 : i32 to index
          %parallel_loop3A_1163 = arith.constant 0 : index
          %parallel_loop3A_1164 = tpu.vector_load %arg28[%parallel_loop3A_1162, %parallel_loop3A_1163] {strides = array<i32>} : memref<80x128xf32, #tpu.memory_space<vmem>>, vector<1x16xf32>,
          %parallel_loop3A_1165 = vector.shape_cast %parallel_loop3A_1164 : vector<1x16xf32> to vector<16xf32>
          %parallel_loop3A_1166 = vector.shape_cast %parallel_loop3A_1161 : vector<16xf32> to vector<1x16xf32>
          tpu.vector_store %arg28[%parallel_loop3A_1162, %parallel_loop3A_1163], %parallel_loop3A_1166 {strides = array<i32>} : memref<80x128xf32, #tpu.memory_space<vmem>>, vector<1x16xf32>,
          %parallel_loop3A_1167 = arith.index_cast %parallel_loop3A_1122 : i32 to index
          %parallel_loop3A_1168 = arith.constant 16 : index
          %parallel_loop3A_1169 = tpu.vector_load %arg28[%parallel_loop3A_1167, %parallel_loop3A_1168] {strides = array<i32>} : memref<80x128xf32, #tpu.memory_space<vmem>>, vector<1x16xf32>,
          %parallel_loop3A_1170 = vector.shape_cast %parallel_loop3A_1169 : vector<1x16xf32> to vector<16xf32>
          %parallel_loop3A_1171 = arith.mulf %parallel_loop3A_1170, %parallel_loop3A_1156 : vector<16xf32>
          %parallel_loop3A_1172 = arith.index_cast %parallel_loop3A_1122 : i32 to index
          %parallel_loop3A_1173 = arith.constant 16 : index
          %parallel_loop3A_1174 = tpu.vector_load %arg28[%parallel_loop3A_1172, %parallel_loop3A_1173] {strides = array<i32>} : memref<80x128xf32, #tpu.memory_space<vmem>>, vector<1x16xf32>,
          %parallel_loop3A_1175 = vector.shape_cast %parallel_loop3A_1174 : vector<1x16xf32> to vector<16xf32>
          %parallel_loop3A_1176 = vector.shape_cast %parallel_loop3A_1171 : vector<16xf32> to vector<1x16xf32>
          tpu.vector_store %arg28[%parallel_loop3A_1172, %parallel_loop3A_1173], %parallel_loop3A_1176 {strides = array<i32>} : memref<80x128xf32, #tpu.memory_space<vmem>>, vector<1x16xf32>,
          %parallel_loop3A_1177 = arith.constant 0 : i32
          %parallel_loop3A_1178 = vector.broadcast %parallel_loop3A_1177 : i32 to vector<16xi32>
          %parallel_loop3A_1179 = arith.cmpi slt, %broadcast_in_dim3A_145, %parallel_loop3A_1178 : vector<16xi32>
          %parallel_loop3A_1180 = arith.constant 16 : i32
          %parallel_loop3A_1181 = vector.broadcast %parallel_loop3A_1180 : i32 to vector<16xi32>
          %parallel_loop3A_1182 = arith.addi %broadcast_in_dim3A_145, %parallel_loop3A_1181 : vector<16xi32>
          %parallel_loop3A_1183 = arith.select %parallel_loop3A_1179, %parallel_loop3A_1182, %broadcast_in_dim3A_145 : vector<16xi1>, vector<16xi32>
          %parallel_loop3A_1184 = vector.shape_cast %parallel_loop3A_1183 : vector<16xi32> to vector<16x1xi32>
          %parallel_loop3A_1185 = vector.shape_cast %parallel_loop3A_1184 : vector<16x1xi32> to vector<16xi32>
          %parallel_loop3A_1186 = tpu.dynamic_gather %parallel_loop3A_1141[%parallel_loop3A_1185] in [0] : vector<16xf32>, vector<16xi32> -> vector<16xf32>
          %parallel_loop3A_1187 = arith.index_cast %parallel_loop3A_1122 : i32 to index
          %parallel_loop3A_1188 = arith.constant 32 : index
          %parallel_loop3A_1189 = tpu.vector_load %arg28[%parallel_loop3A_1187, %parallel_loop3A_1188] {strides = array<i32>} : memref<80x128xf32, #tpu.memory_space<vmem>>, vector<1x16xf32>,
          %parallel_loop3A_1190 = vector.shape_cast %parallel_loop3A_1189 : vector<1x16xf32> to vector<16xf32>
          %parallel_loop3A_1191 = arith.mulf %parallel_loop3A_1190, %parallel_loop3A_1186 : vector<16xf32>
          %parallel_loop3A_1192 = arith.index_cast %parallel_loop3A_1122 : i32 to index
          %parallel_loop3A_1193 = arith.constant 32 : index
          %parallel_loop3A_1194 = tpu.vector_load %arg28[%parallel_loop3A_1192, %parallel_loop3A_1193] {strides = array<i32>} : memref<80x128xf32, #tpu.memory_space<vmem>>, vector<1x16xf32>,
          %parallel_loop3A_1195 = vector.shape_cast %parallel_loop3A_1194 : vector<1x16xf32> to vector<16xf32>
          %parallel_loop3A_1196 = vector.shape_cast %parallel_loop3A_1191 : vector<16xf32> to vector<1x16xf32>
          tpu.vector_store %arg28[%parallel_loop3A_1192, %parallel_loop3A_1193], %parallel_loop3A_1196 {strides = array<i32>} : memref<80x128xf32, #tpu.memory_space<vmem>>, vector<1x16xf32>,
          %parallel_loop3A_1197 = arith.index_cast %parallel_loop3A_1122 : i32 to index
          %parallel_loop3A_1198 = arith.constant 48 : index
          %parallel_loop3A_1199 = tpu.vector_load %arg28[%parallel_loop3A_1197, %parallel_loop3A_1198] {strides = array<i32>} : memref<80x128xf32, #tpu.memory_space<vmem>>, vector<1x16xf32>,
          %parallel_loop3A_1200 = vector.shape_cast %parallel_loop3A_1199 : vector<1x16xf32> to vector<16xf32>
          %parallel_loop3A_1201 = arith.mulf %parallel_loop3A_1200, %parallel_loop3A_1186 : vector<16xf32>
          %parallel_loop3A_1202 = arith.index_cast %parallel_loop3A_1122 : i32 to index
          %parallel_loop3A_1203 = arith.constant 48 : index
          %parallel_loop3A_1204 = tpu.vector_load %arg28[%parallel_loop3A_1202, %parallel_loop3A_1203] {strides = array<i32>} : memref<80x128xf32, #tpu.memory_space<vmem>>, vector<1x16xf32>,
          %parallel_loop3A_1205 = vector.shape_cast %parallel_loop3A_1204 : vector<1x16xf32> to vector<16xf32>
          %parallel_loop3A_1206 = vector.shape_cast %parallel_loop3A_1201 : vector<16xf32> to vector<1x16xf32>
          tpu.vector_store %arg28[%parallel_loop3A_1202, %parallel_loop3A_1203], %parallel_loop3A_1206 {strides = array<i32>} : memref<80x128xf32, #tpu.memory_space<vmem>>, vector<1x16xf32>,
          %parallel_loop3A_1207 = arith.constant 0 : i32
          %parallel_loop3A_1208 = vector.broadcast %parallel_loop3A_1207 : i32 to vector<16xi32>
          %parallel_loop3A_1209 = arith.cmpi slt, %broadcast_in_dim3A_148, %parallel_loop3A_1208 : vector<16xi32>
          %parallel_loop3A_1210 = arith.constant 16 : i32
          %parallel_loop3A_1211 = vector.broadcast %parallel_loop3A_1210 : i32 to vector<16xi32>
          %parallel_loop3A_1212 = arith.addi %broadcast_in_dim3A_148, %parallel_loop3A_1211 : vector<16xi32>
          %parallel_loop3A_1213 = arith.select %parallel_loop3A_1209, %parallel_loop3A_1212, %broadcast_in_dim3A_148 : vector<16xi1>, vector<16xi32>
          %parallel_loop3A_1214 = vector.shape_cast %parallel_loop3A_1213 : vector<16xi32> to vector<16x1xi32>
          %parallel_loop3A_1215 = vector.shape_cast %parallel_loop3A_1214 : vector<16x1xi32> to vector<16xi32>
          %parallel_loop3A_1216 = tpu.dynamic_gather %parallel_loop3A_1141[%parallel_loop3A_1215] in [0] : vector<16xf32>, vector<16xi32> -> vector<16xf32>
          %parallel_loop3A_1217 = arith.index_cast %parallel_loop3A_1122 : i32 to index
          %parallel_loop3A_1218 = arith.constant 64 : index
          %parallel_loop3A_1219 = tpu.vector_load %arg28[%parallel_loop3A_1217, %parallel_loop3A_1218] {strides = array<i32>} : memref<80x128xf32, #tpu.memory_space<vmem>>, vector<1x16xf32>,
          %parallel_loop3A_1220 = vector.shape_cast %parallel_loop3A_1219 : vector<1x16xf32> to vector<16xf32>
          %parallel_loop3A_1221 = arith.mulf %parallel_loop3A_1220, %parallel_loop3A_1216 : vector<16xf32>
          %parallel_loop3A_1222 = arith.index_cast %parallel_loop3A_1122 : i32 to index
          %parallel_loop3A_1223 = arith.constant 64 : index
          %parallel_loop3A_1224 = tpu.vector_load %arg28[%parallel_loop3A_1222, %parallel_loop3A_1223] {strides = array<i32>} : memref<80x128xf32, #tpu.memory_space<vmem>>, vector<1x16xf32>,
          %parallel_loop3A_1225 = vector.shape_cast %parallel_loop3A_1224 : vector<1x16xf32> to vector<16xf32>
          %parallel_loop3A_1226 = vector.shape_cast %parallel_loop3A_1221 : vector<16xf32> to vector<1x16xf32>
          tpu.vector_store %arg28[%parallel_loop3A_1222, %parallel_loop3A_1223], %parallel_loop3A_1226 {strides = array<i32>} : memref<80x128xf32, #tpu.memory_space<vmem>>, vector<1x16xf32>,
          %parallel_loop3A_1227 = arith.index_cast %parallel_loop3A_1122 : i32 to index
          %parallel_loop3A_1228 = arith.constant 80 : index
          %parallel_loop3A_1229 = tpu.vector_load %arg28[%parallel_loop3A_1227, %parallel_loop3A_1228] {strides = array<i32>} : memref<80x128xf32, #tpu.memory_space<vmem>>, vector<1x16xf32>,
          %parallel_loop3A_1230 = vector.shape_cast %parallel_loop3A_1229 : vector<1x16xf32> to vector<16xf32>
          %parallel_loop3A_1231 = arith.mulf %parallel_loop3A_1230, %parallel_loop3A_1216 : vector<16xf32>
          %parallel_loop3A_1232 = arith.index_cast %parallel_loop3A_1122 : i32 to index
          %parallel_loop3A_1233 = arith.constant 80 : index
          %parallel_loop3A_1234 = tpu.vector_load %arg28[%parallel_loop3A_1232, %parallel_loop3A_1233] {strides = array<i32>} : memref<80x128xf32, #tpu.memory_space<vmem>>, vector<1x16xf32>,
          %parallel_loop3A_1235 = vector.shape_cast %parallel_loop3A_1234 : vector<1x16xf32> to vector<16xf32>
          %parallel_loop3A_1236 = vector.shape_cast %parallel_loop3A_1231 : vector<16xf32> to vector<1x16xf32>
          tpu.vector_store %arg28[%parallel_loop3A_1232, %parallel_loop3A_1233], %parallel_loop3A_1236 {strides = array<i32>} : memref<80x128xf32, #tpu.memory_space<vmem>>, vector<1x16xf32>,
          %parallel_loop3A_1237 = arith.constant 0 : i32
          %parallel_loop3A_1238 = vector.broadcast %parallel_loop3A_1237 : i32 to vector<16xi32>
          %parallel_loop3A_1239 = arith.cmpi slt, %broadcast_in_dim3A_151, %parallel_loop3A_1238 : vector<16xi32>
          %parallel_loop3A_1240 = arith.constant 16 : i32
          %parallel_loop3A_1241 = vector.broadcast %parallel_loop3A_1240 : i32 to vector<16xi32>
          %parallel_loop3A_1242 = arith.addi %broadcast_in_dim3A_151, %parallel_loop3A_1241 : vector<16xi32>
          %parallel_loop3A_1243 = arith.select %parallel_loop3A_1239, %parallel_loop3A_1242, %broadcast_in_dim3A_151 : vector<16xi1>, vector<16xi32>
          %parallel_loop3A_1244 = vector.shape_cast %parallel_loop3A_1243 : vector<16xi32> to vector<16x1xi32>
          %parallel_loop3A_1245 = vector.shape_cast %parallel_loop3A_1244 : vector<16x1xi32> to vector<16xi32>
          %parallel_loop3A_1246 = tpu.dynamic_gather %parallel_loop3A_1141[%parallel_loop3A_1245] in [0] : vector<16xf32>, vector<16xi32> -> vector<16xf32>
          %parallel_loop3A_1247 = arith.index_cast %parallel_loop3A_1122 : i32 to index
          %parallel_loop3A_1248 = arith.constant 96 : index
          %parallel_loop3A_1249 = tpu.vector_load %arg28[%parallel_loop3A_1247, %parallel_loop3A_1248] {strides = array<i32>} : memref<80x128xf32, #tpu.memory_space<vmem>>, vector<1x16xf32>,
          %parallel_loop3A_1250 = vector.shape_cast %parallel_loop3A_1249 : vector<1x16xf32> to vector<16xf32>
          %parallel_loop3A_1251 = arith.mulf %parallel_loop3A_1250, %parallel_loop3A_1246 : vector<16xf32>
          %parallel_loop3A_1252 = arith.index_cast %parallel_loop3A_1122 : i32 to index
          %parallel_loop3A_1253 = arith.constant 96 : index
          %parallel_loop3A_1254 = tpu.vector_load %arg28[%parallel_loop3A_1252, %parallel_loop3A_1253] {strides = array<i32>} : memref<80x128xf32, #tpu.memory_space<vmem>>, vector<1x16xf32>,
          %parallel_loop3A_1255 = vector.shape_cast %parallel_loop3A_1254 : vector<1x16xf32> to vector<16xf32>
          %parallel_loop3A_1256 = vector.shape_cast %parallel_loop3A_1251 : vector<16xf32> to vector<1x16xf32>
          tpu.vector_store %arg28[%parallel_loop3A_1252, %parallel_loop3A_1253], %parallel_loop3A_1256 {strides = array<i32>} : memref<80x128xf32, #tpu.memory_space<vmem>>, vector<1x16xf32>,
          %parallel_loop3A_1257 = arith.index_cast %parallel_loop3A_1122 : i32 to index
          %parallel_loop3A_1258 = arith.constant 112 : index
          %parallel_loop3A_1259 = tpu.vector_load %arg28[%parallel_loop3A_1257, %parallel_loop3A_1258] {strides = array<i32>} : memref<80x128xf32, #tpu.memory_space<vmem>>, vector<1x16xf32>,
          %parallel_loop3A_1260 = vector.shape_cast %parallel_loop3A_1259 : vector<1x16xf32> to vector<16xf32>
          %parallel_loop3A_1261 = arith.mulf %parallel_loop3A_1260, %parallel_loop3A_1246 : vector<16xf32>
          %parallel_loop3A_1262 = arith.index_cast %parallel_loop3A_1122 : i32 to index
          %parallel_loop3A_1263 = arith.constant 112 : index
          %parallel_loop3A_1264 = tpu.vector_load %arg28[%parallel_loop3A_1262, %parallel_loop3A_1263] {strides = array<i32>} : memref<80x128xf32, #tpu.memory_space<vmem>>, vector<1x16xf32>,
          %parallel_loop3A_1265 = vector.shape_cast %parallel_loop3A_1264 : vector<1x16xf32> to vector<16xf32>
          %parallel_loop3A_1266 = vector.shape_cast %parallel_loop3A_1261 : vector<16xf32> to vector<1x16xf32>
          tpu.vector_store %arg28[%parallel_loop3A_1262, %parallel_loop3A_1263], %parallel_loop3A_1266 {strides = array<i32>} : memref<80x128xf32, #tpu.memory_space<vmem>>, vector<1x16xf32>,
        } {sc.loop_unroll_factor = 4 : i64, sc.parallel_access}
        %dma_start3A_1116 = arith.constant 0 : i32
        %dma_start3A_1117 = arith.constant 0 : i32
        %dma_start3A_1118 = tpu.memref_slice %arg33[%dma_start3A_1116, %dma_start3A_1117] : memref<10240x16xf32, #tpu.memory_space<vmem_shared>> -> memref<10240x16xf32, #tpu.memory_space<vmem_shared>>
        tpu.enqueue_indirect_dma source(%arg29 : memref<80x16xf32, #tpu.memory_space<vmem>>) target(%dma_start3A_1118 : memref<10240x16xf32, #tpu.memory_space<vmem_shared>>) offsets(%arg25 : memref<80xi32, #tpu.memory_space<vmem>>) semaphore(%arg39 : memref<!tpu.dma_semaphore, #tpu.memory_space<semaphore_mem>>) {add = true}
        %dma_start3A_1119 = arith.constant 0 : i32
        %dma_start3A_1120 = arith.constant 0 : i32
        %dma_start3A_1121 = tpu.memref_slice %arg32[%dma_start3A_1119, %dma_start3A_1120] : memref<10240x128xf32, #tpu.memory_space<vmem_shared>> -> memref<10240x128xf32, #tpu.memory_space<vmem_shared>>
        tpu.enqueue_indirect_dma source(%arg28 : memref<80x128xf32, #tpu.memory_space<vmem>>) target(%dma_start3A_1121 : memref<10240x128xf32, #tpu.memory_space<vmem_shared>>) offsets(%arg25 : memref<80xi32, #tpu.memory_space<vmem>>) semaphore(%arg39 : memref<!tpu.dma_semaphore, #tpu.memory_space<semaphore_mem>>) {add = true}
      } else {
      }
    }
    %scan3A_173 = arith.constant 125 : i32
    %dma_wait3A = arith.constant 0 : i32
    %dma_wait3A_174 = arith.constant 0 : i32
    %dma_wait3A_175 = tpu.memref_slice %arg5[%dma_wait3A, %dma_wait3A_174] : memref<20000x16xf32, #tpu.memory_space<hbm>> -> memref<80x16xf32, #tpu.memory_space<hbm>>
    %dma_wait3A_176 = arith.constant 0 : i32
    %dma_wait3A_177 = arith.constant 0 : i32
    %dma_wait3A_178 = tpu.memref_slice %arg5[%dma_wait3A_176, %dma_wait3A_177] : memref<20000x16xf32, #tpu.memory_space<hbm>> -> memref<80x16xf32, #tpu.memory_space<hbm>>
    tpu.wait_dma2 semaphore(%arg39 : memref<!tpu.dma_semaphore, #tpu.memory_space<semaphore_mem>>) src(%dma_wait3A_178 : memref<80x16xf32, #tpu.memory_space<hbm>>) dst(%arg29 : memref<80x16xf32, #tpu.memory_space<vmem>>)
    %dma_wait3A_179 = arith.constant 0 : i32
    %dma_wait3A_180 = arith.constant 0 : i32
    %dma_wait3A_181 = tpu.memref_slice %arg6[%dma_wait3A_179, %dma_wait3A_180] : memref<20000x128xf32, #tpu.memory_space<hbm>> -> memref<80x128xf32, #tpu.memory_space<hbm>>
    %dma_wait3A_182 = arith.constant 0 : i32
    %dma_wait3A_183 = arith.constant 0 : i32
    %dma_wait3A_184 = tpu.memref_slice %arg6[%dma_wait3A_182, %dma_wait3A_183] : memref<20000x128xf32, #tpu.memory_space<hbm>> -> memref<80x128xf32, #tpu.memory_space<hbm>>
    tpu.wait_dma2 semaphore(%arg39 : memref<!tpu.dma_semaphore, #tpu.memory_space<semaphore_mem>>) src(%dma_wait3A_184 : memref<80x128xf32, #tpu.memory_space<hbm>>) dst(%arg28 : memref<80x128xf32, #tpu.memory_space<vmem>>)
    %dma_wait3A_185 = arith.constant 0 : i32
    %dma_wait3A_186 = arith.constant 0 : i32
    %dma_wait3A_187 = tpu.memref_slice %arg5[%dma_wait3A_185, %dma_wait3A_186] : memref<20000x16xf32, #tpu.memory_space<hbm>> -> memref<80x16xf32, #tpu.memory_space<hbm>>
    %dma_wait3A_188 = arith.constant 0 : i32
    %dma_wait3A_189 = arith.constant 0 : i32
    %dma_wait3A_190 = tpu.memref_slice %arg5[%dma_wait3A_188, %dma_wait3A_189] : memref<20000x16xf32, #tpu.memory_space<hbm>> -> memref<80x16xf32, #tpu.memory_space<hbm>>
    tpu.wait_dma2 semaphore(%arg38 : memref<!tpu.dma_semaphore, #tpu.memory_space<semaphore_mem>>) src(%dma_wait3A_190 : memref<80x16xf32, #tpu.memory_space<hbm>>) dst(%arg19 : memref<80x16xf32, #tpu.memory_space<vmem>>)
    %dma_wait3A_191 = arith.constant 0 : i32
    %dma_wait3A_192 = arith.constant 0 : i32
    %dma_wait3A_193 = tpu.memref_slice %arg6[%dma_wait3A_191, %dma_wait3A_192] : memref<20000x128xf32, #tpu.memory_space<hbm>> -> memref<80x128xf32, #tpu.memory_space<hbm>>
    %dma_wait3A_194 = arith.constant 0 : i32
    %dma_wait3A_195 = arith.constant 0 : i32
    %dma_wait3A_196 = tpu.memref_slice %arg6[%dma_wait3A_194, %dma_wait3A_195] : memref<20000x128xf32, #tpu.memory_space<hbm>> -> memref<80x128xf32, #tpu.memory_space<hbm>>
    tpu.wait_dma2 semaphore(%arg38 : memref<!tpu.dma_semaphore, #tpu.memory_space<semaphore_mem>>) src(%dma_wait3A_196 : memref<80x128xf32, #tpu.memory_space<hbm>>) dst(%arg18 : memref<80x128xf32, #tpu.memory_space<vmem>>)
    %barrier3A_197 = arith.constant 0 : index
    tpu.barrier barrier_id(%barrier3A_197)
    %add3A_198 = arith.addi %mul3A_6, %mul3A_0 : i32
    "tpu.region"() ({
      %run_scoped3A = tpu.sem_alloc : memref<!tpu.dma_semaphore, #tpu.memory_space<semaphore_mem>>
      %dma_start3A_200 = arith.constant 0 : i32
      %dma_start3A_201 = tpu.memref_slice %arg8[%add3A_198, %dma_start3A_200] : memref<20480x128xf32, #tpu.memory_space<hbm>> -> memref<640x128xf32, #tpu.memory_space<hbm>>
      %dma_start3A_202 = arith.constant 0 : i32
      %dma_start3A_203 = tpu.memref_slice %arg32[%mul3A_0, %dma_start3A_202] : memref<10240x128xf32, #tpu.memory_space<vmem_shared>> -> memref<640x128xf32, #tpu.memory_space<vmem_shared>>
      tpu.enqueue_dma source(%dma_start3A_203 : memref<640x128xf32, #tpu.memory_space<vmem_shared>>) target(%dma_start3A_201 : memref<640x128xf32, #tpu.memory_space<hbm>>) target_semaphore(%run_scoped3A : memref<!tpu.dma_semaphore, #tpu.memory_space<semaphore_mem>>)
      %dma_wait3A_204 = arith.constant 0 : i32
      %dma_wait3A_205 = tpu.memref_slice %arg8[%add3A_198, %dma_wait3A_204] : memref<20480x128xf32, #tpu.memory_space<hbm>> -> memref<640x128xf32, #tpu.memory_space<hbm>>
      %dma_wait3A_206 = arith.constant 0 : i32
      %dma_wait3A_207 = tpu.memref_slice %arg32[%mul3A_0, %dma_wait3A_206] : memref<10240x128xf32, #tpu.memory_space<vmem_shared>> -> memref<640x128xf32, #tpu.memory_space<vmem_shared>>
      tpu.wait_dma2 semaphore(%run_scoped3A : memref<!tpu.dma_semaphore, #tpu.memory_space<semaphore_mem>>) src(%dma_wait3A_207 : memref<640x128xf32, #tpu.memory_space<vmem_shared>>) dst(%dma_wait3A_205 : memref<640x128xf32, #tpu.memory_space<hbm>>)
      tpu.yield
    }) : () -> ()
    %add3A_199 = arith.addi %mul3A_6, %mul3A_0 : i32
    "tpu.region"() ({
      %run_scoped3A = tpu.sem_alloc : memref<!tpu.dma_semaphore, #tpu.memory_space<semaphore_mem>>
      %dma_start3A_200 = arith.constant 0 : i32
      %dma_start3A_201 = tpu.memref_slice %arg9[%add3A_199, %dma_start3A_200] : memref<20480x16xf32, #tpu.memory_space<hbm>> -> memref<640x16xf32, #tpu.memory_space<hbm>>
      %dma_start3A_202 = arith.constant 0 : i32
      %dma_start3A_203 = tpu.memref_slice %arg33[%mul3A_0, %dma_start3A_202] : memref<10240x16xf32, #tpu.memory_space<vmem_shared>> -> memref<640x16xf32, #tpu.memory_space<vmem_shared>>
      tpu.enqueue_dma source(%dma_start3A_203 : memref<640x16xf32, #tpu.memory_space<vmem_shared>>) target(%dma_start3A_201 : memref<640x16xf32, #tpu.memory_space<hbm>>) target_semaphore(%run_scoped3A : memref<!tpu.dma_semaphore, #tpu.memory_space<semaphore_mem>>)
      %dma_wait3A_204 = arith.constant 0 : i32
      %dma_wait3A_205 = tpu.memref_slice %arg9[%add3A_199, %dma_wait3A_204] : memref<20480x16xf32, #tpu.memory_space<hbm>> -> memref<640x16xf32, #tpu.memory_space<hbm>>
      %dma_wait3A_206 = arith.constant 0 : i32
      %dma_wait3A_207 = tpu.memref_slice %arg33[%mul3A_0, %dma_wait3A_206] : memref<10240x16xf32, #tpu.memory_space<vmem_shared>> -> memref<640x16xf32, #tpu.memory_space<vmem_shared>>
      tpu.wait_dma2 semaphore(%run_scoped3A : memref<!tpu.dma_semaphore, #tpu.memory_space<semaphore_mem>>) src(%dma_wait3A_207 : memref<640x16xf32, #tpu.memory_space<vmem_shared>>) dst(%dma_wait3A_205 : memref<640x16xf32, #tpu.memory_space<hbm>>)
      tpu.yield
    }) : () -> ()
    return
  }
}

module attributes {stable_mosaic.version = 14 : i64} {
  func.func @_pre_body(%arg0: i32, %arg1: memref<400x256xf32, #tpu.memory_space<vmem>>, %arg2: memref<256x256xf32, #tpu.memory_space<vmem>>, %arg3: memref<1x256xf32, #tpu.memory_space<vmem>>, %arg4: memref<1x256xf32, #tpu.memory_space<vmem>>, %arg5: memref<1x256xf32, #tpu.memory_space<vmem>>, %arg6: memref<1x256xf32, #tpu.memory_space<vmem>>, %arg7: memref<256x8xf32, #tpu.memory_space<vmem>>, %arg8: memref<1250x128xf32, #tpu.memory_space<vmem>>, %arg9: memref<2x400x128xf32, #tpu.memory_space<vmem>>, %arg10: memref<2x400x16xf32, #tpu.memory_space<vmem>>, %arg11: memref<1x16xf32, #tpu.memory_space<vmem>>, %arg12: memref<1x1xf32, #tpu.memory_space<vmem>>) attributes {dimension_semantics = [#tpu.dimension_semantics<arbitrary>], iteration_bounds = array<i64: 25>, scalar_prefetch = 0 : i64, scratch_operands = 0 : i64, tpu.core_type = #tpu.core_type<tc>, window_params = [{transform_indices = @transform_0, window_bounds = array<i64: 400, 256>}, {pipeline_mode = #tpu.pipeline_mode<synchronous>, transform_indices = @transform_1, window_bounds = array<i64: 256, 256>}, {pipeline_mode = #tpu.pipeline_mode<synchronous>, transform_indices = @transform_2, window_bounds = array<i64: 1, 256>}, {pipeline_mode = #tpu.pipeline_mode<synchronous>, transform_indices = @transform_3, window_bounds = array<i64: 1, 256>}, {pipeline_mode = #tpu.pipeline_mode<synchronous>, transform_indices = @transform_4, window_bounds = array<i64: 1, 256>}, {pipeline_mode = #tpu.pipeline_mode<synchronous>, transform_indices = @transform_5, window_bounds = array<i64: 1, 256>}, {pipeline_mode = #tpu.pipeline_mode<synchronous>, transform_indices = @transform_6, window_bounds = array<i64: 256, 8>}, {pipeline_mode = #tpu.pipeline_mode<synchronous>, transform_indices = @transform_7, window_bounds = array<i64: 1250, 128>}, {transform_indices = @transform_8, window_bounds = array<i64: 2, 400, 128>}, {transform_indices = @transform_9, window_bounds = array<i64: 2, 400, 16>}, {pipeline_mode = #tpu.pipeline_mode<synchronous>, transform_indices = @transform_10, window_bounds = array<i64: 1, 16>}, {pipeline_mode = #tpu.pipeline_mode<synchronous>, transform_indices = @transform_11, window_bounds = array<i64: 1, 1>}]} {
    %eq3A = arith.constant 0 : i32
    %eq3A_0 = arith.cmpi eq, %arg0, %eq3A : i32
    %convert_element_type3A = arith.extui %eq3A_0 : i1 to i32
    %cond3A = arith.constant 0 : i32
    %cond3A_1 = arith.cmpi ne, %convert_element_type3A, %cond3A : i32
    scf.if %cond3A_1 {
      %get3A_65 = arith.constant 0 : index
      %get3A_66 = arith.constant 0 : index
      %get3A_67 = vector.load %arg8[%get3A_65, %get3A_66] : memref<1250x128xf32, #tpu.memory_space<vmem>>, vector<1250x128xf32>
      %reduce_sum3A = vector.shape_cast %get3A_67 : vector<1250x128xf32> to vector<1x1250x128xf32>
      %reduce_sum3A_68 = arith.constant dense<0.000000e+00> : vector<1xf32>
      %reduce_sum3A_69 = vector.multi_reduction <add>, %reduce_sum3A, %reduce_sum3A_68 [1, 2] : vector<1x1250x128xf32> to vector<1xf32>
      %reduce_sum3A_70 = vector.shape_cast %reduce_sum3A_69 : vector<1xf32> to vector<1x1x1xf32>
      %reduce_sum3A_71 = vector.extract %reduce_sum3A_70[0, 0, 0] : f32 from vector<1x1x1xf32>
      %mul3A_72 = arith.constant 6.250000e-06 : f32
      %mul3A_73 = arith.mulf %reduce_sum3A_71, %mul3A_72 : f32
      %reshape3A = vector.broadcast %mul3A_73 : f32 to vector<1x1xf32>
      %swap3A_74 = arith.constant 0 : index
      %swap3A_75 = arith.constant 0 : index
      %swap3A_76 = vector.load %arg12[%swap3A_74, %swap3A_75] : memref<1x1xf32, #tpu.memory_space<vmem>>, vector<1x1xf32>
      tpu.vector_store %arg12[%swap3A_74, %swap3A_75], %reshape3A {strides = array<i32>} : memref<1x1xf32, #tpu.memory_space<vmem>>, vector<1x1xf32>,
    } else {
    }
    %get3A = arith.constant 0 : index
    %get3A_2 = arith.constant 0 : index
    %get3A_3 = vector.load %arg1[%get3A, %get3A_2] : memref<400x256xf32, #tpu.memory_space<vmem>>, vector<400x256xf32>
    %get3A_4 = arith.constant 0 : index
    %get3A_5 = arith.constant 0 : index
    %get3A_6 = vector.load %arg2[%get3A_4, %get3A_5] : memref<256x256xf32, #tpu.memory_space<vmem>>, vector<256x256xf32>
    %dot_general3A = arith.constant dense<0.000000e+00> : vector<400x256xf32>
    %dot_general3A_7 = tpu.matmul %get3A_3, %get3A_6, %dot_general3A {dimension_numbers = #tpu.dot_dimension_numbers<[1], [0], [0], [1], [0, 0, 1, 1], [], []>, transpose_lhs_hint = false} : vector<400x256xf32>, vector<256x256xf32>, vector<400x256xf32> -> vector<400x256xf32>
    %slice3A = vector.extract_strided_slice %dot_general3A_7 {offsets = [0, 0], sizes = [400, 128], strides = [1, 1]} : vector<400x256xf32> to vector<400x128xf32>
    %swap3A = arith.constant 0 : index
    %swap3A_8 = arith.constant 0 : index
    %swap3A_9 = arith.constant 0 : index
    %swap3A_10 = vector.load %arg9[%swap3A, %swap3A_8, %swap3A_9] : memref<2x400x128xf32, #tpu.memory_space<vmem>>, vector<1x400x128xf32>
    %swap3A_11 = vector.shape_cast %swap3A_10 : vector<1x400x128xf32> to vector<400x128xf32>
    %swap3A_12 = vector.shape_cast %slice3A : vector<400x128xf32> to vector<1x400x128xf32>
    tpu.vector_store %arg9[%swap3A, %swap3A_8, %swap3A_9], %swap3A_12 {strides = array<i32>} : memref<2x400x128xf32, #tpu.memory_space<vmem>>, vector<1x400x128xf32>,
    %slice3A_13 = vector.extract_strided_slice %dot_general3A_7 {offsets = [0, 128], sizes = [400, 128], strides = [1, 1]} : vector<400x256xf32> to vector<400x128xf32>
    %swap3A_14 = arith.constant 1 : index
    %swap3A_15 = arith.constant 0 : index
    %swap3A_16 = arith.constant 0 : index
    %swap3A_17 = vector.load %arg9[%swap3A_14, %swap3A_15, %swap3A_16] : memref<2x400x128xf32, #tpu.memory_space<vmem>>, vector<1x400x128xf32>
    %swap3A_18 = vector.shape_cast %swap3A_17 : vector<1x400x128xf32> to vector<400x128xf32>
    %swap3A_19 = vector.shape_cast %slice3A_13 : vector<400x128xf32> to vector<1x400x128xf32>
    tpu.vector_store %arg9[%swap3A_14, %swap3A_15, %swap3A_16], %swap3A_19 {strides = array<i32>} : memref<2x400x128xf32, #tpu.memory_space<vmem>>, vector<1x400x128xf32>,
    %get3A_20 = arith.constant 0 : index
    %get3A_21 = arith.constant 0 : index
    %get3A_22 = vector.load %arg7[%get3A_20, %get3A_21] : memref<256x8xf32, #tpu.memory_space<vmem>>, vector<256x8xf32>
    %get3A_23 = arith.constant 0 : index
    %get3A_24 = arith.constant 0 : index
    %get3A_25 = vector.load %arg3[%get3A_23, %get3A_24] : memref<1x256xf32, #tpu.memory_space<vmem>>, vector<1x256xf32>
    %mul3A = vector.broadcast %get3A_25 : vector<1x256xf32> to vector<400x256xf32>
    %mul3A_26 = arith.mulf %dot_general3A_7, %mul3A : vector<400x256xf32>
    %dot_general3A_27 = arith.constant dense<0.000000e+00> : vector<400x8xf32>
    %dot_general3A_28 = tpu.matmul %mul3A_26, %get3A_22, %dot_general3A_27 {dimension_numbers = #tpu.dot_dimension_numbers<[1], [0], [0], [1], [0, 0, 1, 1], [], []>, transpose_lhs_hint = false} : vector<400x256xf32>, vector<256x8xf32>, vector<400x8xf32> -> vector<400x8xf32>
    %get3A_29 = arith.constant 0 : index
    %get3A_30 = arith.constant 0 : index
    %get3A_31 = vector.load %arg4[%get3A_29, %get3A_30] : memref<1x256xf32, #tpu.memory_space<vmem>>, vector<1x256xf32>
    %mul3A_32 = vector.broadcast %get3A_31 : vector<1x256xf32> to vector<400x256xf32>
    %mul3A_33 = arith.mulf %dot_general3A_7, %mul3A_32 : vector<400x256xf32>
    %dot_general3A_34 = arith.constant dense<0.000000e+00> : vector<400x8xf32>
    %dot_general3A_35 = tpu.matmul %mul3A_33, %get3A_22, %dot_general3A_34 {dimension_numbers = #tpu.dot_dimension_numbers<[1], [0], [0], [1], [0, 0, 1, 1], [], []>, transpose_lhs_hint = false} : vector<400x256xf32>, vector<256x8xf32>, vector<400x8xf32> -> vector<400x8xf32>
    %broadcast_in_dim3A = arith.constant 0.000000e+00 : f32
    %broadcast_in_dim3A_36 = vector.broadcast %broadcast_in_dim3A : f32 to vector<400x8xf32>
    %concatenate3A = tpu.concatenate %dot_general3A_28, %broadcast_in_dim3A_36 in 1 : vector<400x8xf32>, vector<400x8xf32> -> vector<400x16xf32>
    %swap3A_37 = arith.constant 0 : index
    %swap3A_38 = arith.constant 0 : index
    %swap3A_39 = arith.constant 0 : index
    %swap3A_40 = vector.load %arg10[%swap3A_37, %swap3A_38, %swap3A_39] : memref<2x400x16xf32, #tpu.memory_space<vmem>>, vector<1x400x16xf32>
    %swap3A_41 = vector.shape_cast %swap3A_40 : vector<1x400x16xf32> to vector<400x16xf32>
    %swap3A_42 = vector.shape_cast %concatenate3A : vector<400x16xf32> to vector<1x400x16xf32>
    tpu.vector_store %arg10[%swap3A_37, %swap3A_38, %swap3A_39], %swap3A_42 {strides = array<i32>} : memref<2x400x16xf32, #tpu.memory_space<vmem>>, vector<1x400x16xf32>,
    %concatenate3A_43 = tpu.concatenate %dot_general3A_35, %broadcast_in_dim3A_36 in 1 : vector<400x8xf32>, vector<400x8xf32> -> vector<400x16xf32>
    %swap3A_44 = arith.constant 1 : index
    %swap3A_45 = arith.constant 0 : index
    %swap3A_46 = arith.constant 0 : index
    %swap3A_47 = vector.load %arg10[%swap3A_44, %swap3A_45, %swap3A_46] : memref<2x400x16xf32, #tpu.memory_space<vmem>>, vector<1x400x16xf32>
    %swap3A_48 = vector.shape_cast %swap3A_47 : vector<1x400x16xf32> to vector<400x16xf32>
    %swap3A_49 = vector.shape_cast %concatenate3A_43 : vector<400x16xf32> to vector<1x400x16xf32>
    tpu.vector_store %arg10[%swap3A_44, %swap3A_45, %swap3A_46], %swap3A_49 {strides = array<i32>} : memref<2x400x16xf32, #tpu.memory_space<vmem>>, vector<1x400x16xf32>,
    %get3A_50 = arith.constant 0 : index
    %get3A_51 = arith.constant 0 : index
    %get3A_52 = vector.load %arg5[%get3A_50, %get3A_51] : memref<1x256xf32, #tpu.memory_space<vmem>>, vector<1x256xf32>
    %get3A_53 = arith.constant 0 : index
    %get3A_54 = arith.constant 0 : index
    %get3A_55 = vector.load %arg6[%get3A_53, %get3A_54] : memref<1x256xf32, #tpu.memory_space<vmem>>, vector<1x256xf32>
    %mul3A_56 = arith.mulf %get3A_52, %get3A_55 : vector<1x256xf32>
    %dot_general3A_57 = arith.constant dense<0.000000e+00> : vector<1x8xf32>
    %dot_general3A_58 = tpu.matmul %mul3A_56, %get3A_22, %dot_general3A_57 {dimension_numbers = #tpu.dot_dimension_numbers<[1], [0], [0], [1], [0, 0, 1, 1], [], []>, transpose_lhs_hint = false} : vector<1x256xf32>, vector<256x8xf32>, vector<1x8xf32> -> vector<1x8xf32>
    %broadcast_in_dim3A_59 = arith.constant 0.000000e+00 : f32
    %broadcast_in_dim3A_60 = vector.broadcast %broadcast_in_dim3A_59 : f32 to vector<1x8xf32>
    %concatenate3A_61 = tpu.concatenate %dot_general3A_58, %broadcast_in_dim3A_60 in 1 : vector<1x8xf32>, vector<1x8xf32> -> vector<1x16xf32>
    %swap3A_62 = arith.constant 0 : index
    %swap3A_63 = arith.constant 0 : index
    %swap3A_64 = vector.load %arg11[%swap3A_62, %swap3A_63] : memref<1x16xf32, #tpu.memory_space<vmem>>, vector<1x16xf32>
    tpu.vector_store %arg11[%swap3A_62, %swap3A_63], %concatenate3A_61 {strides = array<i32>} : memref<1x16xf32, #tpu.memory_space<vmem>>, vector<1x16xf32>,
    return
  }
  func.func @transform_0(%arg0: i32) -> (i32, i32) {
    %c0_i32 = arith.constant 0 : i32
    %c0_i32_0 = arith.constant 0 : i32
    return %arg0, %c0_i32 : i32, i32
  }
  func.func @transform_1(%arg0: i32) -> (i32, i32) {
    %c0_i32 = arith.constant 0 : i32
    %c0_i32_0 = arith.constant 0 : i32
    %c0_i32_1 = arith.constant 0 : i32
    return %c0_i32, %c0_i32_0 : i32, i32
  }
  func.func @transform_2(%arg0: i32) -> (i32, i32) {
    %c0_i32 = arith.constant 0 : i32
    %c0_i32_0 = arith.constant 0 : i32
    %c0_i32_1 = arith.constant 0 : i32
    return %c0_i32, %c0_i32_0 : i32, i32
  }
  func.func @transform_3(%arg0: i32) -> (i32, i32) {
    %c0_i32 = arith.constant 0 : i32
    %c0_i32_0 = arith.constant 0 : i32
    %c0_i32_1 = arith.constant 0 : i32
    return %c0_i32, %c0_i32_0 : i32, i32
  }
  func.func @transform_4(%arg0: i32) -> (i32, i32) {
    %c0_i32 = arith.constant 0 : i32
    %c0_i32_0 = arith.constant 0 : i32
    %c0_i32_1 = arith.constant 0 : i32
    return %c0_i32, %c0_i32_0 : i32, i32
  }
  func.func @transform_5(%arg0: i32) -> (i32, i32) {
    %c0_i32 = arith.constant 0 : i32
    %c0_i32_0 = arith.constant 0 : i32
    %c0_i32_1 = arith.constant 0 : i32
    return %c0_i32, %c0_i32_0 : i32, i32
  }
  func.func @transform_6(%arg0: i32) -> (i32, i32) {
    %c0_i32 = arith.constant 0 : i32
    %c0_i32_0 = arith.constant 0 : i32
    %c0_i32_1 = arith.constant 0 : i32
    return %c0_i32, %c0_i32_0 : i32, i32
  }
  func.func @transform_7(%arg0: i32) -> (i32, i32) {
    %c0_i32 = arith.constant 0 : i32
    %c0_i32_0 = arith.constant 0 : i32
    %c0_i32_1 = arith.constant 0 : i32
    return %c0_i32, %c0_i32_0 : i32, i32
  }
  func.func @transform_8(%arg0: i32) -> (i32, i32, i32) {
    %c0_i32 = arith.constant 0 : i32
    %c0_i32_0 = arith.constant 0 : i32
    %c0_i32_1 = arith.constant 0 : i32
    return %c0_i32, %arg0, %c0_i32_0 : i32, i32, i32
  }
  func.func @transform_9(%arg0: i32) -> (i32, i32, i32) {
    %c0_i32 = arith.constant 0 : i32
    %c0_i32_0 = arith.constant 0 : i32
    %c0_i32_1 = arith.constant 0 : i32
    return %c0_i32, %arg0, %c0_i32_0 : i32, i32, i32
  }
  func.func @transform_10(%arg0: i32) -> (i32, i32) {
    %c0_i32 = arith.constant 0 : i32
    %c0_i32_0 = arith.constant 0 : i32
    %c0_i32_1 = arith.constant 0 : i32
    return %c0_i32, %c0_i32_0 : i32, i32
  }
  func.func @transform_11(%arg0: i32) -> (i32, i32) {
    %c0_i32 = arith.constant 0 : i32
    %c0_i32_0 = arith.constant 0 : i32
    %c0_i32_1 = arith.constant 0 : i32
    return %c0_i32, %c0_i32_0 : i32, i32
  }
}

module attributes {stable_mosaic.version = 14 : i64} {
  func.func @_post_body(%arg0: i32, %arg1: memref<80x256xf32, #tpu.memory_space<vmem>>, %arg2: memref<80x128xf32, #tpu.memory_space<vmem>>, %arg3: memref<80x128xf32, #tpu.memory_space<vmem>>, %arg4: memref<80x16xf32, #tpu.memory_space<vmem>>, %arg5: memref<80x16xf32, #tpu.memory_space<vmem>>, %arg6: memref<80x128xf32, #tpu.memory_space<vmem>>, %arg7: memref<80x128xf32, #tpu.memory_space<vmem>>, %arg8: memref<80x16xf32, #tpu.memory_space<vmem>>, %arg9: memref<1x16xf32, #tpu.memory_space<vmem>>, %arg10: memref<1x1xf32, #tpu.memory_space<vmem>>, %arg11: memref<8x256xf32, #tpu.memory_space<vmem>>, %arg12: memref<1x256xf32, #tpu.memory_space<vmem>>, %arg13: memref<1x256xf32, #tpu.memory_space<vmem>>, %arg14: memref<1x256xf32, #tpu.memory_space<vmem>>, %arg15: memref<80x256xf32, #tpu.memory_space<vmem>>) attributes {dimension_semantics = [#tpu.dimension_semantics<arbitrary>], iteration_bounds = array<i64: 125>, scalar_prefetch = 0 : i64, scratch_operands = 0 : i64, tpu.core_type = #tpu.core_type<tc>, window_params = [{transform_indices = @transform_0, window_bounds = array<i64: 80, 256>}, {transform_indices = @transform_1, window_bounds = array<i64: 80, 128>}, {transform_indices = @transform_2, window_bounds = array<i64: 80, 128>}, {transform_indices = @transform_3, window_bounds = array<i64: 80, 16>}, {transform_indices = @transform_4, window_bounds = array<i64: 80, 16>}, {transform_indices = @transform_5, window_bounds = array<i64: 80, 128>}, {transform_indices = @transform_6, window_bounds = array<i64: 80, 128>}, {transform_indices = @transform_7, window_bounds = array<i64: 80, 16>}, {pipeline_mode = #tpu.pipeline_mode<synchronous>, transform_indices = @transform_8, window_bounds = array<i64: 1, 16>}, {pipeline_mode = #tpu.pipeline_mode<synchronous>, transform_indices = @transform_9, window_bounds = array<i64: 1, 1>}, {pipeline_mode = #tpu.pipeline_mode<synchronous>, transform_indices = @transform_10, window_bounds = array<i64: 8, 256>}, {pipeline_mode = #tpu.pipeline_mode<synchronous>, transform_indices = @transform_11, window_bounds = array<i64: 1, 256>}, {pipeline_mode = #tpu.pipeline_mode<synchronous>, transform_indices = @transform_12, window_bounds = array<i64: 1, 256>}, {pipeline_mode = #tpu.pipeline_mode<synchronous>, transform_indices = @transform_13, window_bounds = array<i64: 1, 256>}, {transform_indices = @transform_14, window_bounds = array<i64: 80, 256>}]} {
    %get3A = arith.constant 0 : index
    %get3A_0 = arith.constant 0 : index
    %get3A_1 = vector.load %arg4[%get3A, %get3A_0] : memref<80x16xf32, #tpu.memory_space<vmem>>, vector<80x16xf32>
    %slice3A = vector.extract_strided_slice %get3A_1 {offsets = [0, 0], sizes = [80, 8], strides = [1, 1]} : vector<80x16xf32> to vector<80x8xf32>
    %get3A_2 = arith.constant 0 : index
    %get3A_3 = arith.constant 0 : index
    %get3A_4 = vector.load %arg5[%get3A_2, %get3A_3] : memref<80x16xf32, #tpu.memory_space<vmem>>, vector<80x16xf32>
    %slice3A_5 = vector.extract_strided_slice %get3A_4 {offsets = [0, 0], sizes = [80, 8], strides = [1, 1]} : vector<80x16xf32> to vector<80x8xf32>
    %add3A = arith.addf %slice3A, %slice3A_5 : vector<80x8xf32>
    %get3A_6 = arith.constant 0 : index
    %get3A_7 = arith.constant 0 : index
    %get3A_8 = vector.load %arg10[%get3A_6, %get3A_7] : memref<1x1xf32, #tpu.memory_space<vmem>>, vector<1x1xf32>
    %get3A_9 = vector.extract %get3A_8[0, 0] : f32 from vector<1x1xf32>
    %get3A_10 = arith.constant 0 : index
    %get3A_11 = arith.constant 0 : index
    %get3A_12 = vector.load %arg9[%get3A_10, %get3A_11] : memref<1x16xf32, #tpu.memory_space<vmem>>, vector<1x16xf32>
    %slice3A_13 = vector.extract_strided_slice %get3A_12 {offsets = [0, 0], sizes = [1, 8], strides = [1, 1]} : vector<1x16xf32> to vector<1x8xf32>
    %mul3A = vector.broadcast %get3A_9 : f32 to vector<1x8xf32>
    %mul3A_14 = arith.mulf %mul3A, %slice3A_13 : vector<1x8xf32>
    %add3A_15 = vector.broadcast %mul3A_14 : vector<1x8xf32> to vector<80x8xf32>
    %add3A_16 = arith.addf %add3A, %add3A_15 : vector<80x8xf32>
    %mul3A_17 = arith.constant 2.000000e-01 : f32
    %mul3A_18 = vector.broadcast %mul3A_17 : f32 to vector<80x8xf32>
    %mul3A_19 = arith.mulf %mul3A_18, %add3A_16 : vector<80x8xf32>
    %max3A = arith.maximumf %add3A_16, %mul3A_19 : vector<80x8xf32>
    %exp3A = math.exp %max3A : vector<80x8xf32>
    %get3A_20 = arith.constant 0 : index
    %get3A_21 = arith.constant 0 : index
    %get3A_22 = vector.load %arg11[%get3A_20, %get3A_21] : memref<8x256xf32, #tpu.memory_space<vmem>>, vector<8x256xf32>
    %dot_general3A = arith.constant dense<0.000000e+00> : vector<80x256xf32>
    %dot_general3A_23 = tpu.matmul %exp3A, %get3A_22, %dot_general3A {dimension_numbers = #tpu.dot_dimension_numbers<[1], [0], [0], [1], [0, 0, 1, 1], [], []>, transpose_lhs_hint = false} : vector<80x8xf32>, vector<8x256xf32>, vector<80x256xf32> -> vector<80x256xf32>
    %get3A_24 = arith.constant 0 : index
    %get3A_25 = arith.constant 0 : index
    %get3A_26 = vector.load %arg8[%get3A_24, %get3A_25] : memref<80x16xf32, #tpu.memory_space<vmem>>, vector<80x16xf32>
    %slice3A_27 = vector.extract_strided_slice %get3A_26 {offsets = [0, 0], sizes = [80, 8], strides = [1, 1]} : vector<80x16xf32> to vector<80x8xf32>
    %add3A_28 = arith.addf %slice3A_27, %exp3A : vector<80x8xf32>
    %dot_general3A_29 = arith.constant dense<0.000000e+00> : vector<80x256xf32>
    %dot_general3A_30 = tpu.matmul %add3A_28, %get3A_22, %dot_general3A_29 {dimension_numbers = #tpu.dot_dimension_numbers<[1], [0], [0], [1], [0, 0, 1, 1], [], []>, transpose_lhs_hint = false} : vector<80x8xf32>, vector<8x256xf32>, vector<80x256xf32> -> vector<80x256xf32>
    %get3A_31 = arith.constant 0 : index
    %get3A_32 = arith.constant 0 : index
    %get3A_33 = vector.load %arg2[%get3A_31, %get3A_32] : memref<80x128xf32, #tpu.memory_space<vmem>>, vector<80x128xf32>
    %get3A_34 = arith.constant 0 : index
    %get3A_35 = arith.constant 0 : index
    %get3A_36 = vector.load %arg3[%get3A_34, %get3A_35] : memref<80x128xf32, #tpu.memory_space<vmem>>, vector<80x128xf32>
    %concatenate3A = tpu.concatenate %get3A_33, %get3A_36 in 1 : vector<80x128xf32>, vector<80x128xf32> -> vector<80x256xf32>
    %get3A_37 = arith.constant 0 : index
    %get3A_38 = arith.constant 0 : index
    %get3A_39 = vector.load %arg6[%get3A_37, %get3A_38] : memref<80x128xf32, #tpu.memory_space<vmem>>, vector<80x128xf32>
    %get3A_40 = arith.constant 0 : index
    %get3A_41 = arith.constant 0 : index
    %get3A_42 = vector.load %arg7[%get3A_40, %get3A_41] : memref<80x128xf32, #tpu.memory_space<vmem>>, vector<80x128xf32>
    %concatenate3A_43 = tpu.concatenate %get3A_39, %get3A_42 in 1 : vector<80x128xf32>, vector<80x128xf32> -> vector<80x256xf32>
    %mul3A_44 = arith.mulf %dot_general3A_23, %concatenate3A : vector<80x256xf32>
    %add3A_45 = arith.addf %concatenate3A_43, %mul3A_44 : vector<80x256xf32>
    %div3A = arith.divf %add3A_45, %dot_general3A_30 : vector<80x256xf32>
    %get3A_46 = arith.constant 0 : index
    %get3A_47 = arith.constant 0 : index
    %get3A_48 = vector.load %arg12[%get3A_46, %get3A_47] : memref<1x256xf32, #tpu.memory_space<vmem>>, vector<1x256xf32>
    %add3A_49 = vector.broadcast %get3A_48 : vector<1x256xf32> to vector<80x256xf32>
    %add3A_50 = arith.addf %div3A, %add3A_49 : vector<80x256xf32>
    %get3A_51 = arith.constant 0 : index
    %get3A_52 = arith.constant 0 : index
    %get3A_53 = vector.load %arg1[%get3A_51, %get3A_52] : memref<80x256xf32, #tpu.memory_space<vmem>>, vector<80x256xf32>
    %add3A_54 = arith.addf %add3A_50, %get3A_53 : vector<80x256xf32>
    %reduce_sum3A = arith.constant dense<0.000000e+00> : vector<80xf32>
    %reduce_sum3A_55 = vector.multi_reduction <add>, %add3A_54, %reduce_sum3A [1] : vector<80x256xf32> to vector<80xf32>
    %broadcast_in_dim3A = vector.shape_cast %reduce_sum3A_55 : vector<80xf32> to vector<80x1xf32>
    %div3A_56 = arith.constant 2.560000e+02 : f32
    %div3A_57 = vector.broadcast %div3A_56 : f32 to vector<80x1xf32>
    %div3A_58 = arith.divf %broadcast_in_dim3A, %div3A_57 : vector<80x1xf32>
    %sub3A = vector.broadcast %div3A_58 : vector<80x1xf32> to vector<80x256xf32>
    %sub3A_59 = arith.subf %add3A_54, %sub3A : vector<80x256xf32>
    %integer_pow3A = arith.mulf %sub3A_59, %sub3A_59 : vector<80x256xf32>
    %reduce_sum3A_60 = arith.constant dense<0.000000e+00> : vector<80xf32>
    %reduce_sum3A_61 = vector.multi_reduction <add>, %integer_pow3A, %reduce_sum3A_60 [1] : vector<80x256xf32> to vector<80xf32>
    %broadcast_in_dim3A_62 = vector.shape_cast %reduce_sum3A_61 : vector<80xf32> to vector<80x1xf32>
    %div3A_63 = arith.constant 2.560000e+02 : f32
    %div3A_64 = vector.broadcast %div3A_63 : f32 to vector<80x1xf32>
    %div3A_65 = arith.divf %broadcast_in_dim3A_62, %div3A_64 : vector<80x1xf32>
    %sub3A_66 = vector.broadcast %div3A_58 : vector<80x1xf32> to vector<80x256xf32>
    %sub3A_67 = arith.subf %add3A_54, %sub3A_66 : vector<80x256xf32>
    %add3A_68 = arith.constant 9.99999974E-6 : f32
    %add3A_69 = vector.broadcast %add3A_68 : f32 to vector<80x1xf32>
    %add3A_70 = arith.addf %div3A_65, %add3A_69 : vector<80x1xf32>
    %rsqrt3A = math.rsqrt %add3A_70 : vector<80x1xf32>
    %mul3A_71 = vector.broadcast %rsqrt3A : vector<80x1xf32> to vector<80x256xf32>
    %mul3A_72 = arith.mulf %sub3A_67, %mul3A_71 : vector<80x256xf32>
    %get3A_73 = arith.constant 0 : index
    %get3A_74 = arith.constant 0 : index
    %get3A_75 = vector.load %arg13[%get3A_73, %get3A_74] : memref<1x256xf32, #tpu.memory_space<vmem>>, vector<1x256xf32>
    %mul3A_76 = vector.broadcast %get3A_75 : vector<1x256xf32> to vector<80x256xf32>
    %mul3A_77 = arith.mulf %mul3A_72, %mul3A_76 : vector<80x256xf32>
    %get3A_78 = arith.constant 0 : index
    %get3A_79 = arith.constant 0 : index
    %get3A_80 = vector.load %arg14[%get3A_78, %get3A_79] : memref<1x256xf32, #tpu.memory_space<vmem>>, vector<1x256xf32>
    %add3A_81 = vector.broadcast %get3A_80 : vector<1x256xf32> to vector<80x256xf32>
    %add3A_82 = arith.addf %mul3A_77, %add3A_81 : vector<80x256xf32>
    %max3A_83 = arith.constant 0.000000e+00 : f32
    %max3A_84 = vector.broadcast %max3A_83 : f32 to vector<80x256xf32>
    %max3A_85 = arith.maximumf %add3A_82, %max3A_84 : vector<80x256xf32>
    %swap3A = arith.constant 0 : index
    %swap3A_86 = arith.constant 0 : index
    %swap3A_87 = vector.load %arg15[%swap3A, %swap3A_86] : memref<80x256xf32, #tpu.memory_space<vmem>>, vector<80x256xf32>
    tpu.vector_store %arg15[%swap3A, %swap3A_86], %max3A_85 {strides = array<i32>} : memref<80x256xf32, #tpu.memory_space<vmem>>, vector<80x256xf32>,
    return
  }
  func.func @transform_0(%arg0: i32) -> (i32, i32) {
    %c0_i32 = arith.constant 0 : i32
    %c0_i32_0 = arith.constant 0 : i32
    return %arg0, %c0_i32 : i32, i32
  }
  func.func @transform_1(%arg0: i32) -> (i32, i32) {
    %c0_i32 = arith.constant 0 : i32
    %c0_i32_0 = arith.constant 0 : i32
    return %arg0, %c0_i32 : i32, i32
  }
  func.func @transform_2(%arg0: i32) -> (i32, i32) {
    %add3A = arith.constant 125 : i32
    %add3A_0 = arith.addi %arg0, %add3A : i32
    %c0_i32 = arith.constant 0 : i32
    %c0_i32_1 = arith.constant 0 : i32
    return %add3A_0, %c0_i32 : i32, i32
  }
  func.func @transform_3(%arg0: i32) -> (i32, i32) {
    %c0_i32 = arith.constant 0 : i32
    %c0_i32_0 = arith.constant 0 : i32
    return %arg0, %c0_i32 : i32, i32
  }
  func.func @transform_4(%arg0: i32) -> (i32, i32) {
    %add3A = arith.constant 125 : i32
    %add3A_0 = arith.addi %arg0, %add3A : i32
    %c0_i32 = arith.constant 0 : i32
    %c0_i32_1 = arith.constant 0 : i32
    return %add3A_0, %c0_i32 : i32, i32
  }
  func.func @transform_5(%arg0: i32) -> (i32, i32) {
    %c0_i32 = arith.constant 0 : i32
    %c0_i32_0 = arith.constant 0 : i32
    return %arg0, %c0_i32 : i32, i32
  }
  func.func @transform_6(%arg0: i32) -> (i32, i32) {
    %add3A = arith.constant 128 : i32
    %add3A_0 = arith.addi %arg0, %add3A : i32
    %c0_i32 = arith.constant 0 : i32
    %c0_i32_1 = arith.constant 0 : i32
    return %add3A_0, %c0_i32 : i32, i32
  }
  func.func @transform_7(%arg0: i32) -> (i32, i32) {
    %c0_i32 = arith.constant 0 : i32
    %c0_i32_0 = arith.constant 0 : i32
    return %arg0, %c0_i32 : i32, i32
  }
  func.func @transform_8(%arg0: i32) -> (i32, i32) {
    %c0_i32 = arith.constant 0 : i32
    %c0_i32_0 = arith.constant 0 : i32
    %c0_i32_1 = arith.constant 0 : i32
    return %c0_i32, %c0_i32_0 : i32, i32
  }
  func.func @transform_9(%arg0: i32) -> (i32, i32) {
    %c0_i32 = arith.constant 0 : i32
    %c0_i32_0 = arith.constant 0 : i32
    %c0_i32_1 = arith.constant 0 : i32
    return %c0_i32, %c0_i32_0 : i32, i32
  }
  func.func @transform_10(%arg0: i32) -> (i32, i32) {
    %c0_i32 = arith.constant 0 : i32
    %c0_i32_0 = arith.constant 0 : i32
    %c0_i32_1 = arith.constant 0 : i32
    return %c0_i32, %c0_i32_0 : i32, i32
  }
  func.func @transform_11(%arg0: i32) -> (i32, i32) {
    %c0_i32 = arith.constant 0 : i32
    %c0_i32_0 = arith.constant 0 : i32
    %c0_i32_1 = arith.constant 0 : i32
    return %c0_i32, %c0_i32_0 : i32, i32
  }
  func.func @transform_12(%arg0: i32) -> (i32, i32) {
    %c0_i32 = arith.constant 0 : i32
    %c0_i32_0 = arith.constant 0 : i32
    %c0_i32_1 = arith.constant 0 : i32
    return %c0_i32, %c0_i32_0 : i32, i32
  }
  func.func @transform_13(%arg0: i32) -> (i32, i32) {
    %c0_i32 = arith.constant 0 : i32
    %c0_i32_0 = arith.constant 0 : i32
    %c0_i32_1 = arith.constant 0 : i32
    return %c0_i32, %c0_i32_0 : i32, i32
  }
  func.func @transform_14(%arg0: i32) -> (i32, i32) {
    %c0_i32 = arith.constant 0 : i32
    %c0_i32_0 = arith.constant 0 : i32
    return %arg0, %c0_i32 : i32, i32
  }
}

</mosaic_0001>

<sc_bundles>
// kernel: kernel.5.cloned.1.call-start
scs
__scs_entry_jumppad:
0x0: {  	(pc) =	sbr.rel $0x88, $3  }
0x1: {  	(tag) =	ssettag $0x0;
	lr =	simm.s32 $0x1  }
0x2: {  	[smem:$0x3F96] =	sst lr;
	_ =	strace $0xD0000000  }
0x3: {  	_ = 	snop  }
0x4: {  	_ = 	snop  }
0x5: {  	_ = 	snop  }
0x6: {  	_ = 	snop  }
0x7: {  	_ = 	snop  }
__scs_overlays_trampoline_lowered:
0x8: {  	[smem:$0x3FA5] =	sst s0  }
0x9: {  	[smem:$0x3FA6] =	sst s1  }
0xa: {  	[smem:$0x3FA7] =	sst s2  }
0xb: {  	[smem:$0x3FA8] =	sst s3  }
0xc: {  	[smem:$0x3FA9] =	sst s4  }
0xd: {  	[smem:$0x3FAA] =	sst s5  }
0xe: {  	[smem:$0x3FAB] =	sst s6  }
0xf: {  	[smem:$0x3FAC] =	sst s7  }
0x10: {  	[smem:$0x3FAD] =	sst s8  }
0x11: {  	[smem:$0x3FAE] =	sst s9;
	s0 =	simm.s32 @!p0 $0x0  }
0x12: {  	s1 =	sld [smem:$0x3F94];
	s0 =	simm.s32 @p0 $0x1  }
0x13: {  	[smem:$0x3FAF] =	sst s0;
	s0 =	simm.s32 @!p1 $0x0  }
0x14: {  	s2 =	sld [smem:$0x3F93];
	s0 =	simm.s32 @p1 $0x1  }
0x15: {  	[smem:$0x3FB0] =	sst s0;
	s0 =	simm.s32 @!p2 $0x0  }
0x16: {  	s3 =	sld [smem:$0x3FDB];
	s0 =	simm.s32 @p2 $0x1  }
0x17: {  	s4 =	simm.s32 $0x1BF5;
	[smem:$0x3FB2] =	sst s0  }
0x18: {  	s0 =	sld [smem:$0x3F95];
	_ =	swait.ge [sflag:s4], $0x0  }
0x19: {  	s7 =	sld [smem:$0x3F96]  }
0x1a: {  	s8 =	sadd.s32 $0xFFFFE003, lr  }
0x1b: {  	s9 =	sadd.s32 $0xFFFFFEF7, lr;
	s5 =	simm.s32 $0xFFFFFFFF;
	p2 =	slt.u32 s8, $0xFFFFF086  }
0x1c: {  	p1 =	slt.u32 s9, $0xF7A;
	s5 =	simm.s32 @!p2 $0x0  }
0x1d: {  	s5 =	simm.s32 @p1 $0x1;
	p0 =	seq.s32 s7, s2  }
0x1e: {  	s7 =	smul.u32 @!p0 $0xF7A, s2;
	p2 =	seq.s32 @!p0 s5, $0x0  }
0x1f: {  	s9 =	smul.u32 $0xF7A, s1;
	s8 =	simm.s32 @!p0 $0x1BF5;
	p2 =	por !p2, p0  }
0x20: {  	[sflag:s8] =	ssyncset.s32 @!p0 $0xFFFFF086;
	s6 =	sadd.s32 @!p0 s3, s7;
	s7 =	simm.s32 @!p0 $0x108  }
0x21: {  	s3 =	sadd.s32 s3, s9;
	s6 =	sadd.s32 @!p0 $0x88, s6;
	s7 =	simm.s32 @p2 $0x1082  }
0x22: {  	[simem:s7], [sflag:s8] =	dma.local @!p0 [hbm:s6], $0xF7A  }
0x23: {  	s9 =	sor.u32 $0xD0000000, s2;
	s6 =	simm.s32 $0x108;
	_ =	swait.ge @!p0 [sflag:s8], $0x0  }
0x24: {  	s3 =	sadd.s32 $0x88, s3;
	s6 =	simm.s32 @!p1 $0x1082;
	[sflag:s4] =	ssyncset.s32 $0xFFFFF086  }
0x25: {  	[simem:s6], [sflag:s4] =	dma.local [hbm:s3], $0xF7A  }
0x26: {  	[smem:$0x3F96] =	sst s1;
	(tag) =	ssettag s2;
	_ =	strace s9  }
0x27: {  	s1 =	sld [smem:$0x3FA6]  }
0x28: {  	s2 =	sld [smem:$0x3FA7]  }
0x29: {  	s4 =	sld [smem:$0x3FA9]  }
0x2a: {  	p0 =	seq.s32 s5, $0x0;
	s5 =	sld [smem:$0x3FAA]  }
0x2b: {  	s6 =	sld [smem:$0x3FAB]  }
0x2c: {  	s7 =	sld [smem:$0x3FAC]  }
0x2d: {  	s3 =	simm.s32 $0x108;
	s8 =	sld [smem:$0x3FAD]  }
0x2e: {  	s3 =	simm.s32 @!p0 $0x1082;
	s9 =	sld [smem:$0x3FAE]  }
0x2f: {  	lr =	sadd.s32 s0, s3;
	s0 =	sld [smem:$0x3FA5]  }
0x30: {  	s3 =	sld [smem:$0x3FA8]  }
0x31: {  	[smem:$0x3FB1] =	sst s10  }
0x32: {  	s10 =	sld [smem:$0x3FAF];
	_ =	sdelay $0x3  }
0x33: {  	p0 =	seq.s32 s10, $0x1;
	s10 =	sld [smem:$0x3FB1];
	_ =	sdelay $0x3  }
0x34: {  	[smem:$0x3FB1] =	sst s10  }
0x35: {  	s10 =	sld [smem:$0x3FB0];
	_ =	sdelay $0x3  }
0x36: {  	p1 =	seq.s32 s10, $0x1;
	s10 =	sld [smem:$0x3FB1];
	_ =	sdelay $0x3  }
0x37: {  	[smem:$0x3FB1] =	sst s10  }
0x38: {  	s10 =	sld [smem:$0x3FB2]  }
0x39: {  	_ = 	snop;
	(pc) =	sbr.ind lr, $3  }
0x3a: {  	_ = 	snop  }
0x3b: {  	_ = 	snop  }
0x3c: {  	p2 =	seq.s32 s10, $0x1;
	s10 =	sld [smem:$0x3FB1]  }
0x3d: {  	_ =	shalt  }
0x3e: {  	_ =	shalt  }
0x3f: {  	_ =	shalt  }
0x40: {  	_ =	shalt  }
0x41: {  	_ =	shalt  }
0x42: {  	_ =	shalt  }
0x43: {  	_ =	shalt  }
0x44: {  	_ =	shalt  }
0x45: {  	_ =	shalt  }
0x46: {  	_ =	shalt  }
0x47: {  	_ =	shalt  }
0x48: {  	_ =	shalt  }
0x49: {  	_ =	shalt  }
0x4a: {  	_ =	shalt  }
0x4b: {  	_ =	shalt  }
0x4c: {  	_ =	shalt  }
0x4d: {  	_ =	shalt  }
0x4e: {  	_ =	shalt  }
0x4f: {  	_ =	shalt  }
0x50: {  	_ =	shalt  }
0x51: {  	_ =	shalt  }
0x52: {  	_ =	shalt  }
0x53: {  	_ =	shalt  }
0x54: {  	_ =	shalt  }
0x55: {  	_ =	shalt  }
0x56: {  	_ =	shalt  }
0x57: {  	_ =	shalt  }
0x58: {  	_ =	shalt  }
0x59: {  	_ =	shalt  }
0x5a: {  	_ =	shalt  }
0x5b: {  	_ =	shalt  }
0x5c: {  	_ =	shalt  }
0x5d: {  	_ =	shalt  }
0x5e: {  	_ =	shalt  }
0x5f: {  	_ =	shalt  }
0x60: {  	_ =	shalt  }
0x61: {  	_ =	shalt  }
0x62: {  	_ =	shalt  }
0x63: {  	_ =	shalt  }
0x64: {  	_ =	shalt  }
0x65: {  	_ =	shalt  }
0x66: {  	_ =	shalt  }
0x67: {  	_ =	shalt  }
0x68: {  	_ =	shalt  }
0x69: {  	_ =	shalt  }
0x6a: {  	_ =	shalt  }
0x6b: {  	_ =	shalt  }
0x6c: {  	_ =	shalt  }
0x6d: {  	_ =	shalt  }
0x6e: {  	_ =	shalt  }
0x6f: {  	_ =	shalt  }
0x70: {  	_ =	shalt  }
0x71: {  	_ =	shalt  }
0x72: {  	_ =	shalt  }
0x73: {  	_ =	shalt  }
0x74: {  	_ =	shalt  }
0x75: {  	_ =	shalt  }
0x76: {  	_ =	shalt  }
0x77: {  	_ =	shalt  }
0x78: {  	_ =	shalt  }
0x79: {  	_ =	shalt  }
0x7a: {  	_ =	shalt  }
0x7b: {  	_ =	shalt  }
0x7c: {  	_ =	shalt  }
0x7d: {  	_ =	shalt  }
0x7e: {  	_ =	shalt  }
0x7f: {  	_ =	shalt  }
0x80: {  	_ =	shalt  }
0x81: {  	_ =	shalt  }
0x82: {  	_ =	shalt  }
0x83: {  	_ =	shalt  }
0x84: {  	_ =	shalt  }
0x85: {  	_ =	shalt  }
0x86: {  	_ =	shalt  }
0x87: {  	_ =	shalt  }
.Lfunc_end0:
.L_simem_size_0:
called_computation_lowered:
.L_overlay_start_0:
0x88: {  	s2 =	sld [smem:$0x3FD9]  }
0x89: {  	s3 =	sld [smem:$0x3FFE];
	_ =	sdelay $0x1  }
0x8a: {  	s1 =	srdreg.scid  }
0x8b: {  	s0 =	sand.u32 $0x1, s1  }
0x8c: {  	s17 =	sshll.u32 s0, $0xA;
	s2 =	sadd.s32 s3, s2  }
0x8d: {  	s2 =	sadd.s32 s2, s17  }
0x8e: {  	[smem:$0x3FBD] =	sst s2  }
0x8f: {  	_ = 	snop  }
0x90: {  	s2 =	sld [smem:$0x3FC7]  }
0x91: {  	s18 =	sld [smem:$0x3FD0];
	(tm) =	ssettm $0x1  }
0x92: {  	s4 =	sld [smem:$0x3FFB];
	_ =	sdelay $0x3  }
0x93: {  	_ =	strace s4  }
0x94: {  	s4 =	sld [smem:$0x3FFC];
	_ =	sdelay $0x3  }
0x95: {  	_ =	strace s4  }
0x96: {  	s4 =	sld [smem:$0x3FFD];
	_ =	sdelay $0x3  }
0x97: {  	_ =	strace s4  }
0x98: {  	_ =	strace $0x8FFFFFFF  }
0x99: {  	s19 =	sld [smem:$0x3FDB];
	_ =	sdelay $0x1  }
0x9a: {  	s5 =	simm.s32 $_scs_section_size  }
0x9b: {  	s6 =	simm.s32 $_size__tile_overlayer_lowered;
	s7 =	simm.s32 $_tile_overlayer_lowered  }
0x9c: {  	s22 =	simm.s32 $0x1BFF;
	s21 =	sshll.u32 s7, $0x1;
	s4 =	sadd.s32 s5, s19  }
0x9d: {  	s8 =	simm.s32 $0x0;
	s20 =	sshll.u32 s6, $0x1;
	s6 =	sadd.s32 s21, s4  }
0x9e: {  	[timem:s8], [sflag:s22] =	dma.local [hbm:s6], s20  }
0x9f: {  	_ =	swait.ge [sflag:s22], s20  }
0xa0: {  	s5 =	ssub.s32 $0x0, s20;
	[sflag:s22] =	ssyncset.done $0x0  }
0xa1: {  	[sflag:s22] =	ssyncadd.s32 s5;
	_ =	sdelay $0x1  }
0xa2: {  	s23 =	simm.s32 $0x1B8B  }
0xa3: {  	_ =	swait.ge [sflag:s23], $0x1  }
0xa4: {  	[sflag:s23] =	ssyncset.done $0x0  }
0xa5: {  	s25 =	simm.s32 $0x1B8E;
	s24 =	sld [smem:$0x3FFE];
	[sflag:s23] =	ssyncadd.s32 $0xFFFFFFFF  }
0xa6: {  	s26 =	simm.s32 $execute0_lowered;
	[smem:$0x3FD2] =	sst s25  }
0xa7: {  	s6 =	sshll.u32 s26, $0x1;
	_ =	strace $0x80000046;
	[dreg:$0x1] =	wrdreg $0xFFFFFFFF  }
0xa8: {  	s28 =	simm.s32 $_size_execute0_lowered;
	s4 =	sadd.s32 s4, s6;
	[dreg:$0x0] =	wrdreg $0x0  }
0xa9: {  	s6 =	sshll.u32 s28, $0x1;
	[dreg:$0x2] =	wrdreg s4  }
0xaa: {  	[dreg:$0x3] =	wrdreg s6  }
0xab: {  	[dreg:$0x4] =	wrdreg $0xC0  }
0xac: {  	_ =	task [dreg:s8], $0x5FFFF  }
0xad: {  	[dreg:$0x1] =	wrdreg $0xFFFFFFFF  }
0xae: {  	[dreg:$0x0] =	wrdreg $0x60  }
0xaf: {  	[dreg:$0x2] =	wrdreg s24  }
0xb0: {  	[dreg:$0x3] =	wrdreg s2  }
0xb1: {  	[dreg:$0x4] =	wrdreg s18  }
0xb2: {  	[dreg:$0x5] =	wrdreg $0x76D00  }
0xb3: {  	[dreg:$0x6] =	wrdreg $0x1B6D00  }
0xb4: {  	[dreg:$0x7] =	wrdreg $0x9  }
0xb5: {  	_ =	task.clear_ibuf [dreg:s8], $0x8FFFF;
	_ =	strace $0x90000046  }
0xb6: {  	s29 =	simm.s32 $0x9;
	_ =	strace $0x80000048  }
0xb7: {  	_ =	swait.ge [sflag:s29], $0x1  }
0xb8: {  	[sflag:s29] =	ssyncadd.s32 $0xFFFFFFFF  }
0xb9: {  	_ =	strace $0x90000048  }
0xba: {  	_ =	sfence  }
0xbb: {  	s30 =	sld [smem:$0x0];
	_ =	sdelay $0x2  }
0xbc: {  	s31 =	sshll.u32 s1, $0xD;
	s1 =	sshrl.u32 s1, $0x2  }
0xbd: {  	s3 =	sand.u32 $0x4000, s31;
	s1 =	sadd.s32 s1, s30  }
0xbe: {  	s0 =	sor.u32 s3, s0;
	s1 =	sshll.u32 s1, $0x11  }
0xbf: {  	s0 =	sor.u32 s1, s0  }
0xc0: {  	s0 =	sadd.s32 $0x8F2B, s0  }
0xc1: {  	[sflag:s0] =	ssyncadd.remote.s32 $0x1  }
0xc2: {  	_ =	sfence.sel $0xFFFF  }
0xc3: {  	[dreg:$0x0] =	wrdreg $0xFFFFFFFF;
	(pc) =	sbr.abs _section_cstart, $3  }
0xc4: {  	[dreg:$0x1] =	wrdreg $0xFFFFFFFF  }
0xc5: {  	_ =	task.clear_ibuf [dreg:s8], $0x2FFFF;
	_ =	strace $0x9FFFFFFF  }
0xc6: {  	(tm) =	ssettm $0x7FFFFFFF  }
0xc7: {  	_ =	shalt  }
tec
execute0_lowered:
.L_overlay_start_1:
0x0: {  	(tag) =	ssettag $0x1  }
0x1: {  	s3 =	rddreg [dreg:$0x0]  }
0x2: {  	s1 =	rddreg [dreg:$0x1]  }
0x3: {  	s2 =	rddreg [dreg:$0x2]  }
0x4: {  	s4 =	rddreg [dreg:$0x3]  }
0x5: {  	s5 =	rddreg [dreg:$0x4];
	s0 =	srdreg.scid  }
0x6: {  	s17 =	stileid.u32;
	s6 =	simm.s32 $0x0;
	s28 =	simm.s32 $0x5  }
0x7: {  	s29 =	simm.s32 $0x1;
	s30 =	simm.s32 $0x4;
	s31 =	simm.s32 $0x3A70  }
0x8: {  	s0 =	sand.u32 $0x1, s0;
	s10 =	smul.u32 $0x280, s17;
	[smem:$0x7FF] =	sst s6  }
0x9: {  	s7 =	sadd.s32 $0x7400, s3;
	s8 =	sadd.s32 $0x2400, s3;
	s13 =	smul.u32 $0x50000, s17  }
0xa: {  	s9 =	sadd.s32 $0x5AA00, s3;
	s12 =	sadd.s32 $0xC600, s3;
	s15 =	smul.u32 $0xA000, s17  }
0xb: {  	s11 =	smul.u32 $0x2800, s0;
	_ =	strace $0x80000047;
	s14 =	ssub.s32 $0x2, s0  }
0xc: {  	[dreg:$0x6] =	wrdreg s12;
	s21 =	sshrl.u32 s14, $0x1;
	s13 =	sshrl.u32 s13, $0x2  }
0xd: {  	s22 =	sshrl.u32 s15, $0x2;
	s24 =	sor.u32 $0x50, s10;
	s26 =	sadd.s32 $0xA0, s10  }
0xe: {  	s16 =	sadd.s32 $0xF0, s10;
	s19 =	sadd.s32 $0x140, s10;
	s11 =	sadd.s32 s10, s11  }
0xf: {  	s13 =	sadd.s32 s13, s4;
	s23 =	sadd.s32 s22, s5;
	s25 =	sshll.u32 s24, $0x7  }
0x10: {  	s15 =	sshll.u32 s26, $0x4;
	s18 =	sshll.u32 s16, $0x7;
	[dreg:$0x7] =	wrdreg s13  }
0x11: {  	s20 =	sshll.u32 s11, $0x4;
	s11 =	sshll.u32 s11, $0x1;
	[dreg:$0x8] =	wrdreg s23  }
0x12: {  	s13 =	sshll.u32 s24, $0x4;
	s23 =	sshll.u32 s19, $0x4;
	s24 =	sadd.s32 $0x190, s10  }
0x13: {  	s12 =	sadd.s32 s20, s3;
	s3 =	sadd.s32 s11, s3;
	s11 =	ssub.s32 s14, s21  }
0x14: {  	s14 =	sadd.s32 s25, s4;
	s13 =	sadd.s32 s13, s5;
	s20 =	sshll.u32 s16, $0x4  }
0x15: {  	s21 =	sshll.u32 s19, $0x7;
	s25 =	sadd.s32 $0x1E0, s10;
	[dreg:$0x9] =	wrdreg s14  }
0x16: {  	s10 =	sadd.s32 $0x230, s10;
	[dreg:$0xa] =	wrdreg s13;
	s22 =	sadd.s32 s21, s4  }
0x17: {  	s19 =	smul.u32 $0x2710, s17;
	s12 =	sadd.s32 $0x6E800, s12;
	[dreg:$0xf] =	wrdreg s22  }
0x18: {  	s14 =	sshll.u32 s26, $0x7;
	s3 =	sadd.s32 $0x64800, s3;
	[dreg:$0x1d] =	wrdreg s12  }
0x19: {  	s16 =	sshll.u32 s25, $0x7;
	s13 =	sadd.s32 s14, s4;
	[dreg:$0x1e] =	wrdreg s3  }
0x1a: {  	s17 =	simm.s32 $0x50;
	s16 =	sadd.s32 s16, s4;
	[dreg:$0xb] =	wrdreg s13  }
0x1b: {  	s26 =	sshll.u32 s24, $0x7;
	s12 =	smax.u32 s11, $0x1;
	[dreg:$0x13] =	wrdreg s16  }
0x1c: {  	s21 =	sshrl.u32 s19, $0x3;
	s13 =	sadd.s32 s15, s5;
	[dreg:$0x1f] =	wrdreg s12  }
0x1d: {  	s3 =	simm.s32 $0x0;
	s15 =	sadd.s32 s26, s4;
	[dreg:$0xc] =	wrdreg s13  }
0x1e: {  	s22 =	sadd.s32 s7, s21;
	s16 =	simm.s32 $0x7;
	[dreg:$0x11] =	wrdreg s15  }
0x1f: {  	s13 =	sadd.s32 s18, s4;
	s18 =	sshll.u32 s25, $0x4;
	[dreg:$0x17] =	wrdreg s22  }
0x20: {  	[dreg:$0xd] =	wrdreg s13;
	s13 =	sadd.s32 s20, s5;
	s20 =	sshll.u32 s10, $0x7  }
0x21: {  	s10 =	sshll.u32 s10, $0x4;
	[dreg:$0xe] =	wrdreg s13;
	s13 =	sadd.s32 s23, s5  }
0x22: {  	s15 =	sshll.u32 s0, $0x2;
	s10 =	sadd.s32 s10, s5;
	[dreg:$0x10] =	wrdreg s13  }
0x23: {  	s22 =	simm.s32 $0x6E0;
	s23 =	sadd.s32 s8, s21;
	[dreg:$0x16] =	wrdreg s10  }
0x24: {  	s13 =	sshll.u32 s24, $0x4;
	[dreg:$0x18] =	wrdreg s23;
	s24 =	sadd.s32 s1, s21  }
0x25: {  	s10 =	sadd.s32 $0xA, s21;
	s13 =	sadd.s32 s13, s5;
	[dreg:$0x19] =	wrdreg s24  }
0x26: {  	s14 =	sor.u32 $0x1, s15;
	s25 =	sadd.s32 s7, s10;
	[dreg:$0x12] =	wrdreg s13  }
0x27: {  	s21 =	simm.s32 $0x140;
	s26 =	sadd.s32 s8, s10;
	[dreg:$0x1a] =	wrdreg s25  }
0x28: {  	s23 =	simm.s32 $0xF0;
	s10 =	sadd.s32 s1, s10;
	[dreg:$0x1b] =	wrdreg s26  }
.Ltmp0:
0x29: {  	s13 =	sadd.s32 s18, s5;
	[dreg:$0x1c] =	wrdreg s10;
	(pc) =	sbr.rel .LBB2_1-.Ltmp0, $4  }
0x2a: {  	s24 =	simm.s32 $0x3;
	[dreg:$0x14] =	wrdreg s13;
	s13 =	sadd.s32 s20, s4  }
0x2b: {  	s10 =	sadd.s32 $0xA0, s19;
	[dreg:$0x15] =	wrdreg s13;
	s13 =	smul.u32 $0x2710, s0  }
0x2c: {  	v5 =	vimm.f32 $0.0e+00;
	v1 =	vmov s15;
	v2 =	vmov s14;
	s26 =	sor.u32 $0x2, s15;
	s18 =	simm.s32 $0xBE0;
	s0 =	sshllo.u32 s0, $0x2  }
0x2d: {  	s19 =	simm.s32 $0x33E0;
	s25 =	simm.s32 $0x190;
	s20 =	simm.s32 $0x1E0;
	v3 =	vmov s26;
	v4 =	vmov s0;
	v0 =	vmov s13  }
.LBB2_12:
0x2e: {  	s0 =	simm.s32 $0x6  }
0x2f: {  	_ =	swait.ge [sflag:s0], $0x500  }
0x30: {  	[sflag:s0] =	ssyncset.done $0x0  }
0x31: {  	[sflag:s0] =	ssyncadd.s32 $0xFFFFFB00  }
0x32: {  	_ =	swait.ge [sflag:s0], $0x2800  }
0x33: {  	[sflag:s0] =	ssyncset.done $0x0  }
0x34: {  	[sflag:s0] =	ssyncadd.s32 $0xFFFFD800  }
0x35: {  	_ =	swait.ge [sflag:s28], $0x500  }
0x36: {  	[sflag:s28] =	ssyncset.done $0x0  }
0x37: {  	[sflag:s28] =	ssyncadd.s32 $0xFFFFFB00  }
0x38: {  	_ =	swait.ge [sflag:s28], $0x2800  }
0x39: {  	[sflag:s28] =	ssyncset.done $0x0  }
0x3a: {  	[sflag:s28] =	ssyncadd.s32 $0xFFFFD800  }
0x3b: {  	s12 =	stileid.u32;
	[bflag:$0x0] =	sbarrier.arrive $0xFFFF  }
0x3c: {  	s0 =	sshll.u32 s12, $0x6;
	s3 =	rddreg [dreg:$0x7]  }
0x3d: {  	s0 =	sor.u32 $0x1C07, s0;
	s11 =	rddreg [dreg:$0x1d];
	s3 =	sshrl.u32 s3, $0x3  }
0x3e: {  	[hbm:s11], [sflag:s0] =	dma.local [spmem:s3], $0x2800  }
0x3f: {  	_ =	swait.ge [sflag:s16], $0x2800  }
0x40: {  	[sflag:s16] =	ssyncset.done $0x0;
	s13 =	rddreg [dreg:$0x8]  }
0x41: {  	s14 =	rddreg [dreg:$0x1e];
	[sflag:s16] =	ssyncadd.s32 $0xFFFFD800;
	s3 =	sshrl.u32 s13, $0x3  }
0x42: {  	[hbm:s14], [sflag:s0] =	dma.local [spmem:s3], $0x500  }
0x43: {  	_ =	swait.ge [sflag:s16], $0x500  }
0x44: {  	s15 =	sld [smem:$0x7FD];
	_ =	sdelay $0x2  }
0x45: {  	s26 =	rddreg [dreg:$0x1f];
	s3 =	sadd.s32 $0x1, s15  }
0x46: {  	p0 =	sne.s32 s3, s26  }
.Ltmp1:
0x47: {  	_ = 	snop;
	(pc) =	sbr.rel @!p0 .LBB2_13-.Ltmp1, $3  }
0x48: {  	_ =	sdelay $0x1  }
0x49: {  	[sflag:s16] =	ssyncset.done $0x0  }
0x4a: {  	[sflag:s16] =	ssyncadd.s32 $0xFFFFFB00  }
.LBB2_1:
0x4b: {  	[smem:$0x7FD] =	sst s3  }
0x4c: {  	s0 =	rddreg [dreg:$0x6];
	s12 =	simm.s32 $0x76C0  }
0x4d: {  	[tilespmem:s12], [sflag:$0x7] =	stream.linear.gather [hbm4b:s0+s6], $0x10, $0x38;
	[tilespmem:$0x1DED0] =	vst v63  }
0x4e: {  	_ =	swait.ge [sflag:s16], $0x10  }
0x4f: {  	[sflag:s16] =	ssyncset.done $0x0  }
0x50: {  	s13 =	rddreg [dreg:$0x17];
	[sflag:s16] =	ssyncadd.s32 $0xFFFFFFF0  }
0x51: {  	[tilespmem:s6], [sflag:$0x7] =	stream.linear.gather [hbm4b:s13+s6], $0x50, $0x38;
	[tilespmem:$0x1DED0] =	vst v63  }
0x52: {  	_ =	swait.ge [sflag:s16], $0x50  }
0x53: {  	[sflag:s16] =	ssyncset.done $0x0  }
0x54: {  	s14 =	rddreg [dreg:$0x18];
	[sflag:s16] =	ssyncadd.s32 $0xFFFFFFB0  }
0x55: {  	[tilespmem:s17], [sflag:$0x7] =	stream.linear.gather [hbm4b:s14+s6], $0x50, $0x38;
	[tilespmem:$0x1DED0] =	vst v63  }
0x56: {  	_ =	swait.ge [sflag:s16], $0x50  }
0x57: {  	[sflag:s16] =	ssyncset.done $0x0  }
0x58: {  	s26 =	simm.s32 $0xA0;
	s15 =	rddreg [dreg:$0x19];
	[sflag:s16] =	ssyncadd.s32 $0xFFFFFFB0  }
0x59: {  	[tilespmem:s26], [sflag:$0x7] =	stream.linear.gather [hbm4b:s15+s6], $0x50, $0x38;
	[tilespmem:$0x1DED0] =	vst v63  }
0x5a: {  	_ =	swait.ge [sflag:s16], $0x50  }
0x5b: {  	[sflag:s16] =	ssyncset.done $0x0  }
0x5c: {  	[sflag:s16] =	ssyncadd.s32 $0xFFFFFFB0  }
0x5d: {  	v6 =	vld [tilespmem:$0x0]  }
0x5e: {  	v7 =	vld [tilespmem:$0x50]  }
0x5f: {  	v8 =	vld [tilespmem:$0x10]  }
0x60: {  	v9 =	vld [tilespmem:$0x60]  }
0x61: {  	v10 =	vld [tilespmem:$0x20]  }
0x62: {  	v11 =	vld [tilespmem:$0x70];
	v6 =	vadd.s32 v0, v6  }
0x63: {  	[tilespmem:$0xF0] =	vst v6;
	v6 =	vadd.s32 $0x2710, v7;
	v7 =	vld [tilespmem:$0x30]  }
0x64: {  	v61 =	vld [tilespmem:$0x80];
	[tilespmem:$0x140] =	vst v6;
	v6 =	vadd.s32 v0, v8  }
0x65: {  	v62 =	vld [tilespmem:$0x40];
	[tilespmem:$0x100] =	vst v6;
	v6 =	vadd.s32 $0x2710, v9  }
0x66: {  	v63 =	vld [tilespmem:$0x90];
	[tilespmem:$0x150] =	vst v6;
	v6 =	vadd.s32 v0, v10  }
0x67: {  	[tilespmem:$0x110] =	vst v6;
	v6 =	vadd.s32 $0x2710, v11  }
0x68: {  	[tilespmem:$0x160] =	vst v6;
	v6 =	vadd.s32 v0, v7  }
0x69: {  	[tilespmem:$0x120] =	vst v6;
	v6 =	vadd.s32 $0x2710, v61  }
0x6a: {  	[tilespmem:$0x170] =	vst v6;
	v6 =	vadd.s32 v0, v62  }
0x6b: {  	[tilespmem:$0x130] =	vst v6;
	v6 =	vadd.s32 $0x2710, v63  }
0x6c: {  	s0 =	simm.s32 $0xC20;
	[tilespmem:$0x180] =	vst v6  }
0x6d: {  	[tilespmem:s0+$0xFFFFFFD0] =	vst v5  }
0x6e: {  	[tilespmem:s0+$0xFFFFFFE0] =	vst v5  }
0x6f: {  	[tilespmem:s0+$0xFFFFFFF0] =	vst v5  }
0x70: {  	[tilespmem:s0+$0x0] =	vst v5  }
0x71: {  	[tilespmem:s0+$0x10] =	vst v5  }
0x72: {  	[tilespmem:s0+$0x20] =	vst v5  }
0x73: {  	[tilespmem:s0+$0x30] =	vst v5  }
0x74: {  	s11 =	simm.s32 $0x0;
	s3 =	simm.s32 $0x40;
	[tilespmem:s0+$0xFFFFFFC0] =	vst v5  }
.LBB2_2:
0x75: {  	p0 =	sne.s32 s3, $0x13C0;
	[tilespmem:s11+$0x33E0] =	vst v5;
	s0 =	sadd.s32 $0x80, s0  }
0x76: {  	[tilespmem:s0+$0xFFFFFFD0] =	vst v5  }
0x77: {  	[tilespmem:s0+$0xFFFFFFE0] =	vst v5  }
0x78: {  	[tilespmem:s0+$0xFFFFFFF0] =	vst v5  }
.Ltmp2:
0x79: {  	[tilespmem:s0+$0x0] =	vst v5;
	(pc) =	sbr.rel @p0 .LBB2_2-.Ltmp2, $4  }
0x7a: {  	[tilespmem:s0+$0x10] =	vst v5  }
0x7b: {  	[tilespmem:s0+$0x20] =	vst v5  }
0x7c: {  	[tilespmem:s0+$0x30] =	vst v5  }
0x7d: {  	s11 =	sshra.s32 s3, $0x2;
	s3 =	sadd.s32 $0x40, s3;
	[tilespmem:s0+$0xFFFFFFC0] =	vst v5  }
0x7e: {  	[tilespmem:s11+$0x33E0] =	vst v5;
	s0 =	rddreg [dreg:$0x7]  }
0x7f: {  	[spmem:s0] =	stream.linear.scatter [tilespmem:s18], [sflag:$0x7], $0x2800, $0x38;
	[tilespmem:$0x1DED0] =	vst v63  }
0x80: {  	_ =	swait.ge [sflag:s16], $0x2800  }
0x81: {  	[sflag:s16] =	ssyncset.done $0x0  }
0x82: {  	s3 =	rddreg [dreg:$0x8];
	[sflag:s16] =	ssyncadd.s32 $0xFFFFD800  }
0x83: {  	[spmem:s3] =	stream.linear.scatter [tilespmem:s19], [sflag:$0x7], $0x500, $0x38;
	[tilespmem:$0x1DED0] =	vst v63  }
0x84: {  	_ =	swait.ge [sflag:s16], $0x500  }
0x85: {  	[sflag:s16] =	ssyncset.done $0x0  }
0x86: {  	s11 =	rddreg [dreg:$0x9];
	[sflag:s16] =	ssyncadd.s32 $0xFFFFFB00  }
0x87: {  	[spmem:s11] =	stream.linear.scatter [tilespmem:s18], [sflag:$0x7], $0x2800, $0x38;
	[tilespmem:$0x1DED0] =	vst v63  }
0x88: {  	_ =	swait.ge [sflag:s16], $0x2800  }
0x89: {  	[sflag:s16] =	ssyncset.done $0x0  }
0x8a: {  	s12 =	rddreg [dreg:$0xa];
	[sflag:s16] =	ssyncadd.s32 $0xFFFFD800  }
0x8b: {  	[spmem:s12] =	stream.linear.scatter [tilespmem:s19], [sflag:$0x7], $0x500, $0x38;
	[tilespmem:$0x1DED0] =	vst v63  }
0x8c: {  	_ =	swait.ge [sflag:s16], $0x500  }
0x8d: {  	[sflag:s16] =	ssyncset.done $0x0  }
0x8e: {  	s13 =	rddreg [dreg:$0xb];
	[sflag:s16] =	ssyncadd.s32 $0xFFFFFB00  }
0x8f: {  	[spmem:s13] =	stream.linear.scatter [tilespmem:s18], [sflag:$0x7], $0x2800, $0x38;
	[tilespmem:$0x1DED0] =	vst v63  }
0x90: {  	_ =	swait.ge [sflag:s16], $0x2800  }
0x91: {  	[sflag:s16] =	ssyncset.done $0x0  }
0x92: {  	s14 =	rddreg [dreg:$0xc];
	[sflag:s16] =	ssyncadd.s32 $0xFFFFD800  }
0x93: {  	[spmem:s14] =	stream.linear.scatter [tilespmem:s19], [sflag:$0x7], $0x500, $0x38;
	[tilespmem:$0x1DED0] =	vst v63  }
0x94: {  	_ =	swait.ge [sflag:s16], $0x500  }
0x95: {  	[sflag:s16] =	ssyncset.done $0x0  }
0x96: {  	s15 =	rddreg [dreg:$0xd];
	[sflag:s16] =	ssyncadd.s32 $0xFFFFFB00  }
0x97: {  	[spmem:s15] =	stream.linear.scatter [tilespmem:s18], [sflag:$0x7], $0x2800, $0x38;
	[tilespmem:$0x1DED0] =	vst v63  }
0x98: {  	_ =	swait.ge [sflag:s16], $0x2800  }
0x99: {  	[sflag:s16] =	ssyncset.done $0x0  }
0x9a: {  	s26 =	rddreg [dreg:$0xe];
	[sflag:s16] =	ssyncadd.s32 $0xFFFFD800  }
0x9b: {  	[spmem:s26] =	stream.linear.scatter [tilespmem:s19], [sflag:$0x7], $0x500, $0x38;
	[tilespmem:$0x1DED0] =	vst v63  }
0x9c: {  	_ =	swait.ge [sflag:s16], $0x500  }
0x9d: {  	[sflag:s16] =	ssyncset.done $0x0  }
0x9e: {  	s3 =	rddreg [dreg:$0xf];
	[sflag:s16] =	ssyncadd.s32 $0xFFFFFB00  }
0x9f: {  	[spmem:s3] =	stream.linear.scatter [tilespmem:s18], [sflag:$0x7], $0x2800, $0x38;
	[tilespmem:$0x1DED0] =	vst v63  }
0xa0: {  	_ =	swait.ge [sflag:s16], $0x2800  }
0xa1: {  	[sflag:s16] =	ssyncset.done $0x0  }
0xa2: {  	s11 =	rddreg [dreg:$0x10];
	[sflag:s16] =	ssyncadd.s32 $0xFFFFD800  }
0xa3: {  	[spmem:s11] =	stream.linear.scatter [tilespmem:s19], [sflag:$0x7], $0x500, $0x38;
	[tilespmem:$0x1DED0] =	vst v63  }
0xa4: {  	_ =	swait.ge [sflag:s16], $0x500  }
0xa5: {  	[sflag:s16] =	ssyncset.done $0x0  }
0xa6: {  	s12 =	rddreg [dreg:$0x11];
	[sflag:s16] =	ssyncadd.s32 $0xFFFFFB00  }
0xa7: {  	[spmem:s12] =	stream.linear.scatter [tilespmem:s18], [sflag:$0x7], $0x2800, $0x38;
	[tilespmem:$0x1DED0] =	vst v63  }
0xa8: {  	_ =	swait.ge [sflag:s16], $0x2800  }
0xa9: {  	[sflag:s16] =	ssyncset.done $0x0  }
0xaa: {  	s13 =	rddreg [dreg:$0x12];
	[sflag:s16] =	ssyncadd.s32 $0xFFFFD800  }
0xab: {  	[spmem:s13] =	stream.linear.scatter [tilespmem:s19], [sflag:$0x7], $0x500, $0x38;
	[tilespmem:$0x1DED0] =	vst v63  }
0xac: {  	_ =	swait.ge [sflag:s16], $0x500  }
0xad: {  	[sflag:s16] =	ssyncset.done $0x0  }
0xae: {  	s14 =	rddreg [dreg:$0x13];
	[sflag:s16] =	ssyncadd.s32 $0xFFFFFB00  }
0xaf: {  	[spmem:s14] =	stream.linear.scatter [tilespmem:s18], [sflag:$0x7], $0x2800, $0x38;
	[tilespmem:$0x1DED0] =	vst v63  }
0xb0: {  	_ =	swait.ge [sflag:s16], $0x2800  }
0xb1: {  	[sflag:s16] =	ssyncset.done $0x0  }
0xb2: {  	s15 =	rddreg [dreg:$0x14];
	[sflag:s16] =	ssyncadd.s32 $0xFFFFD800  }
0xb3: {  	[spmem:s15] =	stream.linear.scatter [tilespmem:s19], [sflag:$0x7], $0x500, $0x38;
	[tilespmem:$0x1DED0] =	vst v63  }
0xb4: {  	_ =	swait.ge [sflag:s16], $0x500  }
0xb5: {  	[sflag:s16] =	ssyncset.done $0x0  }
0xb6: {  	s26 =	rddreg [dreg:$0x15];
	[sflag:s16] =	ssyncadd.s32 $0xFFFFFB00  }
0xb7: {  	[spmem:s26] =	stream.linear.scatter [tilespmem:s18], [sflag:$0x7], $0x2800, $0x38;
	[tilespmem:$0x1DED0] =	vst v63  }
0xb8: {  	_ =	swait.ge [sflag:s16], $0x2800  }
0xb9: {  	[sflag:s16] =	ssyncset.done $0x0  }
0xba: {  	s3 =	rddreg [dreg:$0x16];
	[sflag:s16] =	ssyncadd.s32 $0xFFFFD800  }
0xbb: {  	[spmem:s3] =	stream.linear.scatter [tilespmem:s19], [sflag:$0x7], $0x500, $0x38;
	[tilespmem:$0x1DED0] =	vst v63  }
0xbc: {  	_ =	swait.ge [sflag:s16], $0x500  }
0xbd: {  	[sflag:s16] =	ssyncset.done $0x0  }
0xbe: {  	[sflag:s16] =	ssyncadd.s32 $0xFFFFFB00  }
0xbf: {  	s14 =	simm.s32 $0x0;
	[bflag:$0x0] =	sbarrier.arrive $0xFFFF  }
0xc0: {  	v6 =	vld [tilespmem:$0x76C0];
	[tilespmem:s20], [sflag:$0x3] =	stream.indirect.gather [hbm4b:s9+s17], $0x10, s14, s17, $0xb8  }
0xc1: {  	_ = 	snop  }
0xc2: {  	[tilespmem:s22], [sflag:$0x3] =	stream.indirect.gather [hbm4b:s9+s17], $0x10, s21, s17, $0xb8;
	[tilespmem:$0x1DED0] =	vst v63  }
0xc3: {  	_ = 	snop  }
0xc4: {  	[tilespmem:s18], [sflag:$0x3] =	stream.indirect.gather [hbm4b:s2+s17], $0x80, s23, s17, $0xb8;
	[tilespmem:$0x1DED0] =	vst v63  }
0xc5: {  	s3 =	simm.s32 $0x38E0;
	s11 =	rddreg [dreg:$0x1a]  }
0xc6: {  	[tilespmem:s3], [sflag:$0x2] =	stream.linear.gather [hbm4b:s11+s14], $0x50, $0x38;
	[tilespmem:$0x1DED0] =	vst v63  }
.Ltmp3:
0xc7: {  	_ = 	snop;
	(pc) =	sbr.rel .LBB2_4-.Ltmp3, $4  }
0xc8: {  	s13 =	simm.s32 $0x3930;
	s12 =	rddreg [dreg:$0x1b]  }
0xc9: {  	[tilespmem:s13], [sflag:$0x2] =	stream.linear.gather [hbm4b:s12+s14], $0x50, $0x38;
	[tilespmem:$0x1DED0] =	vst v63  }
0xca: {  	s26 =	simm.s32 $0x3980;
	s15 =	rddreg [dreg:$0x1c]  }
0xcb: {  	[tilespmem:s26], [sflag:$0x2] =	stream.linear.gather [hbm4b:s15+s14], $0x50, $0x38;
	[tilespmem:$0x1DED0] =	vst v63  }
.LBB2_10:
0xcc: {  	[tilespmem:s15+$0xFFFFFF40] =	vst v28  }
0xcd: {  	[tilespmem:s15+$0xFFFFFF50] =	vst v29  }
0xce: {  	[tilespmem:s15+$0x80] =	vst v17  }
0xcf: {  	[tilespmem:s15+$0x90] =	vst v18  }
0xd0: {  	[tilespmem:s15+$0xA0] =	vst v19  }
0xd1: {  	[tilespmem:s15+$0xB0] =	vst v20  }
0xd2: {  	v25 =	vmul.f32 v25, v16;
	v39 =	vld [tilespmem:s15+$0xFFFFFFB0];
	[tilespmem:s15+$0xC0] =	vst v21  }
0xd3: {  	v36 =	vmul.f32 v26, v16;
	v40 =	vld [tilespmem:s15+$0xFFFFFFC0];
	[tilespmem:s15+$0xD0] =	vst v22  }
0xd4: {  	v37 =	vmul.f32 v27, v14;
	v41 =	vld [tilespmem:s15+$0xFFFFFFD0];
	[tilespmem:s15+$0xFFFFFF80] =	vst v25  }
0xd5: {  	v23 =	vmul.f32 v23, v15;
	v42 =	vld [tilespmem:s15+$0xFFFFFFE0];
	[tilespmem:s15+$0xFFFFFF90] =	vst v36  }
0xd6: {  	v38 =	vmul.f32 v24, v15;
	v44 =	vld [tilespmem:s15+$0x0];
	[tilespmem:s15+$0xFFFFFFA0] =	vst v37  }
0xd7: {  	v46 =	vld [tilespmem:s15+$0x10];
	[tilespmem:s15+$0xFFFFFF60] =	vst v23;
	v45 =	vmul.f32 v39, v14  }
0xd8: {  	v47 =	vld [tilespmem:s15+$0x20];
	[tilespmem:s15+$0xFFFFFF70] =	vst v38;
	v15 =	vmul.f32 v40, v13  }
0xd9: {  	v48 =	vld [tilespmem:s15+$0x30];
	v49 =	vmul.f32 v41, v13;
	[tilespmem:s15+$0xFFFFFFB0] =	vst v45  }
0xda: {  	v50 =	vld [tilespmem:s15+$0x40];
	v51 =	vmul.f32 v42, v12;
	[tilespmem:s15+$0xFFFFFFC0] =	vst v15  }
0xdb: {  	v52 =	vld [tilespmem:s15+$0x50];
	v55 =	vmul.f32 v44, v11;
	[tilespmem:s15+$0xFFFFFFD0] =	vst v49  }
0xdc: {  	v54 =	vld [tilespmem:s15+$0x60];
	v57 =	vmul.f32 v46, v11;
	[tilespmem:s15+$0xFFFFFFE0] =	vst v51  }
0xdd: {  	v56 =	vld [tilespmem:s15+$0x70];
	v58 =	vmul.f32 v47, v10;
	[tilespmem:s13+$0x0] =	vst v55  }
0xde: {  	v43 =	vld [tilespmem:s15+$0xFFFFFFF0];
	v60 =	vmul.f32 v48, v10;
	[tilespmem:s13+$0x10] =	vst v57  }
0xdf: {  	v59 =	vld [tilespmem:s13+$0xE0];
	v61 =	vmul.f32 v50, v9;
	[tilespmem:s13+$0x20] =	vst v58  }
0xe0: {  	v62 =	vmul.f32 v52, v9;
	[tilespmem:s13+$0x30] =	vst v60  }
0xe1: {  	v63 =	vmul.f32 v54, v8;
	[tilespmem:s13+$0x40] =	vst v61  }
0xe2: {  	v8 =	vmul.f32 v56, v8;
	[tilespmem:s13+$0x50] =	vst v62  }
0xe3: {  	v53 =	vmul.f32 v43, v12;
	[tilespmem:s13+$0x60] =	vst v63  }
0xe4: {  	v7 =	vmul.f32 v59, v7;
	[tilespmem:s13+$0x70] =	vst v8  }
0xe5: {  	[tilespmem:s13+$0xFFFFFFF0] =	vst v53  }
0xe6: {  	s0 =	simm.s32 $0x6CC0;
	[tilespmem:s13+$0xE0] =	vst v7  }
0xe7: {  	[spmem:s5] =	stream.indirect.scatter.add.f32 [tilespmem:s0], [sflag:$0x6], $0x10, s31, s17, $0xb8;
	[tilespmem:$0x1DED0] =	vst v63  }
0xe8: {  	s26 =	simm.s32 $0x44C0  }
0xe9: {  	[spmem:s4] =	stream.indirect.scatter.add.f32 [tilespmem:s26], [sflag:$0x6], $0x80, s31, s17, $0xb8;
	[tilespmem:$0x1DED0] =	vst v63  }
.LBB2_11:
0xea: {  	s14 =	sadd.s32 $0x1, s14  }
0xeb: {  	p0 =	sne.s32 s14, $0x7D  }
.Ltmp4:
0xec: {  	_ = 	snop;
	(pc) =	sbr.rel @!p0 .LBB2_12-.Ltmp4, $1  }
0xed: {  	_ =	sdelay $0x3  }
.LBB2_4:
0xee: {  	s0 =	sand.u32 $0x1, s14  }
0xef: {  	p0 =	seq.s32 s0, $0x1  }
.Ltmp5:
0xf0: {  	_ = 	snop;
	(pc) =	sbr.rel @p0 .LBB2_8-.Ltmp5, $1  }
0xf1: {  	_ =	sdelay $0x3  }
0xf2: {  	p0 =	seq.s32 s14, $0x7C  }
0xf3: {  	s0 =	simm.s32 @!p0 $0x2  }
0xf4: {  	_ =	swait.ge @!p0 [sflag:s0], $0x50  }
0xf5: {  	[sflag:s0] =	ssyncset.done @!p0 $0x0  }
0xf6: {  	[sflag:s0] =	ssyncadd.s32 @!p0 $0xFFFFFFB0  }
0xf7: {  	_ =	swait.ge @!p0 [sflag:s0], $0x50  }
0xf8: {  	[sflag:s0] =	ssyncset.done @!p0 $0x0  }
0xf9: {  	[sflag:s0] =	ssyncadd.s32 @!p0 $0xFFFFFFB0  }
0xfa: {  	_ =	swait.ge @!p0 [sflag:s0], $0x50  }
0xfb: {  	[sflag:s0] =	ssyncset.done @!p0 $0x0  }
0xfc: {  	[sflag:s0] =	ssyncadd.s32 @!p0 $0xFFFFFFB0  }
0xfd: {  	v7 =	vld @!p0 [tilespmem:$0x38E0]  }
0xfe: {  	v8 =	vld @!p0 [tilespmem:$0x3930]  }
0xff: {  	v9 =	vld @!p0 [tilespmem:$0x38F0]  }
0x100: {  	v10 =	vld @!p0 [tilespmem:$0x3940]  }
0x101: {  	v11 =	vld @!p0 [tilespmem:$0x3900]  }
0x102: {  	v12 =	vld @!p0 [tilespmem:$0x3950];
	v7 =	vadd.s32 @!p0 v0, v7  }
0x103: {  	[tilespmem:$0x39D0] =	vst @!p0 v7;
	v7 =	vadd.s32 @!p0 $0x2710, v8;
	v8 =	vld @!p0 [tilespmem:$0x3910]  }
0x104: {  	[tilespmem:$0x3A20] =	vst @!p0 v7;
	v7 =	vadd.s32 @!p0 v0, v9;
	v9 =	vld @!p0 [tilespmem:$0x3960]  }
0x105: {  	[tilespmem:$0x39E0] =	vst @!p0 v7;
	v7 =	vadd.s32 @!p0 $0x2710, v10;
	v10 =	vld @!p0 [tilespmem:$0x3920]  }
0x106: {  	[tilespmem:$0x3A30] =	vst @!p0 v7;
	v7 =	vadd.s32 @!p0 v0, v11;
	v11 =	vld @!p0 [tilespmem:$0x3970]  }
0x107: {  	[tilespmem:$0x39F0] =	vst @!p0 v7;
	v7 =	vadd.s32 @!p0 $0x2710, v12  }
0x108: {  	[tilespmem:$0x3A40] =	vst @!p0 v7;
	v7 =	vadd.s32 @!p0 v0, v8  }
0x109: {  	[tilespmem:$0x3A00] =	vst @!p0 v7;
	v7 =	vadd.s32 @!p0 $0x2710, v9  }
0x10a: {  	p1 =	seq.s32 @!p0 s14, $0x0;
	[tilespmem:$0x3A50] =	vst @!p0 v7;
	v7 =	vadd.s32 @!p0 v0, v10  }
0x10b: {  	p1 =	por p1, p0;
	[tilespmem:$0x3A10] =	vst @!p0 v7;
	v7 =	vadd.s32 @!p0 $0x2710, v11  }
0x10c: {  	s0 =	simm.s32 @!p1 $0x6;
	[tilespmem:$0x3A60] =	vst @!p0 v7  }
0x10d: {  	_ =	swait.ge @!p1 [sflag:s0], $0x500  }
0x10e: {  	[sflag:s0] =	ssyncset.done @!p1 $0x0  }
0x10f: {  	[sflag:s0] =	ssyncadd.s32 @!p1 $0xFFFFFB00  }
0x110: {  	_ =	swait.ge @!p1 [sflag:s0], $0x2800  }
0x111: {  	s3 =	simm.s32 @!p0 $0x38E0;
	[sflag:s0] =	ssyncset.done @!p1 $0x0  }
0x112: {  	s11 =	simm.s32 @!p0 $0x3AC0;
	[sflag:s0] =	ssyncadd.s32 @!p1 $0xFFFFD800;
	s0 =	simm.s32 @!p0 $0x50  }
0x113: {  	[tilespmem:s11], [sflag:$0x4] =	stream.indirect.gather @!p0 [hbm4b:s9+s0], $0x10, s3, s0, $0xb8;
	[tilespmem:$0x1DED0] =	vst v63  }
0x114: {  	s3 =	simm.s32 @!p0 $0x3A20;
	s11 =	simm.s32 @!p0 $0x3FC0  }
0x115: {  	[tilespmem:s11], [sflag:$0x4] =	stream.indirect.gather @!p0 [hbm4b:s9+s0], $0x10, s3, s0, $0xb8;
	[tilespmem:$0x1DED0] =	vst v63  }
0x116: {  	s3 =	simm.s32 @!p0 $0x39D0;
	s11 =	simm.s32 @!p0 $0x44C0  }
0x117: {  	[tilespmem:s11], [sflag:$0x4] =	stream.indirect.gather @!p0 [hbm4b:s2+s0], $0x80, s3, s0, $0xb8;
	[tilespmem:$0x1DED0] =	vst v63  }
0x118: {  	v7 =	vld [tilespmem:$0xA0];
	_ =	sdelay $0x2  }
0x119: {  	v8 =	vld [tilespmem:$0x50];
	_ =	sdelay $0x1  }
0x11a: {  	v9 =	vbroadcast v7, $0x0  }
0x11b: {  	v10 =	vbroadcast v7, $0x1  }
0x11c: {  	v11 =	vbroadcast v7, $0x2;
	v9 =	vmul.f32 v9, v6  }
0x11d: {  	[tilespmem:$0x190] =	vst v8;
	v8 =	vmul.f32 v10, v6;
	v10 =	vbroadcast v7, $0x3  }
0x11e: {  	[tilespmem:$0x71C0] =	vst v9;
	v9 =	vmul.f32 v11, v6;
	v11 =	vbroadcast v7, $0x4  }
0x11f: {  	[tilespmem:$0x71D0] =	vst v8;
	v8 =	vmul.f32 v10, v6;
	v10 =	vbroadcast v7, $0x5  }
0x120: {  	[tilespmem:$0x71E0] =	vst v9;
	v9 =	vmul.f32 v11, v6;
	v11 =	vbroadcast v7, $0x6  }
0x121: {  	[tilespmem:$0x71F0] =	vst v8;
	v8 =	vmul.f32 v10, v6;
	v10 =	vbroadcast v7, $0x7  }
0x122: {  	[tilespmem:$0x7200] =	vst v9;
	v9 =	vmul.f32 v11, v6;
	v11 =	vbroadcast v7, $0x8  }
0x123: {  	[tilespmem:$0x7210] =	vst v8;
	v8 =	vmul.f32 v10, v6;
	v10 =	vbroadcast v7, $0x9  }
0x124: {  	[tilespmem:$0x7220] =	vst v9;
	v9 =	vmul.f32 v11, v6;
	v11 =	vbroadcast v7, $0xA  }
0x125: {  	[tilespmem:$0x7230] =	vst v8;
	v8 =	vmul.f32 v10, v6;
	v10 =	vbroadcast v7, $0xB  }
0x126: {  	v12 =	vld [tilespmem:$0xB0];
	[tilespmem:$0x7240] =	vst v9;
	v9 =	vmul.f32 v11, v6;
	v11 =	vbroadcast v7, $0xC  }
0x127: {  	[tilespmem:$0x7250] =	vst v8;
	v8 =	vmul.f32 v10, v6;
	v10 =	vbroadcast v7, $0xD  }
0x128: {  	[tilespmem:$0x7260] =	vst v9;
	v9 =	vmul.f32 v11, v6;
	v11 =	vbroadcast v7, $0xE  }
0x129: {  	[tilespmem:$0x7270] =	vst v8;
	v8 =	vmul.f32 v10, v6;
	v7 =	vbroadcast v7, $0xF;
	v10 =	vld [tilespmem:$0x60]  }
0x12a: {  	[tilespmem:$0x7280] =	vst v9;
	v9 =	vmul.f32 v11, v6  }
0x12b: {  	[tilespmem:$0x7290] =	vst v8;
	v7 =	vmul.f32 v7, v6;
	v8 =	vbroadcast v12, $0x0  }
0x12c: {  	[tilespmem:$0x72A0] =	vst v9;
	v9 =	vbroadcast v12, $0x1  }
0x12d: {  	[tilespmem:$0x72B0] =	vst v7;
	v7 =	vmul.f32 v8, v6;
	v8 =	vbroadcast v12, $0x2  }
0x12e: {  	[tilespmem:$0x1A0] =	vst v10;
	v10 =	vbroadcast v12, $0x3;
	v9 =	vmul.f32 v9, v6  }
0x12f: {  	[tilespmem:$0x72C0] =	vst v7;
	v7 =	vmul.f32 v8, v6;
	v8 =	vbroadcast v12, $0x4  }
0x130: {  	[tilespmem:$0x72D0] =	vst v9;
	v9 =	vmul.f32 v10, v6;
	v10 =	vbroadcast v12, $0x5  }
0x131: {  	[tilespmem:$0x72E0] =	vst v7;
	v7 =	vmul.f32 v8, v6;
	v8 =	vbroadcast v12, $0x6  }
0x132: {  	[tilespmem:$0x72F0] =	vst v9;
	v9 =	vmul.f32 v10, v6;
	v10 =	vbroadcast v12, $0x7  }
0x133: {  	[tilespmem:$0x7300] =	vst v7;
	v7 =	vmul.f32 v8, v6;
	v8 =	vbroadcast v12, $0x8  }
0x134: {  	[tilespmem:$0x7310] =	vst v9;
	v9 =	vmul.f32 v10, v6;
	v10 =	vbroadcast v12, $0x9  }
0x135: {  	[tilespmem:$0x7320] =	vst v7;
	v7 =	vmul.f32 v8, v6;
	v8 =	vbroadcast v12, $0xA  }
0x136: {  	[tilespmem:$0x7330] =	vst v9;
	v9 =	vmul.f32 v10, v6;
	v10 =	vbroadcast v12, $0xB  }
0x137: {  	v11 =	vld [tilespmem:$0xC0];
	[tilespmem:$0x7340] =	vst v7;
	v7 =	vmul.f32 v8, v6;
	v8 =	vbroadcast v12, $0xC  }
0x138: {  	[tilespmem:$0x7350] =	vst v9;
	v9 =	vmul.f32 v10, v6;
	v10 =	vbroadcast v12, $0xD  }
0x139: {  	[tilespmem:$0x7360] =	vst v7;
	v7 =	vmul.f32 v8, v6;
	v8 =	vbroadcast v12, $0xE  }
0x13a: {  	[tilespmem:$0x7370] =	vst v9;
	v9 =	vmul.f32 v10, v6;
	v10 =	vbroadcast v12, $0xF;
	v12 =	vld [tilespmem:$0x70]  }
0x13b: {  	[tilespmem:$0x7380] =	vst v7;
	v7 =	vmul.f32 v8, v6  }
0x13c: {  	[tilespmem:$0x7390] =	vst v9;
	v8 =	vmul.f32 v10, v6;
	v9 =	vbroadcast v11, $0x0  }
0x13d: {  	[tilespmem:$0x73A0] =	vst v7;
	v7 =	vbroadcast v11, $0x1  }
0x13e: {  	[tilespmem:$0x73B0] =	vst v8;
	v8 =	vmul.f32 v9, v6;
	v9 =	vbroadcast v11, $0x2  }
0x13f: {  	v10 =	vbroadcast v11, $0x3;
	v7 =	vmul.f32 v7, v6;
	[tilespmem:$0x1B0] =	vst v12  }
0x140: {  	[tilespmem:$0x73C0] =	vst v8;
	v8 =	vmul.f32 v9, v6;
	v9 =	vbroadcast v11, $0x4  }
0x141: {  	[tilespmem:$0x73D0] =	vst v7;
	v7 =	vmul.f32 v10, v6;
	v10 =	vbroadcast v11, $0x5  }
0x142: {  	[tilespmem:$0x73E0] =	vst v8;
	v8 =	vmul.f32 v9, v6;
	v9 =	vbroadcast v11, $0x6  }
0x143: {  	[tilespmem:$0x73F0] =	vst v7;
	v7 =	vmul.f32 v10, v6;
	v10 =	vbroadcast v11, $0x7  }
0x144: {  	[tilespmem:$0x7400] =	vst v8;
	v8 =	vmul.f32 v9, v6;
	v9 =	vbroadcast v11, $0x8  }
0x145: {  	[tilespmem:$0x7410] =	vst v7;
	v7 =	vmul.f32 v10, v6;
	v10 =	vbroadcast v11, $0x9  }
0x146: {  	[tilespmem:$0x7420] =	vst v8;
	v8 =	vmul.f32 v9, v6;
	v9 =	vbroadcast v11, $0xA  }
0x147: {  	[tilespmem:$0x7430] =	vst v7;
	v7 =	vmul.f32 v10, v6;
	v10 =	vbroadcast v11, $0xB  }
0x148: {  	v12 =	vld [tilespmem:$0xD0];
	[tilespmem:$0x7440] =	vst v8;
	v8 =	vmul.f32 v9, v6;
	v9 =	vbroadcast v11, $0xC  }
0x149: {  	[tilespmem:$0x7450] =	vst v7;
	v7 =	vmul.f32 v10, v6;
	v10 =	vbroadcast v11, $0xD  }
0x14a: {  	[tilespmem:$0x7460] =	vst v8;
	v8 =	vmul.f32 v9, v6;
	v9 =	vbroadcast v11, $0xE  }
0x14b: {  	[tilespmem:$0x7470] =	vst v7;
	v7 =	vmul.f32 v10, v6;
	v10 =	vbroadcast v11, $0xF;
	v11 =	vld [tilespmem:$0x80]  }
0x14c: {  	[tilespmem:$0x7480] =	vst v8;
	v8 =	vmul.f32 v9, v6  }
0x14d: {  	[tilespmem:$0x7490] =	vst v7;
	v7 =	vmul.f32 v10, v6;
	v9 =	vbroadcast v12, $0x0  }
0x14e: {  	[tilespmem:$0x74A0] =	vst v8;
	v8 =	vbroadcast v12, $0x1  }
0x14f: {  	[tilespmem:$0x74B0] =	vst v7;
	v7 =	vmul.f32 v9, v6;
	v9 =	vbroadcast v12, $0x2  }
0x150: {  	v10 =	vbroadcast v12, $0x3;
	[tilespmem:$0x1C0] =	vst v11;
	v8 =	vmul.f32 v8, v6  }
0x151: {  	[tilespmem:$0x74C0] =	vst v7;
	v7 =	vmul.f32 v9, v6;
	v9 =	vbroadcast v12, $0x4  }
0x152: {  	[tilespmem:$0x74D0] =	vst v8;
	v8 =	vmul.f32 v10, v6;
	v10 =	vbroadcast v12, $0x5  }
0x153: {  	[tilespmem:$0x74E0] =	vst v7;
	v7 =	vmul.f32 v9, v6;
	v9 =	vbroadcast v12, $0x6  }
0x154: {  	[tilespmem:$0x74F0] =	vst v8;
	v8 =	vmul.f32 v10, v6;
	v10 =	vbroadcast v12, $0x7  }
0x155: {  	[tilespmem:$0x7500] =	vst v7;
	v7 =	vmul.f32 v9, v6;
	v9 =	vbroadcast v12, $0x8  }
0x156: {  	[tilespmem:$0x7510] =	vst v8;
	v8 =	vmul.f32 v10, v6;
	v10 =	vbroadcast v12, $0x9  }
0x157: {  	[tilespmem:$0x7520] =	vst v7;
	v7 =	vmul.f32 v9, v6;
	v9 =	vbroadcast v12, $0xA  }
0x158: {  	[tilespmem:$0x7530] =	vst v8;
	v8 =	vmul.f32 v10, v6;
	v10 =	vbroadcast v12, $0xB  }
0x159: {  	v11 =	vld [tilespmem:$0xE0];
	[tilespmem:$0x7540] =	vst v7;
	v7 =	vmul.f32 v9, v6;
	v9 =	vbroadcast v12, $0xC  }
0x15a: {  	[tilespmem:$0x7550] =	vst v8;
	v8 =	vmul.f32 v10, v6;
	v10 =	vbroadcast v12, $0xD  }
0x15b: {  	[tilespmem:$0x7560] =	vst v7;
	v7 =	vmul.f32 v9, v6;
	v9 =	vbroadcast v12, $0xE  }
0x15c: {  	[tilespmem:$0x7570] =	vst v8;
	v8 =	vmul.f32 v10, v6;
	v10 =	vbroadcast v12, $0xF;
	v12 =	vld [tilespmem:$0x90]  }
0x15d: {  	[tilespmem:$0x7580] =	vst v7;
	v7 =	vmul.f32 v9, v6  }
0x15e: {  	v9 =	vbroadcast v11, $0x0;
	[tilespmem:$0x7590] =	vst v8;
	v8 =	vmul.f32 v10, v6  }
0x15f: {  	[tilespmem:$0x75A0] =	vst v7;
	v7 =	vbroadcast v11, $0x1  }
0x160: {  	[tilespmem:$0x75B0] =	vst v8;
	v8 =	vmul.f32 v9, v6;
	v9 =	vbroadcast v11, $0x2  }
0x161: {  	v10 =	vbroadcast v11, $0x3;
	v7 =	vmul.f32 v7, v6;
	[tilespmem:$0x1D0] =	vst v12  }
0x162: {  	[tilespmem:$0x75C0] =	vst v8;
	v8 =	vmul.f32 v9, v6;
	v9 =	vbroadcast v11, $0x4  }
0x163: {  	[tilespmem:$0x75D0] =	vst v7;
	v7 =	vmul.f32 v10, v6;
	v10 =	vbroadcast v11, $0x5  }
0x164: {  	[tilespmem:$0x75E0] =	vst v8;
	v8 =	vmul.f32 v9, v6;
	v9 =	vbroadcast v11, $0x6  }
0x165: {  	[tilespmem:$0x75F0] =	vst v7;
	v7 =	vmul.f32 v10, v6;
	v10 =	vbroadcast v11, $0x7  }
0x166: {  	[tilespmem:$0x7600] =	vst v8;
	v8 =	vmul.f32 v9, v6;
	v9 =	vbroadcast v11, $0x8  }
0x167: {  	[tilespmem:$0x7610] =	vst v7;
	v7 =	vmul.f32 v10, v6;
	v10 =	vbroadcast v11, $0x9  }
0x168: {  	[tilespmem:$0x7620] =	vst v8;
	v8 =	vmul.f32 v9, v6;
	v9 =	vbroadcast v11, $0xA  }
0x169: {  	[tilespmem:$0x7630] =	vst v7;
	v7 =	vmul.f32 v10, v6;
	v10 =	vbroadcast v11, $0xB  }
0x16a: {  	[tilespmem:$0x7640] =	vst v8;
	v8 =	vmul.f32 v9, v6;
	v9 =	vbroadcast v11, $0xC  }
0x16b: {  	[tilespmem:$0x7650] =	vst v7;
	v7 =	vmul.f32 v10, v6;
	v10 =	vbroadcast v11, $0xD  }
0x16c: {  	[tilespmem:$0x7660] =	vst v8;
	v8 =	vmul.f32 v9, v6;
	v9 =	vbroadcast v11, $0xE  }
0x16d: {  	[tilespmem:$0x7670] =	vst v7;
	v7 =	vmul.f32 v10, v6;
	v10 =	vbroadcast v11, $0xF  }
0x16e: {  	[tilespmem:$0x7680] =	vst v8;
	v8 =	vmul.f32 v9, v6  }
0x16f: {  	[tilespmem:$0x7690] =	vst v7;
	v7 =	vmul.f32 v10, v6  }
0x170: {  	[tilespmem:$0x76A0] =	vst v8  }
0x171: {  	[tilespmem:$0x76B0] =	vst v7  }
0x172: {  	_ =	swait.ge [sflag:s24], $0x500  }
0x173: {  	[sflag:s24] =	ssyncset.done $0x0  }
0x174: {  	[sflag:s24] =	ssyncadd.s32 $0xFFFFFB00  }
0x175: {  	p0 =	sgt.u32 s14, $0x7A;
	_ =	swait.ge [sflag:s24], $0x500  }
0x176: {  	s0 =	smul.u32 @!p0 $0x50, s14;
	[sflag:s24] =	ssyncset.done $0x0  }
0x177: {  	[sflag:s24] =	ssyncadd.s32 $0xFFFFFB00  }
0x178: {  	s0 =	sadd.s32 @!p0 s0, s10;
	_ =	swait.ge [sflag:s24], $0x2800  }
0x179: {  	s0 =	sshrl.u32 @!p0 s0, $0x3;
	[sflag:s24] =	ssyncset.done $0x0  }
0x17a: {  	s11 =	simm.s32 @!p0 $0x0;
	s3 =	sadd.s32 @!p0 s7, s0;
	[sflag:s24] =	ssyncadd.s32 $0xFFFFD800  }
0x17b: {  	[tilespmem:s11], [sflag:$0x1] =	stream.linear.gather @!p0 [hbm4b:s3+s11], $0x50, $0x38;
	[tilespmem:$0x1DED0] =	vst v63  }
0x17c: {  	s12 =	simm.s32 @!p0 $0x50;
	s3 =	sadd.s32 @!p0 s8, s0  }
0x17d: {  	[tilespmem:s12], [sflag:$0x1] =	stream.linear.gather @!p0 [hbm4b:s3+s11], $0x50, $0x38;
	[tilespmem:$0x1DED0] =	vst v63  }
0x17e: {  	s26 =	simm.s32 $0x200;
	s0 =	sadd.s32 @!p0 s1, s0;
	s3 =	simm.s32 @!p0 $0xA0  }
0x17f: {  	[tilespmem:s3], [sflag:$0x1] =	stream.linear.gather @!p0 [hbm4b:s0+s11], $0x50, $0x38;
	[tilespmem:$0x1DED0] =	vst v63  }
0x180: {  	s11 =	simm.s32 $0x700;
	v7 =	vld [tilespmem:s26+$0x10]  }
0x181: {  	v8 =	vld [tilespmem:s11+$0x10]  }
0x182: {  	s12 =	simm.s32 $0x71E0  }
0x183: {  	v9 =	vld [tilespmem:s12+$0x10];
	_ =	sdelay $0x2  }
0x184: {  	v10 =	vld [tilespmem:s11+$0xFFFFFFE0];
	v7 =	vadd.f32 v8, v7  }
0x185: {  	v11 =	vld [tilespmem:s26+$0xFFFFFFE0]  }
0x186: {  	v7 =	vadd.f32 v9, v7  }
0x187: {  	v12 =	vld [tilespmem:s12+$0xFFFFFFE0]  }
0x188: {  	v8 =	vld [tilespmem:s26+$0xFFFFFFF0];
	v13 =	vmul.f32 $2.000000030e-01, v7  }
0x189: {  	v9 =	vld [tilespmem:s11+$0xFFFFFFF0]  }
0x18a: {  	v14 =	vld [tilespmem:s26+$0x0];
	v10 =	vadd.f32 v10, v11;
	v7 =	vmax.f32 v7, v13  }
0x18b: {  	v15 =	vld [tilespmem:s11+$0x0];
	v7 =	vmul.f32 $1.442695020e+00, v7  }
0x18c: {  	v10 =	vadd.f32 v12, v10;
	v13 =	vld [tilespmem:s12+$0xFFFFFFF0]  }
0x18d: {  	v11 =	vld [tilespmem:s12+$0x0];
	(erf) = vpow2.f32 v7  }
0x18e: {  	v7 =	vadd.f32 v9, v8;
	v8 =	vmul.f32 $2.000000030e-01, v10;
	_ =	sdelay $0x1  }
0x18f: {  	v9 =	vadd.f32 v15, v14;
	v8 =	vmax.f32 v10, v8  }
0x190: {  	v7 =	vadd.f32 v13, v7;
	v8 =	vmul.f32 $1.442695020e+00, v8  }
0x191: {  	v9 =	vadd.f32 v11, v9  }
0x192: {  	v10 =	vmul.f32 $2.000000030e-01, v7;
	(erf) = vpow2.f32 v8  }
0x193: {  	v11 =	vmul.f32 $2.000000030e-01, v9  }
0x194: {  	v7 =	vmax.f32 v7, v10  }
0x195: {  	s26 =	simm.s32 $0x3400;
	v8 =	vmax.f32 v9, v11;
	v7 =	vmul.f32 $1.442695020e+00, v7;
	v9 =	vpop (erf)  }
0x196: {  	s15 =	simm.s32 $0xCE0;
	[tilespmem:s26+$0x10] =	vst v9  }
0x197: {  	v8 =	vmul.f32 $1.442695020e+00, v8;
	(erf) = vpow2.f32 v7;
	v10 =	vld [tilespmem:s15+$0xF0]  }
0x198: {  	v18 =	vld [tilespmem:s15+$0x90]  }
0x199: {  	(erf) = vpow2.f32 v8;
	v19 =	vld [tilespmem:s15+$0xA0]  }
0x19a: {  	v7 =	vperm.xlane v9, v4;
	v20 =	vld [tilespmem:s15+$0xB0]  }
0x19b: {  	v21 =	vperm.xlane v9, v1;
	v22 =	vperm.xlane v9, v2;
	v31 =	vld [tilespmem:s15+$0xD0];
	v11 =	vpop (erf)  }
0x19c: {  	v30 =	vperm.xlane v9, v3;
	v8 =	vld [tilespmem:s15+$0x80];
	v23 =	vperm.xlane v11, v1  }
0x19d: {  	v27 =	vld [tilespmem:s15+$0xC0];
	[tilespmem:s26+$0xFFFFFFE0] =	vst v11;
	v25 =	vperm.xlane v11, v2;
	v29 =	vperm.xlane v11, v3  }
0x19e: {  	v15 =	vperm.xlane v11, v4;
	v9 =	vmul.f32 v10, v7;
	v17 =	vld [tilespmem:s15+$0xFFFFFF00]  }
0x19f: {  	v26 =	vld [tilespmem:s15+$0xFFFFFF10];
	v18 =	vmul.f32 v18, v21;
	v19 =	vmul.f32 v19, v22  }
0x1a0: {  	v28 =	vld [tilespmem:s15+$0xFFFFFF20];
	v20 =	vmul.f32 v20, v22;
	v22 =	vmul.f32 v31, v30;
	v24 =	vpop (erf)  }
0x1a1: {  	v33 =	vld [tilespmem:s15+$0xFFFFFF30];
	v16 =	vperm.xlane v24, v1;
	v14 =	vperm.xlane v24, v2  }
0x1a2: {  	v34 =	vld [tilespmem:s15+$0xFFFFFF40];
	[tilespmem:s15+$0xF0] =	vst v9;
	v32 =	vpop (erf);
	v13 =	vperm.xlane v24, v3;
	v12 =	vperm.xlane v24, v4  }
0x1a3: {  	v36 =	vld [tilespmem:s15+$0xFFFFFF50];
	[tilespmem:s26+$0xFFFFFFF0] =	vst v24;
	v11 =	vperm.xlane v32, v1;
	v35 =	vmul.f32 v17, v23  }
0x1a4: {  	v10 =	vperm.xlane v32, v2;
	[tilespmem:s26+$0x0] =	vst v32;
	v26 =	vmul.f32 v26, v23;
	v23 =	vld [tilespmem:s15+$0xFFFFFF60]  }
0x1a5: {  	v24 =	vld [tilespmem:s15+$0xFFFFFF70];
	v17 =	vmul.f32 v8, v21;
	v21 =	vmul.f32 v28, v25;
	[tilespmem:s15+$0xFFFFFF00] =	vst v35  }
0x1a6: {  	v9 =	vperm.xlane v32, v3;
	v63 =	vmul.f32 v33, v25;
	v25 =	vld [tilespmem:s15+$0xFFFFFF80];
	[tilespmem:s15+$0xFFFFFF10] =	vst v26  }
0x1a7: {  	v8 =	vperm.xlane v32, v4;
	v28 =	vmul.f32 v34, v29;
	[tilespmem:s15+$0xFFFFFF20] =	vst v21;
	v26 =	vld [tilespmem:s15+$0xFFFFFF90]  }
0x1a8: {  	s13 =	simm.s32 $0xCE0;
	s0 =	simm.s32 $0x0;
	s3 =	simm.s32 $0x240;
	v29 =	vmul.f32 v36, v29;
	v21 =	vmul.f32 v27, v30;
	[tilespmem:s15+$0xFFFFFF30] =	vst v63;
	v27 =	vld [tilespmem:s15+$0xFFFFFFA0]  }
.LBB2_6:
0x1a9: {  	v30 =	vld [tilespmem:s3+$0x10];
	[tilespmem:s15+$0xFFFFFF40] =	vst v28;
	v23 =	vmul.f32 v23, v15;
	s11 =	sadd.s32 $0x40, s11  }
0x1aa: {  	s0 =	sadd.s32 $0x4, s0;
	v28 =	vld [tilespmem:s11+$0x10];
	[tilespmem:s15+$0xFFFFFF50] =	vst v29;
	v15 =	vmul.f32 v24, v15  }
0x1ab: {  	s12 =	sadd.s32 $0x40, s12;
	p0 =	slt.u32 s0, $0x4C;
	v24 =	vld [tilespmem:s11+$0xFFFFFFE0];
	[tilespmem:s15+$0xFFFFFF60] =	vst v23;
	v23 =	vmul.f32 v25, v16  }
0x1ac: {  	v25 =	vld [tilespmem:s12+$0x10];
	[tilespmem:s15+$0xFFFFFF70] =	vst v15;
	v15 =	vmul.f32 v26, v16  }
0x1ad: {  	v16 =	vld [tilespmem:s3+$0xFFFFFFF0];
	[tilespmem:s15+$0xFFFFFF80] =	vst v23;
	v23 =	vmul.f32 v27, v14  }
0x1ae: {  	v26 =	vld [tilespmem:s11+$0xFFFFFFF0];
	[tilespmem:s15+$0xFFFFFF90] =	vst v15  }
0x1af: {  	v15 =	vld [tilespmem:s3+$0x0];
	v27 =	vadd.f32 v28, v30;
	[tilespmem:s15+$0xFFFFFFA0] =	vst v23  }
0x1b0: {  	v23 =	vld [tilespmem:s11+$0x0];
	[tilespmem:s15+$0x80] =	vst v17  }
0x1b1: {  	v17 =	vld [tilespmem:s3+$0xFFFFFFE0];
	v25 =	vadd.f32 v25, v27;
	[tilespmem:s15+$0x90] =	vst v18  }
0x1b2: {  	v18 =	vld [tilespmem:s12+$0xFFFFFFE0];
	[tilespmem:s15+$0xA0] =	vst v19  }
0x1b3: {  	v16 =	vadd.f32 v26, v16;
	v19 =	vld [tilespmem:s12+$0xFFFFFFF0];
	v26 =	vmul.f32 $2.000000030e-01, v25;
	[tilespmem:s15+$0xB0] =	vst v20  }
0x1b4: {  	v20 =	vld [tilespmem:s12+$0x0];
	[tilespmem:s15+$0xC0] =	vst v21  }
0x1b5: {  	v15 =	vadd.f32 v23, v15;
	v21 =	vmax.f32 v25, v26;
	v23 =	vld [tilespmem:s15+$0xFFFFFFB0];
	[tilespmem:s15+$0xD0] =	vst v22  }
0x1b6: {  	v17 =	vadd.f32 v24, v17;
	v21 =	vmul.f32 $1.442695020e+00, v21;
	v22 =	vld [tilespmem:s15+$0xFFFFFFC0]  }
0x1b7: {  	v24 =	vld [tilespmem:s15+$0xFFFFFFD0]  }
0x1b8: {  	v17 =	vadd.f32 v18, v17;
	v16 =	vadd.f32 v19, v16;
	(erf) = vpow2.f32 v21;
	v18 =	vld [tilespmem:s15+$0xFFFFFFE0]  }
0x1b9: {  	v15 =	vadd.f32 v20, v15;
	v19 =	vld [tilespmem:s15+$0xFFFFFFF0]  }
0x1ba: {  	v20 =	vmul.f32 $2.000000030e-01, v17;
	v21 =	vmul.f32 $2.000000030e-01, v16;
	v25 =	vld [tilespmem:s15+$0x0]  }
0x1bb: {  	v14 =	vmul.f32 v23, v14;
	v26 =	vmul.f32 $2.000000030e-01, v15;
	v23 =	vld [tilespmem:s15+$0x10]  }
0x1bc: {  	v17 =	vmax.f32 v17, v20;
	v16 =	vmax.f32 v16, v21;
	v20 =	vmul.f32 v22, v13;
	v21 =	vld [tilespmem:s15+$0x20]  }
0x1bd: {  	v17 =	vmul.f32 $1.442695020e+00, v17;
	v16 =	vmul.f32 $1.442695020e+00, v16;
	v15 =	vmax.f32 v15, v26;
	[tilespmem:s15+$0xFFFFFFB0] =	vst v14;
	v14 =	vld [tilespmem:s15+$0x30]  }
0x1be: {  	v13 =	vmul.f32 v24, v13;
	v22 =	vmul.f32 $1.442695020e+00, v15;
	[tilespmem:s15+$0xFFFFFFC0] =	vst v20;
	v20 =	vld [tilespmem:s15+$0x40]  }
0x1bf: {  	(erf) = vpow2.f32 v17;
	v17 =	vmul.f32 v18, v12;
	v18 =	vld [tilespmem:s15+$0x50]  }
0x1c0: {  	v12 =	vmul.f32 v19, v12;
	(erf) = vpow2.f32 v16;
	[tilespmem:s15+$0xFFFFFFD0] =	vst v13;
	v13 =	vld [tilespmem:s15+$0x60]  }
0x1c1: {  	s26 =	sadd.s32 $0x40, s26;
	v16 =	vmul.f32 v25, v11;
	(erf) = vpow2.f32 v22;
	v15 =	vpop (erf);
	[tilespmem:s15+$0xFFFFFFE0] =	vst v17;
	v17 =	vld [tilespmem:s15+$0x70]  }
0x1c2: {  	s15 =	sadd.s32 $0x200, s15;
	[tilespmem:s26+$0x10] =	vst v15;
	v19 =	vperm.xlane v15, v1;
	v22 =	vperm.xlane v15, v2;
	v24 =	vld [tilespmem:s13+$0xE0]  }
0x1c3: {  	v11 =	vmul.f32 v23, v11;
	v30 =	vperm.xlane v15, v3;
	v25 =	vld [tilespmem:s15+$0xF0];
	[tilespmem:s13+$0xFFFFFFF0] =	vst v12  }
0x1c4: {  	v12 =	vmul.f32 v21, v10;
	v10 =	vmul.f32 v14, v10;
	v23 =	vld [tilespmem:s15+$0x80];
	[tilespmem:s13+$0x0] =	vst v16  }
0x1c5: {  	v21 =	vld [tilespmem:s15+$0x90];
	[tilespmem:s13+$0x10] =	vst v11;
	v11 =	vmul.f32 v20, v9;
	v9 =	vmul.f32 v18, v9  }
0x1c6: {  	v14 =	vperm.xlane v15, v4;
	v18 =	vmul.f32 v13, v8;
	v20 =	vld [tilespmem:s15+$0xA0];
	[tilespmem:s13+$0x20] =	vst v12  }
0x1c7: {  	v27 =	vmul.f32 v17, v8;
	v26 =	vld [tilespmem:s15+$0xB0];
	[tilespmem:s13+$0x30] =	vst v10;
	v24 =	vmul.f32 v24, v7  }
0x1c8: {  	v7 =	vmov v14;
	v29 =	vld [tilespmem:s15+$0xC0];
	v12 =	vmul.f32 v25, v14;
	v10 =	vpop (erf);
	[tilespmem:s13+$0x40] =	vst v11  }
0x1c9: {  	[tilespmem:s26+$0xFFFFFFE0] =	vst v10;
	v25 =	vperm.xlane v10, v1;
	v28 =	vperm.xlane v10, v2;
	v31 =	vld [tilespmem:s15+$0xD0];
	v11 =	vpop (erf)  }
0x1ca: {  	v32 =	vperm.xlane v10, v3;
	v15 =	vperm.xlane v10, v4;
	v17 =	vld [tilespmem:s15+$0xFFFFFF00];
	[tilespmem:s15+$0xF0] =	vst v12;
	v8 =	vpop (erf)  }
0x1cb: {  	v16 =	vperm.xlane v11, v1;
	v14 =	vperm.xlane v11, v2;
	v33 =	vld [tilespmem:s15+$0xFFFFFF10];
	[tilespmem:s26+$0xFFFFFFF0] =	vst v11  }
0x1cc: {  	v13 =	vperm.xlane v11, v3;
	v12 =	vperm.xlane v11, v4;
	v34 =	vld [tilespmem:s15+$0xFFFFFF20];
	[tilespmem:s26+$0x0] =	vst v8  }
0x1cd: {  	v11 =	vperm.xlane v8, v1;
	v10 =	vperm.xlane v8, v2;
	v35 =	vld [tilespmem:s15+$0xFFFFFF30];
	[tilespmem:s13+$0x50] =	vst v9  }
0x1ce: {  	v9 =	vperm.xlane v8, v3;
	v8 =	vperm.xlane v8, v4;
	v36 =	vld [tilespmem:s15+$0xFFFFFF40];
	[tilespmem:s13+$0x60] =	vst v18  }
0x1cf: {  	v37 =	vmul.f32 v17, v25;
	v38 =	vld [tilespmem:s15+$0xFFFFFF50];
	v17 =	vmul.f32 v23, v19;
	[tilespmem:s13+$0x70] =	vst v27  }
.Ltmp6:
0x1d0: {  	v18 =	vmul.f32 v21, v19;
	v25 =	vmul.f32 v33, v25;
	v23 =	vld [tilespmem:s15+$0xFFFFFF60];
	[tilespmem:s13+$0xE0] =	vst v24;
	s13 =	smov.u32 s15;
	(pc) =	sbr.rel @p0 .LBB2_6-.Ltmp6, $4  }
0x1d1: {  	v19 =	vmul.f32 v20, v22;
	[tilespmem:s15+$0xFFFFFF00] =	vst v37;
	v21 =	vmul.f32 v34, v28;
	v24 =	vld [tilespmem:s15+$0xFFFFFF70]  }
0x1d2: {  	v20 =	vmul.f32 v26, v22;
	[tilespmem:s15+$0xFFFFFF10] =	vst v25;
	v27 =	vmul.f32 v35, v28;
	v25 =	vld [tilespmem:s15+$0xFFFFFF80]  }
0x1d3: {  	[tilespmem:s15+$0xFFFFFF20] =	vst v21;
	v28 =	vmul.f32 v36, v32;
	v26 =	vld [tilespmem:s15+$0xFFFFFF90];
	v21 =	vmul.f32 v29, v30  }
0x1d4: {  	s3 =	sadd.s32 $0x40, s3;
	v22 =	vmul.f32 v31, v30;
	[tilespmem:s15+$0xFFFFFF30] =	vst v27;
	v29 =	vmul.f32 v38, v32;
	v27 =	vld [tilespmem:s15+$0xFFFFFFA0]  }
0x1d5: {  	[tilespmem:s15+$0xFFFFFF40] =	vst v28  }
0x1d6: {  	[tilespmem:s15+$0x80] =	vst v17  }
0x1d7: {  	[tilespmem:s15+$0x90] =	vst v18  }
0x1d8: {  	[tilespmem:s15+$0xA0] =	vst v19  }
0x1d9: {  	[tilespmem:s15+$0xB0] =	vst v20  }
0x1da: {  	[tilespmem:s15+$0xC0] =	vst v21  }
0x1db: {  	v23 =	vmul.f32 v23, v15;
	v39 =	vld [tilespmem:s15+$0xFFFFFFB0];
	[tilespmem:s15+$0xFFFFFF50] =	vst v29  }
0x1dc: {  	v40 =	vld [tilespmem:s15+$0xFFFFFFC0];
	v38 =	vmul.f32 v24, v15;
	[tilespmem:s15+$0xD0] =	vst v22  }
0x1dd: {  	v41 =	vld [tilespmem:s15+$0xFFFFFFD0];
	v25 =	vmul.f32 v25, v16;
	[tilespmem:s15+$0xFFFFFF60] =	vst v23  }
0x1de: {  	v42 =	vld [tilespmem:s15+$0xFFFFFFE0];
	v36 =	vmul.f32 v26, v16;
	[tilespmem:s15+$0xFFFFFF70] =	vst v38  }
0x1df: {  	v44 =	vld [tilespmem:s15+$0x0];
	[tilespmem:s15+$0xFFFFFF80] =	vst v25;
	v37 =	vmul.f32 v27, v14  }
0x1e0: {  	v46 =	vld [tilespmem:s15+$0x10];
	[tilespmem:s15+$0xFFFFFF90] =	vst v36;
	v45 =	vmul.f32 v39, v14  }
0x1e1: {  	v47 =	vld [tilespmem:s15+$0x20];
	v15 =	vmul.f32 v40, v13;
	[tilespmem:s15+$0xFFFFFFA0] =	vst v37  }
0x1e2: {  	v48 =	vld [tilespmem:s15+$0x30];
	v49 =	vmul.f32 v41, v13;
	[tilespmem:s15+$0xFFFFFFB0] =	vst v45  }
0x1e3: {  	v50 =	vld [tilespmem:s15+$0x40];
	v51 =	vmul.f32 v42, v12;
	[tilespmem:s15+$0xFFFFFFC0] =	vst v15  }
0x1e4: {  	v52 =	vld [tilespmem:s15+$0x50];
	v55 =	vmul.f32 v44, v11;
	[tilespmem:s15+$0xFFFFFFD0] =	vst v49  }
0x1e5: {  	v54 =	vld [tilespmem:s15+$0x60];
	v57 =	vmul.f32 v46, v11;
	[tilespmem:s15+$0xFFFFFFE0] =	vst v51  }
0x1e6: {  	v56 =	vld [tilespmem:s15+$0x70];
	v58 =	vmul.f32 v47, v10;
	[tilespmem:s13+$0x0] =	vst v55  }
0x1e7: {  	v43 =	vld [tilespmem:s15+$0xFFFFFFF0];
	v60 =	vmul.f32 v48, v10;
	[tilespmem:s13+$0x10] =	vst v57  }
0x1e8: {  	v59 =	vld [tilespmem:s13+$0xE0];
	v61 =	vmul.f32 v50, v9;
	[tilespmem:s13+$0x20] =	vst v58  }
0x1e9: {  	v62 =	vmul.f32 v52, v9;
	[tilespmem:s13+$0x30] =	vst v60  }
0x1ea: {  	v63 =	vmul.f32 v54, v8;
	[tilespmem:s13+$0x40] =	vst v61  }
0x1eb: {  	v8 =	vmul.f32 v56, v8;
	[tilespmem:s13+$0x50] =	vst v62  }
0x1ec: {  	v53 =	vmul.f32 v43, v12;
	[tilespmem:s13+$0x60] =	vst v63  }
0x1ed: {  	v7 =	vmul.f32 v59, v7;
	[tilespmem:s13+$0x70] =	vst v8  }
.Ltmp7:
0x1ee: {  	[tilespmem:s13+$0xFFFFFFF0] =	vst v53;
	(pc) =	sbr.rel .LBB2_11-.Ltmp7, $4  }
0x1ef: {  	[tilespmem:s13+$0xE0] =	vst v7  }
0x1f0: {  	[spmem:s5] =	stream.indirect.scatter.add.f32 [tilespmem:s19], [sflag:$0x5], $0x10, s25, s17, $0xb8;
	[tilespmem:$0x1DED0] =	vst v63  }
0x1f1: {  	_ = 	snop  }
0x1f2: {  	[spmem:s4] =	stream.indirect.scatter.add.f32 [tilespmem:s18], [sflag:$0x5], $0x80, s25, s17, $0xb8;
	[tilespmem:$0x1DED0] =	vst v63  }
.LBB2_8:
0x1f3: {  	_ =	swait.ge [sflag:s29], $0x50  }
0x1f4: {  	[sflag:s29] =	ssyncset.done $0x0  }
0x1f5: {  	[sflag:s29] =	ssyncadd.s32 $0xFFFFFFB0  }
0x1f6: {  	_ =	swait.ge [sflag:s29], $0x50  }
0x1f7: {  	[sflag:s29] =	ssyncset.done $0x0  }
0x1f8: {  	[sflag:s29] =	ssyncadd.s32 $0xFFFFFFB0  }
0x1f9: {  	_ =	swait.ge [sflag:s29], $0x50  }
0x1fa: {  	[sflag:s29] =	ssyncset.done $0x0  }
0x1fb: {  	[sflag:s29] =	ssyncadd.s32 $0xFFFFFFB0  }
0x1fc: {  	v7 =	vld [tilespmem:$0x0]  }
0x1fd: {  	v8 =	vld [tilespmem:$0x50]  }
0x1fe: {  	v9 =	vld [tilespmem:$0x10]  }
0x1ff: {  	v10 =	vld [tilespmem:$0x60]  }
0x200: {  	v11 =	vld [tilespmem:$0x20]  }
0x201: {  	v12 =	vld [tilespmem:$0x70];
	v7 =	vadd.s32 v0, v7  }
0x202: {  	[tilespmem:$0xF0] =	vst v7;
	v7 =	vadd.s32 $0x2710, v8;
	v8 =	vld [tilespmem:$0x30]  }
0x203: {  	[tilespmem:$0x140] =	vst v7;
	v7 =	vadd.s32 v0, v9;
	v9 =	vld [tilespmem:$0x80]  }
0x204: {  	[tilespmem:$0x100] =	vst v7;
	v7 =	vadd.s32 $0x2710, v10;
	v10 =	vld [tilespmem:$0x40]  }
0x205: {  	[tilespmem:$0x150] =	vst v7;
	v7 =	vadd.s32 v0, v11;
	v11 =	vld [tilespmem:$0x90]  }
0x206: {  	[tilespmem:$0x110] =	vst v7;
	v7 =	vadd.s32 $0x2710, v12  }
0x207: {  	[tilespmem:$0x160] =	vst v7;
	v7 =	vadd.s32 v0, v8  }
0x208: {  	[tilespmem:$0x120] =	vst v7;
	v7 =	vadd.s32 $0x2710, v9  }
0x209: {  	[tilespmem:$0x170] =	vst v7;
	v7 =	vadd.s32 v0, v10  }
0x20a: {  	[tilespmem:$0x130] =	vst v7;
	v7 =	vadd.s32 $0x2710, v11  }
0x20b: {  	[tilespmem:$0x180] =	vst v7  }
0x20c: {  	_ =	swait.ge [sflag:s28], $0x500  }
0x20d: {  	[sflag:s28] =	ssyncset.done $0x0  }
0x20e: {  	[sflag:s28] =	ssyncadd.s32 $0xFFFFFB00  }
0x20f: {  	_ =	swait.ge [sflag:s28], $0x2800  }
0x210: {  	[sflag:s28] =	ssyncset.done $0x0  }
0x211: {  	[sflag:s28] =	ssyncadd.s32 $0xFFFFD800  }
0x212: {  	[tilespmem:s20], [sflag:$0x3] =	stream.indirect.gather [hbm4b:s9+s17], $0x10, s6, s17, $0xb8;
	[tilespmem:$0x1DED0] =	vst v63  }
0x213: {  	_ = 	snop  }
0x214: {  	[tilespmem:s22], [sflag:$0x3] =	stream.indirect.gather [hbm4b:s9+s17], $0x10, s21, s17, $0xb8;
	[tilespmem:$0x1DED0] =	vst v63  }
0x215: {  	_ = 	snop  }
0x216: {  	[tilespmem:s18], [sflag:$0x3] =	stream.indirect.gather [hbm4b:s2+s17], $0x80, s23, s17, $0xb8;
	[tilespmem:$0x1DED0] =	vst v63  }
0x217: {  	v7 =	vld [tilespmem:$0x3980];
	_ =	sdelay $0x2  }
0x218: {  	v8 =	vld [tilespmem:$0x3930];
	_ =	sdelay $0x1  }
0x219: {  	v9 =	vbroadcast v7, $0x0  }
0x21a: {  	v10 =	vbroadcast v7, $0x1  }
0x21b: {  	v11 =	vbroadcast v7, $0x2;
	v9 =	vmul.f32 v9, v6  }
0x21c: {  	[tilespmem:$0x3A70] =	vst v8;
	v8 =	vmul.f32 v10, v6;
	v10 =	vbroadcast v7, $0x3  }
0x21d: {  	[tilespmem:$0x71C0] =	vst v9;
	v9 =	vmul.f32 v11, v6;
	v11 =	vbroadcast v7, $0x4  }
0x21e: {  	[tilespmem:$0x71D0] =	vst v8;
	v8 =	vmul.f32 v10, v6;
	v10 =	vbroadcast v7, $0x5  }
0x21f: {  	[tilespmem:$0x71E0] =	vst v9;
	v9 =	vmul.f32 v11, v6;
	v11 =	vbroadcast v7, $0x6  }
0x220: {  	[tilespmem:$0x71F0] =	vst v8;
	v8 =	vmul.f32 v10, v6;
	v10 =	vbroadcast v7, $0x7  }
0x221: {  	[tilespmem:$0x7200] =	vst v9;
	v9 =	vmul.f32 v11, v6;
	v11 =	vbroadcast v7, $0x8  }
0x222: {  	[tilespmem:$0x7210] =	vst v8;
	v8 =	vmul.f32 v10, v6;
	v10 =	vbroadcast v7, $0x9  }
0x223: {  	[tilespmem:$0x7220] =	vst v9;
	v9 =	vmul.f32 v11, v6;
	v11 =	vbroadcast v7, $0xA  }
0x224: {  	[tilespmem:$0x7230] =	vst v8;
	v8 =	vmul.f32 v10, v6;
	v10 =	vbroadcast v7, $0xB  }
0x225: {  	v12 =	vld [tilespmem:$0x3990];
	[tilespmem:$0x7240] =	vst v9;
	v9 =	vmul.f32 v11, v6;
	v11 =	vbroadcast v7, $0xC  }
0x226: {  	[tilespmem:$0x7250] =	vst v8;
	v8 =	vmul.f32 v10, v6;
	v10 =	vbroadcast v7, $0xD  }
0x227: {  	[tilespmem:$0x7260] =	vst v9;
	v9 =	vmul.f32 v11, v6;
	v11 =	vbroadcast v7, $0xE  }
0x228: {  	[tilespmem:$0x7270] =	vst v8;
	v8 =	vmul.f32 v10, v6;
	v7 =	vbroadcast v7, $0xF;
	v10 =	vld [tilespmem:$0x3940]  }
0x229: {  	[tilespmem:$0x7280] =	vst v9;
	v9 =	vmul.f32 v11, v6  }
0x22a: {  	[tilespmem:$0x7290] =	vst v8;
	v7 =	vmul.f32 v7, v6;
	v8 =	vbroadcast v12, $0x0  }
0x22b: {  	[tilespmem:$0x72A0] =	vst v9;
	v9 =	vbroadcast v12, $0x1  }
0x22c: {  	[tilespmem:$0x72B0] =	vst v7;
	v7 =	vmul.f32 v8, v6;
	v8 =	vbroadcast v12, $0x2  }
0x22d: {  	[tilespmem:$0x3A80] =	vst v10;
	v10 =	vbroadcast v12, $0x3;
	v9 =	vmul.f32 v9, v6  }
0x22e: {  	[tilespmem:$0x72C0] =	vst v7;
	v7 =	vmul.f32 v8, v6;
	v8 =	vbroadcast v12, $0x4  }
0x22f: {  	[tilespmem:$0x72D0] =	vst v9;
	v9 =	vmul.f32 v10, v6;
	v10 =	vbroadcast v12, $0x5  }
0x230: {  	[tilespmem:$0x72E0] =	vst v7;
	v7 =	vmul.f32 v8, v6;
	v8 =	vbroadcast v12, $0x6  }
0x231: {  	[tilespmem:$0x72F0] =	vst v9;
	v9 =	vmul.f32 v10, v6;
	v10 =	vbroadcast v12, $0x7  }
0x232: {  	[tilespmem:$0x7300] =	vst v7;
	v7 =	vmul.f32 v8, v6;
	v8 =	vbroadcast v12, $0x8  }
0x233: {  	[tilespmem:$0x7310] =	vst v9;
	v9 =	vmul.f32 v10, v6;
	v10 =	vbroadcast v12, $0x9  }
0x234: {  	[tilespmem:$0x7320] =	vst v7;
	v7 =	vmul.f32 v8, v6;
	v8 =	vbroadcast v12, $0xA  }
0x235: {  	[tilespmem:$0x7330] =	vst v9;
	v9 =	vmul.f32 v10, v6;
	v10 =	vbroadcast v12, $0xB  }
0x236: {  	v11 =	vld [tilespmem:$0x39A0];
	[tilespmem:$0x7340] =	vst v7;
	v7 =	vmul.f32 v8, v6;
	v8 =	vbroadcast v12, $0xC  }
0x237: {  	[tilespmem:$0x7350] =	vst v9;
	v9 =	vmul.f32 v10, v6;
	v10 =	vbroadcast v12, $0xD  }
0x238: {  	[tilespmem:$0x7360] =	vst v7;
	v7 =	vmul.f32 v8, v6;
	v8 =	vbroadcast v12, $0xE  }
0x239: {  	[tilespmem:$0x7370] =	vst v9;
	v9 =	vmul.f32 v10, v6;
	v10 =	vbroadcast v12, $0xF;
	v12 =	vld [tilespmem:$0x3950]  }
0x23a: {  	[tilespmem:$0x7380] =	vst v7;
	v7 =	vmul.f32 v8, v6  }
0x23b: {  	[tilespmem:$0x7390] =	vst v9;
	v8 =	vmul.f32 v10, v6;
	v9 =	vbroadcast v11, $0x0  }
0x23c: {  	[tilespmem:$0x73A0] =	vst v7;
	v7 =	vbroadcast v11, $0x1  }
0x23d: {  	[tilespmem:$0x73B0] =	vst v8;
	v8 =	vmul.f32 v9, v6;
	v9 =	vbroadcast v11, $0x2  }
0x23e: {  	v10 =	vbroadcast v11, $0x3;
	v7 =	vmul.f32 v7, v6;
	[tilespmem:$0x3A90] =	vst v12  }
0x23f: {  	[tilespmem:$0x73C0] =	vst v8;
	v8 =	vmul.f32 v9, v6;
	v9 =	vbroadcast v11, $0x4  }
0x240: {  	[tilespmem:$0x73D0] =	vst v7;
	v7 =	vmul.f32 v10, v6;
	v10 =	vbroadcast v11, $0x5  }
0x241: {  	[tilespmem:$0x73E0] =	vst v8;
	v8 =	vmul.f32 v9, v6;
	v9 =	vbroadcast v11, $0x6  }
0x242: {  	[tilespmem:$0x73F0] =	vst v7;
	v7 =	vmul.f32 v10, v6;
	v10 =	vbroadcast v11, $0x7  }
0x243: {  	[tilespmem:$0x7400] =	vst v8;
	v8 =	vmul.f32 v9, v6;
	v9 =	vbroadcast v11, $0x8  }
0x244: {  	[tilespmem:$0x7410] =	vst v7;
	v7 =	vmul.f32 v10, v6;
	v10 =	vbroadcast v11, $0x9  }
0x245: {  	[tilespmem:$0x7420] =	vst v8;
	v8 =	vmul.f32 v9, v6;
	v9 =	vbroadcast v11, $0xA  }
0x246: {  	[tilespmem:$0x7430] =	vst v7;
	v7 =	vmul.f32 v10, v6;
	v10 =	vbroadcast v11, $0xB  }
0x247: {  	v12 =	vld [tilespmem:$0x39B0];
	[tilespmem:$0x7440] =	vst v8;
	v8 =	vmul.f32 v9, v6;
	v9 =	vbroadcast v11, $0xC  }
0x248: {  	[tilespmem:$0x7450] =	vst v7;
	v7 =	vmul.f32 v10, v6;
	v10 =	vbroadcast v11, $0xD  }
0x249: {  	[tilespmem:$0x7460] =	vst v8;
	v8 =	vmul.f32 v9, v6;
	v9 =	vbroadcast v11, $0xE  }
0x24a: {  	[tilespmem:$0x7470] =	vst v7;
	v7 =	vmul.f32 v10, v6;
	v10 =	vbroadcast v11, $0xF;
	v11 =	vld [tilespmem:$0x3960]  }
0x24b: {  	[tilespmem:$0x7480] =	vst v8;
	v8 =	vmul.f32 v9, v6  }
0x24c: {  	[tilespmem:$0x7490] =	vst v7;
	v7 =	vmul.f32 v10, v6;
	v9 =	vbroadcast v12, $0x0  }
0x24d: {  	[tilespmem:$0x74A0] =	vst v8;
	v8 =	vbroadcast v12, $0x1  }
0x24e: {  	[tilespmem:$0x74B0] =	vst v7;
	v7 =	vmul.f32 v9, v6;
	v9 =	vbroadcast v12, $0x2  }
0x24f: {  	v10 =	vbroadcast v12, $0x3;
	[tilespmem:$0x3AA0] =	vst v11;
	v8 =	vmul.f32 v8, v6  }
0x250: {  	[tilespmem:$0x74C0] =	vst v7;
	v7 =	vmul.f32 v9, v6;
	v9 =	vbroadcast v12, $0x4  }
0x251: {  	[tilespmem:$0x74D0] =	vst v8;
	v8 =	vmul.f32 v10, v6;
	v10 =	vbroadcast v12, $0x5  }
0x252: {  	[tilespmem:$0x74E0] =	vst v7;
	v7 =	vmul.f32 v9, v6;
	v9 =	vbroadcast v12, $0x6  }
0x253: {  	[tilespmem:$0x74F0] =	vst v8;
	v8 =	vmul.f32 v10, v6;
	v10 =	vbroadcast v12, $0x7  }
0x254: {  	[tilespmem:$0x7500] =	vst v7;
	v7 =	vmul.f32 v9, v6;
	v9 =	vbroadcast v12, $0x8  }
0x255: {  	[tilespmem:$0x7510] =	vst v8;
	v8 =	vmul.f32 v10, v6;
	v10 =	vbroadcast v12, $0x9  }
0x256: {  	[tilespmem:$0x7520] =	vst v7;
	v7 =	vmul.f32 v9, v6;
	v9 =	vbroadcast v12, $0xA  }
0x257: {  	[tilespmem:$0x7530] =	vst v8;
	v8 =	vmul.f32 v10, v6;
	v10 =	vbroadcast v12, $0xB  }
0x258: {  	v11 =	vld [tilespmem:$0x39C0];
	[tilespmem:$0x7540] =	vst v7;
	v7 =	vmul.f32 v9, v6;
	v9 =	vbroadcast v12, $0xC  }
0x259: {  	[tilespmem:$0x7550] =	vst v8;
	v8 =	vmul.f32 v10, v6;
	v10 =	vbroadcast v12, $0xD  }
0x25a: {  	[tilespmem:$0x7560] =	vst v7;
	v7 =	vmul.f32 v9, v6;
	v9 =	vbroadcast v12, $0xE  }
0x25b: {  	[tilespmem:$0x7570] =	vst v8;
	v8 =	vmul.f32 v10, v6;
	v10 =	vbroadcast v12, $0xF;
	v12 =	vld [tilespmem:$0x3970]  }
0x25c: {  	[tilespmem:$0x7580] =	vst v7;
	v7 =	vmul.f32 v9, v6  }
0x25d: {  	v9 =	vbroadcast v11, $0x0;
	[tilespmem:$0x7590] =	vst v8;
	v8 =	vmul.f32 v10, v6  }
0x25e: {  	[tilespmem:$0x75A0] =	vst v7;
	v7 =	vbroadcast v11, $0x1  }
0x25f: {  	[tilespmem:$0x75B0] =	vst v8;
	v8 =	vmul.f32 v9, v6;
	v9 =	vbroadcast v11, $0x2  }
0x260: {  	v10 =	vbroadcast v11, $0x3;
	v7 =	vmul.f32 v7, v6;
	[tilespmem:$0x3AB0] =	vst v12  }
0x261: {  	[tilespmem:$0x75C0] =	vst v8;
	v8 =	vmul.f32 v9, v6;
	v9 =	vbroadcast v11, $0x4  }
0x262: {  	[tilespmem:$0x75D0] =	vst v7;
	v7 =	vmul.f32 v10, v6;
	v10 =	vbroadcast v11, $0x5  }
0x263: {  	[tilespmem:$0x75E0] =	vst v8;
	v8 =	vmul.f32 v9, v6;
	v9 =	vbroadcast v11, $0x6  }
0x264: {  	[tilespmem:$0x75F0] =	vst v7;
	v7 =	vmul.f32 v10, v6;
	v10 =	vbroadcast v11, $0x7  }
0x265: {  	[tilespmem:$0x7600] =	vst v8;
	v8 =	vmul.f32 v9, v6;
	v9 =	vbroadcast v11, $0x8  }
0x266: {  	[tilespmem:$0x7610] =	vst v7;
	v7 =	vmul.f32 v10, v6;
	v10 =	vbroadcast v11, $0x9  }
0x267: {  	[tilespmem:$0x7620] =	vst v8;
	v8 =	vmul.f32 v9, v6;
	v9 =	vbroadcast v11, $0xA  }
0x268: {  	[tilespmem:$0x7630] =	vst v7;
	v7 =	vmul.f32 v10, v6;
	v10 =	vbroadcast v11, $0xB  }
0x269: {  	[tilespmem:$0x7640] =	vst v8;
	v8 =	vmul.f32 v9, v6;
	v9 =	vbroadcast v11, $0xC  }
0x26a: {  	[tilespmem:$0x7650] =	vst v7;
	v7 =	vmul.f32 v10, v6;
	v10 =	vbroadcast v11, $0xD  }
0x26b: {  	[tilespmem:$0x7660] =	vst v8;
	v8 =	vmul.f32 v9, v6;
	v9 =	vbroadcast v11, $0xE  }
0x26c: {  	[tilespmem:$0x7670] =	vst v7;
	v7 =	vmul.f32 v10, v6;
	v10 =	vbroadcast v11, $0xF  }
0x26d: {  	[tilespmem:$0x7680] =	vst v8;
	v8 =	vmul.f32 v9, v6  }
0x26e: {  	[tilespmem:$0x7690] =	vst v7;
	v7 =	vmul.f32 v10, v6  }
0x26f: {  	[tilespmem:$0x76A0] =	vst v8  }
0x270: {  	[tilespmem:$0x76B0] =	vst v7  }
0x271: {  	_ =	swait.ge [sflag:s30], $0x500  }
0x272: {  	[sflag:s30] =	ssyncset.done $0x0  }
0x273: {  	[sflag:s30] =	ssyncadd.s32 $0xFFFFFB00  }
0x274: {  	p0 =	sgt.u32 s14, $0x7A;
	_ =	swait.ge [sflag:s30], $0x500  }
0x275: {  	s0 =	smul.u32 @!p0 $0x50, s14;
	[sflag:s30] =	ssyncset.done $0x0  }
0x276: {  	[sflag:s30] =	ssyncadd.s32 $0xFFFFFB00  }
0x277: {  	s0 =	sadd.s32 @!p0 s0, s10;
	_ =	swait.ge [sflag:s30], $0x2800  }
0x278: {  	s11 =	simm.s32 @!p0 $0x0;
	s0 =	sshrl.u32 @!p0 s0, $0x3;
	[sflag:s30] =	ssyncset.done $0x0  }
0x279: {  	s12 =	simm.s32 @!p0 $0x38E0;
	s3 =	sadd.s32 @!p0 s7, s0;
	[sflag:s30] =	ssyncadd.s32 $0xFFFFD800  }
0x27a: {  	[tilespmem:s12], [sflag:$0x2] =	stream.linear.gather @!p0 [hbm4b:s3+s11], $0x50, $0x38;
	[tilespmem:$0x1DED0] =	vst v63  }
0x27b: {  	s3 =	sadd.s32 @!p0 s8, s0;
	s12 =	simm.s32 @!p0 $0x3930  }
0x27c: {  	[tilespmem:s12], [sflag:$0x2] =	stream.linear.gather @!p0 [hbm4b:s3+s11], $0x50, $0x38;
	[tilespmem:$0x1DED0] =	vst v63  }
0x27d: {  	s26 =	simm.s32 $0x3AE0;
	s0 =	sadd.s32 @!p0 s1, s0;
	s3 =	simm.s32 @!p0 $0x3980  }
0x27e: {  	[tilespmem:s3], [sflag:$0x2] =	stream.linear.gather @!p0 [hbm4b:s0+s11], $0x50, $0x38;
	[tilespmem:$0x1DED0] =	vst v63  }
0x27f: {  	s11 =	simm.s32 $0x3FE0;
	v7 =	vld [tilespmem:s26+$0x10]  }
0x280: {  	v8 =	vld [tilespmem:s11+$0x10]  }
0x281: {  	s12 =	simm.s32 $0x71E0  }
0x282: {  	v9 =	vld [tilespmem:s12+$0x10];
	_ =	sdelay $0x2  }
0x283: {  	v10 =	vld [tilespmem:s11+$0xFFFFFFE0];
	v7 =	vadd.f32 v8, v7  }
0x284: {  	v11 =	vld [tilespmem:s26+$0xFFFFFFE0]  }
0x285: {  	v7 =	vadd.f32 v9, v7  }
0x286: {  	v12 =	vld [tilespmem:s12+$0xFFFFFFE0]  }
0x287: {  	v8 =	vld [tilespmem:s26+$0xFFFFFFF0];
	v13 =	vmul.f32 $2.000000030e-01, v7  }
0x288: {  	v9 =	vld [tilespmem:s11+$0xFFFFFFF0]  }
0x289: {  	v14 =	vld [tilespmem:s26+$0x0];
	v10 =	vadd.f32 v10, v11;
	v7 =	vmax.f32 v7, v13  }
0x28a: {  	v15 =	vld [tilespmem:s11+$0x0];
	v7 =	vmul.f32 $1.442695020e+00, v7  }
0x28b: {  	v10 =	vadd.f32 v12, v10;
	v13 =	vld [tilespmem:s12+$0xFFFFFFF0]  }
0x28c: {  	v11 =	vld [tilespmem:s12+$0x0];
	(erf) = vpow2.f32 v7  }
0x28d: {  	v7 =	vadd.f32 v9, v8;
	v8 =	vmul.f32 $2.000000030e-01, v10;
	_ =	sdelay $0x1  }
0x28e: {  	v9 =	vadd.f32 v15, v14;
	v8 =	vmax.f32 v10, v8  }
0x28f: {  	v7 =	vadd.f32 v13, v7;
	v8 =	vmul.f32 $1.442695020e+00, v8  }
0x290: {  	v9 =	vadd.f32 v11, v9  }
0x291: {  	v10 =	vmul.f32 $2.000000030e-01, v7;
	(erf) = vpow2.f32 v8  }
0x292: {  	v11 =	vmul.f32 $2.000000030e-01, v9  }
0x293: {  	v7 =	vmax.f32 v7, v10  }
0x294: {  	s26 =	simm.s32 $0x6CE0;
	v8 =	vmax.f32 v9, v11;
	v7 =	vmul.f32 $1.442695020e+00, v7;
	v9 =	vpop (erf)  }
0x295: {  	s15 =	simm.s32 $0x45C0;
	[tilespmem:s26+$0x10] =	vst v9  }
0x296: {  	v8 =	vmul.f32 $1.442695020e+00, v8;
	(erf) = vpow2.f32 v7;
	v10 =	vld [tilespmem:s15+$0xF0]  }
0x297: {  	v18 =	vld [tilespmem:s15+$0x90]  }
0x298: {  	(erf) = vpow2.f32 v8;
	v19 =	vld [tilespmem:s15+$0xA0]  }
0x299: {  	v7 =	vperm.xlane v9, v4;
	v20 =	vld [tilespmem:s15+$0xB0]  }
0x29a: {  	v21 =	vperm.xlane v9, v1;
	v22 =	vperm.xlane v9, v2;
	v31 =	vld [tilespmem:s15+$0xD0];
	v11 =	vpop (erf)  }
0x29b: {  	v30 =	vperm.xlane v9, v3;
	v8 =	vld [tilespmem:s15+$0x80];
	v23 =	vperm.xlane v11, v1  }
0x29c: {  	v27 =	vld [tilespmem:s15+$0xC0];
	[tilespmem:s26+$0xFFFFFFE0] =	vst v11;
	v25 =	vperm.xlane v11, v2;
	v29 =	vperm.xlane v11, v3  }
0x29d: {  	v15 =	vperm.xlane v11, v4;
	v9 =	vmul.f32 v10, v7;
	v17 =	vld [tilespmem:s15+$0xFFFFFF00]  }
0x29e: {  	v26 =	vld [tilespmem:s15+$0xFFFFFF10];
	v18 =	vmul.f32 v18, v21;
	v19 =	vmul.f32 v19, v22  }
0x29f: {  	v28 =	vld [tilespmem:s15+$0xFFFFFF20];
	v20 =	vmul.f32 v20, v22;
	v22 =	vmul.f32 v31, v30;
	v24 =	vpop (erf)  }
0x2a0: {  	v33 =	vld [tilespmem:s15+$0xFFFFFF30];
	v16 =	vperm.xlane v24, v1;
	v14 =	vperm.xlane v24, v2  }
0x2a1: {  	v34 =	vld [tilespmem:s15+$0xFFFFFF40];
	[tilespmem:s15+$0xF0] =	vst v9;
	v32 =	vpop (erf);
	v13 =	vperm.xlane v24, v3;
	v12 =	vperm.xlane v24, v4  }
0x2a2: {  	v36 =	vld [tilespmem:s15+$0xFFFFFF50];
	[tilespmem:s26+$0xFFFFFFF0] =	vst v24;
	v11 =	vperm.xlane v32, v1;
	v35 =	vmul.f32 v17, v23  }
0x2a3: {  	v10 =	vperm.xlane v32, v2;
	[tilespmem:s26+$0x0] =	vst v32;
	v26 =	vmul.f32 v26, v23;
	v23 =	vld [tilespmem:s15+$0xFFFFFF60]  }
0x2a4: {  	v24 =	vld [tilespmem:s15+$0xFFFFFF70];
	v17 =	vmul.f32 v8, v21;
	v21 =	vmul.f32 v28, v25;
	[tilespmem:s15+$0xFFFFFF00] =	vst v35  }
0x2a5: {  	v9 =	vperm.xlane v32, v3;
	v63 =	vmul.f32 v33, v25;
	v25 =	vld [tilespmem:s15+$0xFFFFFF80];
	[tilespmem:s15+$0xFFFFFF10] =	vst v26  }
0x2a6: {  	v8 =	vperm.xlane v32, v4;
	v28 =	vmul.f32 v34, v29;
	[tilespmem:s15+$0xFFFFFF20] =	vst v21;
	v26 =	vld [tilespmem:s15+$0xFFFFFF90]  }
0x2a7: {  	s13 =	simm.s32 $0x45C0;
	s0 =	simm.s32 $0x0;
	s3 =	simm.s32 $0x3B20;
	v29 =	vmul.f32 v36, v29;
	v21 =	vmul.f32 v27, v30;
	[tilespmem:s15+$0xFFFFFF30] =	vst v63;
	v27 =	vld [tilespmem:s15+$0xFFFFFFA0]  }
.LBB2_9:
0x2a8: {  	v30 =	vld [tilespmem:s3+$0x10];
	[tilespmem:s15+$0xFFFFFF40] =	vst v28;
	v23 =	vmul.f32 v23, v15;
	s11 =	sadd.s32 $0x40, s11  }
0x2a9: {  	s0 =	sadd.s32 $0x4, s0;
	v15 =	vmul.f32 v24, v15;
	v28 =	vld [tilespmem:s11+$0x10];
	[tilespmem:s15+$0xFFFFFF50] =	vst v29  }
0x2aa: {  	s12 =	sadd.s32 $0x40, s12;
	p0 =	slt.u32 s0, $0x4C;
	v24 =	vld [tilespmem:s11+$0xFFFFFFE0];
	[tilespmem:s15+$0xFFFFFF60] =	vst v23;
	v23 =	vmul.f32 v25, v16  }
0x2ab: {  	v25 =	vld [tilespmem:s12+$0x10];
	[tilespmem:s15+$0xFFFFFF70] =	vst v15;
	v15 =	vmul.f32 v26, v16  }
0x2ac: {  	v16 =	vld [tilespmem:s3+$0xFFFFFFF0];
	[tilespmem:s15+$0xFFFFFF80] =	vst v23;
	v23 =	vmul.f32 v27, v14  }
0x2ad: {  	v26 =	vld [tilespmem:s11+$0xFFFFFFF0];
	[tilespmem:s15+$0xFFFFFF90] =	vst v15  }
0x2ae: {  	v15 =	vld [tilespmem:s3+$0x0];
	v27 =	vadd.f32 v28, v30;
	[tilespmem:s15+$0xFFFFFFA0] =	vst v23  }
0x2af: {  	v23 =	vld [tilespmem:s11+$0x0];
	[tilespmem:s15+$0x80] =	vst v17  }
0x2b0: {  	v17 =	vld [tilespmem:s3+$0xFFFFFFE0];
	v25 =	vadd.f32 v25, v27;
	[tilespmem:s15+$0x90] =	vst v18  }
0x2b1: {  	v18 =	vld [tilespmem:s12+$0xFFFFFFE0];
	[tilespmem:s15+$0xA0] =	vst v19  }
0x2b2: {  	v16 =	vadd.f32 v26, v16;
	v19 =	vld [tilespmem:s12+$0xFFFFFFF0];
	v26 =	vmul.f32 $2.000000030e-01, v25;
	[tilespmem:s15+$0xB0] =	vst v20  }
0x2b3: {  	v20 =	vld [tilespmem:s12+$0x0];
	[tilespmem:s15+$0xC0] =	vst v21  }
0x2b4: {  	v15 =	vadd.f32 v23, v15;
	v21 =	vmax.f32 v25, v26;
	v23 =	vld [tilespmem:s15+$0xFFFFFFB0];
	[tilespmem:s15+$0xD0] =	vst v22  }
0x2b5: {  	v17 =	vadd.f32 v24, v17;
	v21 =	vmul.f32 $1.442695020e+00, v21;
	v22 =	vld [tilespmem:s15+$0xFFFFFFC0]  }
0x2b6: {  	v24 =	vld [tilespmem:s15+$0xFFFFFFD0]  }
0x2b7: {  	v17 =	vadd.f32 v18, v17;
	v16 =	vadd.f32 v19, v16;
	(erf) = vpow2.f32 v21;
	v18 =	vld [tilespmem:s15+$0xFFFFFFE0]  }
0x2b8: {  	v15 =	vadd.f32 v20, v15;
	v19 =	vld [tilespmem:s15+$0xFFFFFFF0]  }
0x2b9: {  	v20 =	vmul.f32 $2.000000030e-01, v17;
	v21 =	vmul.f32 $2.000000030e-01, v16;
	v25 =	vld [tilespmem:s15+$0x0]  }
0x2ba: {  	v14 =	vmul.f32 v23, v14;
	v26 =	vmul.f32 $2.000000030e-01, v15;
	v23 =	vld [tilespmem:s15+$0x10]  }
0x2bb: {  	v17 =	vmax.f32 v17, v20;
	v16 =	vmax.f32 v16, v21;
	v20 =	vmul.f32 v22, v13;
	v21 =	vld [tilespmem:s15+$0x20]  }
0x2bc: {  	v17 =	vmul.f32 $1.442695020e+00, v17;
	v16 =	vmul.f32 $1.442695020e+00, v16;
	v15 =	vmax.f32 v15, v26;
	[tilespmem:s15+$0xFFFFFFB0] =	vst v14;
	v14 =	vld [tilespmem:s15+$0x30]  }
0x2bd: {  	v13 =	vmul.f32 v24, v13;
	v22 =	vmul.f32 $1.442695020e+00, v15;
	[tilespmem:s15+$0xFFFFFFC0] =	vst v20;
	v20 =	vld [tilespmem:s15+$0x40]  }
0x2be: {  	(erf) = vpow2.f32 v17;
	v17 =	vmul.f32 v18, v12;
	v18 =	vld [tilespmem:s15+$0x50]  }
0x2bf: {  	v12 =	vmul.f32 v19, v12;
	(erf) = vpow2.f32 v16;
	[tilespmem:s15+$0xFFFFFFD0] =	vst v13;
	v13 =	vld [tilespmem:s15+$0x60]  }
0x2c0: {  	s26 =	sadd.s32 $0x40, s26;
	v16 =	vmul.f32 v25, v11;
	(erf) = vpow2.f32 v22;
	v15 =	vpop (erf);
	[tilespmem:s15+$0xFFFFFFE0] =	vst v17;
	v17 =	vld [tilespmem:s15+$0x70]  }
0x2c1: {  	s15 =	sadd.s32 $0x200, s15;
	[tilespmem:s26+$0x10] =	vst v15;
	v19 =	vperm.xlane v15, v1;
	v22 =	vperm.xlane v15, v2;
	v24 =	vld [tilespmem:s13+$0xE0]  }
0x2c2: {  	v11 =	vmul.f32 v23, v11;
	v30 =	vperm.xlane v15, v3;
	v25 =	vld [tilespmem:s15+$0xF0];
	[tilespmem:s13+$0xFFFFFFF0] =	vst v12  }
0x2c3: {  	v12 =	vmul.f32 v21, v10;
	v10 =	vmul.f32 v14, v10;
	v23 =	vld [tilespmem:s15+$0x80];
	[tilespmem:s13+$0x0] =	vst v16  }
0x2c4: {  	v21 =	vld [tilespmem:s15+$0x90];
	[tilespmem:s13+$0x10] =	vst v11;
	v11 =	vmul.f32 v20, v9;
	v9 =	vmul.f32 v18, v9  }
0x2c5: {  	v14 =	vperm.xlane v15, v4;
	v18 =	vmul.f32 v13, v8;
	v20 =	vld [tilespmem:s15+$0xA0];
	[tilespmem:s13+$0x20] =	vst v12  }
0x2c6: {  	v27 =	vmul.f32 v17, v8;
	v26 =	vld [tilespmem:s15+$0xB0];
	[tilespmem:s13+$0x30] =	vst v10;
	v24 =	vmul.f32 v24, v7  }
0x2c7: {  	v7 =	vmov v14;
	v29 =	vld [tilespmem:s15+$0xC0];
	v12 =	vmul.f32 v25, v14;
	v10 =	vpop (erf);
	[tilespmem:s13+$0x40] =	vst v11  }
0x2c8: {  	[tilespmem:s26+$0xFFFFFFE0] =	vst v10;
	v25 =	vperm.xlane v10, v1;
	v28 =	vperm.xlane v10, v2;
	v31 =	vld [tilespmem:s15+$0xD0];
	v11 =	vpop (erf)  }
0x2c9: {  	v32 =	vperm.xlane v10, v3;
	v15 =	vperm.xlane v10, v4;
	v17 =	vld [tilespmem:s15+$0xFFFFFF00];
	[tilespmem:s15+$0xF0] =	vst v12;
	v8 =	vpop (erf)  }
0x2ca: {  	v16 =	vperm.xlane v11, v1;
	v14 =	vperm.xlane v11, v2;
	v33 =	vld [tilespmem:s15+$0xFFFFFF10];
	[tilespmem:s26+$0xFFFFFFF0] =	vst v11  }
0x2cb: {  	v13 =	vperm.xlane v11, v3;
	v12 =	vperm.xlane v11, v4;
	v34 =	vld [tilespmem:s15+$0xFFFFFF20];
	[tilespmem:s26+$0x0] =	vst v8  }
0x2cc: {  	v11 =	vperm.xlane v8, v1;
	v10 =	vperm.xlane v8, v2;
	v35 =	vld [tilespmem:s15+$0xFFFFFF30];
	[tilespmem:s13+$0x50] =	vst v9  }
0x2cd: {  	v9 =	vperm.xlane v8, v3;
	v8 =	vperm.xlane v8, v4;
	v36 =	vld [tilespmem:s15+$0xFFFFFF40];
	[tilespmem:s13+$0x60] =	vst v18  }
0x2ce: {  	v37 =	vmul.f32 v17, v25;
	v38 =	vld [tilespmem:s15+$0xFFFFFF50];
	v17 =	vmul.f32 v23, v19;
	[tilespmem:s13+$0x70] =	vst v27  }
.Ltmp8:
0x2cf: {  	v18 =	vmul.f32 v21, v19;
	v25 =	vmul.f32 v33, v25;
	v23 =	vld [tilespmem:s15+$0xFFFFFF60];
	[tilespmem:s13+$0xE0] =	vst v24;
	s13 =	smov.u32 s15;
	(pc) =	sbr.rel @p0 .LBB2_9-.Ltmp8, $4  }
0x2d0: {  	v19 =	vmul.f32 v20, v22;
	[tilespmem:s15+$0xFFFFFF00] =	vst v37;
	v21 =	vmul.f32 v34, v28;
	v24 =	vld [tilespmem:s15+$0xFFFFFF70]  }
0x2d1: {  	v20 =	vmul.f32 v26, v22;
	[tilespmem:s15+$0xFFFFFF10] =	vst v25;
	v27 =	vmul.f32 v35, v28;
	v25 =	vld [tilespmem:s15+$0xFFFFFF80]  }
0x2d2: {  	[tilespmem:s15+$0xFFFFFF20] =	vst v21;
	v28 =	vmul.f32 v36, v32;
	v26 =	vld [tilespmem:s15+$0xFFFFFF90];
	v21 =	vmul.f32 v29, v30  }
0x2d3: {  	s3 =	sadd.s32 $0x40, s3;
	v22 =	vmul.f32 v31, v30;
	[tilespmem:s15+$0xFFFFFF30] =	vst v27;
	v29 =	vmul.f32 v38, v32;
	v27 =	vld [tilespmem:s15+$0xFFFFFFA0]  }
.Ltmp9:
0x2d4: {  	_ = 	snop;
	(pc) =	sbr.rel .LBB2_10-.Ltmp9, $1  }
0x2d5: {  	_ =	sdelay $0x3  }
.LBB2_13:
0x2d6: {  	_ =	sfence.sel $0x180000  }
0x2d7: {  	[bflag:$0x0] =	sbarrier.arrive $0xFFFF  }
0x2d8: {  	_ =	strace $0x90000047  }
0x2d9: {  	s0 =	stileid.u32;
	[bflag:$0x2] =	sbarrier.arrive $0xFFFF  }
0x2da: {  	p0 =	sne.s32 s0, $0x0;
	s0 =	rddreg [dreg:$0x5]  }
0x2db: {  	s0 =	sadd.s32 @!p0 $0x100000, s0  }
0x2dc: {  	[sflag:s0] =	ssyncadd.tile.s32 @!p0 $0x1;
	_ =	shalt  }
.Lfunc_end2:
_tile_overlayer_lowered:
.L_overlay_start_2:
0x2dd: {  	(tag) =	ssettag $0x2  }
0x2de: {  	s0 =	rddreg [dreg:$0x0];
	s2 =	stileid.u32  }
0x2df: {  	s1 =	rddreg [dreg:$0x1];
	p0 =	sne.s32 s2, $0x0  }
0x2e0: {  	s3 =	rddreg [dreg:$0x2];
	[bflag:$0x3] =	sbarrier.arrive $0xFFFF;
	s2 =	simm.s32 @!p0 $0x1C07  }
0x2e1: {  	[timem:s3], [sflag:s2] =	dma.local @!p0 [hbm:s0], s1  }
0x2e2: {  	s0 =	simm.s32 @!p0 $0x7  }
0x2e3: {  	_ =	swait.ge @!p0 [sflag:s0], s1  }
0x2e4: {  	s1 =	ssub.s32 @!p0 $0x0, s1;
	[sflag:s0] =	ssyncset.done @!p0 $0x0  }
0x2e5: {  	[sflag:s0] =	ssyncadd.s32 @!p0 s1  }
0x2e6: {  	[bflag:$0x3] =	sbarrier.arrive $0xFFFF  }
0x2e7: {  	_ =	shalt  }

</sc_bundles>
